<compile_context>
chip_gen: v7x
topology: tpu7x:2x2x1
jax: 0.10.2.dev20260603
libtpu: 0.0.44.dev20260713+nightly
codegen_flags: <defaults>
</compile_context>

<pallas_src>
import functools

import jax
import jax.numpy as jnp
from jax import lax
from jax.experimental import pallas as pl
from jax.experimental.pallas import tpu as pltpu
from jax.experimental.pallas import tpu_sc as plsc

N_USER = 5000
N_ITEM = 5000
N_NODES = N_USER + N_ITEM
E_RAW = 320000
E_SL = E_RAW + N_NODES
P = 8192

NC = 2
NS = 16
NW = NC * NS
L = 16

E_PAD = 344064
EPW = E_PAD // NW
G = 64
F_PT = 4
ECH = 4096
NCHB = E_PAD // ECH
NDV = N_NODES // L
ND_PAD = 10240
NDR = ND_PAD // 128
ROWS_PT = N_NODES // NW
ROWS_PS = ND_PAD // NS
ZB = 128
B_SCORE = 4 * P
BPW = B_SCORE // NW
GC = 128
NCHC = BPW // GC

_mesh = plsc.VectorSubcoreMesh(core_axis_name="c", subcore_axis_name="s")


def _fori(lo, hi, body):
    lax.fori_loop(jnp.int32(lo), jnp.int32(hi), body, 0)


def _tc_pre_body(fu_ref, fi_ref, wu_ref, bu_ref, wi_ref, bi_ref, wg_ref,
                 aa_ref, h0_ref, elr_ref, c_ref):
    wg = wg_ref[...]
    m_u = jnp.dot(wu_ref[...], wg, preferred_element_type=jnp.float32)
    m_i = jnp.dot(wi_ref[...], wg, preferred_element_type=jnp.float32)
    cb_u = jnp.dot(bu_ref[...], wg, preferred_element_type=jnp.float32)
    cb_i = jnp.dot(bi_ref[...], wg, preferred_element_type=jnp.float32)
    h0u = jnp.dot(fu_ref[...], m_u, preferred_element_type=jnp.float32) + cb_u
    h0i = jnp.dot(fi_ref[...], m_i, preferred_element_type=jnp.float32) + cb_i
    h0_ref[0:N_USER, :] = h0u
    h0_ref[N_USER:N_NODES, :] = h0i
    aa = aa_ref[...]
    elr_u = lax.dot_general(aa, h0u, (((1,), (1,)), ((), ())),
                            preferred_element_type=jnp.float32)
    elr_i = lax.dot_general(aa, h0i, (((1,), (1,)), ((), ())),
                            preferred_element_type=jnp.float32)
    elr_ref[:, 0:N_USER] = elr_u
    elr_ref[:, N_USER:N_NODES] = elr_i
    mx = (jnp.maximum(jnp.max(elr_u[0]), jnp.max(elr_i[0]))
          + jnp.maximum(jnp.max(elr_u[1]), jnp.max(elr_i[1])))
    c_ref[...] = jnp.where(mx > 0, mx, 0.2 * mx).reshape(1, 1)


def _tc_pre(feat_user, feat_item, w_u, b_u, w_i, b_i, w_g, attn2):
    return pl.pallas_call(
        _tc_pre_body,
        out_shape=[
            jax.ShapeDtypeStruct((N_NODES, 128), jnp.float32),
            jax.ShapeDtypeStruct((2, N_NODES), jnp.float32),
            jax.ShapeDtypeStruct((1, 1), jnp.float32),
        ],
    )(feat_user, feat_item, w_u, b_u, w_i, b_i, w_g, attn2)


@functools.partial(
    pl.kernel,
    out_type=[jax.ShapeDtypeStruct((NC, NDR, 128), jnp.float32),
              jax.ShapeDtypeStruct((E_PAD,), jnp.float32)],
    mesh=_mesh,
    compiler_params=pltpu.CompilerParams(needs_layout_passes=False),
    scratch_types=[
        pltpu.VMEM((N_NODES,), jnp.float32),
        pltpu.VMEM((N_NODES,), jnp.float32),
        pltpu.VMEM((NDR, 128), jnp.float32),
        pltpu.VMEM((EPW,), jnp.int32),
        pltpu.VMEM((EPW,), jnp.int32),
        pltpu.VMEM((EPW,), jnp.float32),
        pltpu.VMEM((L,), jnp.float32),
        pltpu.VMEM((NDR,), jnp.int32),
        pltpu.VMEM_SHARED((NDR, 128), jnp.float32),
    ],
)
def _sc_a(src_hbm, dst_hbm, el_hbm, er_hbm, c_hbm, den_out, ee_out,
          el_v, er_v, den_v, src_v, dst_v, ee_v, c_v, iota_v, shared_den):
    c = lax.axis_index("c").astype(jnp.int32)
    s = lax.axis_index("s").astype(jnp.int32)
    wid = s * jnp.int32(NC) + c
    base = wid * jnp.int32(EPW)
    pltpu.sync_copy(el_hbm, el_v)
    pltpu.sync_copy(er_hbm, er_v)
    pltpu.sync_copy(c_hbm, c_v)
    pltpu.sync_copy(src_hbm.at[pl.ds(base, EPW)], src_v)
    pltpu.sync_copy(dst_hbm.at[pl.ds(base, EPW)], dst_v)

    zero = jnp.zeros((L,), jnp.float32)
    iota = lax.iota(jnp.int32, L)

    def zbody(i, carry):
        for k in range(8):
            den_v[i, pl.ds(k * L, L)] = zero
        return carry
    _fori(0, NDR, zbody)

    def ibody(i, carry):
        iota_v[pl.ds(i * jnp.int32(L), L)] = iota + i * jnp.int32(L)
        return carry
    _fori(0, NDR // L, ibody)

    @pl.when(s == 0)
    def _():
        pltpu.sync_copy(den_v, shared_den)
    plsc.subcore_barrier()

    cvec = c_v[...]

    def ebody(i, carry):
        off = i * jnp.int32(L)
        sv = src_v[pl.ds(off, L)]
        dv = dst_v[pl.ds(off, L)]
        e = plsc.load_gather(el_v, [sv]) + plsc.load_gather(er_v, [dv])
        e = jnp.where(e > 0, e, 0.2 * e)
        ee = jnp.exp(e - cvec)
        gidx = (base + off) + iota
        ee = jnp.where(gidx < jnp.int32(E_SL), ee, 0.0)
        ee_v[pl.ds(off, L)] = ee
        plsc.addupdate_scatter(
            den_v, [lax.shift_right_logical(dv, jnp.int32(7)),
                    lax.bitwise_and(dv, jnp.int32(127))], ee)
        return carry
    _fori(0, EPW // L, ebody)

    pltpu.sync_copy(ee_v, ee_out.at[pl.ds(base, EPW)])
    pltpu.sync_copy(den_v, shared_den.at[iota_v], add=True)
    plsc.subcore_barrier()

    @pl.when(s == 0)
    def _():
        pltpu.sync_copy(shared_den, den_out.at[c])


@functools.partial(
    pl.kernel,
    out_type=jax.ShapeDtypeStruct((NW, F_PT, ND_PAD), jnp.float32),
    mesh=_mesh,
    compiler_params=pltpu.CompilerParams(needs_layout_passes=False),
    scratch_types=[
        pltpu.VMEM((F_PT, ND_PAD), jnp.float32),
        pltpu.VMEM((F_PT, ND_PAD), jnp.float32),
        pltpu.VMEM((ECH,), jnp.int32),
        pltpu.VMEM((ECH,), jnp.float32),
        pltpu.VMEM((ECH,), jnp.int32),
        pltpu.VMEM((ECH,), jnp.float32),
        pltpu.SemaphoreType.DMA,
        pltpu.SemaphoreType.DMA,
    ],
)
def _sc_b(pk_hbm, ee_hbm, h0t_hbm,
          agg_out, h0t_v, acc_v, pk_a, ee_a, pk_b, ee_b, sa, sb):
    c = lax.axis_index("c").astype(jnp.int32)
    s = lax.axis_index("s").astype(jnp.int32)
    wid = s * jnp.int32(NC) + c
    pltpu.sync_copy(h0t_hbm.at[wid], h0t_v)

    zero = jnp.zeros((L,), jnp.float32)

    def zbody(i, carry):
        for f in range(F_PT):
            acc_v[f, pl.ds(i * jnp.int32(L), L)] = zero
        return carry
    _fori(0, ND_PAD // L, zbody)

    fvec = [jnp.full((L,), f, jnp.int32) for f in range(F_PT)]

    def process(pk_v, ee_v):
        UNR = 8

        def ib(i, carry):
            off = i * jnp.int32(UNR * L)
            svs, dvs, ees = [], [], []
            for u in range(UNR):
                o = off + u * L
                pk = pk_v[pl.ds(o, L)]
                ees.append(ee_v[pl.ds(o, L)])
                svs.append(lax.shift_right_logical(pk, jnp.int32(14)))
                dvs.append(lax.bitwise_and(pk, jnp.int32(16383)))
            hvs = [plsc.load_gather(h0t_v, [fvec[f], svs[u]])
                   for u in range(UNR) for f in range(F_PT)]
            ms = [hvs[u * F_PT + f] * ees[u]
                  for u in range(UNR) for f in range(F_PT)]
            for u in range(UNR):
                for f in range(F_PT):
                    plsc.addupdate_scatter(
                        acc_v, [fvec[f], dvs[u]], ms[u * F_PT + f])
            return carry
        _fori(0, ECH // (UNR * L), ib)

    def stage(ch, pk_v, ee_v, sem):
        e0 = ch * jnp.int32(ECH)
        pltpu.async_copy(pk_hbm.at[pl.ds(e0, ECH)], pk_v, sem)
        pltpu.async_copy(ee_hbm.at[pl.ds(e0, ECH)], ee_v, sem)

    def swait(pk_v, ee_v, sem):
        pltpu.make_async_copy(pk_hbm.at[pl.ds(0, ECH)], pk_v, sem).wait()
        pltpu.make_async_copy(ee_hbm.at[pl.ds(0, ECH)], ee_v, sem).wait()

    stage(jnp.int32(0), pk_a, ee_a, sa)
    NP = NCHB // 2

    def pbody(i, carry):
        cha = i * jnp.int32(2)
        chb = cha + jnp.int32(1)
        swait(pk_a, ee_a, sa)
        stage(chb, pk_b, ee_b, sb)
        process(pk_a, ee_a)
        swait(pk_b, ee_b, sb)

        @pl.when(i < NP - 1)
        def _():
            stage(cha + jnp.int32(2), pk_a, ee_a, sa)
        process(pk_b, ee_b)
        return carry
    _fori(0, NP, pbody)

    pltpu.sync_copy(acc_v, agg_out.at[wid])


def _tc_mid_body(p_ref, den_ref, bg_ref, wp_ref, bp_ref, h_ref, out_ref):
    sfull = p_ref[...] / den_ref[...] + bg_ref[...]
    h = jnp.where(sfull > 0, sfull, jnp.exp(jnp.minimum(sfull, 0.0)) - 1.0)
    h_ref[...] = h
    out_ref[...] = (jnp.dot(h[0:N_USER, :], wp_ref[...],
                            preferred_element_type=jnp.float32) + bp_ref[...])


def _tc_mid(agg2, den, b_g, w_p, b_p):
    return pl.pallas_call(
        _tc_mid_body,
        out_shape=[
            jax.ShapeDtypeStruct((N_NODES, 128), jnp.float32),
            jax.ShapeDtypeStruct((N_USER, 64), jnp.float32),
        ],
    )(agg2, den, b_g, w_p, b_p)


@functools.partial(
    pl.kernel,
    out_type=jax.ShapeDtypeStruct((B_SCORE, 128), jnp.float32),
    mesh=_mesh,
    compiler_params=pltpu.CompilerParams(needs_layout_passes=False),
    scratch_types=[
        pltpu.VMEM((NCHC, GC), jnp.int32),
        pltpu.VMEM((GC, 128), jnp.float32),
    ],
)
def _sc_c(idx3_hbm, h_hbm, rows_out, idx_v, rows_v):
    c = lax.axis_index("c").astype(jnp.int32)
    s = lax.axis_index("s").astype(jnp.int32)
    wid = s * jnp.int32(NC) + c
    pltpu.sync_copy(idx3_hbm.at[wid], idx_v)

    def chunk(ch, carry):
        pltpu.sync_copy(h_hbm.at[idx_v.at[ch]], rows_v)
        pltpu.sync_copy(rows_v,
                        rows_out.at[pl.ds(wid * jnp.int32(BPW) + ch * jnp.int32(GC), GC)])
        return carry
    _fori(0, NCHC, chunk)


def _tc_loss_body(rows_ref, at_ref, loss_ref):
    ps = jnp.sum(rows_ref[0] * rows_ref[1], axis=1)
    ns = jnp.sum(rows_ref[2] * rows_ref[3], axis=1)
    k_t = jnp.minimum(jnp.float32(0.8), at_ref[0, 0])

    def part(sc):
        l = jnp.minimum(sc, 0.0) - jnp.log(1.0 + jnp.exp(-jnp.abs(sc)))
        hold = k_t * jnp.max(l)
        l = jnp.where(l > hold, 0.0, l)
        return -jnp.sum(l)

    loss_ref[...] = (part(ps) + part(ns)).reshape(1, 1)


def _tc_loss(rows4, alpha_t):
    return pl.pallas_call(
        _tc_loss_body,
        out_shape=jax.ShapeDtypeStruct((1, 1), jnp.float32),
    )(rows4, alpha_t)


def kernel(feat_user, feat_item, edge_index, pos_src, pos_dst, neg_src,
           neg_dst, alpha_T, W_user, b_user, W_item, b_item, W_gat,
           attn_l, attn_r, b_gat, W_pred, b_pred):
    f32 = jnp.float32
    i32 = jnp.int32
    loop = jnp.arange(N_NODES, dtype=i32)
    pad = jnp.zeros((E_PAD - E_SL,), dtype=i32)
    src = jnp.concatenate([edge_index[0].astype(i32), loop, pad])
    dst = jnp.concatenate([edge_index[1].astype(i32), loop, pad])
    attn2 = jnp.stack([attn_l, attn_r], axis=0).astype(f32)

    h0, elr, c11 = _tc_pre(
        feat_user.astype(f32), feat_item.astype(f32),
        W_user.astype(f32), b_user.reshape(1, -1).astype(f32),
        W_item.astype(f32), b_item.reshape(1, -1).astype(f32),
        W_gat.astype(f32), attn2)
    el = elr[0]
    er = elr[1]
    c16 = jnp.broadcast_to(c11.reshape(()), (L,))

    den2, ee = _sc_a(src, dst, el, er, c16)

    packed = src * jnp.int32(16384) + dst
    h0p = jnp.zeros((ND_PAD, 128), jnp.float32).at[:N_NODES].set(h0)
    h0t = h0p.T.reshape(NW, F_PT, ND_PAD)
    agg4 = _sc_b(packed, ee, h0t)

    psum = agg4.reshape(128, ND_PAD)[:, :N_NODES].T
    den = (den2[0] + den2[1]).reshape(ND_PAD)[:N_NODES].reshape(N_NODES, 1)

    h, out_pred = _tc_mid(psum, den, b_gat.reshape(1, -1).astype(f32),
                          W_pred.astype(f32), b_pred.reshape(1, -1).astype(f32))

    idx3 = jnp.concatenate([pos_src, pos_dst, neg_src, neg_dst]
                           ).astype(i32).reshape(NW, NCHC, GC)
    rows = _sc_c(idx3, h)
    rows4 = rows.reshape(4, P, 128)

    loss11 = _tc_loss(rows4, alpha_T.reshape(1, 1).astype(f32))
    return (loss11[0, 0], out_pred)

# --- scband reference (transcript-rebuilt; emitter-appended) ---
"""Pipeline reference for scband-hgnnd-31353261260882 (READ-ONLY COPY).

The authoritative reference and input builder live on the scoring server;
editing this copy changes nothing except your own understanding.
"""

import jax
jax.config.update("jax_enable_x64", True)
import jax.numpy as jnp
import numpy as np

N_USER = 5000
N_ITEM = 5000
N_NODES = N_USER + N_ITEM
E = 320000
P = 8192
IN_DIM = 128
HIDDEN_DIM = 128
OUT_DIM = 64
K_MAX = 0.8


def setup_inputs(seed: int = 0):
    key = jax.random.key(seed)
    ks = jax.random.split(key, 16)
    inp = {}
    inp["feat_user"] = jax.random.normal(ks[0], (N_USER, 256), dtype=jnp.float32)
    inp["feat_item"] = jax.random.normal(ks[1], (N_ITEM, 128), dtype=jnp.float32)
    inp["edge_index"] = jax.random.randint(ks[2], (2, E), 0, N_NODES, dtype=jnp.int64)
    inp["pos_src"] = jax.random.randint(ks[3], (P,), 0, N_NODES, dtype=jnp.int64)
    inp["pos_dst"] = jax.random.randint(ks[4], (P,), 0, N_NODES, dtype=jnp.int64)
    inp["neg_src"] = jax.random.randint(ks[5], (P,), 0, N_NODES, dtype=jnp.int64)
    inp["neg_dst"] = jax.random.randint(ks[6], (P,), 0, N_NODES, dtype=jnp.int64)
    inp["alpha_T"] = jnp.ones((), dtype=jnp.float32)
    s = 1.0 / np.sqrt(IN_DIM)
    inp["W_user"] = jax.random.uniform(ks[7], (256, IN_DIM), dtype=jnp.float32, minval=-s, maxval=s)
    inp["b_user"] = jnp.zeros((IN_DIM,), dtype=jnp.float32)
    inp["W_item"] = jax.random.uniform(ks[8], (128, IN_DIM), dtype=jnp.float32, minval=-s, maxval=s)
    inp["b_item"] = jnp.zeros((IN_DIM,), dtype=jnp.float32)
    inp["W_gat"] = jax.random.normal(ks[9], (IN_DIM, HIDDEN_DIM), dtype=jnp.float32) * 0.1
    inp["attn_l"] = jax.random.normal(ks[10], (HIDDEN_DIM,), dtype=jnp.float32) * 0.1
    inp["attn_r"] = jax.random.normal(ks[11], (HIDDEN_DIM,), dtype=jnp.float32) * 0.1
    inp["b_gat"] = jnp.zeros((HIDDEN_DIM,), dtype=jnp.float32)
    inp["W_pred"] = jax.random.normal(ks[12], (HIDDEN_DIM, OUT_DIM), dtype=jnp.float32) * 0.1
    inp["b_pred"] = jnp.zeros((OUT_DIM,), dtype=jnp.float32)
    return inp


def _gat_conv(feat, src, dst, W_gat, attn_l, attn_r, b_gat):
    # DGL GATConv, 1 head, negative_slope=0.2, activation=elu
    h = feat @ W_gat
    el = h @ attn_l
    er = h @ attn_r
    e = el[src] + er[dst]
    e = jnp.where(e > 0, e, 0.2 * e)
    emax = jax.ops.segment_max(e, dst, num_segments=N_NODES)
    ee = jnp.exp(e - emax[dst])
    denom = jax.ops.segment_sum(ee, dst, num_segments=N_NODES)
    alpha = ee / denom[dst]
    out = jax.ops.segment_sum(h[src] * alpha[:, None], dst, num_segments=N_NODES)
    return jax.nn.elu(out + b_gat)


def _calc_loss(score, k_T):
    loss = jax.nn.log_sigmoid(score).reshape(-1)
    hold = k_T * jnp.max(loss)
    loss = jnp.where(loss > hold, jnp.zeros_like(loss), loss)
    return -jnp.sum(loss)


def reference(feat_user, feat_item, edge_index, pos_src, pos_dst, neg_src, neg_dst, alpha_T,
              W_user, b_user, W_item, b_item, W_gat, attn_l, attn_r, b_gat, W_pred, b_pred):
    # per-type input projections (fc_in)
    fu = feat_user @ W_user + b_user
    fi = feat_item @ W_item + b_item
    # dgl.to_homogeneous: user nodes [0, N_USER), item nodes [N_USER, N_NODES)
    homo_feat = jnp.concatenate([fu, fi], axis=0)
    # dgl.add_self_loop
    loop = jnp.arange(N_NODES, dtype=edge_index.dtype)
    src = jnp.concatenate([edge_index[0], loop])
    dst = jnp.concatenate([edge_index[1], loop])
    h = _gat_conv(homo_feat, src, dst, W_gat, attn_l, attn_r, b_gat)
    pos_score = jnp.sum(h[pos_src] * h[pos_dst], axis=1)
    neg_score = jnp.sum(h[neg_src] * h[neg_dst], axis=1)
    # k_T = min(k_max, alpha_T) (stateful clamp in torch)
    k_T = jnp.minimum(jnp.float32(K_MAX), alpha_T)
    loss = _calc_loss(pos_score, k_T) + _calc_loss(neg_score, k_T)
    # predict on nodes of predict_type ('user' -> first N_USER rows)
    out = h[:N_USER] @ W_pred + b_pred
    return (loss, out)

if __name__ == "__main__":
    import jax
    _d = setup_inputs()
    print(jax.jit(kernel)(*tuple(_d.values())))

</pallas_src>

<mosaic_0001>
#map = affine_map<(d0, d1) -> (0)>
#map1 = affine_map<(d0, d1) -> (0, 0, 0)>
module attributes {stable_mosaic.version = 14 : i64} {
  func.func @_sc_b(%arg0: i32, %arg1: i32, %arg2: memref<344064xi32, #tpu.memory_space<hbm>>, %arg3: memref<344064xf32, #tpu.memory_space<hbm>>, %arg4: memref<32x4x10240xf32, #tpu.memory_space<hbm>>, %arg5: memref<32x4x10240xf32, #tpu.memory_space<hbm>>, %arg6: memref<4x10240xf32, #tpu.memory_space<vmem>>, %arg7: memref<4x10240xf32, #tpu.memory_space<vmem>>, %arg8: memref<4096xi32, #tpu.memory_space<vmem>>, %arg9: memref<4096xf32, #tpu.memory_space<vmem>>, %arg10: memref<4096xi32, #tpu.memory_space<vmem>>, %arg11: memref<4096xf32, #tpu.memory_space<vmem>>, %arg12: memref<!tpu.dma_semaphore, #tpu.memory_space<semaphore_mem>>, %arg13: memref<!tpu.dma_semaphore, #tpu.memory_space<semaphore_mem>>) attributes {dimension_semantics = [#tpu.dimension_semantics<core_parallel>, #tpu.dimension_semantics<subcore_parallel>], iteration_bounds = array<i64: 2, 16>, scalar_prefetch = 0 : i64, scratch_operands = 8 : i64, tpu.core_type = #tpu.core_type<sc_vector_subcore>, window_params = [{transform_indices = #map}, {transform_indices = #map}, {transform_indices = #map1}, {transform_indices = #map1}]} {
    %mul3A = arith.constant 2 : i32
    %mul3A_0 = arith.muli %arg1, %mul3A : i32
    %add3A = arith.addi %mul3A_0, %arg0 : i32
    "tpu.region"() ({
      %run_scoped3A = tpu.sem_alloc : memref<!tpu.dma_semaphore, #tpu.memory_space<semaphore_mem>>
      %dma_start3A_37 = arith.constant 0 : i32
      %dma_start3A_38 = arith.constant 0 : i32
      %dma_start3A_39 = tpu.memref_slice %arg4[%add3A, %dma_start3A_37, %dma_start3A_38] : memref<32x4x10240xf32, #tpu.memory_space<hbm>> -> memref<1x4x10240xf32, #tpu.memory_space<hbm>>
      %dma_start3A_40 = tpu.memref_squeeze %dma_start3A_39 : memref<1x4x10240xf32, #tpu.memory_space<hbm>> -> memref<4x10240xf32, #tpu.memory_space<hbm>>
      %dma_start3A_41 = arith.constant 0 : i32
      %dma_start3A_42 = arith.constant 0 : i32
      %dma_start3A_43 = tpu.memref_slice %arg4[%add3A, %dma_start3A_41, %dma_start3A_42] : memref<32x4x10240xf32, #tpu.memory_space<hbm>> -> memref<1x4x10240xf32, #tpu.memory_space<hbm>>
      %dma_start3A_44 = tpu.memref_squeeze %dma_start3A_43 : memref<1x4x10240xf32, #tpu.memory_space<hbm>> -> memref<4x10240xf32, #tpu.memory_space<hbm>>
      tpu.enqueue_dma source(%dma_start3A_44 : memref<4x10240xf32, #tpu.memory_space<hbm>>) target(%arg6 : memref<4x10240xf32, #tpu.memory_space<vmem>>) target_semaphore(%run_scoped3A : memref<!tpu.dma_semaphore, #tpu.memory_space<semaphore_mem>>)
      %dma_wait3A = arith.constant 0 : i32
      %dma_wait3A_45 = arith.constant 0 : i32
      %dma_wait3A_46 = tpu.memref_slice %arg4[%add3A, %dma_wait3A, %dma_wait3A_45] : memref<32x4x10240xf32, #tpu.memory_space<hbm>> -> memref<1x4x10240xf32, #tpu.memory_space<hbm>>
      %dma_wait3A_47 = tpu.memref_squeeze %dma_wait3A_46 : memref<1x4x10240xf32, #tpu.memory_space<hbm>> -> memref<4x10240xf32, #tpu.memory_space<hbm>>
      %dma_wait3A_48 = arith.constant 0 : i32
      %dma_wait3A_49 = arith.constant 0 : i32
      %dma_wait3A_50 = tpu.memref_slice %arg4[%add3A, %dma_wait3A_48, %dma_wait3A_49] : memref<32x4x10240xf32, #tpu.memory_space<hbm>> -> memref<1x4x10240xf32, #tpu.memory_space<hbm>>
      %dma_wait3A_51 = tpu.memref_squeeze %dma_wait3A_50 : memref<1x4x10240xf32, #tpu.memory_space<hbm>> -> memref<4x10240xf32, #tpu.memory_space<hbm>>
      tpu.wait_dma2 semaphore(%run_scoped3A : memref<!tpu.dma_semaphore, #tpu.memory_space<semaphore_mem>>) src(%dma_wait3A_51 : memref<4x10240xf32, #tpu.memory_space<hbm>>) dst(%arg6 : memref<4x10240xf32, #tpu.memory_space<vmem>>)
      tpu.yield
    }) : () -> ()
    %broadcast_in_dim3A = arith.constant 0.000000e+00 : f32
    %broadcast_in_dim3A_1 = vector.broadcast %broadcast_in_dim3A : f32 to vector<16xf32>
    %while3A = arith.constant 0 : i64
    %while3A_2 = arith.constant 0 : i32
    %while3A_3 = arith.constant 640 : i32
    %while3A_4 = arith.subi %while3A_3, %while3A_2 : i32
    %while3A_5 = arith.addi %while3A_2, %while3A_4 : i32
    %while3A_6 = arith.constant 1 : i32
    %while3A_7 = arith.divsi %while3A_4, %while3A_6 : i32
    %while3A_8 = arith.muli %while3A_7, %while3A_6 : i32
    %while3A_9 = arith.addi %while3A_2, %while3A_8 : i32
    %while3A_10 = arith.constant 1 : i32
    scf.for %while3A_37 = %while3A_2 to %while3A_9 step %while3A_10  : i32 {
      %mul3A_38 = arith.constant 16 : i32
      %mul3A_39 = arith.muli %while3A_37, %mul3A_38 : i32
      %swap3A = arith.constant 0 : i64
      %swap3A_40 = arith.index_cast %swap3A : i64 to index
      %swap3A_41 = arith.index_cast %mul3A_39 : i32 to index
      %swap3A_42 = tpu.vector_load %arg7[%swap3A_40, %swap3A_41] {strides = array<i32>} : memref<4x10240xf32, #tpu.memory_space<vmem>>, vector<16xf32>,
      tpu.vector_store %arg7[%swap3A_40, %swap3A_41], %broadcast_in_dim3A_1 {strides = array<i32>} : memref<4x10240xf32, #tpu.memory_space<vmem>>, vector<16xf32>,
      %mul3A_43 = arith.constant 16 : i32
      %mul3A_44 = arith.muli %while3A_37, %mul3A_43 : i32
      %swap3A_45 = arith.constant 1 : i64
      %swap3A_46 = arith.index_cast %swap3A_45 : i64 to index
      %swap3A_47 = arith.index_cast %mul3A_44 : i32 to index
      %swap3A_48 = tpu.vector_load %arg7[%swap3A_46, %swap3A_47] {strides = array<i32>} : memref<4x10240xf32, #tpu.memory_space<vmem>>, vector<16xf32>,
      tpu.vector_store %arg7[%swap3A_46, %swap3A_47], %broadcast_in_dim3A_1 {strides = array<i32>} : memref<4x10240xf32, #tpu.memory_space<vmem>>, vector<16xf32>,
      %mul3A_49 = arith.constant 16 : i32
      %mul3A_50 = arith.muli %while3A_37, %mul3A_49 : i32
      %swap3A_51 = arith.constant 2 : i64
      %swap3A_52 = arith.index_cast %swap3A_51 : i64 to index
      %swap3A_53 = arith.index_cast %mul3A_50 : i32 to index
      %swap3A_54 = tpu.vector_load %arg7[%swap3A_52, %swap3A_53] {strides = array<i32>} : memref<4x10240xf32, #tpu.memory_space<vmem>>, vector<16xf32>,
      tpu.vector_store %arg7[%swap3A_52, %swap3A_53], %broadcast_in_dim3A_1 {strides = array<i32>} : memref<4x10240xf32, #tpu.memory_space<vmem>>, vector<16xf32>,
      %mul3A_55 = arith.constant 16 : i32
      %mul3A_56 = arith.muli %while3A_37, %mul3A_55 : i32
      %swap3A_57 = arith.constant 3 : i64
      %swap3A_58 = arith.index_cast %swap3A_57 : i64 to index
      %swap3A_59 = arith.index_cast %mul3A_56 : i32 to index
      %swap3A_60 = tpu.vector_load %arg7[%swap3A_58, %swap3A_59] {strides = array<i32>} : memref<4x10240xf32, #tpu.memory_space<vmem>>, vector<16xf32>,
      tpu.vector_store %arg7[%swap3A_58, %swap3A_59], %broadcast_in_dim3A_1 {strides = array<i32>} : memref<4x10240xf32, #tpu.memory_space<vmem>>, vector<16xf32>,
    }
    %while3A_11 = arith.constant 1 : i32
    scf.for %while3A_37 = %while3A_9 to %while3A_5 step %while3A_11  : i32 {
      %mul3A_38 = arith.constant 16 : i32
      %mul3A_39 = arith.muli %while3A_37, %mul3A_38 : i32
      %swap3A = arith.constant 0 : i64
      %swap3A_40 = arith.index_cast %swap3A : i64 to index
      %swap3A_41 = arith.index_cast %mul3A_39 : i32 to index
      %swap3A_42 = tpu.vector_load %arg7[%swap3A_40, %swap3A_41] {strides = array<i32>} : memref<4x10240xf32, #tpu.memory_space<vmem>>, vector<16xf32>,
      tpu.vector_store %arg7[%swap3A_40, %swap3A_41], %broadcast_in_dim3A_1 {strides = array<i32>} : memref<4x10240xf32, #tpu.memory_space<vmem>>, vector<16xf32>,
      %mul3A_43 = arith.constant 16 : i32
      %mul3A_44 = arith.muli %while3A_37, %mul3A_43 : i32
      %swap3A_45 = arith.constant 1 : i64
      %swap3A_46 = arith.index_cast %swap3A_45 : i64 to index
      %swap3A_47 = arith.index_cast %mul3A_44 : i32 to index
      %swap3A_48 = tpu.vector_load %arg7[%swap3A_46, %swap3A_47] {strides = array<i32>} : memref<4x10240xf32, #tpu.memory_space<vmem>>, vector<16xf32>,
      tpu.vector_store %arg7[%swap3A_46, %swap3A_47], %broadcast_in_dim3A_1 {strides = array<i32>} : memref<4x10240xf32, #tpu.memory_space<vmem>>, vector<16xf32>,
      %mul3A_49 = arith.constant 16 : i32
      %mul3A_50 = arith.muli %while3A_37, %mul3A_49 : i32
      %swap3A_51 = arith.constant 2 : i64
      %swap3A_52 = arith.index_cast %swap3A_51 : i64 to index
      %swap3A_53 = arith.index_cast %mul3A_50 : i32 to index
      %swap3A_54 = tpu.vector_load %arg7[%swap3A_52, %swap3A_53] {strides = array<i32>} : memref<4x10240xf32, #tpu.memory_space<vmem>>, vector<16xf32>,
      tpu.vector_store %arg7[%swap3A_52, %swap3A_53], %broadcast_in_dim3A_1 {strides = array<i32>} : memref<4x10240xf32, #tpu.memory_space<vmem>>, vector<16xf32>,
      %mul3A_55 = arith.constant 16 : i32
      %mul3A_56 = arith.muli %while3A_37, %mul3A_55 : i32
      %swap3A_57 = arith.constant 3 : i64
      %swap3A_58 = arith.index_cast %swap3A_57 : i64 to index
      %swap3A_59 = arith.index_cast %mul3A_56 : i32 to index
      %swap3A_60 = tpu.vector_load %arg7[%swap3A_58, %swap3A_59] {strides = array<i32>} : memref<4x10240xf32, #tpu.memory_space<vmem>>, vector<16xf32>,
      tpu.vector_store %arg7[%swap3A_58, %swap3A_59], %broadcast_in_dim3A_1 {strides = array<i32>} : memref<4x10240xf32, #tpu.memory_space<vmem>>, vector<16xf32>,
    }
    %broadcast_in_dim3A_12 = arith.constant 0 : i32
    %broadcast_in_dim3A_13 = vector.broadcast %broadcast_in_dim3A_12 : i32 to vector<16xi32>
    %broadcast_in_dim3A_14 = arith.constant 1 : i32
    %broadcast_in_dim3A_15 = vector.broadcast %broadcast_in_dim3A_14 : i32 to vector<16xi32>
    %broadcast_in_dim3A_16 = arith.constant 2 : i32
    %broadcast_in_dim3A_17 = vector.broadcast %broadcast_in_dim3A_16 : i32 to vector<16xi32>
    %broadcast_in_dim3A_18 = arith.constant 3 : i32
    %broadcast_in_dim3A_19 = vector.broadcast %broadcast_in_dim3A_18 : i32 to vector<16xi32>
    %mul3A_20 = arith.constant 0 : i32
    %mul3A_21 = arith.constant 4096 : i32
    %mul3A_22 = arith.muli %mul3A_20, %mul3A_21 : i32
    %dma_start3A = tpu.memref_slice %arg2[%mul3A_22] : memref<344064xi32, #tpu.memory_space<hbm>> -> memref<4096xi32, #tpu.memory_space<hbm>>
    %dma_start3A_23 = tpu.memref_slice %arg2[%mul3A_22] : memref<344064xi32, #tpu.memory_space<hbm>> -> memref<4096xi32, #tpu.memory_space<hbm>>
    tpu.enqueue_dma source(%dma_start3A_23 : memref<4096xi32, #tpu.memory_space<hbm>>) target(%arg8 : memref<4096xi32, #tpu.memory_space<vmem>>) target_semaphore(%arg12 : memref<!tpu.dma_semaphore, #tpu.memory_space<semaphore_mem>>)
    %dma_start3A_24 = tpu.memref_slice %arg3[%mul3A_22] : memref<344064xf32, #tpu.memory_space<hbm>> -> memref<4096xf32, #tpu.memory_space<hbm>>
    %dma_start3A_25 = tpu.memref_slice %arg3[%mul3A_22] : memref<344064xf32, #tpu.memory_space<hbm>> -> memref<4096xf32, #tpu.memory_space<hbm>>
    tpu.enqueue_dma source(%dma_start3A_25 : memref<4096xf32, #tpu.memory_space<hbm>>) target(%arg9 : memref<4096xf32, #tpu.memory_space<vmem>>) target_semaphore(%arg12 : memref<!tpu.dma_semaphore, #tpu.memory_space<semaphore_mem>>)
    %while3A_26 = arith.constant 0 : i64
    %while3A_27 = arith.constant 0 : i32
    %while3A_28 = arith.constant 42 : i32
    %while3A_29 = arith.subi %while3A_28, %while3A_27 : i32
    %while3A_30 = arith.addi %while3A_27, %while3A_29 : i32
    %while3A_31 = arith.constant 1 : i32
    %while3A_32 = arith.divsi %while3A_29, %while3A_31 : i32
    %while3A_33 = arith.muli %while3A_32, %while3A_31 : i32
    %while3A_34 = arith.addi %while3A_27, %while3A_33 : i32
    %while3A_35 = arith.constant 1 : i32
    scf.for %while3A_37 = %while3A_27 to %while3A_34 step %while3A_35  : i32 {
      %mul3A_38 = arith.constant 2 : i32
      %mul3A_39 = arith.muli %while3A_37, %mul3A_38 : i32
      %add3A_40 = arith.constant 1 : i32
      %add3A_41 = arith.addi %mul3A_39, %add3A_40 : i32
      %dma_wait3A = arith.constant 0 : i32
      %dma_wait3A_42 = tpu.memref_slice %arg2[%dma_wait3A] : memref<344064xi32, #tpu.memory_space<hbm>> -> memref<4096xi32, #tpu.memory_space<hbm>>
      %dma_wait3A_43 = arith.constant 0 : i32
      %dma_wait3A_44 = tpu.memref_slice %arg2[%dma_wait3A_43] : memref<344064xi32, #tpu.memory_space<hbm>> -> memref<4096xi32, #tpu.memory_space<hbm>>
      tpu.wait_dma2 semaphore(%arg12 : memref<!tpu.dma_semaphore, #tpu.memory_space<semaphore_mem>>) src(%dma_wait3A_44 : memref<4096xi32, #tpu.memory_space<hbm>>) dst(%arg8 : memref<4096xi32, #tpu.memory_space<vmem>>)
      %dma_wait3A_45 = arith.constant 0 : i32
      %dma_wait3A_46 = tpu.memref_slice %arg3[%dma_wait3A_45] : memref<344064xf32, #tpu.memory_space<hbm>> -> memref<4096xf32, #tpu.memory_space<hbm>>
      %dma_wait3A_47 = arith.constant 0 : i32
      %dma_wait3A_48 = tpu.memref_slice %arg3[%dma_wait3A_47] : memref<344064xf32, #tpu.memory_space<hbm>> -> memref<4096xf32, #tpu.memory_space<hbm>>
      tpu.wait_dma2 semaphore(%arg12 : memref<!tpu.dma_semaphore, #tpu.memory_space<semaphore_mem>>) src(%dma_wait3A_48 : memref<4096xf32, #tpu.memory_space<hbm>>) dst(%arg9 : memref<4096xf32, #tpu.memory_space<vmem>>)
      %mul3A_49 = arith.constant 4096 : i32
      %mul3A_50 = arith.muli %add3A_41, %mul3A_49 : i32
      %dma_start3A_51 = tpu.memref_slice %arg2[%mul3A_50] : memref<344064xi32, #tpu.memory_space<hbm>> -> memref<4096xi32, #tpu.memory_space<hbm>>
      %dma_start3A_52 = tpu.memref_slice %arg2[%mul3A_50] : memref<344064xi32, #tpu.memory_space<hbm>> -> memref<4096xi32, #tpu.memory_space<hbm>>
      tpu.enqueue_dma source(%dma_start3A_52 : memref<4096xi32, #tpu.memory_space<hbm>>) target(%arg10 : memref<4096xi32, #tpu.memory_space<vmem>>) target_semaphore(%arg13 : memref<!tpu.dma_semaphore, #tpu.memory_space<semaphore_mem>>)
      %dma_start3A_53 = tpu.memref_slice %arg3[%mul3A_50] : memref<344064xf32, #tpu.memory_space<hbm>> -> memref<4096xf32, #tpu.memory_space<hbm>>
      %dma_start3A_54 = tpu.memref_slice %arg3[%mul3A_50] : memref<344064xf32, #tpu.memory_space<hbm>> -> memref<4096xf32, #tpu.memory_space<hbm>>
      tpu.enqueue_dma source(%dma_start3A_54 : memref<4096xf32, #tpu.memory_space<hbm>>) target(%arg11 : memref<4096xf32, #tpu.memory_space<vmem>>) target_semaphore(%arg13 : memref<!tpu.dma_semaphore, #tpu.memory_space<semaphore_mem>>)
      %while3A_55 = arith.constant 0 : i64
      %while3A_56 = arith.constant 0 : i32
      %while3A_57 = arith.constant 32 : i32
      %while3A_58 = arith.subi %while3A_57, %while3A_56 : i32
      %while3A_59 = arith.addi %while3A_56, %while3A_58 : i32
      %while3A_60 = arith.constant 1 : i32
      %while3A_61 = arith.divsi %while3A_58, %while3A_60 : i32
      %while3A_62 = arith.muli %while3A_61, %while3A_60 : i32
      %while3A_63 = arith.addi %while3A_56, %while3A_62 : i32
      %while3A_64 = arith.constant 1 : i32
      scf.for %while3A_87 = %while3A_56 to %while3A_63 step %while3A_64  : i32 {
        %mul3A_88 = arith.constant 128 : i32
        %mul3A_89 = arith.muli %while3A_87, %mul3A_88 : i32
        %add3A_90 = arith.constant 0 : i32
        %add3A_91 = arith.addi %mul3A_89, %add3A_90 : i32
        %get3A = arith.index_cast %add3A_91 : i32 to index
        %get3A_92 = tpu.vector_load %arg8[%get3A] {strides = array<i32>} : memref<4096xi32, #tpu.memory_space<vmem>>, vector<16xi32>,
        %get3A_93 = arith.index_cast %add3A_91 : i32 to index
        %get3A_94 = tpu.vector_load %arg9[%get3A_93] {strides = array<i32>} : memref<4096xf32, #tpu.memory_space<vmem>>, vector<16xf32>,
        %shift_right_logical3A = arith.constant 14 : i32
        %shift_right_logical3A_95 = vector.broadcast %shift_right_logical3A : i32 to vector<16xi32>
        %shift_right_logical3A_96 = arith.shrui %get3A_92, %shift_right_logical3A_95 : vector<16xi32>
        %and3A = arith.constant 16383 : i32
        %and3A_97 = vector.broadcast %and3A : i32 to vector<16xi32>
        %and3A_98 = arith.andi %get3A_92, %and3A_97 : vector<16xi32>
        %add3A_99 = arith.constant 16 : i32
        %add3A_100 = arith.addi %mul3A_89, %add3A_99 : i32
        %get3A_101 = arith.index_cast %add3A_100 : i32 to index
        %get3A_102 = tpu.vector_load %arg8[%get3A_101] {strides = array<i32>} : memref<4096xi32, #tpu.memory_space<vmem>>, vector<16xi32>,
        %get3A_103 = arith.index_cast %add3A_100 : i32 to index
        %get3A_104 = tpu.vector_load %arg9[%get3A_103] {strides = array<i32>} : memref<4096xf32, #tpu.memory_space<vmem>>, vector<16xf32>,
        %shift_right_logical3A_105 = arith.constant 14 : i32
        %shift_right_logical3A_106 = vector.broadcast %shift_right_logical3A_105 : i32 to vector<16xi32>
        %shift_right_logical3A_107 = arith.shrui %get3A_102, %shift_right_logical3A_106 : vector<16xi32>
        %and3A_108 = arith.constant 16383 : i32
        %and3A_109 = vector.broadcast %and3A_108 : i32 to vector<16xi32>
        %and3A_110 = arith.andi %get3A_102, %and3A_109 : vector<16xi32>
        %add3A_111 = arith.constant 32 : i32
        %add3A_112 = arith.addi %mul3A_89, %add3A_111 : i32
        %get3A_113 = arith.index_cast %add3A_112 : i32 to index
        %get3A_114 = tpu.vector_load %arg8[%get3A_113] {strides = array<i32>} : memref<4096xi32, #tpu.memory_space<vmem>>, vector<16xi32>,
        %get3A_115 = arith.index_cast %add3A_112 : i32 to index
        %get3A_116 = tpu.vector_load %arg9[%get3A_115] {strides = array<i32>} : memref<4096xf32, #tpu.memory_space<vmem>>, vector<16xf32>,
        %shift_right_logical3A_117 = arith.constant 14 : i32
        %shift_right_logical3A_118 = vector.broadcast %shift_right_logical3A_117 : i32 to vector<16xi32>
        %shift_right_logical3A_119 = arith.shrui %get3A_114, %shift_right_logical3A_118 : vector<16xi32>
        %and3A_120 = arith.constant 16383 : i32
        %and3A_121 = vector.broadcast %and3A_120 : i32 to vector<16xi32>
        %and3A_122 = arith.andi %get3A_114, %and3A_121 : vector<16xi32>
        %add3A_123 = arith.constant 48 : i32
        %add3A_124 = arith.addi %mul3A_89, %add3A_123 : i32
        %get3A_125 = arith.index_cast %add3A_124 : i32 to index
        %get3A_126 = tpu.vector_load %arg8[%get3A_125] {strides = array<i32>} : memref<4096xi32, #tpu.memory_space<vmem>>, vector<16xi32>,
        %get3A_127 = arith.index_cast %add3A_124 : i32 to index
        %get3A_128 = tpu.vector_load %arg9[%get3A_127] {strides = array<i32>} : memref<4096xf32, #tpu.memory_space<vmem>>, vector<16xf32>,
        %shift_right_logical3A_129 = arith.constant 14 : i32
        %shift_right_logical3A_130 = vector.broadcast %shift_right_logical3A_129 : i32 to vector<16xi32>
        %shift_right_logical3A_131 = arith.shrui %get3A_126, %shift_right_logical3A_130 : vector<16xi32>
        %and3A_132 = arith.constant 16383 : i32
        %and3A_133 = vector.broadcast %and3A_132 : i32 to vector<16xi32>
        %and3A_134 = arith.andi %get3A_126, %and3A_133 : vector<16xi32>
        %add3A_135 = arith.constant 64 : i32
        %add3A_136 = arith.addi %mul3A_89, %add3A_135 : i32
        %get3A_137 = arith.index_cast %add3A_136 : i32 to index
        %get3A_138 = tpu.vector_load %arg8[%get3A_137] {strides = array<i32>} : memref<4096xi32, #tpu.memory_space<vmem>>, vector<16xi32>,
        %get3A_139 = arith.index_cast %add3A_136 : i32 to index
        %get3A_140 = tpu.vector_load %arg9[%get3A_139] {strides = array<i32>} : memref<4096xf32, #tpu.memory_space<vmem>>, vector<16xf32>,
        %shift_right_logical3A_141 = arith.constant 14 : i32
        %shift_right_logical3A_142 = vector.broadcast %shift_right_logical3A_141 : i32 to vector<16xi32>
        %shift_right_logical3A_143 = arith.shrui %get3A_138, %shift_right_logical3A_142 : vector<16xi32>
        %and3A_144 = arith.constant 16383 : i32
        %and3A_145 = vector.broadcast %and3A_144 : i32 to vector<16xi32>
        %and3A_146 = arith.andi %get3A_138, %and3A_145 : vector<16xi32>
        %add3A_147 = arith.constant 80 : i32
        %add3A_148 = arith.addi %mul3A_89, %add3A_147 : i32
        %get3A_149 = arith.index_cast %add3A_148 : i32 to index
        %get3A_150 = tpu.vector_load %arg8[%get3A_149] {strides = array<i32>} : memref<4096xi32, #tpu.memory_space<vmem>>, vector<16xi32>,
        %get3A_151 = arith.index_cast %add3A_148 : i32 to index
        %get3A_152 = tpu.vector_load %arg9[%get3A_151] {strides = array<i32>} : memref<4096xf32, #tpu.memory_space<vmem>>, vector<16xf32>,
        %shift_right_logical3A_153 = arith.constant 14 : i32
        %shift_right_logical3A_154 = vector.broadcast %shift_right_logical3A_153 : i32 to vector<16xi32>
        %shift_right_logical3A_155 = arith.shrui %get3A_150, %shift_right_logical3A_154 : vector<16xi32>
        %and3A_156 = arith.constant 16383 : i32
        %and3A_157 = vector.broadcast %and3A_156 : i32 to vector<16xi32>
        %and3A_158 = arith.andi %get3A_150, %and3A_157 : vector<16xi32>
        %add3A_159 = arith.constant 96 : i32
        %add3A_160 = arith.addi %mul3A_89, %add3A_159 : i32
        %get3A_161 = arith.index_cast %add3A_160 : i32 to index
        %get3A_162 = tpu.vector_load %arg8[%get3A_161] {strides = array<i32>} : memref<4096xi32, #tpu.memory_space<vmem>>, vector<16xi32>,
        %get3A_163 = arith.index_cast %add3A_160 : i32 to index
        %get3A_164 = tpu.vector_load %arg9[%get3A_163] {strides = array<i32>} : memref<4096xf32, #tpu.memory_space<vmem>>, vector<16xf32>,
        %shift_right_logical3A_165 = arith.constant 14 : i32
        %shift_right_logical3A_166 = vector.broadcast %shift_right_logical3A_165 : i32 to vector<16xi32>
        %shift_right_logical3A_167 = arith.shrui %get3A_162, %shift_right_logical3A_166 : vector<16xi32>
        %and3A_168 = arith.constant 16383 : i32
        %and3A_169 = vector.broadcast %and3A_168 : i32 to vector<16xi32>
        %and3A_170 = arith.andi %get3A_162, %and3A_169 : vector<16xi32>
        %add3A_171 = arith.constant 112 : i32
        %add3A_172 = arith.addi %mul3A_89, %add3A_171 : i32
        %get3A_173 = arith.index_cast %add3A_172 : i32 to index
        %get3A_174 = tpu.vector_load %arg8[%get3A_173] {strides = array<i32>} : memref<4096xi32, #tpu.memory_space<vmem>>, vector<16xi32>,
        %get3A_175 = arith.index_cast %add3A_172 : i32 to index
        %get3A_176 = tpu.vector_load %arg9[%get3A_175] {strides = array<i32>} : memref<4096xf32, #tpu.memory_space<vmem>>, vector<16xf32>,
        %shift_right_logical3A_177 = arith.constant 14 : i32
        %shift_right_logical3A_178 = vector.broadcast %shift_right_logical3A_177 : i32 to vector<16xi32>
        %shift_right_logical3A_179 = arith.shrui %get3A_174, %shift_right_logical3A_178 : vector<16xi32>
        %and3A_180 = arith.constant 16383 : i32
        %and3A_181 = vector.broadcast %and3A_180 : i32 to vector<16xi32>
        %and3A_182 = arith.andi %get3A_174, %and3A_181 : vector<16xi32>
        %gather3A = tpu.vector_load_idx %arg6[%broadcast_in_dim3A_13, %shift_right_logical3A_96] : memref<4x10240xf32, #tpu.memory_space<vmem>>[vector<16xi32>, vector<16xi32>], vector<16xf32>,
        %gather3A_183 = tpu.vector_load_idx %arg6[%broadcast_in_dim3A_15, %shift_right_logical3A_96] : memref<4x10240xf32, #tpu.memory_space<vmem>>[vector<16xi32>, vector<16xi32>], vector<16xf32>,
        %gather3A_184 = tpu.vector_load_idx %arg6[%broadcast_in_dim3A_17, %shift_right_logical3A_96] : memref<4x10240xf32, #tpu.memory_space<vmem>>[vector<16xi32>, vector<16xi32>], vector<16xf32>,
        %gather3A_185 = tpu.vector_load_idx %arg6[%broadcast_in_dim3A_19, %shift_right_logical3A_96] : memref<4x10240xf32, #tpu.memory_space<vmem>>[vector<16xi32>, vector<16xi32>], vector<16xf32>,
        %gather3A_186 = tpu.vector_load_idx %arg6[%broadcast_in_dim3A_13, %shift_right_logical3A_107] : memref<4x10240xf32, #tpu.memory_space<vmem>>[vector<16xi32>, vector<16xi32>], vector<16xf32>,
        %gather3A_187 = tpu.vector_load_idx %arg6[%broadcast_in_dim3A_15, %shift_right_logical3A_107] : memref<4x10240xf32, #tpu.memory_space<vmem>>[vector<16xi32>, vector<16xi32>], vector<16xf32>,
        %gather3A_188 = tpu.vector_load_idx %arg6[%broadcast_in_dim3A_17, %shift_right_logical3A_107] : memref<4x10240xf32, #tpu.memory_space<vmem>>[vector<16xi32>, vector<16xi32>], vector<16xf32>,
        %gather3A_189 = tpu.vector_load_idx %arg6[%broadcast_in_dim3A_19, %shift_right_logical3A_107] : memref<4x10240xf32, #tpu.memory_space<vmem>>[vector<16xi32>, vector<16xi32>], vector<16xf32>,
        %gather3A_190 = tpu.vector_load_idx %arg6[%broadcast_in_dim3A_13, %shift_right_logical3A_119] : memref<4x10240xf32, #tpu.memory_space<vmem>>[vector<16xi32>, vector<16xi32>], vector<16xf32>,
        %gather3A_191 = tpu.vector_load_idx %arg6[%broadcast_in_dim3A_15, %shift_right_logical3A_119] : memref<4x10240xf32, #tpu.memory_space<vmem>>[vector<16xi32>, vector<16xi32>], vector<16xf32>,
        %gather3A_192 = tpu.vector_load_idx %arg6[%broadcast_in_dim3A_17, %shift_right_logical3A_119] : memref<4x10240xf32, #tpu.memory_space<vmem>>[vector<16xi32>, vector<16xi32>], vector<16xf32>,
        %gather3A_193 = tpu.vector_load_idx %arg6[%broadcast_in_dim3A_19, %shift_right_logical3A_119] : memref<4x10240xf32, #tpu.memory_space<vmem>>[vector<16xi32>, vector<16xi32>], vector<16xf32>,
        %gather3A_194 = tpu.vector_load_idx %arg6[%broadcast_in_dim3A_13, %shift_right_logical3A_131] : memref<4x10240xf32, #tpu.memory_space<vmem>>[vector<16xi32>, vector<16xi32>], vector<16xf32>,
        %gather3A_195 = tpu.vector_load_idx %arg6[%broadcast_in_dim3A_15, %shift_right_logical3A_131] : memref<4x10240xf32, #tpu.memory_space<vmem>>[vector<16xi32>, vector<16xi32>], vector<16xf32>,
        %gather3A_196 = tpu.vector_load_idx %arg6[%broadcast_in_dim3A_17, %shift_right_logical3A_131] : memref<4x10240xf32, #tpu.memory_space<vmem>>[vector<16xi32>, vector<16xi32>], vector<16xf32>,
        %gather3A_197 = tpu.vector_load_idx %arg6[%broadcast_in_dim3A_19, %shift_right_logical3A_131] : memref<4x10240xf32, #tpu.memory_space<vmem>>[vector<16xi32>, vector<16xi32>], vector<16xf32>,
        %gather3A_198 = tpu.vector_load_idx %arg6[%broadcast_in_dim3A_13, %shift_right_logical3A_143] : memref<4x10240xf32, #tpu.memory_space<vmem>>[vector<16xi32>, vector<16xi32>], vector<16xf32>,
        %gather3A_199 = tpu.vector_load_idx %arg6[%broadcast_in_dim3A_15, %shift_right_logical3A_143] : memref<4x10240xf32, #tpu.memory_space<vmem>>[vector<16xi32>, vector<16xi32>], vector<16xf32>,
        %gather3A_200 = tpu.vector_load_idx %arg6[%broadcast_in_dim3A_17, %shift_right_logical3A_143] : memref<4x10240xf32, #tpu.memory_space<vmem>>[vector<16xi32>, vector<16xi32>], vector<16xf32>,
        %gather3A_201 = tpu.vector_load_idx %arg6[%broadcast_in_dim3A_19, %shift_right_logical3A_143] : memref<4x10240xf32, #tpu.memory_space<vmem>>[vector<16xi32>, vector<16xi32>], vector<16xf32>,
        %gather3A_202 = tpu.vector_load_idx %arg6[%broadcast_in_dim3A_13, %shift_right_logical3A_155] : memref<4x10240xf32, #tpu.memory_space<vmem>>[vector<16xi32>, vector<16xi32>], vector<16xf32>,
        %gather3A_203 = tpu.vector_load_idx %arg6[%broadcast_in_dim3A_15, %shift_right_logical3A_155] : memref<4x10240xf32, #tpu.memory_space<vmem>>[vector<16xi32>, vector<16xi32>], vector<16xf32>,
        %gather3A_204 = tpu.vector_load_idx %arg6[%broadcast_in_dim3A_17, %shift_right_logical3A_155] : memref<4x10240xf32, #tpu.memory_space<vmem>>[vector<16xi32>, vector<16xi32>], vector<16xf32>,
        %gather3A_205 = tpu.vector_load_idx %arg6[%broadcast_in_dim3A_19, %shift_right_logical3A_155] : memref<4x10240xf32, #tpu.memory_space<vmem>>[vector<16xi32>, vector<16xi32>], vector<16xf32>,
        %gather3A_206 = tpu.vector_load_idx %arg6[%broadcast_in_dim3A_13, %shift_right_logical3A_167] : memref<4x10240xf32, #tpu.memory_space<vmem>>[vector<16xi32>, vector<16xi32>], vector<16xf32>,
        %gather3A_207 = tpu.vector_load_idx %arg6[%broadcast_in_dim3A_15, %shift_right_logical3A_167] : memref<4x10240xf32, #tpu.memory_space<vmem>>[vector<16xi32>, vector<16xi32>], vector<16xf32>,
        %gather3A_208 = tpu.vector_load_idx %arg6[%broadcast_in_dim3A_17, %shift_right_logical3A_167] : memref<4x10240xf32, #tpu.memory_space<vmem>>[vector<16xi32>, vector<16xi32>], vector<16xf32>,
        %gather3A_209 = tpu.vector_load_idx %arg6[%broadcast_in_dim3A_19, %shift_right_logical3A_167] : memref<4x10240xf32, #tpu.memory_space<vmem>>[vector<16xi32>, vector<16xi32>], vector<16xf32>,
        %gather3A_210 = tpu.vector_load_idx %arg6[%broadcast_in_dim3A_13, %shift_right_logical3A_179] : memref<4x10240xf32, #tpu.memory_space<vmem>>[vector<16xi32>, vector<16xi32>], vector<16xf32>,
        %gather3A_211 = tpu.vector_load_idx %arg6[%broadcast_in_dim3A_15, %shift_right_logical3A_179] : memref<4x10240xf32, #tpu.memory_space<vmem>>[vector<16xi32>, vector<16xi32>], vector<16xf32>,
        %gather3A_212 = tpu.vector_load_idx %arg6[%broadcast_in_dim3A_17, %shift_right_logical3A_179] : memref<4x10240xf32, #tpu.memory_space<vmem>>[vector<16xi32>, vector<16xi32>], vector<16xf32>,
        %gather3A_213 = tpu.vector_load_idx %arg6[%broadcast_in_dim3A_19, %shift_right_logical3A_179] : memref<4x10240xf32, #tpu.memory_space<vmem>>[vector<16xi32>, vector<16xi32>], vector<16xf32>,
        %mul3A_214 = arith.mulf %gather3A, %get3A_94 : vector<16xf32>
        %mul3A_215 = arith.mulf %gather3A_183, %get3A_94 : vector<16xf32>
        %mul3A_216 = arith.mulf %gather3A_184, %get3A_94 : vector<16xf32>
        %mul3A_217 = arith.mulf %gather3A_185, %get3A_94 : vector<16xf32>
        %mul3A_218 = arith.mulf %gather3A_186, %get3A_104 : vector<16xf32>
        %mul3A_219 = arith.mulf %gather3A_187, %get3A_104 : vector<16xf32>
        %mul3A_220 = arith.mulf %gather3A_188, %get3A_104 : vector<16xf32>
        %mul3A_221 = arith.mulf %gather3A_189, %get3A_104 : vector<16xf32>
        %mul3A_222 = arith.mulf %gather3A_190, %get3A_116 : vector<16xf32>
        %mul3A_223 = arith.mulf %gather3A_191, %get3A_116 : vector<16xf32>
        %mul3A_224 = arith.mulf %gather3A_192, %get3A_116 : vector<16xf32>
        %mul3A_225 = arith.mulf %gather3A_193, %get3A_116 : vector<16xf32>
        %mul3A_226 = arith.mulf %gather3A_194, %get3A_128 : vector<16xf32>
        %mul3A_227 = arith.mulf %gather3A_195, %get3A_128 : vector<16xf32>
        %mul3A_228 = arith.mulf %gather3A_196, %get3A_128 : vector<16xf32>
        %mul3A_229 = arith.mulf %gather3A_197, %get3A_128 : vector<16xf32>
        %mul3A_230 = arith.mulf %gather3A_198, %get3A_140 : vector<16xf32>
        %mul3A_231 = arith.mulf %gather3A_199, %get3A_140 : vector<16xf32>
        %mul3A_232 = arith.mulf %gather3A_200, %get3A_140 : vector<16xf32>
        %mul3A_233 = arith.mulf %gather3A_201, %get3A_140 : vector<16xf32>
        %mul3A_234 = arith.mulf %gather3A_202, %get3A_152 : vector<16xf32>
        %mul3A_235 = arith.mulf %gather3A_203, %get3A_152 : vector<16xf32>
        %mul3A_236 = arith.mulf %gather3A_204, %get3A_152 : vector<16xf32>
        %mul3A_237 = arith.mulf %gather3A_205, %get3A_152 : vector<16xf32>
        %mul3A_238 = arith.mulf %gather3A_206, %get3A_164 : vector<16xf32>
        %mul3A_239 = arith.mulf %gather3A_207, %get3A_164 : vector<16xf32>
        %mul3A_240 = arith.mulf %gather3A_208, %get3A_164 : vector<16xf32>
        %mul3A_241 = arith.mulf %gather3A_209, %get3A_164 : vector<16xf32>
        %mul3A_242 = arith.mulf %gather3A_210, %get3A_176 : vector<16xf32>
        %mul3A_243 = arith.mulf %gather3A_211, %get3A_176 : vector<16xf32>
        %mul3A_244 = arith.mulf %gather3A_212, %get3A_176 : vector<16xf32>
        %mul3A_245 = arith.mulf %gather3A_213, %get3A_176 : vector<16xf32>
        tpu.vector_store_idx %arg7[%broadcast_in_dim3A_13, %and3A_98], %mul3A_214 {add = true} : memref<4x10240xf32, #tpu.memory_space<vmem>>[vector<16xi32>, vector<16xi32>], vector<16xf32>,
        tpu.vector_store_idx %arg7[%broadcast_in_dim3A_15, %and3A_98], %mul3A_215 {add = true} : memref<4x10240xf32, #tpu.memory_space<vmem>>[vector<16xi32>, vector<16xi32>], vector<16xf32>,
        tpu.vector_store_idx %arg7[%broadcast_in_dim3A_17, %and3A_98], %mul3A_216 {add = true} : memref<4x10240xf32, #tpu.memory_space<vmem>>[vector<16xi32>, vector<16xi32>], vector<16xf32>,
        tpu.vector_store_idx %arg7[%broadcast_in_dim3A_19, %and3A_98], %mul3A_217 {add = true} : memref<4x10240xf32, #tpu.memory_space<vmem>>[vector<16xi32>, vector<16xi32>], vector<16xf32>,
        tpu.vector_store_idx %arg7[%broadcast_in_dim3A_13, %and3A_110], %mul3A_218 {add = true} : memref<4x10240xf32, #tpu.memory_space<vmem>>[vector<16xi32>, vector<16xi32>], vector<16xf32>,
        tpu.vector_store_idx %arg7[%broadcast_in_dim3A_15, %and3A_110], %mul3A_219 {add = true} : memref<4x10240xf32, #tpu.memory_space<vmem>>[vector<16xi32>, vector<16xi32>], vector<16xf32>,
        tpu.vector_store_idx %arg7[%broadcast_in_dim3A_17, %and3A_110], %mul3A_220 {add = true} : memref<4x10240xf32, #tpu.memory_space<vmem>>[vector<16xi32>, vector<16xi32>], vector<16xf32>,
        tpu.vector_store_idx %arg7[%broadcast_in_dim3A_19, %and3A_110], %mul3A_221 {add = true} : memref<4x10240xf32, #tpu.memory_space<vmem>>[vector<16xi32>, vector<16xi32>], vector<16xf32>,
        tpu.vector_store_idx %arg7[%broadcast_in_dim3A_13, %and3A_122], %mul3A_222 {add = true} : memref<4x10240xf32, #tpu.memory_space<vmem>>[vector<16xi32>, vector<16xi32>], vector<16xf32>,
        tpu.vector_store_idx %arg7[%broadcast_in_dim3A_15, %and3A_122], %mul3A_223 {add = true} : memref<4x10240xf32, #tpu.memory_space<vmem>>[vector<16xi32>, vector<16xi32>], vector<16xf32>,
        tpu.vector_store_idx %arg7[%broadcast_in_dim3A_17, %and3A_122], %mul3A_224 {add = true} : memref<4x10240xf32, #tpu.memory_space<vmem>>[vector<16xi32>, vector<16xi32>], vector<16xf32>,
        tpu.vector_store_idx %arg7[%broadcast_in_dim3A_19, %and3A_122], %mul3A_225 {add = true} : memref<4x10240xf32, #tpu.memory_space<vmem>>[vector<16xi32>, vector<16xi32>], vector<16xf32>,
        tpu.vector_store_idx %arg7[%broadcast_in_dim3A_13, %and3A_134], %mul3A_226 {add = true} : memref<4x10240xf32, #tpu.memory_space<vmem>>[vector<16xi32>, vector<16xi32>], vector<16xf32>,
        tpu.vector_store_idx %arg7[%broadcast_in_dim3A_15, %and3A_134], %mul3A_227 {add = true} : memref<4x10240xf32, #tpu.memory_space<vmem>>[vector<16xi32>, vector<16xi32>], vector<16xf32>,
        tpu.vector_store_idx %arg7[%broadcast_in_dim3A_17, %and3A_134], %mul3A_228 {add = true} : memref<4x10240xf32, #tpu.memory_space<vmem>>[vector<16xi32>, vector<16xi32>], vector<16xf32>,
        tpu.vector_store_idx %arg7[%broadcast_in_dim3A_19, %and3A_134], %mul3A_229 {add = true} : memref<4x10240xf32, #tpu.memory_space<vmem>>[vector<16xi32>, vector<16xi32>], vector<16xf32>,
        tpu.vector_store_idx %arg7[%broadcast_in_dim3A_13, %and3A_146], %mul3A_230 {add = true} : memref<4x10240xf32, #tpu.memory_space<vmem>>[vector<16xi32>, vector<16xi32>], vector<16xf32>,
        tpu.vector_store_idx %arg7[%broadcast_in_dim3A_15, %and3A_146], %mul3A_231 {add = true} : memref<4x10240xf32, #tpu.memory_space<vmem>>[vector<16xi32>, vector<16xi32>], vector<16xf32>,
        tpu.vector_store_idx %arg7[%broadcast_in_dim3A_17, %and3A_146], %mul3A_232 {add = true} : memref<4x10240xf32, #tpu.memory_space<vmem>>[vector<16xi32>, vector<16xi32>], vector<16xf32>,
        tpu.vector_store_idx %arg7[%broadcast_in_dim3A_19, %and3A_146], %mul3A_233 {add = true} : memref<4x10240xf32, #tpu.memory_space<vmem>>[vector<16xi32>, vector<16xi32>], vector<16xf32>,
        tpu.vector_store_idx %arg7[%broadcast_in_dim3A_13, %and3A_158], %mul3A_234 {add = true} : memref<4x10240xf32, #tpu.memory_space<vmem>>[vector<16xi32>, vector<16xi32>], vector<16xf32>,
        tpu.vector_store_idx %arg7[%broadcast_in_dim3A_15, %and3A_158], %mul3A_235 {add = true} : memref<4x10240xf32, #tpu.memory_space<vmem>>[vector<16xi32>, vector<16xi32>], vector<16xf32>,
        tpu.vector_store_idx %arg7[%broadcast_in_dim3A_17, %and3A_158], %mul3A_236 {add = true} : memref<4x10240xf32, #tpu.memory_space<vmem>>[vector<16xi32>, vector<16xi32>], vector<16xf32>,
        tpu.vector_store_idx %arg7[%broadcast_in_dim3A_19, %and3A_158], %mul3A_237 {add = true} : memref<4x10240xf32, #tpu.memory_space<vmem>>[vector<16xi32>, vector<16xi32>], vector<16xf32>,
        tpu.vector_store_idx %arg7[%broadcast_in_dim3A_13, %and3A_170], %mul3A_238 {add = true} : memref<4x10240xf32, #tpu.memory_space<vmem>>[vector<16xi32>, vector<16xi32>], vector<16xf32>,
        tpu.vector_store_idx %arg7[%broadcast_in_dim3A_15, %and3A_170], %mul3A_239 {add = true} : memref<4x10240xf32, #tpu.memory_space<vmem>>[vector<16xi32>, vector<16xi32>], vector<16xf32>,
        tpu.vector_store_idx %arg7[%broadcast_in_dim3A_17, %and3A_170], %mul3A_240 {add = true} : memref<4x10240xf32, #tpu.memory_space<vmem>>[vector<16xi32>, vector<16xi32>], vector<16xf32>,
        tpu.vector_store_idx %arg7[%broadcast_in_dim3A_19, %and3A_170], %mul3A_241 {add = true} : memref<4x10240xf32, #tpu.memory_space<vmem>>[vector<16xi32>, vector<16xi32>], vector<16xf32>,
        tpu.vector_store_idx %arg7[%broadcast_in_dim3A_13, %and3A_182], %mul3A_242 {add = true} : memref<4x10240xf32, #tpu.memory_space<vmem>>[vector<16xi32>, vector<16xi32>], vector<16xf32>,
        tpu.vector_store_idx %arg7[%broadcast_in_dim3A_15, %and3A_182], %mul3A_243 {add = true} : memref<4x10240xf32, #tpu.memory_space<vmem>>[vector<16xi32>, vector<16xi32>], vector<16xf32>,
        tpu.vector_store_idx %arg7[%broadcast_in_dim3A_17, %and3A_182], %mul3A_244 {add = true} : memref<4x10240xf32, #tpu.memory_space<vmem>>[vector<16xi32>, vector<16xi32>], vector<16xf32>,
        tpu.vector_store_idx %arg7[%broadcast_in_dim3A_19, %and3A_182], %mul3A_245 {add = true} : memref<4x10240xf32, #tpu.memory_space<vmem>>[vector<16xi32>, vector<16xi32>], vector<16xf32>,
      }
      %while3A_65 = arith.constant 1 : i32
      scf.for %while3A_87 = %while3A_63 to %while3A_59 step %while3A_65  : i32 {
        %mul3A_88 = arith.constant 128 : i32
        %mul3A_89 = arith.muli %while3A_87, %mul3A_88 : i32
        %add3A_90 = arith.constant 0 : i32
        %add3A_91 = arith.addi %mul3A_89, %add3A_90 : i32
        %get3A = arith.index_cast %add3A_91 : i32 to index
        %get3A_92 = tpu.vector_load %arg8[%get3A] {strides = array<i32>} : memref<4096xi32, #tpu.memory_space<vmem>>, vector<16xi32>,
        %get3A_93 = arith.index_cast %add3A_91 : i32 to index
        %get3A_94 = tpu.vector_load %arg9[%get3A_93] {strides = array<i32>} : memref<4096xf32, #tpu.memory_space<vmem>>, vector<16xf32>,
        %shift_right_logical3A = arith.constant 14 : i32
        %shift_right_logical3A_95 = vector.broadcast %shift_right_logical3A : i32 to vector<16xi32>
        %shift_right_logical3A_96 = arith.shrui %get3A_92, %shift_right_logical3A_95 : vector<16xi32>
        %and3A = arith.constant 16383 : i32
        %and3A_97 = vector.broadcast %and3A : i32 to vector<16xi32>
        %and3A_98 = arith.andi %get3A_92, %and3A_97 : vector<16xi32>
        %add3A_99 = arith.constant 16 : i32
        %add3A_100 = arith.addi %mul3A_89, %add3A_99 : i32
        %get3A_101 = arith.index_cast %add3A_100 : i32 to index
        %get3A_102 = tpu.vector_load %arg8[%get3A_101] {strides = array<i32>} : memref<4096xi32, #tpu.memory_space<vmem>>, vector<16xi32>,
        %get3A_103 = arith.index_cast %add3A_100 : i32 to index
        %get3A_104 = tpu.vector_load %arg9[%get3A_103] {strides = array<i32>} : memref<4096xf32, #tpu.memory_space<vmem>>, vector<16xf32>,
        %shift_right_logical3A_105 = arith.constant 14 : i32
        %shift_right_logical3A_106 = vector.broadcast %shift_right_logical3A_105 : i32 to vector<16xi32>
        %shift_right_logical3A_107 = arith.shrui %get3A_102, %shift_right_logical3A_106 : vector<16xi32>
        %and3A_108 = arith.constant 16383 : i32
        %and3A_109 = vector.broadcast %and3A_108 : i32 to vector<16xi32>
        %and3A_110 = arith.andi %get3A_102, %and3A_109 : vector<16xi32>
        %add3A_111 = arith.constant 32 : i32
        %add3A_112 = arith.addi %mul3A_89, %add3A_111 : i32
        %get3A_113 = arith.index_cast %add3A_112 : i32 to index
        %get3A_114 = tpu.vector_load %arg8[%get3A_113] {strides = array<i32>} : memref<4096xi32, #tpu.memory_space<vmem>>, vector<16xi32>,
        %get3A_115 = arith.index_cast %add3A_112 : i32 to index
        %get3A_116 = tpu.vector_load %arg9[%get3A_115] {strides = array<i32>} : memref<4096xf32, #tpu.memory_space<vmem>>, vector<16xf32>,
        %shift_right_logical3A_117 = arith.constant 14 : i32
        %shift_right_logical3A_118 = vector.broadcast %shift_right_logical3A_117 : i32 to vector<16xi32>
        %shift_right_logical3A_119 = arith.shrui %get3A_114, %shift_right_logical3A_118 : vector<16xi32>
        %and3A_120 = arith.constant 16383 : i32
        %and3A_121 = vector.broadcast %and3A_120 : i32 to vector<16xi32>
        %and3A_122 = arith.andi %get3A_114, %and3A_121 : vector<16xi32>
        %add3A_123 = arith.constant 48 : i32
        %add3A_124 = arith.addi %mul3A_89, %add3A_123 : i32
        %get3A_125 = arith.index_cast %add3A_124 : i32 to index
        %get3A_126 = tpu.vector_load %arg8[%get3A_125] {strides = array<i32>} : memref<4096xi32, #tpu.memory_space<vmem>>, vector<16xi32>,
        %get3A_127 = arith.index_cast %add3A_124 : i32 to index
        %get3A_128 = tpu.vector_load %arg9[%get3A_127] {strides = array<i32>} : memref<4096xf32, #tpu.memory_space<vmem>>, vector<16xf32>,
        %shift_right_logical3A_129 = arith.constant 14 : i32
        %shift_right_logical3A_130 = vector.broadcast %shift_right_logical3A_129 : i32 to vector<16xi32>
        %shift_right_logical3A_131 = arith.shrui %get3A_126, %shift_right_logical3A_130 : vector<16xi32>
        %and3A_132 = arith.constant 16383 : i32
        %and3A_133 = vector.broadcast %and3A_132 : i32 to vector<16xi32>
        %and3A_134 = arith.andi %get3A_126, %and3A_133 : vector<16xi32>
        %add3A_135 = arith.constant 64 : i32
        %add3A_136 = arith.addi %mul3A_89, %add3A_135 : i32
        %get3A_137 = arith.index_cast %add3A_136 : i32 to index
        %get3A_138 = tpu.vector_load %arg8[%get3A_137] {strides = array<i32>} : memref<4096xi32, #tpu.memory_space<vmem>>, vector<16xi32>,
        %get3A_139 = arith.index_cast %add3A_136 : i32 to index
        %get3A_140 = tpu.vector_load %arg9[%get3A_139] {strides = array<i32>} : memref<4096xf32, #tpu.memory_space<vmem>>, vector<16xf32>,
        %shift_right_logical3A_141 = arith.constant 14 : i32
        %shift_right_logical3A_142 = vector.broadcast %shift_right_logical3A_141 : i32 to vector<16xi32>
        %shift_right_logical3A_143 = arith.shrui %get3A_138, %shift_right_logical3A_142 : vector<16xi32>
        %and3A_144 = arith.constant 16383 : i32
        %and3A_145 = vector.broadcast %and3A_144 : i32 to vector<16xi32>
        %and3A_146 = arith.andi %get3A_138, %and3A_145 : vector<16xi32>
        %add3A_147 = arith.constant 80 : i32
        %add3A_148 = arith.addi %mul3A_89, %add3A_147 : i32
        %get3A_149 = arith.index_cast %add3A_148 : i32 to index
        %get3A_150 = tpu.vector_load %arg8[%get3A_149] {strides = array<i32>} : memref<4096xi32, #tpu.memory_space<vmem>>, vector<16xi32>,
        %get3A_151 = arith.index_cast %add3A_148 : i32 to index
        %get3A_152 = tpu.vector_load %arg9[%get3A_151] {strides = array<i32>} : memref<4096xf32, #tpu.memory_space<vmem>>, vector<16xf32>,
        %shift_right_logical3A_153 = arith.constant 14 : i32
        %shift_right_logical3A_154 = vector.broadcast %shift_right_logical3A_153 : i32 to vector<16xi32>
        %shift_right_logical3A_155 = arith.shrui %get3A_150, %shift_right_logical3A_154 : vector<16xi32>
        %and3A_156 = arith.constant 16383 : i32
        %and3A_157 = vector.broadcast %and3A_156 : i32 to vector<16xi32>
        %and3A_158 = arith.andi %get3A_150, %and3A_157 : vector<16xi32>
        %add3A_159 = arith.constant 96 : i32
        %add3A_160 = arith.addi %mul3A_89, %add3A_159 : i32
        %get3A_161 = arith.index_cast %add3A_160 : i32 to index
        %get3A_162 = tpu.vector_load %arg8[%get3A_161] {strides = array<i32>} : memref<4096xi32, #tpu.memory_space<vmem>>, vector<16xi32>,
        %get3A_163 = arith.index_cast %add3A_160 : i32 to index
        %get3A_164 = tpu.vector_load %arg9[%get3A_163] {strides = array<i32>} : memref<4096xf32, #tpu.memory_space<vmem>>, vector<16xf32>,
        %shift_right_logical3A_165 = arith.constant 14 : i32
        %shift_right_logical3A_166 = vector.broadcast %shift_right_logical3A_165 : i32 to vector<16xi32>
        %shift_right_logical3A_167 = arith.shrui %get3A_162, %shift_right_logical3A_166 : vector<16xi32>
        %and3A_168 = arith.constant 16383 : i32
        %and3A_169 = vector.broadcast %and3A_168 : i32 to vector<16xi32>
        %and3A_170 = arith.andi %get3A_162, %and3A_169 : vector<16xi32>
        %add3A_171 = arith.constant 112 : i32
        %add3A_172 = arith.addi %mul3A_89, %add3A_171 : i32
        %get3A_173 = arith.index_cast %add3A_172 : i32 to index
        %get3A_174 = tpu.vector_load %arg8[%get3A_173] {strides = array<i32>} : memref<4096xi32, #tpu.memory_space<vmem>>, vector<16xi32>,
        %get3A_175 = arith.index_cast %add3A_172 : i32 to index
        %get3A_176 = tpu.vector_load %arg9[%get3A_175] {strides = array<i32>} : memref<4096xf32, #tpu.memory_space<vmem>>, vector<16xf32>,
        %shift_right_logical3A_177 = arith.constant 14 : i32
        %shift_right_logical3A_178 = vector.broadcast %shift_right_logical3A_177 : i32 to vector<16xi32>
        %shift_right_logical3A_179 = arith.shrui %get3A_174, %shift_right_logical3A_178 : vector<16xi32>
        %and3A_180 = arith.constant 16383 : i32
        %and3A_181 = vector.broadcast %and3A_180 : i32 to vector<16xi32>
        %and3A_182 = arith.andi %get3A_174, %and3A_181 : vector<16xi32>
        %gather3A = tpu.vector_load_idx %arg6[%broadcast_in_dim3A_13, %shift_right_logical3A_96] : memref<4x10240xf32, #tpu.memory_space<vmem>>[vector<16xi32>, vector<16xi32>], vector<16xf32>,
        %gather3A_183 = tpu.vector_load_idx %arg6[%broadcast_in_dim3A_15, %shift_right_logical3A_96] : memref<4x10240xf32, #tpu.memory_space<vmem>>[vector<16xi32>, vector<16xi32>], vector<16xf32>,
        %gather3A_184 = tpu.vector_load_idx %arg6[%broadcast_in_dim3A_17, %shift_right_logical3A_96] : memref<4x10240xf32, #tpu.memory_space<vmem>>[vector<16xi32>, vector<16xi32>], vector<16xf32>,
        %gather3A_185 = tpu.vector_load_idx %arg6[%broadcast_in_dim3A_19, %shift_right_logical3A_96] : memref<4x10240xf32, #tpu.memory_space<vmem>>[vector<16xi32>, vector<16xi32>], vector<16xf32>,
        %gather3A_186 = tpu.vector_load_idx %arg6[%broadcast_in_dim3A_13, %shift_right_logical3A_107] : memref<4x10240xf32, #tpu.memory_space<vmem>>[vector<16xi32>, vector<16xi32>], vector<16xf32>,
        %gather3A_187 = tpu.vector_load_idx %arg6[%broadcast_in_dim3A_15, %shift_right_logical3A_107] : memref<4x10240xf32, #tpu.memory_space<vmem>>[vector<16xi32>, vector<16xi32>], vector<16xf32>,
        %gather3A_188 = tpu.vector_load_idx %arg6[%broadcast_in_dim3A_17, %shift_right_logical3A_107] : memref<4x10240xf32, #tpu.memory_space<vmem>>[vector<16xi32>, vector<16xi32>], vector<16xf32>,
        %gather3A_189 = tpu.vector_load_idx %arg6[%broadcast_in_dim3A_19, %shift_right_logical3A_107] : memref<4x10240xf32, #tpu.memory_space<vmem>>[vector<16xi32>, vector<16xi32>], vector<16xf32>,
        %gather3A_190 = tpu.vector_load_idx %arg6[%broadcast_in_dim3A_13, %shift_right_logical3A_119] : memref<4x10240xf32, #tpu.memory_space<vmem>>[vector<16xi32>, vector<16xi32>], vector<16xf32>,
        %gather3A_191 = tpu.vector_load_idx %arg6[%broadcast_in_dim3A_15, %shift_right_logical3A_119] : memref<4x10240xf32, #tpu.memory_space<vmem>>[vector<16xi32>, vector<16xi32>], vector<16xf32>,
        %gather3A_192 = tpu.vector_load_idx %arg6[%broadcast_in_dim3A_17, %shift_right_logical3A_119] : memref<4x10240xf32, #tpu.memory_space<vmem>>[vector<16xi32>, vector<16xi32>], vector<16xf32>,
        %gather3A_193 = tpu.vector_load_idx %arg6[%broadcast_in_dim3A_19, %shift_right_logical3A_119] : memref<4x10240xf32, #tpu.memory_space<vmem>>[vector<16xi32>, vector<16xi32>], vector<16xf32>,
        %gather3A_194 = tpu.vector_load_idx %arg6[%broadcast_in_dim3A_13, %shift_right_logical3A_131] : memref<4x10240xf32, #tpu.memory_space<vmem>>[vector<16xi32>, vector<16xi32>], vector<16xf32>,
        %gather3A_195 = tpu.vector_load_idx %arg6[%broadcast_in_dim3A_15, %shift_right_logical3A_131] : memref<4x10240xf32, #tpu.memory_space<vmem>>[vector<16xi32>, vector<16xi32>], vector<16xf32>,
        %gather3A_196 = tpu.vector_load_idx %arg6[%broadcast_in_dim3A_17, %shift_right_logical3A_131] : memref<4x10240xf32, #tpu.memory_space<vmem>>[vector<16xi32>, vector<16xi32>], vector<16xf32>,
        %gather3A_197 = tpu.vector_load_idx %arg6[%broadcast_in_dim3A_19, %shift_right_logical3A_131] : memref<4x10240xf32, #tpu.memory_space<vmem>>[vector<16xi32>, vector<16xi32>], vector<16xf32>,
        %gather3A_198 = tpu.vector_load_idx %arg6[%broadcast_in_dim3A_13, %shift_right_logical3A_143] : memref<4x10240xf32, #tpu.memory_space<vmem>>[vector<16xi32>, vector<16xi32>], vector<16xf32>,
        %gather3A_199 = tpu.vector_load_idx %arg6[%broadcast_in_dim3A_15, %shift_right_logical3A_143] : memref<4x10240xf32, #tpu.memory_space<vmem>>[vector<16xi32>, vector<16xi32>], vector<16xf32>,
        %gather3A_200 = tpu.vector_load_idx %arg6[%broadcast_in_dim3A_17, %shift_right_logical3A_143] : memref<4x10240xf32, #tpu.memory_space<vmem>>[vector<16xi32>, vector<16xi32>], vector<16xf32>,
        %gather3A_201 = tpu.vector_load_idx %arg6[%broadcast_in_dim3A_19, %shift_right_logical3A_143] : memref<4x10240xf32, #tpu.memory_space<vmem>>[vector<16xi32>, vector<16xi32>], vector<16xf32>,
        %gather3A_202 = tpu.vector_load_idx %arg6[%broadcast_in_dim3A_13, %shift_right_logical3A_155] : memref<4x10240xf32, #tpu.memory_space<vmem>>[vector<16xi32>, vector<16xi32>], vector<16xf32>,
        %gather3A_203 = tpu.vector_load_idx %arg6[%broadcast_in_dim3A_15, %shift_right_logical3A_155] : memref<4x10240xf32, #tpu.memory_space<vmem>>[vector<16xi32>, vector<16xi32>], vector<16xf32>,
        %gather3A_204 = tpu.vector_load_idx %arg6[%broadcast_in_dim3A_17, %shift_right_logical3A_155] : memref<4x10240xf32, #tpu.memory_space<vmem>>[vector<16xi32>, vector<16xi32>], vector<16xf32>,
        %gather3A_205 = tpu.vector_load_idx %arg6[%broadcast_in_dim3A_19, %shift_right_logical3A_155] : memref<4x10240xf32, #tpu.memory_space<vmem>>[vector<16xi32>, vector<16xi32>], vector<16xf32>,
        %gather3A_206 = tpu.vector_load_idx %arg6[%broadcast_in_dim3A_13, %shift_right_logical3A_167] : memref<4x10240xf32, #tpu.memory_space<vmem>>[vector<16xi32>, vector<16xi32>], vector<16xf32>,
        %gather3A_207 = tpu.vector_load_idx %arg6[%broadcast_in_dim3A_15, %shift_right_logical3A_167] : memref<4x10240xf32, #tpu.memory_space<vmem>>[vector<16xi32>, vector<16xi32>], vector<16xf32>,
        %gather3A_208 = tpu.vector_load_idx %arg6[%broadcast_in_dim3A_17, %shift_right_logical3A_167] : memref<4x10240xf32, #tpu.memory_space<vmem>>[vector<16xi32>, vector<16xi32>], vector<16xf32>,
        %gather3A_209 = tpu.vector_load_idx %arg6[%broadcast_in_dim3A_19, %shift_right_logical3A_167] : memref<4x10240xf32, #tpu.memory_space<vmem>>[vector<16xi32>, vector<16xi32>], vector<16xf32>,
        %gather3A_210 = tpu.vector_load_idx %arg6[%broadcast_in_dim3A_13, %shift_right_logical3A_179] : memref<4x10240xf32, #tpu.memory_space<vmem>>[vector<16xi32>, vector<16xi32>], vector<16xf32>,
        %gather3A_211 = tpu.vector_load_idx %arg6[%broadcast_in_dim3A_15, %shift_right_logical3A_179] : memref<4x10240xf32, #tpu.memory_space<vmem>>[vector<16xi32>, vector<16xi32>], vector<16xf32>,
        %gather3A_212 = tpu.vector_load_idx %arg6[%broadcast_in_dim3A_17, %shift_right_logical3A_179] : memref<4x10240xf32, #tpu.memory_space<vmem>>[vector<16xi32>, vector<16xi32>], vector<16xf32>,
        %gather3A_213 = tpu.vector_load_idx %arg6[%broadcast_in_dim3A_19, %shift_right_logical3A_179] : memref<4x10240xf32, #tpu.memory_space<vmem>>[vector<16xi32>, vector<16xi32>], vector<16xf32>,
        %mul3A_214 = arith.mulf %gather3A, %get3A_94 : vector<16xf32>
        %mul3A_215 = arith.mulf %gather3A_183, %get3A_94 : vector<16xf32>
        %mul3A_216 = arith.mulf %gather3A_184, %get3A_94 : vector<16xf32>
        %mul3A_217 = arith.mulf %gather3A_185, %get3A_94 : vector<16xf32>
        %mul3A_218 = arith.mulf %gather3A_186, %get3A_104 : vector<16xf32>
        %mul3A_219 = arith.mulf %gather3A_187, %get3A_104 : vector<16xf32>
        %mul3A_220 = arith.mulf %gather3A_188, %get3A_104 : vector<16xf32>
        %mul3A_221 = arith.mulf %gather3A_189, %get3A_104 : vector<16xf32>
        %mul3A_222 = arith.mulf %gather3A_190, %get3A_116 : vector<16xf32>
        %mul3A_223 = arith.mulf %gather3A_191, %get3A_116 : vector<16xf32>
        %mul3A_224 = arith.mulf %gather3A_192, %get3A_116 : vector<16xf32>
        %mul3A_225 = arith.mulf %gather3A_193, %get3A_116 : vector<16xf32>
        %mul3A_226 = arith.mulf %gather3A_194, %get3A_128 : vector<16xf32>
        %mul3A_227 = arith.mulf %gather3A_195, %get3A_128 : vector<16xf32>
        %mul3A_228 = arith.mulf %gather3A_196, %get3A_128 : vector<16xf32>
        %mul3A_229 = arith.mulf %gather3A_197, %get3A_128 : vector<16xf32>
        %mul3A_230 = arith.mulf %gather3A_198, %get3A_140 : vector<16xf32>
        %mul3A_231 = arith.mulf %gather3A_199, %get3A_140 : vector<16xf32>
        %mul3A_232 = arith.mulf %gather3A_200, %get3A_140 : vector<16xf32>
        %mul3A_233 = arith.mulf %gather3A_201, %get3A_140 : vector<16xf32>
        %mul3A_234 = arith.mulf %gather3A_202, %get3A_152 : vector<16xf32>
        %mul3A_235 = arith.mulf %gather3A_203, %get3A_152 : vector<16xf32>
        %mul3A_236 = arith.mulf %gather3A_204, %get3A_152 : vector<16xf32>
        %mul3A_237 = arith.mulf %gather3A_205, %get3A_152 : vector<16xf32>
        %mul3A_238 = arith.mulf %gather3A_206, %get3A_164 : vector<16xf32>
        %mul3A_239 = arith.mulf %gather3A_207, %get3A_164 : vector<16xf32>
        %mul3A_240 = arith.mulf %gather3A_208, %get3A_164 : vector<16xf32>
        %mul3A_241 = arith.mulf %gather3A_209, %get3A_164 : vector<16xf32>
        %mul3A_242 = arith.mulf %gather3A_210, %get3A_176 : vector<16xf32>
        %mul3A_243 = arith.mulf %gather3A_211, %get3A_176 : vector<16xf32>
        %mul3A_244 = arith.mulf %gather3A_212, %get3A_176 : vector<16xf32>
        %mul3A_245 = arith.mulf %gather3A_213, %get3A_176 : vector<16xf32>
        tpu.vector_store_idx %arg7[%broadcast_in_dim3A_13, %and3A_98], %mul3A_214 {add = true} : memref<4x10240xf32, #tpu.memory_space<vmem>>[vector<16xi32>, vector<16xi32>], vector<16xf32>,
        tpu.vector_store_idx %arg7[%broadcast_in_dim3A_15, %and3A_98], %mul3A_215 {add = true} : memref<4x10240xf32, #tpu.memory_space<vmem>>[vector<16xi32>, vector<16xi32>], vector<16xf32>,
        tpu.vector_store_idx %arg7[%broadcast_in_dim3A_17, %and3A_98], %mul3A_216 {add = true} : memref<4x10240xf32, #tpu.memory_space<vmem>>[vector<16xi32>, vector<16xi32>], vector<16xf32>,
        tpu.vector_store_idx %arg7[%broadcast_in_dim3A_19, %and3A_98], %mul3A_217 {add = true} : memref<4x10240xf32, #tpu.memory_space<vmem>>[vector<16xi32>, vector<16xi32>], vector<16xf32>,
        tpu.vector_store_idx %arg7[%broadcast_in_dim3A_13, %and3A_110], %mul3A_218 {add = true} : memref<4x10240xf32, #tpu.memory_space<vmem>>[vector<16xi32>, vector<16xi32>], vector<16xf32>,
        tpu.vector_store_idx %arg7[%broadcast_in_dim3A_15, %and3A_110], %mul3A_219 {add = true} : memref<4x10240xf32, #tpu.memory_space<vmem>>[vector<16xi32>, vector<16xi32>], vector<16xf32>,
        tpu.vector_store_idx %arg7[%broadcast_in_dim3A_17, %and3A_110], %mul3A_220 {add = true} : memref<4x10240xf32, #tpu.memory_space<vmem>>[vector<16xi32>, vector<16xi32>], vector<16xf32>,
        tpu.vector_store_idx %arg7[%broadcast_in_dim3A_19, %and3A_110], %mul3A_221 {add = true} : memref<4x10240xf32, #tpu.memory_space<vmem>>[vector<16xi32>, vector<16xi32>], vector<16xf32>,
        tpu.vector_store_idx %arg7[%broadcast_in_dim3A_13, %and3A_122], %mul3A_222 {add = true} : memref<4x10240xf32, #tpu.memory_space<vmem>>[vector<16xi32>, vector<16xi32>], vector<16xf32>,
        tpu.vector_store_idx %arg7[%broadcast_in_dim3A_15, %and3A_122], %mul3A_223 {add = true} : memref<4x10240xf32, #tpu.memory_space<vmem>>[vector<16xi32>, vector<16xi32>], vector<16xf32>,
        tpu.vector_store_idx %arg7[%broadcast_in_dim3A_17, %and3A_122], %mul3A_224 {add = true} : memref<4x10240xf32, #tpu.memory_space<vmem>>[vector<16xi32>, vector<16xi32>], vector<16xf32>,
        tpu.vector_store_idx %arg7[%broadcast_in_dim3A_19, %and3A_122], %mul3A_225 {add = true} : memref<4x10240xf32, #tpu.memory_space<vmem>>[vector<16xi32>, vector<16xi32>], vector<16xf32>,
        tpu.vector_store_idx %arg7[%broadcast_in_dim3A_13, %and3A_134], %mul3A_226 {add = true} : memref<4x10240xf32, #tpu.memory_space<vmem>>[vector<16xi32>, vector<16xi32>], vector<16xf32>,
        tpu.vector_store_idx %arg7[%broadcast_in_dim3A_15, %and3A_134], %mul3A_227 {add = true} : memref<4x10240xf32, #tpu.memory_space<vmem>>[vector<16xi32>, vector<16xi32>], vector<16xf32>,
        tpu.vector_store_idx %arg7[%broadcast_in_dim3A_17, %and3A_134], %mul3A_228 {add = true} : memref<4x10240xf32, #tpu.memory_space<vmem>>[vector<16xi32>, vector<16xi32>], vector<16xf32>,
        tpu.vector_store_idx %arg7[%broadcast_in_dim3A_19, %and3A_134], %mul3A_229 {add = true} : memref<4x10240xf32, #tpu.memory_space<vmem>>[vector<16xi32>, vector<16xi32>], vector<16xf32>,
        tpu.vector_store_idx %arg7[%broadcast_in_dim3A_13, %and3A_146], %mul3A_230 {add = true} : memref<4x10240xf32, #tpu.memory_space<vmem>>[vector<16xi32>, vector<16xi32>], vector<16xf32>,
        tpu.vector_store_idx %arg7[%broadcast_in_dim3A_15, %and3A_146], %mul3A_231 {add = true} : memref<4x10240xf32, #tpu.memory_space<vmem>>[vector<16xi32>, vector<16xi32>], vector<16xf32>,
        tpu.vector_store_idx %arg7[%broadcast_in_dim3A_17, %and3A_146], %mul3A_232 {add = true} : memref<4x10240xf32, #tpu.memory_space<vmem>>[vector<16xi32>, vector<16xi32>], vector<16xf32>,
        tpu.vector_store_idx %arg7[%broadcast_in_dim3A_19, %and3A_146], %mul3A_233 {add = true} : memref<4x10240xf32, #tpu.memory_space<vmem>>[vector<16xi32>, vector<16xi32>], vector<16xf32>,
        tpu.vector_store_idx %arg7[%broadcast_in_dim3A_13, %and3A_158], %mul3A_234 {add = true} : memref<4x10240xf32, #tpu.memory_space<vmem>>[vector<16xi32>, vector<16xi32>], vector<16xf32>,
        tpu.vector_store_idx %arg7[%broadcast_in_dim3A_15, %and3A_158], %mul3A_235 {add = true} : memref<4x10240xf32, #tpu.memory_space<vmem>>[vector<16xi32>, vector<16xi32>], vector<16xf32>,
        tpu.vector_store_idx %arg7[%broadcast_in_dim3A_17, %and3A_158], %mul3A_236 {add = true} : memref<4x10240xf32, #tpu.memory_space<vmem>>[vector<16xi32>, vector<16xi32>], vector<16xf32>,
        tpu.vector_store_idx %arg7[%broadcast_in_dim3A_19, %and3A_158], %mul3A_237 {add = true} : memref<4x10240xf32, #tpu.memory_space<vmem>>[vector<16xi32>, vector<16xi32>], vector<16xf32>,
        tpu.vector_store_idx %arg7[%broadcast_in_dim3A_13, %and3A_170], %mul3A_238 {add = true} : memref<4x10240xf32, #tpu.memory_space<vmem>>[vector<16xi32>, vector<16xi32>], vector<16xf32>,
        tpu.vector_store_idx %arg7[%broadcast_in_dim3A_15, %and3A_170], %mul3A_239 {add = true} : memref<4x10240xf32, #tpu.memory_space<vmem>>[vector<16xi32>, vector<16xi32>], vector<16xf32>,
        tpu.vector_store_idx %arg7[%broadcast_in_dim3A_17, %and3A_170], %mul3A_240 {add = true} : memref<4x10240xf32, #tpu.memory_space<vmem>>[vector<16xi32>, vector<16xi32>], vector<16xf32>,
        tpu.vector_store_idx %arg7[%broadcast_in_dim3A_19, %and3A_170], %mul3A_241 {add = true} : memref<4x10240xf32, #tpu.memory_space<vmem>>[vector<16xi32>, vector<16xi32>], vector<16xf32>,
        tpu.vector_store_idx %arg7[%broadcast_in_dim3A_13, %and3A_182], %mul3A_242 {add = true} : memref<4x10240xf32, #tpu.memory_space<vmem>>[vector<16xi32>, vector<16xi32>], vector<16xf32>,
        tpu.vector_store_idx %arg7[%broadcast_in_dim3A_15, %and3A_182], %mul3A_243 {add = true} : memref<4x10240xf32, #tpu.memory_space<vmem>>[vector<16xi32>, vector<16xi32>], vector<16xf32>,
        tpu.vector_store_idx %arg7[%broadcast_in_dim3A_17, %and3A_182], %mul3A_244 {add = true} : memref<4x10240xf32, #tpu.memory_space<vmem>>[vector<16xi32>, vector<16xi32>], vector<16xf32>,
        tpu.vector_store_idx %arg7[%broadcast_in_dim3A_19, %and3A_182], %mul3A_245 {add = true} : memref<4x10240xf32, #tpu.memory_space<vmem>>[vector<16xi32>, vector<16xi32>], vector<16xf32>,
      }
      %dma_wait3A_66 = arith.constant 0 : i32
      %dma_wait3A_67 = tpu.memref_slice %arg2[%dma_wait3A_66] : memref<344064xi32, #tpu.memory_space<hbm>> -> memref<4096xi32, #tpu.memory_space<hbm>>
      %dma_wait3A_68 = arith.constant 0 : i32
      %dma_wait3A_69 = tpu.memref_slice %arg2[%dma_wait3A_68] : memref<344064xi32, #tpu.memory_space<hbm>> -> memref<4096xi32, #tpu.memory_space<hbm>>
      tpu.wait_dma2 semaphore(%arg13 : memref<!tpu.dma_semaphore, #tpu.memory_space<semaphore_mem>>) src(%dma_wait3A_69 : memref<4096xi32, #tpu.memory_space<hbm>>) dst(%arg10 : memref<4096xi32, #tpu.memory_space<vmem>>)
      %dma_wait3A_70 = arith.constant 0 : i32
      %dma_wait3A_71 = tpu.memref_slice %arg3[%dma_wait3A_70] : memref<344064xf32, #tpu.memory_space<hbm>> -> memref<4096xf32, #tpu.memory_space<hbm>>
      %dma_wait3A_72 = arith.constant 0 : i32
      %dma_wait3A_73 = tpu.memref_slice %arg3[%dma_wait3A_72] : memref<344064xf32, #tpu.memory_space<hbm>> -> memref<4096xf32, #tpu.memory_space<hbm>>
      tpu.wait_dma2 semaphore(%arg13 : memref<!tpu.dma_semaphore, #tpu.memory_space<semaphore_mem>>) src(%dma_wait3A_73 : memref<4096xf32, #tpu.memory_space<hbm>>) dst(%arg11 : memref<4096xf32, #tpu.memory_space<vmem>>)
      %lt3A = arith.constant 41 : i32
      %lt3A_74 = arith.cmpi slt, %while3A_37, %lt3A : i32
      %convert_element_type3A = arith.extui %lt3A_74 : i1 to i32
      %cond3A = arith.constant 0 : i32
      %cond3A_75 = arith.cmpi ne, %convert_element_type3A, %cond3A : i32
      scf.if %cond3A_75 {
        %add3A_87 = arith.constant 2 : i32
        %add3A_88 = arith.addi %mul3A_39, %add3A_87 : i32
        %mul3A_89 = arith.constant 4096 : i32
        %mul3A_90 = arith.muli %add3A_88, %mul3A_89 : i32
        %dma_start3A_91 = tpu.memref_slice %arg2[%mul3A_90] : memref<344064xi32, #tpu.memory_space<hbm>> -> memref<4096xi32, #tpu.memory_space<hbm>>
        %dma_start3A_92 = tpu.memref_slice %arg2[%mul3A_90] : memref<344064xi32, #tpu.memory_space<hbm>> -> memref<4096xi32, #tpu.memory_space<hbm>>
        tpu.enqueue_dma source(%dma_start3A_92 : memref<4096xi32, #tpu.memory_space<hbm>>) target(%arg8 : memref<4096xi32, #tpu.memory_space<vmem>>) target_semaphore(%arg12 : memref<!tpu.dma_semaphore, #tpu.memory_space<semaphore_mem>>)
        %dma_start3A_93 = tpu.memref_slice %arg3[%mul3A_90] : memref<344064xf32, #tpu.memory_space<hbm>> -> memref<4096xf32, #tpu.memory_space<hbm>>
        %dma_start3A_94 = tpu.memref_slice %arg3[%mul3A_90] : memref<344064xf32, #tpu.memory_space<hbm>> -> memref<4096xf32, #tpu.memory_space<hbm>>
        tpu.enqueue_dma source(%dma_start3A_94 : memref<4096xf32, #tpu.memory_space<hbm>>) target(%arg9 : memref<4096xf32, #tpu.memory_space<vmem>>) target_semaphore(%arg12 : memref<!tpu.dma_semaphore, #tpu.memory_space<semaphore_mem>>)
      } else {
      }
      %while3A_76 = arith.constant 0 : i64
      %while3A_77 = arith.constant 0 : i32
      %while3A_78 = arith.constant 32 : i32
      %while3A_79 = arith.subi %while3A_78, %while3A_77 : i32
      %while3A_80 = arith.addi %while3A_77, %while3A_79 : i32
      %while3A_81 = arith.constant 1 : i32
      %while3A_82 = arith.divsi %while3A_79, %while3A_81 : i32
      %while3A_83 = arith.muli %while3A_82, %while3A_81 : i32
      %while3A_84 = arith.addi %while3A_77, %while3A_83 : i32
      %while3A_85 = arith.constant 1 : i32
      scf.for %while3A_87 = %while3A_77 to %while3A_84 step %while3A_85  : i32 {
        %mul3A_88 = arith.constant 128 : i32
        %mul3A_89 = arith.muli %while3A_87, %mul3A_88 : i32
        %add3A_90 = arith.constant 0 : i32
        %add3A_91 = arith.addi %mul3A_89, %add3A_90 : i32
        %get3A = arith.index_cast %add3A_91 : i32 to index
        %get3A_92 = tpu.vector_load %arg10[%get3A] {strides = array<i32>} : memref<4096xi32, #tpu.memory_space<vmem>>, vector<16xi32>,
        %get3A_93 = arith.index_cast %add3A_91 : i32 to index
        %get3A_94 = tpu.vector_load %arg11[%get3A_93] {strides = array<i32>} : memref<4096xf32, #tpu.memory_space<vmem>>, vector<16xf32>,
        %shift_right_logical3A = arith.constant 14 : i32
        %shift_right_logical3A_95 = vector.broadcast %shift_right_logical3A : i32 to vector<16xi32>
        %shift_right_logical3A_96 = arith.shrui %get3A_92, %shift_right_logical3A_95 : vector<16xi32>
        %and3A = arith.constant 16383 : i32
        %and3A_97 = vector.broadcast %and3A : i32 to vector<16xi32>
        %and3A_98 = arith.andi %get3A_92, %and3A_97 : vector<16xi32>
        %add3A_99 = arith.constant 16 : i32
        %add3A_100 = arith.addi %mul3A_89, %add3A_99 : i32
        %get3A_101 = arith.index_cast %add3A_100 : i32 to index
        %get3A_102 = tpu.vector_load %arg10[%get3A_101] {strides = array<i32>} : memref<4096xi32, #tpu.memory_space<vmem>>, vector<16xi32>,
        %get3A_103 = arith.index_cast %add3A_100 : i32 to index
        %get3A_104 = tpu.vector_load %arg11[%get3A_103] {strides = array<i32>} : memref<4096xf32, #tpu.memory_space<vmem>>, vector<16xf32>,
        %shift_right_logical3A_105 = arith.constant 14 : i32
        %shift_right_logical3A_106 = vector.broadcast %shift_right_logical3A_105 : i32 to vector<16xi32>
        %shift_right_logical3A_107 = arith.shrui %get3A_102, %shift_right_logical3A_106 : vector<16xi32>
        %and3A_108 = arith.constant 16383 : i32
        %and3A_109 = vector.broadcast %and3A_108 : i32 to vector<16xi32>
        %and3A_110 = arith.andi %get3A_102, %and3A_109 : vector<16xi32>
        %add3A_111 = arith.constant 32 : i32
        %add3A_112 = arith.addi %mul3A_89, %add3A_111 : i32
        %get3A_113 = arith.index_cast %add3A_112 : i32 to index
        %get3A_114 = tpu.vector_load %arg10[%get3A_113] {strides = array<i32>} : memref<4096xi32, #tpu.memory_space<vmem>>, vector<16xi32>,
        %get3A_115 = arith.index_cast %add3A_112 : i32 to index
        %get3A_116 = tpu.vector_load %arg11[%get3A_115] {strides = array<i32>} : memref<4096xf32, #tpu.memory_space<vmem>>, vector<16xf32>,
        %shift_right_logical3A_117 = arith.constant 14 : i32
        %shift_right_logical3A_118 = vector.broadcast %shift_right_logical3A_117 : i32 to vector<16xi32>
        %shift_right_logical3A_119 = arith.shrui %get3A_114, %shift_right_logical3A_118 : vector<16xi32>
        %and3A_120 = arith.constant 16383 : i32
        %and3A_121 = vector.broadcast %and3A_120 : i32 to vector<16xi32>
        %and3A_122 = arith.andi %get3A_114, %and3A_121 : vector<16xi32>
        %add3A_123 = arith.constant 48 : i32
        %add3A_124 = arith.addi %mul3A_89, %add3A_123 : i32
        %get3A_125 = arith.index_cast %add3A_124 : i32 to index
        %get3A_126 = tpu.vector_load %arg10[%get3A_125] {strides = array<i32>} : memref<4096xi32, #tpu.memory_space<vmem>>, vector<16xi32>,
        %get3A_127 = arith.index_cast %add3A_124 : i32 to index
        %get3A_128 = tpu.vector_load %arg11[%get3A_127] {strides = array<i32>} : memref<4096xf32, #tpu.memory_space<vmem>>, vector<16xf32>,
        %shift_right_logical3A_129 = arith.constant 14 : i32
        %shift_right_logical3A_130 = vector.broadcast %shift_right_logical3A_129 : i32 to vector<16xi32>
        %shift_right_logical3A_131 = arith.shrui %get3A_126, %shift_right_logical3A_130 : vector<16xi32>
        %and3A_132 = arith.constant 16383 : i32
        %and3A_133 = vector.broadcast %and3A_132 : i32 to vector<16xi32>
        %and3A_134 = arith.andi %get3A_126, %and3A_133 : vector<16xi32>
        %add3A_135 = arith.constant 64 : i32
        %add3A_136 = arith.addi %mul3A_89, %add3A_135 : i32
        %get3A_137 = arith.index_cast %add3A_136 : i32 to index
        %get3A_138 = tpu.vector_load %arg10[%get3A_137] {strides = array<i32>} : memref<4096xi32, #tpu.memory_space<vmem>>, vector<16xi32>,
        %get3A_139 = arith.index_cast %add3A_136 : i32 to index
        %get3A_140 = tpu.vector_load %arg11[%get3A_139] {strides = array<i32>} : memref<4096xf32, #tpu.memory_space<vmem>>, vector<16xf32>,
        %shift_right_logical3A_141 = arith.constant 14 : i32
        %shift_right_logical3A_142 = vector.broadcast %shift_right_logical3A_141 : i32 to vector<16xi32>
        %shift_right_logical3A_143 = arith.shrui %get3A_138, %shift_right_logical3A_142 : vector<16xi32>
        %and3A_144 = arith.constant 16383 : i32
        %and3A_145 = vector.broadcast %and3A_144 : i32 to vector<16xi32>
        %and3A_146 = arith.andi %get3A_138, %and3A_145 : vector<16xi32>
        %add3A_147 = arith.constant 80 : i32
        %add3A_148 = arith.addi %mul3A_89, %add3A_147 : i32
        %get3A_149 = arith.index_cast %add3A_148 : i32 to index
        %get3A_150 = tpu.vector_load %arg10[%get3A_149] {strides = array<i32>} : memref<4096xi32, #tpu.memory_space<vmem>>, vector<16xi32>,
        %get3A_151 = arith.index_cast %add3A_148 : i32 to index
        %get3A_152 = tpu.vector_load %arg11[%get3A_151] {strides = array<i32>} : memref<4096xf32, #tpu.memory_space<vmem>>, vector<16xf32>,
        %shift_right_logical3A_153 = arith.constant 14 : i32
        %shift_right_logical3A_154 = vector.broadcast %shift_right_logical3A_153 : i32 to vector<16xi32>
        %shift_right_logical3A_155 = arith.shrui %get3A_150, %shift_right_logical3A_154 : vector<16xi32>
        %and3A_156 = arith.constant 16383 : i32
        %and3A_157 = vector.broadcast %and3A_156 : i32 to vector<16xi32>
        %and3A_158 = arith.andi %get3A_150, %and3A_157 : vector<16xi32>
        %add3A_159 = arith.constant 96 : i32
        %add3A_160 = arith.addi %mul3A_89, %add3A_159 : i32
        %get3A_161 = arith.index_cast %add3A_160 : i32 to index
        %get3A_162 = tpu.vector_load %arg10[%get3A_161] {strides = array<i32>} : memref<4096xi32, #tpu.memory_space<vmem>>, vector<16xi32>,
        %get3A_163 = arith.index_cast %add3A_160 : i32 to index
        %get3A_164 = tpu.vector_load %arg11[%get3A_163] {strides = array<i32>} : memref<4096xf32, #tpu.memory_space<vmem>>, vector<16xf32>,
        %shift_right_logical3A_165 = arith.constant 14 : i32
        %shift_right_logical3A_166 = vector.broadcast %shift_right_logical3A_165 : i32 to vector<16xi32>
        %shift_right_logical3A_167 = arith.shrui %get3A_162, %shift_right_logical3A_166 : vector<16xi32>
        %and3A_168 = arith.constant 16383 : i32
        %and3A_169 = vector.broadcast %and3A_168 : i32 to vector<16xi32>
        %and3A_170 = arith.andi %get3A_162, %and3A_169 : vector<16xi32>
        %add3A_171 = arith.constant 112 : i32
        %add3A_172 = arith.addi %mul3A_89, %add3A_171 : i32
        %get3A_173 = arith.index_cast %add3A_172 : i32 to index
        %get3A_174 = tpu.vector_load %arg10[%get3A_173] {strides = array<i32>} : memref<4096xi32, #tpu.memory_space<vmem>>, vector<16xi32>,
        %get3A_175 = arith.index_cast %add3A_172 : i32 to index
        %get3A_176 = tpu.vector_load %arg11[%get3A_175] {strides = array<i32>} : memref<4096xf32, #tpu.memory_space<vmem>>, vector<16xf32>,
        %shift_right_logical3A_177 = arith.constant 14 : i32
        %shift_right_logical3A_178 = vector.broadcast %shift_right_logical3A_177 : i32 to vector<16xi32>
        %shift_right_logical3A_179 = arith.shrui %get3A_174, %shift_right_logical3A_178 : vector<16xi32>
        %and3A_180 = arith.constant 16383 : i32
        %and3A_181 = vector.broadcast %and3A_180 : i32 to vector<16xi32>
        %and3A_182 = arith.andi %get3A_174, %and3A_181 : vector<16xi32>
        %gather3A = tpu.vector_load_idx %arg6[%broadcast_in_dim3A_13, %shift_right_logical3A_96] : memref<4x10240xf32, #tpu.memory_space<vmem>>[vector<16xi32>, vector<16xi32>], vector<16xf32>,
        %gather3A_183 = tpu.vector_load_idx %arg6[%broadcast_in_dim3A_15, %shift_right_logical3A_96] : memref<4x10240xf32, #tpu.memory_space<vmem>>[vector<16xi32>, vector<16xi32>], vector<16xf32>,
        %gather3A_184 = tpu.vector_load_idx %arg6[%broadcast_in_dim3A_17, %shift_right_logical3A_96] : memref<4x10240xf32, #tpu.memory_space<vmem>>[vector<16xi32>, vector<16xi32>], vector<16xf32>,
        %gather3A_185 = tpu.vector_load_idx %arg6[%broadcast_in_dim3A_19, %shift_right_logical3A_96] : memref<4x10240xf32, #tpu.memory_space<vmem>>[vector<16xi32>, vector<16xi32>], vector<16xf32>,
        %gather3A_186 = tpu.vector_load_idx %arg6[%broadcast_in_dim3A_13, %shift_right_logical3A_107] : memref<4x10240xf32, #tpu.memory_space<vmem>>[vector<16xi32>, vector<16xi32>], vector<16xf32>,
        %gather3A_187 = tpu.vector_load_idx %arg6[%broadcast_in_dim3A_15, %shift_right_logical3A_107] : memref<4x10240xf32, #tpu.memory_space<vmem>>[vector<16xi32>, vector<16xi32>], vector<16xf32>,
        %gather3A_188 = tpu.vector_load_idx %arg6[%broadcast_in_dim3A_17, %shift_right_logical3A_107] : memref<4x10240xf32, #tpu.memory_space<vmem>>[vector<16xi32>, vector<16xi32>], vector<16xf32>,
        %gather3A_189 = tpu.vector_load_idx %arg6[%broadcast_in_dim3A_19, %shift_right_logical3A_107] : memref<4x10240xf32, #tpu.memory_space<vmem>>[vector<16xi32>, vector<16xi32>], vector<16xf32>,
        %gather3A_190 = tpu.vector_load_idx %arg6[%broadcast_in_dim3A_13, %shift_right_logical3A_119] : memref<4x10240xf32, #tpu.memory_space<vmem>>[vector<16xi32>, vector<16xi32>], vector<16xf32>,
        %gather3A_191 = tpu.vector_load_idx %arg6[%broadcast_in_dim3A_15, %shift_right_logical3A_119] : memref<4x10240xf32, #tpu.memory_space<vmem>>[vector<16xi32>, vector<16xi32>], vector<16xf32>,
        %gather3A_192 = tpu.vector_load_idx %arg6[%broadcast_in_dim3A_17, %shift_right_logical3A_119] : memref<4x10240xf32, #tpu.memory_space<vmem>>[vector<16xi32>, vector<16xi32>], vector<16xf32>,
        %gather3A_193 = tpu.vector_load_idx %arg6[%broadcast_in_dim3A_19, %shift_right_logical3A_119] : memref<4x10240xf32, #tpu.memory_space<vmem>>[vector<16xi32>, vector<16xi32>], vector<16xf32>,
        %gather3A_194 = tpu.vector_load_idx %arg6[%broadcast_in_dim3A_13, %shift_right_logical3A_131] : memref<4x10240xf32, #tpu.memory_space<vmem>>[vector<16xi32>, vector<16xi32>], vector<16xf32>,
        %gather3A_195 = tpu.vector_load_idx %arg6[%broadcast_in_dim3A_15, %shift_right_logical3A_131] : memref<4x10240xf32, #tpu.memory_space<vmem>>[vector<16xi32>, vector<16xi32>], vector<16xf32>,
        %gather3A_196 = tpu.vector_load_idx %arg6[%broadcast_in_dim3A_17, %shift_right_logical3A_131] : memref<4x10240xf32, #tpu.memory_space<vmem>>[vector<16xi32>, vector<16xi32>], vector<16xf32>,
        %gather3A_197 = tpu.vector_load_idx %arg6[%broadcast_in_dim3A_19, %shift_right_logical3A_131] : memref<4x10240xf32, #tpu.memory_space<vmem>>[vector<16xi32>, vector<16xi32>], vector<16xf32>,
        %gather3A_198 = tpu.vector_load_idx %arg6[%broadcast_in_dim3A_13, %shift_right_logical3A_143] : memref<4x10240xf32, #tpu.memory_space<vmem>>[vector<16xi32>, vector<16xi32>], vector<16xf32>,
        %gather3A_199 = tpu.vector_load_idx %arg6[%broadcast_in_dim3A_15, %shift_right_logical3A_143] : memref<4x10240xf32, #tpu.memory_space<vmem>>[vector<16xi32>, vector<16xi32>], vector<16xf32>,
        %gather3A_200 = tpu.vector_load_idx %arg6[%broadcast_in_dim3A_17, %shift_right_logical3A_143] : memref<4x10240xf32, #tpu.memory_space<vmem>>[vector<16xi32>, vector<16xi32>], vector<16xf32>,
        %gather3A_201 = tpu.vector_load_idx %arg6[%broadcast_in_dim3A_19, %shift_right_logical3A_143] : memref<4x10240xf32, #tpu.memory_space<vmem>>[vector<16xi32>, vector<16xi32>], vector<16xf32>,
        %gather3A_202 = tpu.vector_load_idx %arg6[%broadcast_in_dim3A_13, %shift_right_logical3A_155] : memref<4x10240xf32, #tpu.memory_space<vmem>>[vector<16xi32>, vector<16xi32>], vector<16xf32>,
        %gather3A_203 = tpu.vector_load_idx %arg6[%broadcast_in_dim3A_15, %shift_right_logical3A_155] : memref<4x10240xf32, #tpu.memory_space<vmem>>[vector<16xi32>, vector<16xi32>], vector<16xf32>,
        %gather3A_204 = tpu.vector_load_idx %arg6[%broadcast_in_dim3A_17, %shift_right_logical3A_155] : memref<4x10240xf32, #tpu.memory_space<vmem>>[vector<16xi32>, vector<16xi32>], vector<16xf32>,
        %gather3A_205 = tpu.vector_load_idx %arg6[%broadcast_in_dim3A_19, %shift_right_logical3A_155] : memref<4x10240xf32, #tpu.memory_space<vmem>>[vector<16xi32>, vector<16xi32>], vector<16xf32>,
        %gather3A_206 = tpu.vector_load_idx %arg6[%broadcast_in_dim3A_13, %shift_right_logical3A_167] : memref<4x10240xf32, #tpu.memory_space<vmem>>[vector<16xi32>, vector<16xi32>], vector<16xf32>,
        %gather3A_207 = tpu.vector_load_idx %arg6[%broadcast_in_dim3A_15, %shift_right_logical3A_167] : memref<4x10240xf32, #tpu.memory_space<vmem>>[vector<16xi32>, vector<16xi32>], vector<16xf32>,
        %gather3A_208 = tpu.vector_load_idx %arg6[%broadcast_in_dim3A_17, %shift_right_logical3A_167] : memref<4x10240xf32, #tpu.memory_space<vmem>>[vector<16xi32>, vector<16xi32>], vector<16xf32>,
        %gather3A_209 = tpu.vector_load_idx %arg6[%broadcast_in_dim3A_19, %shift_right_logical3A_167] : memref<4x10240xf32, #tpu.memory_space<vmem>>[vector<16xi32>, vector<16xi32>], vector<16xf32>,
        %gather3A_210 = tpu.vector_load_idx %arg6[%broadcast_in_dim3A_13, %shift_right_logical3A_179] : memref<4x10240xf32, #tpu.memory_space<vmem>>[vector<16xi32>, vector<16xi32>], vector<16xf32>,
        %gather3A_211 = tpu.vector_load_idx %arg6[%broadcast_in_dim3A_15, %shift_right_logical3A_179] : memref<4x10240xf32, #tpu.memory_space<vmem>>[vector<16xi32>, vector<16xi32>], vector<16xf32>,
        %gather3A_212 = tpu.vector_load_idx %arg6[%broadcast_in_dim3A_17, %shift_right_logical3A_179] : memref<4x10240xf32, #tpu.memory_space<vmem>>[vector<16xi32>, vector<16xi32>], vector<16xf32>,
        %gather3A_213 = tpu.vector_load_idx %arg6[%broadcast_in_dim3A_19, %shift_right_logical3A_179] : memref<4x10240xf32, #tpu.memory_space<vmem>>[vector<16xi32>, vector<16xi32>], vector<16xf32>,
        %mul3A_214 = arith.mulf %gather3A, %get3A_94 : vector<16xf32>
        %mul3A_215 = arith.mulf %gather3A_183, %get3A_94 : vector<16xf32>
        %mul3A_216 = arith.mulf %gather3A_184, %get3A_94 : vector<16xf32>
        %mul3A_217 = arith.mulf %gather3A_185, %get3A_94 : vector<16xf32>
        %mul3A_218 = arith.mulf %gather3A_186, %get3A_104 : vector<16xf32>
        %mul3A_219 = arith.mulf %gather3A_187, %get3A_104 : vector<16xf32>
        %mul3A_220 = arith.mulf %gather3A_188, %get3A_104 : vector<16xf32>
        %mul3A_221 = arith.mulf %gather3A_189, %get3A_104 : vector<16xf32>
        %mul3A_222 = arith.mulf %gather3A_190, %get3A_116 : vector<16xf32>
        %mul3A_223 = arith.mulf %gather3A_191, %get3A_116 : vector<16xf32>
        %mul3A_224 = arith.mulf %gather3A_192, %get3A_116 : vector<16xf32>
        %mul3A_225 = arith.mulf %gather3A_193, %get3A_116 : vector<16xf32>
        %mul3A_226 = arith.mulf %gather3A_194, %get3A_128 : vector<16xf32>
        %mul3A_227 = arith.mulf %gather3A_195, %get3A_128 : vector<16xf32>
        %mul3A_228 = arith.mulf %gather3A_196, %get3A_128 : vector<16xf32>
        %mul3A_229 = arith.mulf %gather3A_197, %get3A_128 : vector<16xf32>
        %mul3A_230 = arith.mulf %gather3A_198, %get3A_140 : vector<16xf32>
        %mul3A_231 = arith.mulf %gather3A_199, %get3A_140 : vector<16xf32>
        %mul3A_232 = arith.mulf %gather3A_200, %get3A_140 : vector<16xf32>
        %mul3A_233 = arith.mulf %gather3A_201, %get3A_140 : vector<16xf32>
        %mul3A_234 = arith.mulf %gather3A_202, %get3A_152 : vector<16xf32>
        %mul3A_235 = arith.mulf %gather3A_203, %get3A_152 : vector<16xf32>
        %mul3A_236 = arith.mulf %gather3A_204, %get3A_152 : vector<16xf32>
        %mul3A_237 = arith.mulf %gather3A_205, %get3A_152 : vector<16xf32>
        %mul3A_238 = arith.mulf %gather3A_206, %get3A_164 : vector<16xf32>
        %mul3A_239 = arith.mulf %gather3A_207, %get3A_164 : vector<16xf32>
        %mul3A_240 = arith.mulf %gather3A_208, %get3A_164 : vector<16xf32>
        %mul3A_241 = arith.mulf %gather3A_209, %get3A_164 : vector<16xf32>
        %mul3A_242 = arith.mulf %gather3A_210, %get3A_176 : vector<16xf32>
        %mul3A_243 = arith.mulf %gather3A_211, %get3A_176 : vector<16xf32>
        %mul3A_244 = arith.mulf %gather3A_212, %get3A_176 : vector<16xf32>
        %mul3A_245 = arith.mulf %gather3A_213, %get3A_176 : vector<16xf32>
        tpu.vector_store_idx %arg7[%broadcast_in_dim3A_13, %and3A_98], %mul3A_214 {add = true} : memref<4x10240xf32, #tpu.memory_space<vmem>>[vector<16xi32>, vector<16xi32>], vector<16xf32>,
        tpu.vector_store_idx %arg7[%broadcast_in_dim3A_15, %and3A_98], %mul3A_215 {add = true} : memref<4x10240xf32, #tpu.memory_space<vmem>>[vector<16xi32>, vector<16xi32>], vector<16xf32>,
        tpu.vector_store_idx %arg7[%broadcast_in_dim3A_17, %and3A_98], %mul3A_216 {add = true} : memref<4x10240xf32, #tpu.memory_space<vmem>>[vector<16xi32>, vector<16xi32>], vector<16xf32>,
        tpu.vector_store_idx %arg7[%broadcast_in_dim3A_19, %and3A_98], %mul3A_217 {add = true} : memref<4x10240xf32, #tpu.memory_space<vmem>>[vector<16xi32>, vector<16xi32>], vector<16xf32>,
        tpu.vector_store_idx %arg7[%broadcast_in_dim3A_13, %and3A_110], %mul3A_218 {add = true} : memref<4x10240xf32, #tpu.memory_space<vmem>>[vector<16xi32>, vector<16xi32>], vector<16xf32>,
        tpu.vector_store_idx %arg7[%broadcast_in_dim3A_15, %and3A_110], %mul3A_219 {add = true} : memref<4x10240xf32, #tpu.memory_space<vmem>>[vector<16xi32>, vector<16xi32>], vector<16xf32>,
        tpu.vector_store_idx %arg7[%broadcast_in_dim3A_17, %and3A_110], %mul3A_220 {add = true} : memref<4x10240xf32, #tpu.memory_space<vmem>>[vector<16xi32>, vector<16xi32>], vector<16xf32>,
        tpu.vector_store_idx %arg7[%broadcast_in_dim3A_19, %and3A_110], %mul3A_221 {add = true} : memref<4x10240xf32, #tpu.memory_space<vmem>>[vector<16xi32>, vector<16xi32>], vector<16xf32>,
        tpu.vector_store_idx %arg7[%broadcast_in_dim3A_13, %and3A_122], %mul3A_222 {add = true} : memref<4x10240xf32, #tpu.memory_space<vmem>>[vector<16xi32>, vector<16xi32>], vector<16xf32>,
        tpu.vector_store_idx %arg7[%broadcast_in_dim3A_15, %and3A_122], %mul3A_223 {add = true} : memref<4x10240xf32, #tpu.memory_space<vmem>>[vector<16xi32>, vector<16xi32>], vector<16xf32>,
        tpu.vector_store_idx %arg7[%broadcast_in_dim3A_17, %and3A_122], %mul3A_224 {add = true} : memref<4x10240xf32, #tpu.memory_space<vmem>>[vector<16xi32>, vector<16xi32>], vector<16xf32>,
        tpu.vector_store_idx %arg7[%broadcast_in_dim3A_19, %and3A_122], %mul3A_225 {add = true} : memref<4x10240xf32, #tpu.memory_space<vmem>>[vector<16xi32>, vector<16xi32>], vector<16xf32>,
        tpu.vector_store_idx %arg7[%broadcast_in_dim3A_13, %and3A_134], %mul3A_226 {add = true} : memref<4x10240xf32, #tpu.memory_space<vmem>>[vector<16xi32>, vector<16xi32>], vector<16xf32>,
        tpu.vector_store_idx %arg7[%broadcast_in_dim3A_15, %and3A_134], %mul3A_227 {add = true} : memref<4x10240xf32, #tpu.memory_space<vmem>>[vector<16xi32>, vector<16xi32>], vector<16xf32>,
        tpu.vector_store_idx %arg7[%broadcast_in_dim3A_17, %and3A_134], %mul3A_228 {add = true} : memref<4x10240xf32, #tpu.memory_space<vmem>>[vector<16xi32>, vector<16xi32>], vector<16xf32>,
        tpu.vector_store_idx %arg7[%broadcast_in_dim3A_19, %and3A_134], %mul3A_229 {add = true} : memref<4x10240xf32, #tpu.memory_space<vmem>>[vector<16xi32>, vector<16xi32>], vector<16xf32>,
        tpu.vector_store_idx %arg7[%broadcast_in_dim3A_13, %and3A_146], %mul3A_230 {add = true} : memref<4x10240xf32, #tpu.memory_space<vmem>>[vector<16xi32>, vector<16xi32>], vector<16xf32>,
        tpu.vector_store_idx %arg7[%broadcast_in_dim3A_15, %and3A_146], %mul3A_231 {add = true} : memref<4x10240xf32, #tpu.memory_space<vmem>>[vector<16xi32>, vector<16xi32>], vector<16xf32>,
        tpu.vector_store_idx %arg7[%broadcast_in_dim3A_17, %and3A_146], %mul3A_232 {add = true} : memref<4x10240xf32, #tpu.memory_space<vmem>>[vector<16xi32>, vector<16xi32>], vector<16xf32>,
        tpu.vector_store_idx %arg7[%broadcast_in_dim3A_19, %and3A_146], %mul3A_233 {add = true} : memref<4x10240xf32, #tpu.memory_space<vmem>>[vector<16xi32>, vector<16xi32>], vector<16xf32>,
        tpu.vector_store_idx %arg7[%broadcast_in_dim3A_13, %and3A_158], %mul3A_234 {add = true} : memref<4x10240xf32, #tpu.memory_space<vmem>>[vector<16xi32>, vector<16xi32>], vector<16xf32>,
        tpu.vector_store_idx %arg7[%broadcast_in_dim3A_15, %and3A_158], %mul3A_235 {add = true} : memref<4x10240xf32, #tpu.memory_space<vmem>>[vector<16xi32>, vector<16xi32>], vector<16xf32>,
        tpu.vector_store_idx %arg7[%broadcast_in_dim3A_17, %and3A_158], %mul3A_236 {add = true} : memref<4x10240xf32, #tpu.memory_space<vmem>>[vector<16xi32>, vector<16xi32>], vector<16xf32>,
        tpu.vector_store_idx %arg7[%broadcast_in_dim3A_19, %and3A_158], %mul3A_237 {add = true} : memref<4x10240xf32, #tpu.memory_space<vmem>>[vector<16xi32>, vector<16xi32>], vector<16xf32>,
        tpu.vector_store_idx %arg7[%broadcast_in_dim3A_13, %and3A_170], %mul3A_238 {add = true} : memref<4x10240xf32, #tpu.memory_space<vmem>>[vector<16xi32>, vector<16xi32>], vector<16xf32>,
        tpu.vector_store_idx %arg7[%broadcast_in_dim3A_15, %and3A_170], %mul3A_239 {add = true} : memref<4x10240xf32, #tpu.memory_space<vmem>>[vector<16xi32>, vector<16xi32>], vector<16xf32>,
        tpu.vector_store_idx %arg7[%broadcast_in_dim3A_17, %and3A_170], %mul3A_240 {add = true} : memref<4x10240xf32, #tpu.memory_space<vmem>>[vector<16xi32>, vector<16xi32>], vector<16xf32>,
        tpu.vector_store_idx %arg7[%broadcast_in_dim3A_19, %and3A_170], %mul3A_241 {add = true} : memref<4x10240xf32, #tpu.memory_space<vmem>>[vector<16xi32>, vector<16xi32>], vector<16xf32>,
        tpu.vector_store_idx %arg7[%broadcast_in_dim3A_13, %and3A_182], %mul3A_242 {add = true} : memref<4x10240xf32, #tpu.memory_space<vmem>>[vector<16xi32>, vector<16xi32>], vector<16xf32>,
        tpu.vector_store_idx %arg7[%broadcast_in_dim3A_15, %and3A_182], %mul3A_243 {add = true} : memref<4x10240xf32, #tpu.memory_space<vmem>>[vector<16xi32>, vector<16xi32>], vector<16xf32>,
        tpu.vector_store_idx %arg7[%broadcast_in_dim3A_17, %and3A_182], %mul3A_244 {add = true} : memref<4x10240xf32, #tpu.memory_space<vmem>>[vector<16xi32>, vector<16xi32>], vector<16xf32>,
        tpu.vector_store_idx %arg7[%broadcast_in_dim3A_19, %and3A_182], %mul3A_245 {add = true} : memref<4x10240xf32, #tpu.memory_space<vmem>>[vector<16xi32>, vector<16xi32>], vector<16xf32>,
      }
      %while3A_86 = arith.constant 1 : i32
      scf.for %while3A_87 = %while3A_84 to %while3A_80 step %while3A_86  : i32 {
        %mul3A_88 = arith.constant 128 : i32
        %mul3A_89 = arith.muli %while3A_87, %mul3A_88 : i32
        %add3A_90 = arith.constant 0 : i32
        %add3A_91 = arith.addi %mul3A_89, %add3A_90 : i32
        %get3A = arith.index_cast %add3A_91 : i32 to index
        %get3A_92 = tpu.vector_load %arg10[%get3A] {strides = array<i32>} : memref<4096xi32, #tpu.memory_space<vmem>>, vector<16xi32>,
        %get3A_93 = arith.index_cast %add3A_91 : i32 to index
        %get3A_94 = tpu.vector_load %arg11[%get3A_93] {strides = array<i32>} : memref<4096xf32, #tpu.memory_space<vmem>>, vector<16xf32>,
        %shift_right_logical3A = arith.constant 14 : i32
        %shift_right_logical3A_95 = vector.broadcast %shift_right_logical3A : i32 to vector<16xi32>
        %shift_right_logical3A_96 = arith.shrui %get3A_92, %shift_right_logical3A_95 : vector<16xi32>
        %and3A = arith.constant 16383 : i32
        %and3A_97 = vector.broadcast %and3A : i32 to vector<16xi32>
        %and3A_98 = arith.andi %get3A_92, %and3A_97 : vector<16xi32>
        %add3A_99 = arith.constant 16 : i32
        %add3A_100 = arith.addi %mul3A_89, %add3A_99 : i32
        %get3A_101 = arith.index_cast %add3A_100 : i32 to index
        %get3A_102 = tpu.vector_load %arg10[%get3A_101] {strides = array<i32>} : memref<4096xi32, #tpu.memory_space<vmem>>, vector<16xi32>,
        %get3A_103 = arith.index_cast %add3A_100 : i32 to index
        %get3A_104 = tpu.vector_load %arg11[%get3A_103] {strides = array<i32>} : memref<4096xf32, #tpu.memory_space<vmem>>, vector<16xf32>,
        %shift_right_logical3A_105 = arith.constant 14 : i32
        %shift_right_logical3A_106 = vector.broadcast %shift_right_logical3A_105 : i32 to vector<16xi32>
        %shift_right_logical3A_107 = arith.shrui %get3A_102, %shift_right_logical3A_106 : vector<16xi32>
        %and3A_108 = arith.constant 16383 : i32
        %and3A_109 = vector.broadcast %and3A_108 : i32 to vector<16xi32>
        %and3A_110 = arith.andi %get3A_102, %and3A_109 : vector<16xi32>
        %add3A_111 = arith.constant 32 : i32
        %add3A_112 = arith.addi %mul3A_89, %add3A_111 : i32
        %get3A_113 = arith.index_cast %add3A_112 : i32 to index
        %get3A_114 = tpu.vector_load %arg10[%get3A_113] {strides = array<i32>} : memref<4096xi32, #tpu.memory_space<vmem>>, vector<16xi32>,
        %get3A_115 = arith.index_cast %add3A_112 : i32 to index
        %get3A_116 = tpu.vector_load %arg11[%get3A_115] {strides = array<i32>} : memref<4096xf32, #tpu.memory_space<vmem>>, vector<16xf32>,
        %shift_right_logical3A_117 = arith.constant 14 : i32
        %shift_right_logical3A_118 = vector.broadcast %shift_right_logical3A_117 : i32 to vector<16xi32>
        %shift_right_logical3A_119 = arith.shrui %get3A_114, %shift_right_logical3A_118 : vector<16xi32>
        %and3A_120 = arith.constant 16383 : i32
        %and3A_121 = vector.broadcast %and3A_120 : i32 to vector<16xi32>
        %and3A_122 = arith.andi %get3A_114, %and3A_121 : vector<16xi32>
        %add3A_123 = arith.constant 48 : i32
        %add3A_124 = arith.addi %mul3A_89, %add3A_123 : i32
        %get3A_125 = arith.index_cast %add3A_124 : i32 to index
        %get3A_126 = tpu.vector_load %arg10[%get3A_125] {strides = array<i32>} : memref<4096xi32, #tpu.memory_space<vmem>>, vector<16xi32>,
        %get3A_127 = arith.index_cast %add3A_124 : i32 to index
        %get3A_128 = tpu.vector_load %arg11[%get3A_127] {strides = array<i32>} : memref<4096xf32, #tpu.memory_space<vmem>>, vector<16xf32>,
        %shift_right_logical3A_129 = arith.constant 14 : i32
        %shift_right_logical3A_130 = vector.broadcast %shift_right_logical3A_129 : i32 to vector<16xi32>
        %shift_right_logical3A_131 = arith.shrui %get3A_126, %shift_right_logical3A_130 : vector<16xi32>
        %and3A_132 = arith.constant 16383 : i32
        %and3A_133 = vector.broadcast %and3A_132 : i32 to vector<16xi32>
        %and3A_134 = arith.andi %get3A_126, %and3A_133 : vector<16xi32>
        %add3A_135 = arith.constant 64 : i32
        %add3A_136 = arith.addi %mul3A_89, %add3A_135 : i32
        %get3A_137 = arith.index_cast %add3A_136 : i32 to index
        %get3A_138 = tpu.vector_load %arg10[%get3A_137] {strides = array<i32>} : memref<4096xi32, #tpu.memory_space<vmem>>, vector<16xi32>,
        %get3A_139 = arith.index_cast %add3A_136 : i32 to index
        %get3A_140 = tpu.vector_load %arg11[%get3A_139] {strides = array<i32>} : memref<4096xf32, #tpu.memory_space<vmem>>, vector<16xf32>,
        %shift_right_logical3A_141 = arith.constant 14 : i32
        %shift_right_logical3A_142 = vector.broadcast %shift_right_logical3A_141 : i32 to vector<16xi32>
        %shift_right_logical3A_143 = arith.shrui %get3A_138, %shift_right_logical3A_142 : vector<16xi32>
        %and3A_144 = arith.constant 16383 : i32
        %and3A_145 = vector.broadcast %and3A_144 : i32 to vector<16xi32>
        %and3A_146 = arith.andi %get3A_138, %and3A_145 : vector<16xi32>
        %add3A_147 = arith.constant 80 : i32
        %add3A_148 = arith.addi %mul3A_89, %add3A_147 : i32
        %get3A_149 = arith.index_cast %add3A_148 : i32 to index
        %get3A_150 = tpu.vector_load %arg10[%get3A_149] {strides = array<i32>} : memref<4096xi32, #tpu.memory_space<vmem>>, vector<16xi32>,
        %get3A_151 = arith.index_cast %add3A_148 : i32 to index
        %get3A_152 = tpu.vector_load %arg11[%get3A_151] {strides = array<i32>} : memref<4096xf32, #tpu.memory_space<vmem>>, vector<16xf32>,
        %shift_right_logical3A_153 = arith.constant 14 : i32
        %shift_right_logical3A_154 = vector.broadcast %shift_right_logical3A_153 : i32 to vector<16xi32>
        %shift_right_logical3A_155 = arith.shrui %get3A_150, %shift_right_logical3A_154 : vector<16xi32>
        %and3A_156 = arith.constant 16383 : i32
        %and3A_157 = vector.broadcast %and3A_156 : i32 to vector<16xi32>
        %and3A_158 = arith.andi %get3A_150, %and3A_157 : vector<16xi32>
        %add3A_159 = arith.constant 96 : i32
        %add3A_160 = arith.addi %mul3A_89, %add3A_159 : i32
        %get3A_161 = arith.index_cast %add3A_160 : i32 to index
        %get3A_162 = tpu.vector_load %arg10[%get3A_161] {strides = array<i32>} : memref<4096xi32, #tpu.memory_space<vmem>>, vector<16xi32>,
        %get3A_163 = arith.index_cast %add3A_160 : i32 to index
        %get3A_164 = tpu.vector_load %arg11[%get3A_163] {strides = array<i32>} : memref<4096xf32, #tpu.memory_space<vmem>>, vector<16xf32>,
        %shift_right_logical3A_165 = arith.constant 14 : i32
        %shift_right_logical3A_166 = vector.broadcast %shift_right_logical3A_165 : i32 to vector<16xi32>
        %shift_right_logical3A_167 = arith.shrui %get3A_162, %shift_right_logical3A_166 : vector<16xi32>
        %and3A_168 = arith.constant 16383 : i32
        %and3A_169 = vector.broadcast %and3A_168 : i32 to vector<16xi32>
        %and3A_170 = arith.andi %get3A_162, %and3A_169 : vector<16xi32>
        %add3A_171 = arith.constant 112 : i32
        %add3A_172 = arith.addi %mul3A_89, %add3A_171 : i32
        %get3A_173 = arith.index_cast %add3A_172 : i32 to index
        %get3A_174 = tpu.vector_load %arg10[%get3A_173] {strides = array<i32>} : memref<4096xi32, #tpu.memory_space<vmem>>, vector<16xi32>,
        %get3A_175 = arith.index_cast %add3A_172 : i32 to index
        %get3A_176 = tpu.vector_load %arg11[%get3A_175] {strides = array<i32>} : memref<4096xf32, #tpu.memory_space<vmem>>, vector<16xf32>,
        %shift_right_logical3A_177 = arith.constant 14 : i32
        %shift_right_logical3A_178 = vector.broadcast %shift_right_logical3A_177 : i32 to vector<16xi32>
        %shift_right_logical3A_179 = arith.shrui %get3A_174, %shift_right_logical3A_178 : vector<16xi32>
        %and3A_180 = arith.constant 16383 : i32
        %and3A_181 = vector.broadcast %and3A_180 : i32 to vector<16xi32>
        %and3A_182 = arith.andi %get3A_174, %and3A_181 : vector<16xi32>
        %gather3A = tpu.vector_load_idx %arg6[%broadcast_in_dim3A_13, %shift_right_logical3A_96] : memref<4x10240xf32, #tpu.memory_space<vmem>>[vector<16xi32>, vector<16xi32>], vector<16xf32>,
        %gather3A_183 = tpu.vector_load_idx %arg6[%broadcast_in_dim3A_15, %shift_right_logical3A_96] : memref<4x10240xf32, #tpu.memory_space<vmem>>[vector<16xi32>, vector<16xi32>], vector<16xf32>,
        %gather3A_184 = tpu.vector_load_idx %arg6[%broadcast_in_dim3A_17, %shift_right_logical3A_96] : memref<4x10240xf32, #tpu.memory_space<vmem>>[vector<16xi32>, vector<16xi32>], vector<16xf32>,
        %gather3A_185 = tpu.vector_load_idx %arg6[%broadcast_in_dim3A_19, %shift_right_logical3A_96] : memref<4x10240xf32, #tpu.memory_space<vmem>>[vector<16xi32>, vector<16xi32>], vector<16xf32>,
        %gather3A_186 = tpu.vector_load_idx %arg6[%broadcast_in_dim3A_13, %shift_right_logical3A_107] : memref<4x10240xf32, #tpu.memory_space<vmem>>[vector<16xi32>, vector<16xi32>], vector<16xf32>,
        %gather3A_187 = tpu.vector_load_idx %arg6[%broadcast_in_dim3A_15, %shift_right_logical3A_107] : memref<4x10240xf32, #tpu.memory_space<vmem>>[vector<16xi32>, vector<16xi32>], vector<16xf32>,
        %gather3A_188 = tpu.vector_load_idx %arg6[%broadcast_in_dim3A_17, %shift_right_logical3A_107] : memref<4x10240xf32, #tpu.memory_space<vmem>>[vector<16xi32>, vector<16xi32>], vector<16xf32>,
        %gather3A_189 = tpu.vector_load_idx %arg6[%broadcast_in_dim3A_19, %shift_right_logical3A_107] : memref<4x10240xf32, #tpu.memory_space<vmem>>[vector<16xi32>, vector<16xi32>], vector<16xf32>,
        %gather3A_190 = tpu.vector_load_idx %arg6[%broadcast_in_dim3A_13, %shift_right_logical3A_119] : memref<4x10240xf32, #tpu.memory_space<vmem>>[vector<16xi32>, vector<16xi32>], vector<16xf32>,
        %gather3A_191 = tpu.vector_load_idx %arg6[%broadcast_in_dim3A_15, %shift_right_logical3A_119] : memref<4x10240xf32, #tpu.memory_space<vmem>>[vector<16xi32>, vector<16xi32>], vector<16xf32>,
        %gather3A_192 = tpu.vector_load_idx %arg6[%broadcast_in_dim3A_17, %shift_right_logical3A_119] : memref<4x10240xf32, #tpu.memory_space<vmem>>[vector<16xi32>, vector<16xi32>], vector<16xf32>,
        %gather3A_193 = tpu.vector_load_idx %arg6[%broadcast_in_dim3A_19, %shift_right_logical3A_119] : memref<4x10240xf32, #tpu.memory_space<vmem>>[vector<16xi32>, vector<16xi32>], vector<16xf32>,
        %gather3A_194 = tpu.vector_load_idx %arg6[%broadcast_in_dim3A_13, %shift_right_logical3A_131] : memref<4x10240xf32, #tpu.memory_space<vmem>>[vector<16xi32>, vector<16xi32>], vector<16xf32>,
        %gather3A_195 = tpu.vector_load_idx %arg6[%broadcast_in_dim3A_15, %shift_right_logical3A_131] : memref<4x10240xf32, #tpu.memory_space<vmem>>[vector<16xi32>, vector<16xi32>], vector<16xf32>,
        %gather3A_196 = tpu.vector_load_idx %arg6[%broadcast_in_dim3A_17, %shift_right_logical3A_131] : memref<4x10240xf32, #tpu.memory_space<vmem>>[vector<16xi32>, vector<16xi32>], vector<16xf32>,
        %gather3A_197 = tpu.vector_load_idx %arg6[%broadcast_in_dim3A_19, %shift_right_logical3A_131] : memref<4x10240xf32, #tpu.memory_space<vmem>>[vector<16xi32>, vector<16xi32>], vector<16xf32>,
        %gather3A_198 = tpu.vector_load_idx %arg6[%broadcast_in_dim3A_13, %shift_right_logical3A_143] : memref<4x10240xf32, #tpu.memory_space<vmem>>[vector<16xi32>, vector<16xi32>], vector<16xf32>,
        %gather3A_199 = tpu.vector_load_idx %arg6[%broadcast_in_dim3A_15, %shift_right_logical3A_143] : memref<4x10240xf32, #tpu.memory_space<vmem>>[vector<16xi32>, vector<16xi32>], vector<16xf32>,
        %gather3A_200 = tpu.vector_load_idx %arg6[%broadcast_in_dim3A_17, %shift_right_logical3A_143] : memref<4x10240xf32, #tpu.memory_space<vmem>>[vector<16xi32>, vector<16xi32>], vector<16xf32>,
        %gather3A_201 = tpu.vector_load_idx %arg6[%broadcast_in_dim3A_19, %shift_right_logical3A_143] : memref<4x10240xf32, #tpu.memory_space<vmem>>[vector<16xi32>, vector<16xi32>], vector<16xf32>,
        %gather3A_202 = tpu.vector_load_idx %arg6[%broadcast_in_dim3A_13, %shift_right_logical3A_155] : memref<4x10240xf32, #tpu.memory_space<vmem>>[vector<16xi32>, vector<16xi32>], vector<16xf32>,
        %gather3A_203 = tpu.vector_load_idx %arg6[%broadcast_in_dim3A_15, %shift_right_logical3A_155] : memref<4x10240xf32, #tpu.memory_space<vmem>>[vector<16xi32>, vector<16xi32>], vector<16xf32>,
        %gather3A_204 = tpu.vector_load_idx %arg6[%broadcast_in_dim3A_17, %shift_right_logical3A_155] : memref<4x10240xf32, #tpu.memory_space<vmem>>[vector<16xi32>, vector<16xi32>], vector<16xf32>,
        %gather3A_205 = tpu.vector_load_idx %arg6[%broadcast_in_dim3A_19, %shift_right_logical3A_155] : memref<4x10240xf32, #tpu.memory_space<vmem>>[vector<16xi32>, vector<16xi32>], vector<16xf32>,
        %gather3A_206 = tpu.vector_load_idx %arg6[%broadcast_in_dim3A_13, %shift_right_logical3A_167] : memref<4x10240xf32, #tpu.memory_space<vmem>>[vector<16xi32>, vector<16xi32>], vector<16xf32>,
        %gather3A_207 = tpu.vector_load_idx %arg6[%broadcast_in_dim3A_15, %shift_right_logical3A_167] : memref<4x10240xf32, #tpu.memory_space<vmem>>[vector<16xi32>, vector<16xi32>], vector<16xf32>,
        %gather3A_208 = tpu.vector_load_idx %arg6[%broadcast_in_dim3A_17, %shift_right_logical3A_167] : memref<4x10240xf32, #tpu.memory_space<vmem>>[vector<16xi32>, vector<16xi32>], vector<16xf32>,
        %gather3A_209 = tpu.vector_load_idx %arg6[%broadcast_in_dim3A_19, %shift_right_logical3A_167] : memref<4x10240xf32, #tpu.memory_space<vmem>>[vector<16xi32>, vector<16xi32>], vector<16xf32>,
        %gather3A_210 = tpu.vector_load_idx %arg6[%broadcast_in_dim3A_13, %shift_right_logical3A_179] : memref<4x10240xf32, #tpu.memory_space<vmem>>[vector<16xi32>, vector<16xi32>], vector<16xf32>,
        %gather3A_211 = tpu.vector_load_idx %arg6[%broadcast_in_dim3A_15, %shift_right_logical3A_179] : memref<4x10240xf32, #tpu.memory_space<vmem>>[vector<16xi32>, vector<16xi32>], vector<16xf32>,
        %gather3A_212 = tpu.vector_load_idx %arg6[%broadcast_in_dim3A_17, %shift_right_logical3A_179] : memref<4x10240xf32, #tpu.memory_space<vmem>>[vector<16xi32>, vector<16xi32>], vector<16xf32>,
        %gather3A_213 = tpu.vector_load_idx %arg6[%broadcast_in_dim3A_19, %shift_right_logical3A_179] : memref<4x10240xf32, #tpu.memory_space<vmem>>[vector<16xi32>, vector<16xi32>], vector<16xf32>,
        %mul3A_214 = arith.mulf %gather3A, %get3A_94 : vector<16xf32>
        %mul3A_215 = arith.mulf %gather3A_183, %get3A_94 : vector<16xf32>
        %mul3A_216 = arith.mulf %gather3A_184, %get3A_94 : vector<16xf32>
        %mul3A_217 = arith.mulf %gather3A_185, %get3A_94 : vector<16xf32>
        %mul3A_218 = arith.mulf %gather3A_186, %get3A_104 : vector<16xf32>
        %mul3A_219 = arith.mulf %gather3A_187, %get3A_104 : vector<16xf32>
        %mul3A_220 = arith.mulf %gather3A_188, %get3A_104 : vector<16xf32>
        %mul3A_221 = arith.mulf %gather3A_189, %get3A_104 : vector<16xf32>
        %mul3A_222 = arith.mulf %gather3A_190, %get3A_116 : vector<16xf32>
        %mul3A_223 = arith.mulf %gather3A_191, %get3A_116 : vector<16xf32>
        %mul3A_224 = arith.mulf %gather3A_192, %get3A_116 : vector<16xf32>
        %mul3A_225 = arith.mulf %gather3A_193, %get3A_116 : vector<16xf32>
        %mul3A_226 = arith.mulf %gather3A_194, %get3A_128 : vector<16xf32>
        %mul3A_227 = arith.mulf %gather3A_195, %get3A_128 : vector<16xf32>
        %mul3A_228 = arith.mulf %gather3A_196, %get3A_128 : vector<16xf32>
        %mul3A_229 = arith.mulf %gather3A_197, %get3A_128 : vector<16xf32>
        %mul3A_230 = arith.mulf %gather3A_198, %get3A_140 : vector<16xf32>
        %mul3A_231 = arith.mulf %gather3A_199, %get3A_140 : vector<16xf32>
        %mul3A_232 = arith.mulf %gather3A_200, %get3A_140 : vector<16xf32>
        %mul3A_233 = arith.mulf %gather3A_201, %get3A_140 : vector<16xf32>
        %mul3A_234 = arith.mulf %gather3A_202, %get3A_152 : vector<16xf32>
        %mul3A_235 = arith.mulf %gather3A_203, %get3A_152 : vector<16xf32>
        %mul3A_236 = arith.mulf %gather3A_204, %get3A_152 : vector<16xf32>
        %mul3A_237 = arith.mulf %gather3A_205, %get3A_152 : vector<16xf32>
        %mul3A_238 = arith.mulf %gather3A_206, %get3A_164 : vector<16xf32>
        %mul3A_239 = arith.mulf %gather3A_207, %get3A_164 : vector<16xf32>
        %mul3A_240 = arith.mulf %gather3A_208, %get3A_164 : vector<16xf32>
        %mul3A_241 = arith.mulf %gather3A_209, %get3A_164 : vector<16xf32>
        %mul3A_242 = arith.mulf %gather3A_210, %get3A_176 : vector<16xf32>
        %mul3A_243 = arith.mulf %gather3A_211, %get3A_176 : vector<16xf32>
        %mul3A_244 = arith.mulf %gather3A_212, %get3A_176 : vector<16xf32>
        %mul3A_245 = arith.mulf %gather3A_213, %get3A_176 : vector<16xf32>
        tpu.vector_store_idx %arg7[%broadcast_in_dim3A_13, %and3A_98], %mul3A_214 {add = true} : memref<4x10240xf32, #tpu.memory_space<vmem>>[vector<16xi32>, vector<16xi32>], vector<16xf32>,
        tpu.vector_store_idx %arg7[%broadcast_in_dim3A_15, %and3A_98], %mul3A_215 {add = true} : memref<4x10240xf32, #tpu.memory_space<vmem>>[vector<16xi32>, vector<16xi32>], vector<16xf32>,
        tpu.vector_store_idx %arg7[%broadcast_in_dim3A_17, %and3A_98], %mul3A_216 {add = true} : memref<4x10240xf32, #tpu.memory_space<vmem>>[vector<16xi32>, vector<16xi32>], vector<16xf32>,
        tpu.vector_store_idx %arg7[%broadcast_in_dim3A_19, %and3A_98], %mul3A_217 {add = true} : memref<4x10240xf32, #tpu.memory_space<vmem>>[vector<16xi32>, vector<16xi32>], vector<16xf32>,
        tpu.vector_store_idx %arg7[%broadcast_in_dim3A_13, %and3A_110], %mul3A_218 {add = true} : memref<4x10240xf32, #tpu.memory_space<vmem>>[vector<16xi32>, vector<16xi32>], vector<16xf32>,
        tpu.vector_store_idx %arg7[%broadcast_in_dim3A_15, %and3A_110], %mul3A_219 {add = true} : memref<4x10240xf32, #tpu.memory_space<vmem>>[vector<16xi32>, vector<16xi32>], vector<16xf32>,
        tpu.vector_store_idx %arg7[%broadcast_in_dim3A_17, %and3A_110], %mul3A_220 {add = true} : memref<4x10240xf32, #tpu.memory_space<vmem>>[vector<16xi32>, vector<16xi32>], vector<16xf32>,
        tpu.vector_store_idx %arg7[%broadcast_in_dim3A_19, %and3A_110], %mul3A_221 {add = true} : memref<4x10240xf32, #tpu.memory_space<vmem>>[vector<16xi32>, vector<16xi32>], vector<16xf32>,
        tpu.vector_store_idx %arg7[%broadcast_in_dim3A_13, %and3A_122], %mul3A_222 {add = true} : memref<4x10240xf32, #tpu.memory_space<vmem>>[vector<16xi32>, vector<16xi32>], vector<16xf32>,
        tpu.vector_store_idx %arg7[%broadcast_in_dim3A_15, %and3A_122], %mul3A_223 {add = true} : memref<4x10240xf32, #tpu.memory_space<vmem>>[vector<16xi32>, vector<16xi32>], vector<16xf32>,
        tpu.vector_store_idx %arg7[%broadcast_in_dim3A_17, %and3A_122], %mul3A_224 {add = true} : memref<4x10240xf32, #tpu.memory_space<vmem>>[vector<16xi32>, vector<16xi32>], vector<16xf32>,
        tpu.vector_store_idx %arg7[%broadcast_in_dim3A_19, %and3A_122], %mul3A_225 {add = true} : memref<4x10240xf32, #tpu.memory_space<vmem>>[vector<16xi32>, vector<16xi32>], vector<16xf32>,
        tpu.vector_store_idx %arg7[%broadcast_in_dim3A_13, %and3A_134], %mul3A_226 {add = true} : memref<4x10240xf32, #tpu.memory_space<vmem>>[vector<16xi32>, vector<16xi32>], vector<16xf32>,
        tpu.vector_store_idx %arg7[%broadcast_in_dim3A_15, %and3A_134], %mul3A_227 {add = true} : memref<4x10240xf32, #tpu.memory_space<vmem>>[vector<16xi32>, vector<16xi32>], vector<16xf32>,
        tpu.vector_store_idx %arg7[%broadcast_in_dim3A_17, %and3A_134], %mul3A_228 {add = true} : memref<4x10240xf32, #tpu.memory_space<vmem>>[vector<16xi32>, vector<16xi32>], vector<16xf32>,
        tpu.vector_store_idx %arg7[%broadcast_in_dim3A_19, %and3A_134], %mul3A_229 {add = true} : memref<4x10240xf32, #tpu.memory_space<vmem>>[vector<16xi32>, vector<16xi32>], vector<16xf32>,
        tpu.vector_store_idx %arg7[%broadcast_in_dim3A_13, %and3A_146], %mul3A_230 {add = true} : memref<4x10240xf32, #tpu.memory_space<vmem>>[vector<16xi32>, vector<16xi32>], vector<16xf32>,
        tpu.vector_store_idx %arg7[%broadcast_in_dim3A_15, %and3A_146], %mul3A_231 {add = true} : memref<4x10240xf32, #tpu.memory_space<vmem>>[vector<16xi32>, vector<16xi32>], vector<16xf32>,
        tpu.vector_store_idx %arg7[%broadcast_in_dim3A_17, %and3A_146], %mul3A_232 {add = true} : memref<4x10240xf32, #tpu.memory_space<vmem>>[vector<16xi32>, vector<16xi32>], vector<16xf32>,
        tpu.vector_store_idx %arg7[%broadcast_in_dim3A_19, %and3A_146], %mul3A_233 {add = true} : memref<4x10240xf32, #tpu.memory_space<vmem>>[vector<16xi32>, vector<16xi32>], vector<16xf32>,
        tpu.vector_store_idx %arg7[%broadcast_in_dim3A_13, %and3A_158], %mul3A_234 {add = true} : memref<4x10240xf32, #tpu.memory_space<vmem>>[vector<16xi32>, vector<16xi32>], vector<16xf32>,
        tpu.vector_store_idx %arg7[%broadcast_in_dim3A_15, %and3A_158], %mul3A_235 {add = true} : memref<4x10240xf32, #tpu.memory_space<vmem>>[vector<16xi32>, vector<16xi32>], vector<16xf32>,
        tpu.vector_store_idx %arg7[%broadcast_in_dim3A_17, %and3A_158], %mul3A_236 {add = true} : memref<4x10240xf32, #tpu.memory_space<vmem>>[vector<16xi32>, vector<16xi32>], vector<16xf32>,
        tpu.vector_store_idx %arg7[%broadcast_in_dim3A_19, %and3A_158], %mul3A_237 {add = true} : memref<4x10240xf32, #tpu.memory_space<vmem>>[vector<16xi32>, vector<16xi32>], vector<16xf32>,
        tpu.vector_store_idx %arg7[%broadcast_in_dim3A_13, %and3A_170], %mul3A_238 {add = true} : memref<4x10240xf32, #tpu.memory_space<vmem>>[vector<16xi32>, vector<16xi32>], vector<16xf32>,
        tpu.vector_store_idx %arg7[%broadcast_in_dim3A_15, %and3A_170], %mul3A_239 {add = true} : memref<4x10240xf32, #tpu.memory_space<vmem>>[vector<16xi32>, vector<16xi32>], vector<16xf32>,
        tpu.vector_store_idx %arg7[%broadcast_in_dim3A_17, %and3A_170], %mul3A_240 {add = true} : memref<4x10240xf32, #tpu.memory_space<vmem>>[vector<16xi32>, vector<16xi32>], vector<16xf32>,
        tpu.vector_store_idx %arg7[%broadcast_in_dim3A_19, %and3A_170], %mul3A_241 {add = true} : memref<4x10240xf32, #tpu.memory_space<vmem>>[vector<16xi32>, vector<16xi32>], vector<16xf32>,
        tpu.vector_store_idx %arg7[%broadcast_in_dim3A_13, %and3A_182], %mul3A_242 {add = true} : memref<4x10240xf32, #tpu.memory_space<vmem>>[vector<16xi32>, vector<16xi32>], vector<16xf32>,
        tpu.vector_store_idx %arg7[%broadcast_in_dim3A_15, %and3A_182], %mul3A_243 {add = true} : memref<4x10240xf32, #tpu.memory_space<vmem>>[vector<16xi32>, vector<16xi32>], vector<16xf32>,
        tpu.vector_store_idx %arg7[%broadcast_in_dim3A_17, %and3A_182], %mul3A_244 {add = true} : memref<4x10240xf32, #tpu.memory_space<vmem>>[vector<16xi32>, vector<16xi32>], vector<16xf32>,
        tpu.vector_store_idx %arg7[%broadcast_in_dim3A_19, %and3A_182], %mul3A_245 {add = true} : memref<4x10240xf32, #tpu.memory_space<vmem>>[vector<16xi32>, vector<16xi32>], vector<16xf32>,
      }
    }
    %while3A_36 = arith.constant 1 : i32
    scf.for %while3A_37 = %while3A_34 to %while3A_30 step %while3A_36  : i32 {
      %mul3A_38 = arith.constant 2 : i32
      %mul3A_39 = arith.muli %while3A_37, %mul3A_38 : i32
      %add3A_40 = arith.constant 1 : i32
      %add3A_41 = arith.addi %mul3A_39, %add3A_40 : i32
      %dma_wait3A = arith.constant 0 : i32
      %dma_wait3A_42 = tpu.memref_slice %arg2[%dma_wait3A] : memref<344064xi32, #tpu.memory_space<hbm>> -> memref<4096xi32, #tpu.memory_space<hbm>>
      %dma_wait3A_43 = arith.constant 0 : i32
      %dma_wait3A_44 = tpu.memref_slice %arg2[%dma_wait3A_43] : memref<344064xi32, #tpu.memory_space<hbm>> -> memref<4096xi32, #tpu.memory_space<hbm>>
      tpu.wait_dma2 semaphore(%arg12 : memref<!tpu.dma_semaphore, #tpu.memory_space<semaphore_mem>>) src(%dma_wait3A_44 : memref<4096xi32, #tpu.memory_space<hbm>>) dst(%arg8 : memref<4096xi32, #tpu.memory_space<vmem>>)
      %dma_wait3A_45 = arith.constant 0 : i32
      %dma_wait3A_46 = tpu.memref_slice %arg3[%dma_wait3A_45] : memref<344064xf32, #tpu.memory_space<hbm>> -> memref<4096xf32, #tpu.memory_space<hbm>>
      %dma_wait3A_47 = arith.constant 0 : i32
      %dma_wait3A_48 = tpu.memref_slice %arg3[%dma_wait3A_47] : memref<344064xf32, #tpu.memory_space<hbm>> -> memref<4096xf32, #tpu.memory_space<hbm>>
      tpu.wait_dma2 semaphore(%arg12 : memref<!tpu.dma_semaphore, #tpu.memory_space<semaphore_mem>>) src(%dma_wait3A_48 : memref<4096xf32, #tpu.memory_space<hbm>>) dst(%arg9 : memref<4096xf32, #tpu.memory_space<vmem>>)
      %mul3A_49 = arith.constant 4096 : i32
      %mul3A_50 = arith.muli %add3A_41, %mul3A_49 : i32
      %dma_start3A_51 = tpu.memref_slice %arg2[%mul3A_50] : memref<344064xi32, #tpu.memory_space<hbm>> -> memref<4096xi32, #tpu.memory_space<hbm>>
      %dma_start3A_52 = tpu.memref_slice %arg2[%mul3A_50] : memref<344064xi32, #tpu.memory_space<hbm>> -> memref<4096xi32, #tpu.memory_space<hbm>>
      tpu.enqueue_dma source(%dma_start3A_52 : memref<4096xi32, #tpu.memory_space<hbm>>) target(%arg10 : memref<4096xi32, #tpu.memory_space<vmem>>) target_semaphore(%arg13 : memref<!tpu.dma_semaphore, #tpu.memory_space<semaphore_mem>>)
      %dma_start3A_53 = tpu.memref_slice %arg3[%mul3A_50] : memref<344064xf32, #tpu.memory_space<hbm>> -> memref<4096xf32, #tpu.memory_space<hbm>>
      %dma_start3A_54 = tpu.memref_slice %arg3[%mul3A_50] : memref<344064xf32, #tpu.memory_space<hbm>> -> memref<4096xf32, #tpu.memory_space<hbm>>
      tpu.enqueue_dma source(%dma_start3A_54 : memref<4096xf32, #tpu.memory_space<hbm>>) target(%arg11 : memref<4096xf32, #tpu.memory_space<vmem>>) target_semaphore(%arg13 : memref<!tpu.dma_semaphore, #tpu.memory_space<semaphore_mem>>)
      %while3A_55 = arith.constant 0 : i64
      %while3A_56 = arith.constant 0 : i32
      %while3A_57 = arith.constant 32 : i32
      %while3A_58 = arith.subi %while3A_57, %while3A_56 : i32
      %while3A_59 = arith.addi %while3A_56, %while3A_58 : i32
      %while3A_60 = arith.constant 1 : i32
      %while3A_61 = arith.divsi %while3A_58, %while3A_60 : i32
      %while3A_62 = arith.muli %while3A_61, %while3A_60 : i32
      %while3A_63 = arith.addi %while3A_56, %while3A_62 : i32
      %while3A_64 = arith.constant 1 : i32
      scf.for %while3A_87 = %while3A_56 to %while3A_63 step %while3A_64  : i32 {
        %mul3A_88 = arith.constant 128 : i32
        %mul3A_89 = arith.muli %while3A_87, %mul3A_88 : i32
        %add3A_90 = arith.constant 0 : i32
        %add3A_91 = arith.addi %mul3A_89, %add3A_90 : i32
        %get3A = arith.index_cast %add3A_91 : i32 to index
        %get3A_92 = tpu.vector_load %arg8[%get3A] {strides = array<i32>} : memref<4096xi32, #tpu.memory_space<vmem>>, vector<16xi32>,
        %get3A_93 = arith.index_cast %add3A_91 : i32 to index
        %get3A_94 = tpu.vector_load %arg9[%get3A_93] {strides = array<i32>} : memref<4096xf32, #tpu.memory_space<vmem>>, vector<16xf32>,
        %shift_right_logical3A = arith.constant 14 : i32
        %shift_right_logical3A_95 = vector.broadcast %shift_right_logical3A : i32 to vector<16xi32>
        %shift_right_logical3A_96 = arith.shrui %get3A_92, %shift_right_logical3A_95 : vector<16xi32>
        %and3A = arith.constant 16383 : i32
        %and3A_97 = vector.broadcast %and3A : i32 to vector<16xi32>
        %and3A_98 = arith.andi %get3A_92, %and3A_97 : vector<16xi32>
        %add3A_99 = arith.constant 16 : i32
        %add3A_100 = arith.addi %mul3A_89, %add3A_99 : i32
        %get3A_101 = arith.index_cast %add3A_100 : i32 to index
        %get3A_102 = tpu.vector_load %arg8[%get3A_101] {strides = array<i32>} : memref<4096xi32, #tpu.memory_space<vmem>>, vector<16xi32>,
        %get3A_103 = arith.index_cast %add3A_100 : i32 to index
        %get3A_104 = tpu.vector_load %arg9[%get3A_103] {strides = array<i32>} : memref<4096xf32, #tpu.memory_space<vmem>>, vector<16xf32>,
        %shift_right_logical3A_105 = arith.constant 14 : i32
        %shift_right_logical3A_106 = vector.broadcast %shift_right_logical3A_105 : i32 to vector<16xi32>
        %shift_right_logical3A_107 = arith.shrui %get3A_102, %shift_right_logical3A_106 : vector<16xi32>
        %and3A_108 = arith.constant 16383 : i32
        %and3A_109 = vector.broadcast %and3A_108 : i32 to vector<16xi32>
        %and3A_110 = arith.andi %get3A_102, %and3A_109 : vector<16xi32>
        %add3A_111 = arith.constant 32 : i32
        %add3A_112 = arith.addi %mul3A_89, %add3A_111 : i32
        %get3A_113 = arith.index_cast %add3A_112 : i32 to index
        %get3A_114 = tpu.vector_load %arg8[%get3A_113] {strides = array<i32>} : memref<4096xi32, #tpu.memory_space<vmem>>, vector<16xi32>,
        %get3A_115 = arith.index_cast %add3A_112 : i32 to index
        %get3A_116 = tpu.vector_load %arg9[%get3A_115] {strides = array<i32>} : memref<4096xf32, #tpu.memory_space<vmem>>, vector<16xf32>,
        %shift_right_logical3A_117 = arith.constant 14 : i32
        %shift_right_logical3A_118 = vector.broadcast %shift_right_logical3A_117 : i32 to vector<16xi32>
        %shift_right_logical3A_119 = arith.shrui %get3A_114, %shift_right_logical3A_118 : vector<16xi32>
        %and3A_120 = arith.constant 16383 : i32
        %and3A_121 = vector.broadcast %and3A_120 : i32 to vector<16xi32>
        %and3A_122 = arith.andi %get3A_114, %and3A_121 : vector<16xi32>
        %add3A_123 = arith.constant 48 : i32
        %add3A_124 = arith.addi %mul3A_89, %add3A_123 : i32
        %get3A_125 = arith.index_cast %add3A_124 : i32 to index
        %get3A_126 = tpu.vector_load %arg8[%get3A_125] {strides = array<i32>} : memref<4096xi32, #tpu.memory_space<vmem>>, vector<16xi32>,
        %get3A_127 = arith.index_cast %add3A_124 : i32 to index
        %get3A_128 = tpu.vector_load %arg9[%get3A_127] {strides = array<i32>} : memref<4096xf32, #tpu.memory_space<vmem>>, vector<16xf32>,
        %shift_right_logical3A_129 = arith.constant 14 : i32
        %shift_right_logical3A_130 = vector.broadcast %shift_right_logical3A_129 : i32 to vector<16xi32>
        %shift_right_logical3A_131 = arith.shrui %get3A_126, %shift_right_logical3A_130 : vector<16xi32>
        %and3A_132 = arith.constant 16383 : i32
        %and3A_133 = vector.broadcast %and3A_132 : i32 to vector<16xi32>
        %and3A_134 = arith.andi %get3A_126, %and3A_133 : vector<16xi32>
        %add3A_135 = arith.constant 64 : i32
        %add3A_136 = arith.addi %mul3A_89, %add3A_135 : i32
        %get3A_137 = arith.index_cast %add3A_136 : i32 to index
        %get3A_138 = tpu.vector_load %arg8[%get3A_137] {strides = array<i32>} : memref<4096xi32, #tpu.memory_space<vmem>>, vector<16xi32>,
        %get3A_139 = arith.index_cast %add3A_136 : i32 to index
        %get3A_140 = tpu.vector_load %arg9[%get3A_139] {strides = array<i32>} : memref<4096xf32, #tpu.memory_space<vmem>>, vector<16xf32>,
        %shift_right_logical3A_141 = arith.constant 14 : i32
        %shift_right_logical3A_142 = vector.broadcast %shift_right_logical3A_141 : i32 to vector<16xi32>
        %shift_right_logical3A_143 = arith.shrui %get3A_138, %shift_right_logical3A_142 : vector<16xi32>
        %and3A_144 = arith.constant 16383 : i32
        %and3A_145 = vector.broadcast %and3A_144 : i32 to vector<16xi32>
        %and3A_146 = arith.andi %get3A_138, %and3A_145 : vector<16xi32>
        %add3A_147 = arith.constant 80 : i32
        %add3A_148 = arith.addi %mul3A_89, %add3A_147 : i32
        %get3A_149 = arith.index_cast %add3A_148 : i32 to index
        %get3A_150 = tpu.vector_load %arg8[%get3A_149] {strides = array<i32>} : memref<4096xi32, #tpu.memory_space<vmem>>, vector<16xi32>,
        %get3A_151 = arith.index_cast %add3A_148 : i32 to index
        %get3A_152 = tpu.vector_load %arg9[%get3A_151] {strides = array<i32>} : memref<4096xf32, #tpu.memory_space<vmem>>, vector<16xf32>,
        %shift_right_logical3A_153 = arith.constant 14 : i32
        %shift_right_logical3A_154 = vector.broadcast %shift_right_logical3A_153 : i32 to vector<16xi32>
        %shift_right_logical3A_155 = arith.shrui %get3A_150, %shift_right_logical3A_154 : vector<16xi32>
        %and3A_156 = arith.constant 16383 : i32
        %and3A_157 = vector.broadcast %and3A_156 : i32 to vector<16xi32>
        %and3A_158 = arith.andi %get3A_150, %and3A_157 : vector<16xi32>
        %add3A_159 = arith.constant 96 : i32
        %add3A_160 = arith.addi %mul3A_89, %add3A_159 : i32
        %get3A_161 = arith.index_cast %add3A_160 : i32 to index
        %get3A_162 = tpu.vector_load %arg8[%get3A_161] {strides = array<i32>} : memref<4096xi32, #tpu.memory_space<vmem>>, vector<16xi32>,
        %get3A_163 = arith.index_cast %add3A_160 : i32 to index
        %get3A_164 = tpu.vector_load %arg9[%get3A_163] {strides = array<i32>} : memref<4096xf32, #tpu.memory_space<vmem>>, vector<16xf32>,
        %shift_right_logical3A_165 = arith.constant 14 : i32
        %shift_right_logical3A_166 = vector.broadcast %shift_right_logical3A_165 : i32 to vector<16xi32>
        %shift_right_logical3A_167 = arith.shrui %get3A_162, %shift_right_logical3A_166 : vector<16xi32>
        %and3A_168 = arith.constant 16383 : i32
        %and3A_169 = vector.broadcast %and3A_168 : i32 to vector<16xi32>
        %and3A_170 = arith.andi %get3A_162, %and3A_169 : vector<16xi32>
        %add3A_171 = arith.constant 112 : i32
        %add3A_172 = arith.addi %mul3A_89, %add3A_171 : i32
        %get3A_173 = arith.index_cast %add3A_172 : i32 to index
        %get3A_174 = tpu.vector_load %arg8[%get3A_173] {strides = array<i32>} : memref<4096xi32, #tpu.memory_space<vmem>>, vector<16xi32>,
        %get3A_175 = arith.index_cast %add3A_172 : i32 to index
        %get3A_176 = tpu.vector_load %arg9[%get3A_175] {strides = array<i32>} : memref<4096xf32, #tpu.memory_space<vmem>>, vector<16xf32>,
        %shift_right_logical3A_177 = arith.constant 14 : i32
        %shift_right_logical3A_178 = vector.broadcast %shift_right_logical3A_177 : i32 to vector<16xi32>
        %shift_right_logical3A_179 = arith.shrui %get3A_174, %shift_right_logical3A_178 : vector<16xi32>
        %and3A_180 = arith.constant 16383 : i32
        %and3A_181 = vector.broadcast %and3A_180 : i32 to vector<16xi32>
        %and3A_182 = arith.andi %get3A_174, %and3A_181 : vector<16xi32>
        %gather3A = tpu.vector_load_idx %arg6[%broadcast_in_dim3A_13, %shift_right_logical3A_96] : memref<4x10240xf32, #tpu.memory_space<vmem>>[vector<16xi32>, vector<16xi32>], vector<16xf32>,
        %gather3A_183 = tpu.vector_load_idx %arg6[%broadcast_in_dim3A_15, %shift_right_logical3A_96] : memref<4x10240xf32, #tpu.memory_space<vmem>>[vector<16xi32>, vector<16xi32>], vector<16xf32>,
        %gather3A_184 = tpu.vector_load_idx %arg6[%broadcast_in_dim3A_17, %shift_right_logical3A_96] : memref<4x10240xf32, #tpu.memory_space<vmem>>[vector<16xi32>, vector<16xi32>], vector<16xf32>,
        %gather3A_185 = tpu.vector_load_idx %arg6[%broadcast_in_dim3A_19, %shift_right_logical3A_96] : memref<4x10240xf32, #tpu.memory_space<vmem>>[vector<16xi32>, vector<16xi32>], vector<16xf32>,
        %gather3A_186 = tpu.vector_load_idx %arg6[%broadcast_in_dim3A_13, %shift_right_logical3A_107] : memref<4x10240xf32, #tpu.memory_space<vmem>>[vector<16xi32>, vector<16xi32>], vector<16xf32>,
        %gather3A_187 = tpu.vector_load_idx %arg6[%broadcast_in_dim3A_15, %shift_right_logical3A_107] : memref<4x10240xf32, #tpu.memory_space<vmem>>[vector<16xi32>, vector<16xi32>], vector<16xf32>,
        %gather3A_188 = tpu.vector_load_idx %arg6[%broadcast_in_dim3A_17, %shift_right_logical3A_107] : memref<4x10240xf32, #tpu.memory_space<vmem>>[vector<16xi32>, vector<16xi32>], vector<16xf32>,
        %gather3A_189 = tpu.vector_load_idx %arg6[%broadcast_in_dim3A_19, %shift_right_logical3A_107] : memref<4x10240xf32, #tpu.memory_space<vmem>>[vector<16xi32>, vector<16xi32>], vector<16xf32>,
        %gather3A_190 = tpu.vector_load_idx %arg6[%broadcast_in_dim3A_13, %shift_right_logical3A_119] : memref<4x10240xf32, #tpu.memory_space<vmem>>[vector<16xi32>, vector<16xi32>], vector<16xf32>,
        %gather3A_191 = tpu.vector_load_idx %arg6[%broadcast_in_dim3A_15, %shift_right_logical3A_119] : memref<4x10240xf32, #tpu.memory_space<vmem>>[vector<16xi32>, vector<16xi32>], vector<16xf32>,
        %gather3A_192 = tpu.vector_load_idx %arg6[%broadcast_in_dim3A_17, %shift_right_logical3A_119] : memref<4x10240xf32, #tpu.memory_space<vmem>>[vector<16xi32>, vector<16xi32>], vector<16xf32>,
        %gather3A_193 = tpu.vector_load_idx %arg6[%broadcast_in_dim3A_19, %shift_right_logical3A_119] : memref<4x10240xf32, #tpu.memory_space<vmem>>[vector<16xi32>, vector<16xi32>], vector<16xf32>,
        %gather3A_194 = tpu.vector_load_idx %arg6[%broadcast_in_dim3A_13, %shift_right_logical3A_131] : memref<4x10240xf32, #tpu.memory_space<vmem>>[vector<16xi32>, vector<16xi32>], vector<16xf32>,
        %gather3A_195 = tpu.vector_load_idx %arg6[%broadcast_in_dim3A_15, %shift_right_logical3A_131] : memref<4x10240xf32, #tpu.memory_space<vmem>>[vector<16xi32>, vector<16xi32>], vector<16xf32>,
        %gather3A_196 = tpu.vector_load_idx %arg6[%broadcast_in_dim3A_17, %shift_right_logical3A_131] : memref<4x10240xf32, #tpu.memory_space<vmem>>[vector<16xi32>, vector<16xi32>], vector<16xf32>,
        %gather3A_197 = tpu.vector_load_idx %arg6[%broadcast_in_dim3A_19, %shift_right_logical3A_131] : memref<4x10240xf32, #tpu.memory_space<vmem>>[vector<16xi32>, vector<16xi32>], vector<16xf32>,
        %gather3A_198 = tpu.vector_load_idx %arg6[%broadcast_in_dim3A_13, %shift_right_logical3A_143] : memref<4x10240xf32, #tpu.memory_space<vmem>>[vector<16xi32>, vector<16xi32>], vector<16xf32>,
        %gather3A_199 = tpu.vector_load_idx %arg6[%broadcast_in_dim3A_15, %shift_right_logical3A_143] : memref<4x10240xf32, #tpu.memory_space<vmem>>[vector<16xi32>, vector<16xi32>], vector<16xf32>,
        %gather3A_200 = tpu.vector_load_idx %arg6[%broadcast_in_dim3A_17, %shift_right_logical3A_143] : memref<4x10240xf32, #tpu.memory_space<vmem>>[vector<16xi32>, vector<16xi32>], vector<16xf32>,
        %gather3A_201 = tpu.vector_load_idx %arg6[%broadcast_in_dim3A_19, %shift_right_logical3A_143] : memref<4x10240xf32, #tpu.memory_space<vmem>>[vector<16xi32>, vector<16xi32>], vector<16xf32>,
        %gather3A_202 = tpu.vector_load_idx %arg6[%broadcast_in_dim3A_13, %shift_right_logical3A_155] : memref<4x10240xf32, #tpu.memory_space<vmem>>[vector<16xi32>, vector<16xi32>], vector<16xf32>,
        %gather3A_203 = tpu.vector_load_idx %arg6[%broadcast_in_dim3A_15, %shift_right_logical3A_155] : memref<4x10240xf32, #tpu.memory_space<vmem>>[vector<16xi32>, vector<16xi32>], vector<16xf32>,
        %gather3A_204 = tpu.vector_load_idx %arg6[%broadcast_in_dim3A_17, %shift_right_logical3A_155] : memref<4x10240xf32, #tpu.memory_space<vmem>>[vector<16xi32>, vector<16xi32>], vector<16xf32>,
        %gather3A_205 = tpu.vector_load_idx %arg6[%broadcast_in_dim3A_19, %shift_right_logical3A_155] : memref<4x10240xf32, #tpu.memory_space<vmem>>[vector<16xi32>, vector<16xi32>], vector<16xf32>,
        %gather3A_206 = tpu.vector_load_idx %arg6[%broadcast_in_dim3A_13, %shift_right_logical3A_167] : memref<4x10240xf32, #tpu.memory_space<vmem>>[vector<16xi32>, vector<16xi32>], vector<16xf32>,
        %gather3A_207 = tpu.vector_load_idx %arg6[%broadcast_in_dim3A_15, %shift_right_logical3A_167] : memref<4x10240xf32, #tpu.memory_space<vmem>>[vector<16xi32>, vector<16xi32>], vector<16xf32>,
        %gather3A_208 = tpu.vector_load_idx %arg6[%broadcast_in_dim3A_17, %shift_right_logical3A_167] : memref<4x10240xf32, #tpu.memory_space<vmem>>[vector<16xi32>, vector<16xi32>], vector<16xf32>,
        %gather3A_209 = tpu.vector_load_idx %arg6[%broadcast_in_dim3A_19, %shift_right_logical3A_167] : memref<4x10240xf32, #tpu.memory_space<vmem>>[vector<16xi32>, vector<16xi32>], vector<16xf32>,
        %gather3A_210 = tpu.vector_load_idx %arg6[%broadcast_in_dim3A_13, %shift_right_logical3A_179] : memref<4x10240xf32, #tpu.memory_space<vmem>>[vector<16xi32>, vector<16xi32>], vector<16xf32>,
        %gather3A_211 = tpu.vector_load_idx %arg6[%broadcast_in_dim3A_15, %shift_right_logical3A_179] : memref<4x10240xf32, #tpu.memory_space<vmem>>[vector<16xi32>, vector<16xi32>], vector<16xf32>,
        %gather3A_212 = tpu.vector_load_idx %arg6[%broadcast_in_dim3A_17, %shift_right_logical3A_179] : memref<4x10240xf32, #tpu.memory_space<vmem>>[vector<16xi32>, vector<16xi32>], vector<16xf32>,
        %gather3A_213 = tpu.vector_load_idx %arg6[%broadcast_in_dim3A_19, %shift_right_logical3A_179] : memref<4x10240xf32, #tpu.memory_space<vmem>>[vector<16xi32>, vector<16xi32>], vector<16xf32>,
        %mul3A_214 = arith.mulf %gather3A, %get3A_94 : vector<16xf32>
        %mul3A_215 = arith.mulf %gather3A_183, %get3A_94 : vector<16xf32>
        %mul3A_216 = arith.mulf %gather3A_184, %get3A_94 : vector<16xf32>
        %mul3A_217 = arith.mulf %gather3A_185, %get3A_94 : vector<16xf32>
        %mul3A_218 = arith.mulf %gather3A_186, %get3A_104 : vector<16xf32>
        %mul3A_219 = arith.mulf %gather3A_187, %get3A_104 : vector<16xf32>
        %mul3A_220 = arith.mulf %gather3A_188, %get3A_104 : vector<16xf32>
        %mul3A_221 = arith.mulf %gather3A_189, %get3A_104 : vector<16xf32>
        %mul3A_222 = arith.mulf %gather3A_190, %get3A_116 : vector<16xf32>
        %mul3A_223 = arith.mulf %gather3A_191, %get3A_116 : vector<16xf32>
        %mul3A_224 = arith.mulf %gather3A_192, %get3A_116 : vector<16xf32>
        %mul3A_225 = arith.mulf %gather3A_193, %get3A_116 : vector<16xf32>
        %mul3A_226 = arith.mulf %gather3A_194, %get3A_128 : vector<16xf32>
        %mul3A_227 = arith.mulf %gather3A_195, %get3A_128 : vector<16xf32>
        %mul3A_228 = arith.mulf %gather3A_196, %get3A_128 : vector<16xf32>
        %mul3A_229 = arith.mulf %gather3A_197, %get3A_128 : vector<16xf32>
        %mul3A_230 = arith.mulf %gather3A_198, %get3A_140 : vector<16xf32>
        %mul3A_231 = arith.mulf %gather3A_199, %get3A_140 : vector<16xf32>
        %mul3A_232 = arith.mulf %gather3A_200, %get3A_140 : vector<16xf32>
        %mul3A_233 = arith.mulf %gather3A_201, %get3A_140 : vector<16xf32>
        %mul3A_234 = arith.mulf %gather3A_202, %get3A_152 : vector<16xf32>
        %mul3A_235 = arith.mulf %gather3A_203, %get3A_152 : vector<16xf32>
        %mul3A_236 = arith.mulf %gather3A_204, %get3A_152 : vector<16xf32>
        %mul3A_237 = arith.mulf %gather3A_205, %get3A_152 : vector<16xf32>
        %mul3A_238 = arith.mulf %gather3A_206, %get3A_164 : vector<16xf32>
        %mul3A_239 = arith.mulf %gather3A_207, %get3A_164 : vector<16xf32>
        %mul3A_240 = arith.mulf %gather3A_208, %get3A_164 : vector<16xf32>
        %mul3A_241 = arith.mulf %gather3A_209, %get3A_164 : vector<16xf32>
        %mul3A_242 = arith.mulf %gather3A_210, %get3A_176 : vector<16xf32>
        %mul3A_243 = arith.mulf %gather3A_211, %get3A_176 : vector<16xf32>
        %mul3A_244 = arith.mulf %gather3A_212, %get3A_176 : vector<16xf32>
        %mul3A_245 = arith.mulf %gather3A_213, %get3A_176 : vector<16xf32>
        tpu.vector_store_idx %arg7[%broadcast_in_dim3A_13, %and3A_98], %mul3A_214 {add = true} : memref<4x10240xf32, #tpu.memory_space<vmem>>[vector<16xi32>, vector<16xi32>], vector<16xf32>,
        tpu.vector_store_idx %arg7[%broadcast_in_dim3A_15, %and3A_98], %mul3A_215 {add = true} : memref<4x10240xf32, #tpu.memory_space<vmem>>[vector<16xi32>, vector<16xi32>], vector<16xf32>,
        tpu.vector_store_idx %arg7[%broadcast_in_dim3A_17, %and3A_98], %mul3A_216 {add = true} : memref<4x10240xf32, #tpu.memory_space<vmem>>[vector<16xi32>, vector<16xi32>], vector<16xf32>,
        tpu.vector_store_idx %arg7[%broadcast_in_dim3A_19, %and3A_98], %mul3A_217 {add = true} : memref<4x10240xf32, #tpu.memory_space<vmem>>[vector<16xi32>, vector<16xi32>], vector<16xf32>,
        tpu.vector_store_idx %arg7[%broadcast_in_dim3A_13, %and3A_110], %mul3A_218 {add = true} : memref<4x10240xf32, #tpu.memory_space<vmem>>[vector<16xi32>, vector<16xi32>], vector<16xf32>,
        tpu.vector_store_idx %arg7[%broadcast_in_dim3A_15, %and3A_110], %mul3A_219 {add = true} : memref<4x10240xf32, #tpu.memory_space<vmem>>[vector<16xi32>, vector<16xi32>], vector<16xf32>,
        tpu.vector_store_idx %arg7[%broadcast_in_dim3A_17, %and3A_110], %mul3A_220 {add = true} : memref<4x10240xf32, #tpu.memory_space<vmem>>[vector<16xi32>, vector<16xi32>], vector<16xf32>,
        tpu.vector_store_idx %arg7[%broadcast_in_dim3A_19, %and3A_110], %mul3A_221 {add = true} : memref<4x10240xf32, #tpu.memory_space<vmem>>[vector<16xi32>, vector<16xi32>], vector<16xf32>,
        tpu.vector_store_idx %arg7[%broadcast_in_dim3A_13, %and3A_122], %mul3A_222 {add = true} : memref<4x10240xf32, #tpu.memory_space<vmem>>[vector<16xi32>, vector<16xi32>], vector<16xf32>,
        tpu.vector_store_idx %arg7[%broadcast_in_dim3A_15, %and3A_122], %mul3A_223 {add = true} : memref<4x10240xf32, #tpu.memory_space<vmem>>[vector<16xi32>, vector<16xi32>], vector<16xf32>,
        tpu.vector_store_idx %arg7[%broadcast_in_dim3A_17, %and3A_122], %mul3A_224 {add = true} : memref<4x10240xf32, #tpu.memory_space<vmem>>[vector<16xi32>, vector<16xi32>], vector<16xf32>,
        tpu.vector_store_idx %arg7[%broadcast_in_dim3A_19, %and3A_122], %mul3A_225 {add = true} : memref<4x10240xf32, #tpu.memory_space<vmem>>[vector<16xi32>, vector<16xi32>], vector<16xf32>,
        tpu.vector_store_idx %arg7[%broadcast_in_dim3A_13, %and3A_134], %mul3A_226 {add = true} : memref<4x10240xf32, #tpu.memory_space<vmem>>[vector<16xi32>, vector<16xi32>], vector<16xf32>,
        tpu.vector_store_idx %arg7[%broadcast_in_dim3A_15, %and3A_134], %mul3A_227 {add = true} : memref<4x10240xf32, #tpu.memory_space<vmem>>[vector<16xi32>, vector<16xi32>], vector<16xf32>,
        tpu.vector_store_idx %arg7[%broadcast_in_dim3A_17, %and3A_134], %mul3A_228 {add = true} : memref<4x10240xf32, #tpu.memory_space<vmem>>[vector<16xi32>, vector<16xi32>], vector<16xf32>,
        tpu.vector_store_idx %arg7[%broadcast_in_dim3A_19, %and3A_134], %mul3A_229 {add = true} : memref<4x10240xf32, #tpu.memory_space<vmem>>[vector<16xi32>, vector<16xi32>], vector<16xf32>,
        tpu.vector_store_idx %arg7[%broadcast_in_dim3A_13, %and3A_146], %mul3A_230 {add = true} : memref<4x10240xf32, #tpu.memory_space<vmem>>[vector<16xi32>, vector<16xi32>], vector<16xf32>,
        tpu.vector_store_idx %arg7[%broadcast_in_dim3A_15, %and3A_146], %mul3A_231 {add = true} : memref<4x10240xf32, #tpu.memory_space<vmem>>[vector<16xi32>, vector<16xi32>], vector<16xf32>,
        tpu.vector_store_idx %arg7[%broadcast_in_dim3A_17, %and3A_146], %mul3A_232 {add = true} : memref<4x10240xf32, #tpu.memory_space<vmem>>[vector<16xi32>, vector<16xi32>], vector<16xf32>,
        tpu.vector_store_idx %arg7[%broadcast_in_dim3A_19, %and3A_146], %mul3A_233 {add = true} : memref<4x10240xf32, #tpu.memory_space<vmem>>[vector<16xi32>, vector<16xi32>], vector<16xf32>,
        tpu.vector_store_idx %arg7[%broadcast_in_dim3A_13, %and3A_158], %mul3A_234 {add = true} : memref<4x10240xf32, #tpu.memory_space<vmem>>[vector<16xi32>, vector<16xi32>], vector<16xf32>,
        tpu.vector_store_idx %arg7[%broadcast_in_dim3A_15, %and3A_158], %mul3A_235 {add = true} : memref<4x10240xf32, #tpu.memory_space<vmem>>[vector<16xi32>, vector<16xi32>], vector<16xf32>,
        tpu.vector_store_idx %arg7[%broadcast_in_dim3A_17, %and3A_158], %mul3A_236 {add = true} : memref<4x10240xf32, #tpu.memory_space<vmem>>[vector<16xi32>, vector<16xi32>], vector<16xf32>,
        tpu.vector_store_idx %arg7[%broadcast_in_dim3A_19, %and3A_158], %mul3A_237 {add = true} : memref<4x10240xf32, #tpu.memory_space<vmem>>[vector<16xi32>, vector<16xi32>], vector<16xf32>,
        tpu.vector_store_idx %arg7[%broadcast_in_dim3A_13, %and3A_170], %mul3A_238 {add = true} : memref<4x10240xf32, #tpu.memory_space<vmem>>[vector<16xi32>, vector<16xi32>], vector<16xf32>,
        tpu.vector_store_idx %arg7[%broadcast_in_dim3A_15, %and3A_170], %mul3A_239 {add = true} : memref<4x10240xf32, #tpu.memory_space<vmem>>[vector<16xi32>, vector<16xi32>], vector<16xf32>,
        tpu.vector_store_idx %arg7[%broadcast_in_dim3A_17, %and3A_170], %mul3A_240 {add = true} : memref<4x10240xf32, #tpu.memory_space<vmem>>[vector<16xi32>, vector<16xi32>], vector<16xf32>,
        tpu.vector_store_idx %arg7[%broadcast_in_dim3A_19, %and3A_170], %mul3A_241 {add = true} : memref<4x10240xf32, #tpu.memory_space<vmem>>[vector<16xi32>, vector<16xi32>], vector<16xf32>,
        tpu.vector_store_idx %arg7[%broadcast_in_dim3A_13, %and3A_182], %mul3A_242 {add = true} : memref<4x10240xf32, #tpu.memory_space<vmem>>[vector<16xi32>, vector<16xi32>], vector<16xf32>,
        tpu.vector_store_idx %arg7[%broadcast_in_dim3A_15, %and3A_182], %mul3A_243 {add = true} : memref<4x10240xf32, #tpu.memory_space<vmem>>[vector<16xi32>, vector<16xi32>], vector<16xf32>,
        tpu.vector_store_idx %arg7[%broadcast_in_dim3A_17, %and3A_182], %mul3A_244 {add = true} : memref<4x10240xf32, #tpu.memory_space<vmem>>[vector<16xi32>, vector<16xi32>], vector<16xf32>,
        tpu.vector_store_idx %arg7[%broadcast_in_dim3A_19, %and3A_182], %mul3A_245 {add = true} : memref<4x10240xf32, #tpu.memory_space<vmem>>[vector<16xi32>, vector<16xi32>], vector<16xf32>,
      }
      %while3A_65 = arith.constant 1 : i32
      scf.for %while3A_87 = %while3A_63 to %while3A_59 step %while3A_65  : i32 {
        %mul3A_88 = arith.constant 128 : i32
        %mul3A_89 = arith.muli %while3A_87, %mul3A_88 : i32
        %add3A_90 = arith.constant 0 : i32
        %add3A_91 = arith.addi %mul3A_89, %add3A_90 : i32
        %get3A = arith.index_cast %add3A_91 : i32 to index
        %get3A_92 = tpu.vector_load %arg8[%get3A] {strides = array<i32>} : memref<4096xi32, #tpu.memory_space<vmem>>, vector<16xi32>,
        %get3A_93 = arith.index_cast %add3A_91 : i32 to index
        %get3A_94 = tpu.vector_load %arg9[%get3A_93] {strides = array<i32>} : memref<4096xf32, #tpu.memory_space<vmem>>, vector<16xf32>,
        %shift_right_logical3A = arith.constant 14 : i32
        %shift_right_logical3A_95 = vector.broadcast %shift_right_logical3A : i32 to vector<16xi32>
        %shift_right_logical3A_96 = arith.shrui %get3A_92, %shift_right_logical3A_95 : vector<16xi32>
        %and3A = arith.constant 16383 : i32
        %and3A_97 = vector.broadcast %and3A : i32 to vector<16xi32>
        %and3A_98 = arith.andi %get3A_92, %and3A_97 : vector<16xi32>
        %add3A_99 = arith.constant 16 : i32
        %add3A_100 = arith.addi %mul3A_89, %add3A_99 : i32
        %get3A_101 = arith.index_cast %add3A_100 : i32 to index
        %get3A_102 = tpu.vector_load %arg8[%get3A_101] {strides = array<i32>} : memref<4096xi32, #tpu.memory_space<vmem>>, vector<16xi32>,
        %get3A_103 = arith.index_cast %add3A_100 : i32 to index
        %get3A_104 = tpu.vector_load %arg9[%get3A_103] {strides = array<i32>} : memref<4096xf32, #tpu.memory_space<vmem>>, vector<16xf32>,
        %shift_right_logical3A_105 = arith.constant 14 : i32
        %shift_right_logical3A_106 = vector.broadcast %shift_right_logical3A_105 : i32 to vector<16xi32>
        %shift_right_logical3A_107 = arith.shrui %get3A_102, %shift_right_logical3A_106 : vector<16xi32>
        %and3A_108 = arith.constant 16383 : i32
        %and3A_109 = vector.broadcast %and3A_108 : i32 to vector<16xi32>
        %and3A_110 = arith.andi %get3A_102, %and3A_109 : vector<16xi32>
        %add3A_111 = arith.constant 32 : i32
        %add3A_112 = arith.addi %mul3A_89, %add3A_111 : i32
        %get3A_113 = arith.index_cast %add3A_112 : i32 to index
        %get3A_114 = tpu.vector_load %arg8[%get3A_113] {strides = array<i32>} : memref<4096xi32, #tpu.memory_space<vmem>>, vector<16xi32>,
        %get3A_115 = arith.index_cast %add3A_112 : i32 to index
        %get3A_116 = tpu.vector_load %arg9[%get3A_115] {strides = array<i32>} : memref<4096xf32, #tpu.memory_space<vmem>>, vector<16xf32>,
        %shift_right_logical3A_117 = arith.constant 14 : i32
        %shift_right_logical3A_118 = vector.broadcast %shift_right_logical3A_117 : i32 to vector<16xi32>
        %shift_right_logical3A_119 = arith.shrui %get3A_114, %shift_right_logical3A_118 : vector<16xi32>
        %and3A_120 = arith.constant 16383 : i32
        %and3A_121 = vector.broadcast %and3A_120 : i32 to vector<16xi32>
        %and3A_122 = arith.andi %get3A_114, %and3A_121 : vector<16xi32>
        %add3A_123 = arith.constant 48 : i32
        %add3A_124 = arith.addi %mul3A_89, %add3A_123 : i32
        %get3A_125 = arith.index_cast %add3A_124 : i32 to index
        %get3A_126 = tpu.vector_load %arg8[%get3A_125] {strides = array<i32>} : memref<4096xi32, #tpu.memory_space<vmem>>, vector<16xi32>,
        %get3A_127 = arith.index_cast %add3A_124 : i32 to index
        %get3A_128 = tpu.vector_load %arg9[%get3A_127] {strides = array<i32>} : memref<4096xf32, #tpu.memory_space<vmem>>, vector<16xf32>,
        %shift_right_logical3A_129 = arith.constant 14 : i32
        %shift_right_logical3A_130 = vector.broadcast %shift_right_logical3A_129 : i32 to vector<16xi32>
        %shift_right_logical3A_131 = arith.shrui %get3A_126, %shift_right_logical3A_130 : vector<16xi32>
        %and3A_132 = arith.constant 16383 : i32
        %and3A_133 = vector.broadcast %and3A_132 : i32 to vector<16xi32>
        %and3A_134 = arith.andi %get3A_126, %and3A_133 : vector<16xi32>
        %add3A_135 = arith.constant 64 : i32
        %add3A_136 = arith.addi %mul3A_89, %add3A_135 : i32
        %get3A_137 = arith.index_cast %add3A_136 : i32 to index
        %get3A_138 = tpu.vector_load %arg8[%get3A_137] {strides = array<i32>} : memref<4096xi32, #tpu.memory_space<vmem>>, vector<16xi32>,
        %get3A_139 = arith.index_cast %add3A_136 : i32 to index
        %get3A_140 = tpu.vector_load %arg9[%get3A_139] {strides = array<i32>} : memref<4096xf32, #tpu.memory_space<vmem>>, vector<16xf32>,
        %shift_right_logical3A_141 = arith.constant 14 : i32
        %shift_right_logical3A_142 = vector.broadcast %shift_right_logical3A_141 : i32 to vector<16xi32>
        %shift_right_logical3A_143 = arith.shrui %get3A_138, %shift_right_logical3A_142 : vector<16xi32>
        %and3A_144 = arith.constant 16383 : i32
        %and3A_145 = vector.broadcast %and3A_144 : i32 to vector<16xi32>
        %and3A_146 = arith.andi %get3A_138, %and3A_145 : vector<16xi32>
        %add3A_147 = arith.constant 80 : i32
        %add3A_148 = arith.addi %mul3A_89, %add3A_147 : i32
        %get3A_149 = arith.index_cast %add3A_148 : i32 to index
        %get3A_150 = tpu.vector_load %arg8[%get3A_149] {strides = array<i32>} : memref<4096xi32, #tpu.memory_space<vmem>>, vector<16xi32>,
        %get3A_151 = arith.index_cast %add3A_148 : i32 to index
        %get3A_152 = tpu.vector_load %arg9[%get3A_151] {strides = array<i32>} : memref<4096xf32, #tpu.memory_space<vmem>>, vector<16xf32>,
        %shift_right_logical3A_153 = arith.constant 14 : i32
        %shift_right_logical3A_154 = vector.broadcast %shift_right_logical3A_153 : i32 to vector<16xi32>
        %shift_right_logical3A_155 = arith.shrui %get3A_150, %shift_right_logical3A_154 : vector<16xi32>
        %and3A_156 = arith.constant 16383 : i32
        %and3A_157 = vector.broadcast %and3A_156 : i32 to vector<16xi32>
        %and3A_158 = arith.andi %get3A_150, %and3A_157 : vector<16xi32>
        %add3A_159 = arith.constant 96 : i32
        %add3A_160 = arith.addi %mul3A_89, %add3A_159 : i32
        %get3A_161 = arith.index_cast %add3A_160 : i32 to index
        %get3A_162 = tpu.vector_load %arg8[%get3A_161] {strides = array<i32>} : memref<4096xi32, #tpu.memory_space<vmem>>, vector<16xi32>,
        %get3A_163 = arith.index_cast %add3A_160 : i32 to index
        %get3A_164 = tpu.vector_load %arg9[%get3A_163] {strides = array<i32>} : memref<4096xf32, #tpu.memory_space<vmem>>, vector<16xf32>,
        %shift_right_logical3A_165 = arith.constant 14 : i32
        %shift_right_logical3A_166 = vector.broadcast %shift_right_logical3A_165 : i32 to vector<16xi32>
        %shift_right_logical3A_167 = arith.shrui %get3A_162, %shift_right_logical3A_166 : vector<16xi32>
        %and3A_168 = arith.constant 16383 : i32
        %and3A_169 = vector.broadcast %and3A_168 : i32 to vector<16xi32>
        %and3A_170 = arith.andi %get3A_162, %and3A_169 : vector<16xi32>
        %add3A_171 = arith.constant 112 : i32
        %add3A_172 = arith.addi %mul3A_89, %add3A_171 : i32
        %get3A_173 = arith.index_cast %add3A_172 : i32 to index
        %get3A_174 = tpu.vector_load %arg8[%get3A_173] {strides = array<i32>} : memref<4096xi32, #tpu.memory_space<vmem>>, vector<16xi32>,
        %get3A_175 = arith.index_cast %add3A_172 : i32 to index
        %get3A_176 = tpu.vector_load %arg9[%get3A_175] {strides = array<i32>} : memref<4096xf32, #tpu.memory_space<vmem>>, vector<16xf32>,
        %shift_right_logical3A_177 = arith.constant 14 : i32
        %shift_right_logical3A_178 = vector.broadcast %shift_right_logical3A_177 : i32 to vector<16xi32>
        %shift_right_logical3A_179 = arith.shrui %get3A_174, %shift_right_logical3A_178 : vector<16xi32>
        %and3A_180 = arith.constant 16383 : i32
        %and3A_181 = vector.broadcast %and3A_180 : i32 to vector<16xi32>
        %and3A_182 = arith.andi %get3A_174, %and3A_181 : vector<16xi32>
        %gather3A = tpu.vector_load_idx %arg6[%broadcast_in_dim3A_13, %shift_right_logical3A_96] : memref<4x10240xf32, #tpu.memory_space<vmem>>[vector<16xi32>, vector<16xi32>], vector<16xf32>,
        %gather3A_183 = tpu.vector_load_idx %arg6[%broadcast_in_dim3A_15, %shift_right_logical3A_96] : memref<4x10240xf32, #tpu.memory_space<vmem>>[vector<16xi32>, vector<16xi32>], vector<16xf32>,
        %gather3A_184 = tpu.vector_load_idx %arg6[%broadcast_in_dim3A_17, %shift_right_logical3A_96] : memref<4x10240xf32, #tpu.memory_space<vmem>>[vector<16xi32>, vector<16xi32>], vector<16xf32>,
        %gather3A_185 = tpu.vector_load_idx %arg6[%broadcast_in_dim3A_19, %shift_right_logical3A_96] : memref<4x10240xf32, #tpu.memory_space<vmem>>[vector<16xi32>, vector<16xi32>], vector<16xf32>,
        %gather3A_186 = tpu.vector_load_idx %arg6[%broadcast_in_dim3A_13, %shift_right_logical3A_107] : memref<4x10240xf32, #tpu.memory_space<vmem>>[vector<16xi32>, vector<16xi32>], vector<16xf32>,
        %gather3A_187 = tpu.vector_load_idx %arg6[%broadcast_in_dim3A_15, %shift_right_logical3A_107] : memref<4x10240xf32, #tpu.memory_space<vmem>>[vector<16xi32>, vector<16xi32>], vector<16xf32>,
        %gather3A_188 = tpu.vector_load_idx %arg6[%broadcast_in_dim3A_17, %shift_right_logical3A_107] : memref<4x10240xf32, #tpu.memory_space<vmem>>[vector<16xi32>, vector<16xi32>], vector<16xf32>,
        %gather3A_189 = tpu.vector_load_idx %arg6[%broadcast_in_dim3A_19, %shift_right_logical3A_107] : memref<4x10240xf32, #tpu.memory_space<vmem>>[vector<16xi32>, vector<16xi32>], vector<16xf32>,
        %gather3A_190 = tpu.vector_load_idx %arg6[%broadcast_in_dim3A_13, %shift_right_logical3A_119] : memref<4x10240xf32, #tpu.memory_space<vmem>>[vector<16xi32>, vector<16xi32>], vector<16xf32>,
        %gather3A_191 = tpu.vector_load_idx %arg6[%broadcast_in_dim3A_15, %shift_right_logical3A_119] : memref<4x10240xf32, #tpu.memory_space<vmem>>[vector<16xi32>, vector<16xi32>], vector<16xf32>,
        %gather3A_192 = tpu.vector_load_idx %arg6[%broadcast_in_dim3A_17, %shift_right_logical3A_119] : memref<4x10240xf32, #tpu.memory_space<vmem>>[vector<16xi32>, vector<16xi32>], vector<16xf32>,
        %gather3A_193 = tpu.vector_load_idx %arg6[%broadcast_in_dim3A_19, %shift_right_logical3A_119] : memref<4x10240xf32, #tpu.memory_space<vmem>>[vector<16xi32>, vector<16xi32>], vector<16xf32>,
        %gather3A_194 = tpu.vector_load_idx %arg6[%broadcast_in_dim3A_13, %shift_right_logical3A_131] : memref<4x10240xf32, #tpu.memory_space<vmem>>[vector<16xi32>, vector<16xi32>], vector<16xf32>,
        %gather3A_195 = tpu.vector_load_idx %arg6[%broadcast_in_dim3A_15, %shift_right_logical3A_131] : memref<4x10240xf32, #tpu.memory_space<vmem>>[vector<16xi32>, vector<16xi32>], vector<16xf32>,
        %gather3A_196 = tpu.vector_load_idx %arg6[%broadcast_in_dim3A_17, %shift_right_logical3A_131] : memref<4x10240xf32, #tpu.memory_space<vmem>>[vector<16xi32>, vector<16xi32>], vector<16xf32>,
        %gather3A_197 = tpu.vector_load_idx %arg6[%broadcast_in_dim3A_19, %shift_right_logical3A_131] : memref<4x10240xf32, #tpu.memory_space<vmem>>[vector<16xi32>, vector<16xi32>], vector<16xf32>,
        %gather3A_198 = tpu.vector_load_idx %arg6[%broadcast_in_dim3A_13, %shift_right_logical3A_143] : memref<4x10240xf32, #tpu.memory_space<vmem>>[vector<16xi32>, vector<16xi32>], vector<16xf32>,
        %gather3A_199 = tpu.vector_load_idx %arg6[%broadcast_in_dim3A_15, %shift_right_logical3A_143] : memref<4x10240xf32, #tpu.memory_space<vmem>>[vector<16xi32>, vector<16xi32>], vector<16xf32>,
        %gather3A_200 = tpu.vector_load_idx %arg6[%broadcast_in_dim3A_17, %shift_right_logical3A_143] : memref<4x10240xf32, #tpu.memory_space<vmem>>[vector<16xi32>, vector<16xi32>], vector<16xf32>,
        %gather3A_201 = tpu.vector_load_idx %arg6[%broadcast_in_dim3A_19, %shift_right_logical3A_143] : memref<4x10240xf32, #tpu.memory_space<vmem>>[vector<16xi32>, vector<16xi32>], vector<16xf32>,
        %gather3A_202 = tpu.vector_load_idx %arg6[%broadcast_in_dim3A_13, %shift_right_logical3A_155] : memref<4x10240xf32, #tpu.memory_space<vmem>>[vector<16xi32>, vector<16xi32>], vector<16xf32>,
        %gather3A_203 = tpu.vector_load_idx %arg6[%broadcast_in_dim3A_15, %shift_right_logical3A_155] : memref<4x10240xf32, #tpu.memory_space<vmem>>[vector<16xi32>, vector<16xi32>], vector<16xf32>,
        %gather3A_204 = tpu.vector_load_idx %arg6[%broadcast_in_dim3A_17, %shift_right_logical3A_155] : memref<4x10240xf32, #tpu.memory_space<vmem>>[vector<16xi32>, vector<16xi32>], vector<16xf32>,
        %gather3A_205 = tpu.vector_load_idx %arg6[%broadcast_in_dim3A_19, %shift_right_logical3A_155] : memref<4x10240xf32, #tpu.memory_space<vmem>>[vector<16xi32>, vector<16xi32>], vector<16xf32>,
        %gather3A_206 = tpu.vector_load_idx %arg6[%broadcast_in_dim3A_13, %shift_right_logical3A_167] : memref<4x10240xf32, #tpu.memory_space<vmem>>[vector<16xi32>, vector<16xi32>], vector<16xf32>,
        %gather3A_207 = tpu.vector_load_idx %arg6[%broadcast_in_dim3A_15, %shift_right_logical3A_167] : memref<4x10240xf32, #tpu.memory_space<vmem>>[vector<16xi32>, vector<16xi32>], vector<16xf32>,
        %gather3A_208 = tpu.vector_load_idx %arg6[%broadcast_in_dim3A_17, %shift_right_logical3A_167] : memref<4x10240xf32, #tpu.memory_space<vmem>>[vector<16xi32>, vector<16xi32>], vector<16xf32>,
        %gather3A_209 = tpu.vector_load_idx %arg6[%broadcast_in_dim3A_19, %shift_right_logical3A_167] : memref<4x10240xf32, #tpu.memory_space<vmem>>[vector<16xi32>, vector<16xi32>], vector<16xf32>,
        %gather3A_210 = tpu.vector_load_idx %arg6[%broadcast_in_dim3A_13, %shift_right_logical3A_179] : memref<4x10240xf32, #tpu.memory_space<vmem>>[vector<16xi32>, vector<16xi32>], vector<16xf32>,
        %gather3A_211 = tpu.vector_load_idx %arg6[%broadcast_in_dim3A_15, %shift_right_logical3A_179] : memref<4x10240xf32, #tpu.memory_space<vmem>>[vector<16xi32>, vector<16xi32>], vector<16xf32>,
        %gather3A_212 = tpu.vector_load_idx %arg6[%broadcast_in_dim3A_17, %shift_right_logical3A_179] : memref<4x10240xf32, #tpu.memory_space<vmem>>[vector<16xi32>, vector<16xi32>], vector<16xf32>,
        %gather3A_213 = tpu.vector_load_idx %arg6[%broadcast_in_dim3A_19, %shift_right_logical3A_179] : memref<4x10240xf32, #tpu.memory_space<vmem>>[vector<16xi32>, vector<16xi32>], vector<16xf32>,
        %mul3A_214 = arith.mulf %gather3A, %get3A_94 : vector<16xf32>
        %mul3A_215 = arith.mulf %gather3A_183, %get3A_94 : vector<16xf32>
        %mul3A_216 = arith.mulf %gather3A_184, %get3A_94 : vector<16xf32>
        %mul3A_217 = arith.mulf %gather3A_185, %get3A_94 : vector<16xf32>
        %mul3A_218 = arith.mulf %gather3A_186, %get3A_104 : vector<16xf32>
        %mul3A_219 = arith.mulf %gather3A_187, %get3A_104 : vector<16xf32>
        %mul3A_220 = arith.mulf %gather3A_188, %get3A_104 : vector<16xf32>
        %mul3A_221 = arith.mulf %gather3A_189, %get3A_104 : vector<16xf32>
        %mul3A_222 = arith.mulf %gather3A_190, %get3A_116 : vector<16xf32>
        %mul3A_223 = arith.mulf %gather3A_191, %get3A_116 : vector<16xf32>
        %mul3A_224 = arith.mulf %gather3A_192, %get3A_116 : vector<16xf32>
        %mul3A_225 = arith.mulf %gather3A_193, %get3A_116 : vector<16xf32>
        %mul3A_226 = arith.mulf %gather3A_194, %get3A_128 : vector<16xf32>
        %mul3A_227 = arith.mulf %gather3A_195, %get3A_128 : vector<16xf32>
        %mul3A_228 = arith.mulf %gather3A_196, %get3A_128 : vector<16xf32>
        %mul3A_229 = arith.mulf %gather3A_197, %get3A_128 : vector<16xf32>
        %mul3A_230 = arith.mulf %gather3A_198, %get3A_140 : vector<16xf32>
        %mul3A_231 = arith.mulf %gather3A_199, %get3A_140 : vector<16xf32>
        %mul3A_232 = arith.mulf %gather3A_200, %get3A_140 : vector<16xf32>
        %mul3A_233 = arith.mulf %gather3A_201, %get3A_140 : vector<16xf32>
        %mul3A_234 = arith.mulf %gather3A_202, %get3A_152 : vector<16xf32>
        %mul3A_235 = arith.mulf %gather3A_203, %get3A_152 : vector<16xf32>
        %mul3A_236 = arith.mulf %gather3A_204, %get3A_152 : vector<16xf32>
        %mul3A_237 = arith.mulf %gather3A_205, %get3A_152 : vector<16xf32>
        %mul3A_238 = arith.mulf %gather3A_206, %get3A_164 : vector<16xf32>
        %mul3A_239 = arith.mulf %gather3A_207, %get3A_164 : vector<16xf32>
        %mul3A_240 = arith.mulf %gather3A_208, %get3A_164 : vector<16xf32>
        %mul3A_241 = arith.mulf %gather3A_209, %get3A_164 : vector<16xf32>
        %mul3A_242 = arith.mulf %gather3A_210, %get3A_176 : vector<16xf32>
        %mul3A_243 = arith.mulf %gather3A_211, %get3A_176 : vector<16xf32>
        %mul3A_244 = arith.mulf %gather3A_212, %get3A_176 : vector<16xf32>
        %mul3A_245 = arith.mulf %gather3A_213, %get3A_176 : vector<16xf32>
        tpu.vector_store_idx %arg7[%broadcast_in_dim3A_13, %and3A_98], %mul3A_214 {add = true} : memref<4x10240xf32, #tpu.memory_space<vmem>>[vector<16xi32>, vector<16xi32>], vector<16xf32>,
        tpu.vector_store_idx %arg7[%broadcast_in_dim3A_15, %and3A_98], %mul3A_215 {add = true} : memref<4x10240xf32, #tpu.memory_space<vmem>>[vector<16xi32>, vector<16xi32>], vector<16xf32>,
        tpu.vector_store_idx %arg7[%broadcast_in_dim3A_17, %and3A_98], %mul3A_216 {add = true} : memref<4x10240xf32, #tpu.memory_space<vmem>>[vector<16xi32>, vector<16xi32>], vector<16xf32>,
        tpu.vector_store_idx %arg7[%broadcast_in_dim3A_19, %and3A_98], %mul3A_217 {add = true} : memref<4x10240xf32, #tpu.memory_space<vmem>>[vector<16xi32>, vector<16xi32>], vector<16xf32>,
        tpu.vector_store_idx %arg7[%broadcast_in_dim3A_13, %and3A_110], %mul3A_218 {add = true} : memref<4x10240xf32, #tpu.memory_space<vmem>>[vector<16xi32>, vector<16xi32>], vector<16xf32>,
        tpu.vector_store_idx %arg7[%broadcast_in_dim3A_15, %and3A_110], %mul3A_219 {add = true} : memref<4x10240xf32, #tpu.memory_space<vmem>>[vector<16xi32>, vector<16xi32>], vector<16xf32>,
        tpu.vector_store_idx %arg7[%broadcast_in_dim3A_17, %and3A_110], %mul3A_220 {add = true} : memref<4x10240xf32, #tpu.memory_space<vmem>>[vector<16xi32>, vector<16xi32>], vector<16xf32>,
        tpu.vector_store_idx %arg7[%broadcast_in_dim3A_19, %and3A_110], %mul3A_221 {add = true} : memref<4x10240xf32, #tpu.memory_space<vmem>>[vector<16xi32>, vector<16xi32>], vector<16xf32>,
        tpu.vector_store_idx %arg7[%broadcast_in_dim3A_13, %and3A_122], %mul3A_222 {add = true} : memref<4x10240xf32, #tpu.memory_space<vmem>>[vector<16xi32>, vector<16xi32>], vector<16xf32>,
        tpu.vector_store_idx %arg7[%broadcast_in_dim3A_15, %and3A_122], %mul3A_223 {add = true} : memref<4x10240xf32, #tpu.memory_space<vmem>>[vector<16xi32>, vector<16xi32>], vector<16xf32>,
        tpu.vector_store_idx %arg7[%broadcast_in_dim3A_17, %and3A_122], %mul3A_224 {add = true} : memref<4x10240xf32, #tpu.memory_space<vmem>>[vector<16xi32>, vector<16xi32>], vector<16xf32>,
        tpu.vector_store_idx %arg7[%broadcast_in_dim3A_19, %and3A_122], %mul3A_225 {add = true} : memref<4x10240xf32, #tpu.memory_space<vmem>>[vector<16xi32>, vector<16xi32>], vector<16xf32>,
        tpu.vector_store_idx %arg7[%broadcast_in_dim3A_13, %and3A_134], %mul3A_226 {add = true} : memref<4x10240xf32, #tpu.memory_space<vmem>>[vector<16xi32>, vector<16xi32>], vector<16xf32>,
        tpu.vector_store_idx %arg7[%broadcast_in_dim3A_15, %and3A_134], %mul3A_227 {add = true} : memref<4x10240xf32, #tpu.memory_space<vmem>>[vector<16xi32>, vector<16xi32>], vector<16xf32>,
        tpu.vector_store_idx %arg7[%broadcast_in_dim3A_17, %and3A_134], %mul3A_228 {add = true} : memref<4x10240xf32, #tpu.memory_space<vmem>>[vector<16xi32>, vector<16xi32>], vector<16xf32>,
        tpu.vector_store_idx %arg7[%broadcast_in_dim3A_19, %and3A_134], %mul3A_229 {add = true} : memref<4x10240xf32, #tpu.memory_space<vmem>>[vector<16xi32>, vector<16xi32>], vector<16xf32>,
        tpu.vector_store_idx %arg7[%broadcast_in_dim3A_13, %and3A_146], %mul3A_230 {add = true} : memref<4x10240xf32, #tpu.memory_space<vmem>>[vector<16xi32>, vector<16xi32>], vector<16xf32>,
        tpu.vector_store_idx %arg7[%broadcast_in_dim3A_15, %and3A_146], %mul3A_231 {add = true} : memref<4x10240xf32, #tpu.memory_space<vmem>>[vector<16xi32>, vector<16xi32>], vector<16xf32>,
        tpu.vector_store_idx %arg7[%broadcast_in_dim3A_17, %and3A_146], %mul3A_232 {add = true} : memref<4x10240xf32, #tpu.memory_space<vmem>>[vector<16xi32>, vector<16xi32>], vector<16xf32>,
        tpu.vector_store_idx %arg7[%broadcast_in_dim3A_19, %and3A_146], %mul3A_233 {add = true} : memref<4x10240xf32, #tpu.memory_space<vmem>>[vector<16xi32>, vector<16xi32>], vector<16xf32>,
        tpu.vector_store_idx %arg7[%broadcast_in_dim3A_13, %and3A_158], %mul3A_234 {add = true} : memref<4x10240xf32, #tpu.memory_space<vmem>>[vector<16xi32>, vector<16xi32>], vector<16xf32>,
        tpu.vector_store_idx %arg7[%broadcast_in_dim3A_15, %and3A_158], %mul3A_235 {add = true} : memref<4x10240xf32, #tpu.memory_space<vmem>>[vector<16xi32>, vector<16xi32>], vector<16xf32>,
        tpu.vector_store_idx %arg7[%broadcast_in_dim3A_17, %and3A_158], %mul3A_236 {add = true} : memref<4x10240xf32, #tpu.memory_space<vmem>>[vector<16xi32>, vector<16xi32>], vector<16xf32>,
        tpu.vector_store_idx %arg7[%broadcast_in_dim3A_19, %and3A_158], %mul3A_237 {add = true} : memref<4x10240xf32, #tpu.memory_space<vmem>>[vector<16xi32>, vector<16xi32>], vector<16xf32>,
        tpu.vector_store_idx %arg7[%broadcast_in_dim3A_13, %and3A_170], %mul3A_238 {add = true} : memref<4x10240xf32, #tpu.memory_space<vmem>>[vector<16xi32>, vector<16xi32>], vector<16xf32>,
        tpu.vector_store_idx %arg7[%broadcast_in_dim3A_15, %and3A_170], %mul3A_239 {add = true} : memref<4x10240xf32, #tpu.memory_space<vmem>>[vector<16xi32>, vector<16xi32>], vector<16xf32>,
        tpu.vector_store_idx %arg7[%broadcast_in_dim3A_17, %and3A_170], %mul3A_240 {add = true} : memref<4x10240xf32, #tpu.memory_space<vmem>>[vector<16xi32>, vector<16xi32>], vector<16xf32>,
        tpu.vector_store_idx %arg7[%broadcast_in_dim3A_19, %and3A_170], %mul3A_241 {add = true} : memref<4x10240xf32, #tpu.memory_space<vmem>>[vector<16xi32>, vector<16xi32>], vector<16xf32>,
        tpu.vector_store_idx %arg7[%broadcast_in_dim3A_13, %and3A_182], %mul3A_242 {add = true} : memref<4x10240xf32, #tpu.memory_space<vmem>>[vector<16xi32>, vector<16xi32>], vector<16xf32>,
        tpu.vector_store_idx %arg7[%broadcast_in_dim3A_15, %and3A_182], %mul3A_243 {add = true} : memref<4x10240xf32, #tpu.memory_space<vmem>>[vector<16xi32>, vector<16xi32>], vector<16xf32>,
        tpu.vector_store_idx %arg7[%broadcast_in_dim3A_17, %and3A_182], %mul3A_244 {add = true} : memref<4x10240xf32, #tpu.memory_space<vmem>>[vector<16xi32>, vector<16xi32>], vector<16xf32>,
        tpu.vector_store_idx %arg7[%broadcast_in_dim3A_19, %and3A_182], %mul3A_245 {add = true} : memref<4x10240xf32, #tpu.memory_space<vmem>>[vector<16xi32>, vector<16xi32>], vector<16xf32>,
      }
      %dma_wait3A_66 = arith.constant 0 : i32
      %dma_wait3A_67 = tpu.memref_slice %arg2[%dma_wait3A_66] : memref<344064xi32, #tpu.memory_space<hbm>> -> memref<4096xi32, #tpu.memory_space<hbm>>
      %dma_wait3A_68 = arith.constant 0 : i32
      %dma_wait3A_69 = tpu.memref_slice %arg2[%dma_wait3A_68] : memref<344064xi32, #tpu.memory_space<hbm>> -> memref<4096xi32, #tpu.memory_space<hbm>>
      tpu.wait_dma2 semaphore(%arg13 : memref<!tpu.dma_semaphore, #tpu.memory_space<semaphore_mem>>) src(%dma_wait3A_69 : memref<4096xi32, #tpu.memory_space<hbm>>) dst(%arg10 : memref<4096xi32, #tpu.memory_space<vmem>>)
      %dma_wait3A_70 = arith.constant 0 : i32
      %dma_wait3A_71 = tpu.memref_slice %arg3[%dma_wait3A_70] : memref<344064xf32, #tpu.memory_space<hbm>> -> memref<4096xf32, #tpu.memory_space<hbm>>
      %dma_wait3A_72 = arith.constant 0 : i32
      %dma_wait3A_73 = tpu.memref_slice %arg3[%dma_wait3A_72] : memref<344064xf32, #tpu.memory_space<hbm>> -> memref<4096xf32, #tpu.memory_space<hbm>>
      tpu.wait_dma2 semaphore(%arg13 : memref<!tpu.dma_semaphore, #tpu.memory_space<semaphore_mem>>) src(%dma_wait3A_73 : memref<4096xf32, #tpu.memory_space<hbm>>) dst(%arg11 : memref<4096xf32, #tpu.memory_space<vmem>>)
      %lt3A = arith.constant 41 : i32
      %lt3A_74 = arith.cmpi slt, %while3A_37, %lt3A : i32
      %convert_element_type3A = arith.extui %lt3A_74 : i1 to i32
      %cond3A = arith.constant 0 : i32
      %cond3A_75 = arith.cmpi ne, %convert_element_type3A, %cond3A : i32
      scf.if %cond3A_75 {
        %add3A_87 = arith.constant 2 : i32
        %add3A_88 = arith.addi %mul3A_39, %add3A_87 : i32
        %mul3A_89 = arith.constant 4096 : i32
        %mul3A_90 = arith.muli %add3A_88, %mul3A_89 : i32
        %dma_start3A_91 = tpu.memref_slice %arg2[%mul3A_90] : memref<344064xi32, #tpu.memory_space<hbm>> -> memref<4096xi32, #tpu.memory_space<hbm>>
        %dma_start3A_92 = tpu.memref_slice %arg2[%mul3A_90] : memref<344064xi32, #tpu.memory_space<hbm>> -> memref<4096xi32, #tpu.memory_space<hbm>>
        tpu.enqueue_dma source(%dma_start3A_92 : memref<4096xi32, #tpu.memory_space<hbm>>) target(%arg8 : memref<4096xi32, #tpu.memory_space<vmem>>) target_semaphore(%arg12 : memref<!tpu.dma_semaphore, #tpu.memory_space<semaphore_mem>>)
        %dma_start3A_93 = tpu.memref_slice %arg3[%mul3A_90] : memref<344064xf32, #tpu.memory_space<hbm>> -> memref<4096xf32, #tpu.memory_space<hbm>>
        %dma_start3A_94 = tpu.memref_slice %arg3[%mul3A_90] : memref<344064xf32, #tpu.memory_space<hbm>> -> memref<4096xf32, #tpu.memory_space<hbm>>
        tpu.enqueue_dma source(%dma_start3A_94 : memref<4096xf32, #tpu.memory_space<hbm>>) target(%arg9 : memref<4096xf32, #tpu.memory_space<vmem>>) target_semaphore(%arg12 : memref<!tpu.dma_semaphore, #tpu.memory_space<semaphore_mem>>)
      } else {
      }
      %while3A_76 = arith.constant 0 : i64
      %while3A_77 = arith.constant 0 : i32
      %while3A_78 = arith.constant 32 : i32
      %while3A_79 = arith.subi %while3A_78, %while3A_77 : i32
      %while3A_80 = arith.addi %while3A_77, %while3A_79 : i32
      %while3A_81 = arith.constant 1 : i32
      %while3A_82 = arith.divsi %while3A_79, %while3A_81 : i32
      %while3A_83 = arith.muli %while3A_82, %while3A_81 : i32
      %while3A_84 = arith.addi %while3A_77, %while3A_83 : i32
      %while3A_85 = arith.constant 1 : i32
      scf.for %while3A_87 = %while3A_77 to %while3A_84 step %while3A_85  : i32 {
        %mul3A_88 = arith.constant 128 : i32
        %mul3A_89 = arith.muli %while3A_87, %mul3A_88 : i32
        %add3A_90 = arith.constant 0 : i32
        %add3A_91 = arith.addi %mul3A_89, %add3A_90 : i32
        %get3A = arith.index_cast %add3A_91 : i32 to index
        %get3A_92 = tpu.vector_load %arg10[%get3A] {strides = array<i32>} : memref<4096xi32, #tpu.memory_space<vmem>>, vector<16xi32>,
        %get3A_93 = arith.index_cast %add3A_91 : i32 to index
        %get3A_94 = tpu.vector_load %arg11[%get3A_93] {strides = array<i32>} : memref<4096xf32, #tpu.memory_space<vmem>>, vector<16xf32>,
        %shift_right_logical3A = arith.constant 14 : i32
        %shift_right_logical3A_95 = vector.broadcast %shift_right_logical3A : i32 to vector<16xi32>
        %shift_right_logical3A_96 = arith.shrui %get3A_92, %shift_right_logical3A_95 : vector<16xi32>
        %and3A = arith.constant 16383 : i32
        %and3A_97 = vector.broadcast %and3A : i32 to vector<16xi32>
        %and3A_98 = arith.andi %get3A_92, %and3A_97 : vector<16xi32>
        %add3A_99 = arith.constant 16 : i32
        %add3A_100 = arith.addi %mul3A_89, %add3A_99 : i32
        %get3A_101 = arith.index_cast %add3A_100 : i32 to index
        %get3A_102 = tpu.vector_load %arg10[%get3A_101] {strides = array<i32>} : memref<4096xi32, #tpu.memory_space<vmem>>, vector<16xi32>,
        %get3A_103 = arith.index_cast %add3A_100 : i32 to index
        %get3A_104 = tpu.vector_load %arg11[%get3A_103] {strides = array<i32>} : memref<4096xf32, #tpu.memory_space<vmem>>, vector<16xf32>,
        %shift_right_logical3A_105 = arith.constant 14 : i32
        %shift_right_logical3A_106 = vector.broadcast %shift_right_logical3A_105 : i32 to vector<16xi32>
        %shift_right_logical3A_107 = arith.shrui %get3A_102, %shift_right_logical3A_106 : vector<16xi32>
        %and3A_108 = arith.constant 16383 : i32
        %and3A_109 = vector.broadcast %and3A_108 : i32 to vector<16xi32>
        %and3A_110 = arith.andi %get3A_102, %and3A_109 : vector<16xi32>
        %add3A_111 = arith.constant 32 : i32
        %add3A_112 = arith.addi %mul3A_89, %add3A_111 : i32
        %get3A_113 = arith.index_cast %add3A_112 : i32 to index
        %get3A_114 = tpu.vector_load %arg10[%get3A_113] {strides = array<i32>} : memref<4096xi32, #tpu.memory_space<vmem>>, vector<16xi32>,
        %get3A_115 = arith.index_cast %add3A_112 : i32 to index
        %get3A_116 = tpu.vector_load %arg11[%get3A_115] {strides = array<i32>} : memref<4096xf32, #tpu.memory_space<vmem>>, vector<16xf32>,
        %shift_right_logical3A_117 = arith.constant 14 : i32
        %shift_right_logical3A_118 = vector.broadcast %shift_right_logical3A_117 : i32 to vector<16xi32>
        %shift_right_logical3A_119 = arith.shrui %get3A_114, %shift_right_logical3A_118 : vector<16xi32>
        %and3A_120 = arith.constant 16383 : i32
        %and3A_121 = vector.broadcast %and3A_120 : i32 to vector<16xi32>
        %and3A_122 = arith.andi %get3A_114, %and3A_121 : vector<16xi32>
        %add3A_123 = arith.constant 48 : i32
        %add3A_124 = arith.addi %mul3A_89, %add3A_123 : i32
        %get3A_125 = arith.index_cast %add3A_124 : i32 to index
        %get3A_126 = tpu.vector_load %arg10[%get3A_125] {strides = array<i32>} : memref<4096xi32, #tpu.memory_space<vmem>>, vector<16xi32>,
        %get3A_127 = arith.index_cast %add3A_124 : i32 to index
        %get3A_128 = tpu.vector_load %arg11[%get3A_127] {strides = array<i32>} : memref<4096xf32, #tpu.memory_space<vmem>>, vector<16xf32>,
        %shift_right_logical3A_129 = arith.constant 14 : i32
        %shift_right_logical3A_130 = vector.broadcast %shift_right_logical3A_129 : i32 to vector<16xi32>
        %shift_right_logical3A_131 = arith.shrui %get3A_126, %shift_right_logical3A_130 : vector<16xi32>
        %and3A_132 = arith.constant 16383 : i32
        %and3A_133 = vector.broadcast %and3A_132 : i32 to vector<16xi32>
        %and3A_134 = arith.andi %get3A_126, %and3A_133 : vector<16xi32>
        %add3A_135 = arith.constant 64 : i32
        %add3A_136 = arith.addi %mul3A_89, %add3A_135 : i32
        %get3A_137 = arith.index_cast %add3A_136 : i32 to index
        %get3A_138 = tpu.vector_load %arg10[%get3A_137] {strides = array<i32>} : memref<4096xi32, #tpu.memory_space<vmem>>, vector<16xi32>,
        %get3A_139 = arith.index_cast %add3A_136 : i32 to index
        %get3A_140 = tpu.vector_load %arg11[%get3A_139] {strides = array<i32>} : memref<4096xf32, #tpu.memory_space<vmem>>, vector<16xf32>,
        %shift_right_logical3A_141 = arith.constant 14 : i32
        %shift_right_logical3A_142 = vector.broadcast %shift_right_logical3A_141 : i32 to vector<16xi32>
        %shift_right_logical3A_143 = arith.shrui %get3A_138, %shift_right_logical3A_142 : vector<16xi32>
        %and3A_144 = arith.constant 16383 : i32
        %and3A_145 = vector.broadcast %and3A_144 : i32 to vector<16xi32>
        %and3A_146 = arith.andi %get3A_138, %and3A_145 : vector<16xi32>
        %add3A_147 = arith.constant 80 : i32
        %add3A_148 = arith.addi %mul3A_89, %add3A_147 : i32
        %get3A_149 = arith.index_cast %add3A_148 : i32 to index
        %get3A_150 = tpu.vector_load %arg10[%get3A_149] {strides = array<i32>} : memref<4096xi32, #tpu.memory_space<vmem>>, vector<16xi32>,
        %get3A_151 = arith.index_cast %add3A_148 : i32 to index
        %get3A_152 = tpu.vector_load %arg11[%get3A_151] {strides = array<i32>} : memref<4096xf32, #tpu.memory_space<vmem>>, vector<16xf32>,
        %shift_right_logical3A_153 = arith.constant 14 : i32
        %shift_right_logical3A_154 = vector.broadcast %shift_right_logical3A_153 : i32 to vector<16xi32>
        %shift_right_logical3A_155 = arith.shrui %get3A_150, %shift_right_logical3A_154 : vector<16xi32>
        %and3A_156 = arith.constant 16383 : i32
        %and3A_157 = vector.broadcast %and3A_156 : i32 to vector<16xi32>
        %and3A_158 = arith.andi %get3A_150, %and3A_157 : vector<16xi32>
        %add3A_159 = arith.constant 96 : i32
        %add3A_160 = arith.addi %mul3A_89, %add3A_159 : i32
        %get3A_161 = arith.index_cast %add3A_160 : i32 to index
        %get3A_162 = tpu.vector_load %arg10[%get3A_161] {strides = array<i32>} : memref<4096xi32, #tpu.memory_space<vmem>>, vector<16xi32>,
        %get3A_163 = arith.index_cast %add3A_160 : i32 to index
        %get3A_164 = tpu.vector_load %arg11[%get3A_163] {strides = array<i32>} : memref<4096xf32, #tpu.memory_space<vmem>>, vector<16xf32>,
        %shift_right_logical3A_165 = arith.constant 14 : i32
        %shift_right_logical3A_166 = vector.broadcast %shift_right_logical3A_165 : i32 to vector<16xi32>
        %shift_right_logical3A_167 = arith.shrui %get3A_162, %shift_right_logical3A_166 : vector<16xi32>
        %and3A_168 = arith.constant 16383 : i32
        %and3A_169 = vector.broadcast %and3A_168 : i32 to vector<16xi32>
        %and3A_170 = arith.andi %get3A_162, %and3A_169 : vector<16xi32>
        %add3A_171 = arith.constant 112 : i32
        %add3A_172 = arith.addi %mul3A_89, %add3A_171 : i32
        %get3A_173 = arith.index_cast %add3A_172 : i32 to index
        %get3A_174 = tpu.vector_load %arg10[%get3A_173] {strides = array<i32>} : memref<4096xi32, #tpu.memory_space<vmem>>, vector<16xi32>,
        %get3A_175 = arith.index_cast %add3A_172 : i32 to index
        %get3A_176 = tpu.vector_load %arg11[%get3A_175] {strides = array<i32>} : memref<4096xf32, #tpu.memory_space<vmem>>, vector<16xf32>,
        %shift_right_logical3A_177 = arith.constant 14 : i32
        %shift_right_logical3A_178 = vector.broadcast %shift_right_logical3A_177 : i32 to vector<16xi32>
        %shift_right_logical3A_179 = arith.shrui %get3A_174, %shift_right_logical3A_178 : vector<16xi32>
        %and3A_180 = arith.constant 16383 : i32
        %and3A_181 = vector.broadcast %and3A_180 : i32 to vector<16xi32>
        %and3A_182 = arith.andi %get3A_174, %and3A_181 : vector<16xi32>
        %gather3A = tpu.vector_load_idx %arg6[%broadcast_in_dim3A_13, %shift_right_logical3A_96] : memref<4x10240xf32, #tpu.memory_space<vmem>>[vector<16xi32>, vector<16xi32>], vector<16xf32>,
        %gather3A_183 = tpu.vector_load_idx %arg6[%broadcast_in_dim3A_15, %shift_right_logical3A_96] : memref<4x10240xf32, #tpu.memory_space<vmem>>[vector<16xi32>, vector<16xi32>], vector<16xf32>,
        %gather3A_184 = tpu.vector_load_idx %arg6[%broadcast_in_dim3A_17, %shift_right_logical3A_96] : memref<4x10240xf32, #tpu.memory_space<vmem>>[vector<16xi32>, vector<16xi32>], vector<16xf32>,
        %gather3A_185 = tpu.vector_load_idx %arg6[%broadcast_in_dim3A_19, %shift_right_logical3A_96] : memref<4x10240xf32, #tpu.memory_space<vmem>>[vector<16xi32>, vector<16xi32>], vector<16xf32>,
        %gather3A_186 = tpu.vector_load_idx %arg6[%broadcast_in_dim3A_13, %shift_right_logical3A_107] : memref<4x10240xf32, #tpu.memory_space<vmem>>[vector<16xi32>, vector<16xi32>], vector<16xf32>,
        %gather3A_187 = tpu.vector_load_idx %arg6[%broadcast_in_dim3A_15, %shift_right_logical3A_107] : memref<4x10240xf32, #tpu.memory_space<vmem>>[vector<16xi32>, vector<16xi32>], vector<16xf32>,
        %gather3A_188 = tpu.vector_load_idx %arg6[%broadcast_in_dim3A_17, %shift_right_logical3A_107] : memref<4x10240xf32, #tpu.memory_space<vmem>>[vector<16xi32>, vector<16xi32>], vector<16xf32>,
        %gather3A_189 = tpu.vector_load_idx %arg6[%broadcast_in_dim3A_19, %shift_right_logical3A_107] : memref<4x10240xf32, #tpu.memory_space<vmem>>[vector<16xi32>, vector<16xi32>], vector<16xf32>,
        %gather3A_190 = tpu.vector_load_idx %arg6[%broadcast_in_dim3A_13, %shift_right_logical3A_119] : memref<4x10240xf32, #tpu.memory_space<vmem>>[vector<16xi32>, vector<16xi32>], vector<16xf32>,
        %gather3A_191 = tpu.vector_load_idx %arg6[%broadcast_in_dim3A_15, %shift_right_logical3A_119] : memref<4x10240xf32, #tpu.memory_space<vmem>>[vector<16xi32>, vector<16xi32>], vector<16xf32>,
        %gather3A_192 = tpu.vector_load_idx %arg6[%broadcast_in_dim3A_17, %shift_right_logical3A_119] : memref<4x10240xf32, #tpu.memory_space<vmem>>[vector<16xi32>, vector<16xi32>], vector<16xf32>,
        %gather3A_193 = tpu.vector_load_idx %arg6[%broadcast_in_dim3A_19, %shift_right_logical3A_119] : memref<4x10240xf32, #tpu.memory_space<vmem>>[vector<16xi32>, vector<16xi32>], vector<16xf32>,
        %gather3A_194 = tpu.vector_load_idx %arg6[%broadcast_in_dim3A_13, %shift_right_logical3A_131] : memref<4x10240xf32, #tpu.memory_space<vmem>>[vector<16xi32>, vector<16xi32>], vector<16xf32>,
        %gather3A_195 = tpu.vector_load_idx %arg6[%broadcast_in_dim3A_15, %shift_right_logical3A_131] : memref<4x10240xf32, #tpu.memory_space<vmem>>[vector<16xi32>, vector<16xi32>], vector<16xf32>,
        %gather3A_196 = tpu.vector_load_idx %arg6[%broadcast_in_dim3A_17, %shift_right_logical3A_131] : memref<4x10240xf32, #tpu.memory_space<vmem>>[vector<16xi32>, vector<16xi32>], vector<16xf32>,
        %gather3A_197 = tpu.vector_load_idx %arg6[%broadcast_in_dim3A_19, %shift_right_logical3A_131] : memref<4x10240xf32, #tpu.memory_space<vmem>>[vector<16xi32>, vector<16xi32>], vector<16xf32>,
        %gather3A_198 = tpu.vector_load_idx %arg6[%broadcast_in_dim3A_13, %shift_right_logical3A_143] : memref<4x10240xf32, #tpu.memory_space<vmem>>[vector<16xi32>, vector<16xi32>], vector<16xf32>,
        %gather3A_199 = tpu.vector_load_idx %arg6[%broadcast_in_dim3A_15, %shift_right_logical3A_143] : memref<4x10240xf32, #tpu.memory_space<vmem>>[vector<16xi32>, vector<16xi32>], vector<16xf32>,
        %gather3A_200 = tpu.vector_load_idx %arg6[%broadcast_in_dim3A_17, %shift_right_logical3A_143] : memref<4x10240xf32, #tpu.memory_space<vmem>>[vector<16xi32>, vector<16xi32>], vector<16xf32>,
        %gather3A_201 = tpu.vector_load_idx %arg6[%broadcast_in_dim3A_19, %shift_right_logical3A_143] : memref<4x10240xf32, #tpu.memory_space<vmem>>[vector<16xi32>, vector<16xi32>], vector<16xf32>,
        %gather3A_202 = tpu.vector_load_idx %arg6[%broadcast_in_dim3A_13, %shift_right_logical3A_155] : memref<4x10240xf32, #tpu.memory_space<vmem>>[vector<16xi32>, vector<16xi32>], vector<16xf32>,
        %gather3A_203 = tpu.vector_load_idx %arg6[%broadcast_in_dim3A_15, %shift_right_logical3A_155] : memref<4x10240xf32, #tpu.memory_space<vmem>>[vector<16xi32>, vector<16xi32>], vector<16xf32>,
        %gather3A_204 = tpu.vector_load_idx %arg6[%broadcast_in_dim3A_17, %shift_right_logical3A_155] : memref<4x10240xf32, #tpu.memory_space<vmem>>[vector<16xi32>, vector<16xi32>], vector<16xf32>,
        %gather3A_205 = tpu.vector_load_idx %arg6[%broadcast_in_dim3A_19, %shift_right_logical3A_155] : memref<4x10240xf32, #tpu.memory_space<vmem>>[vector<16xi32>, vector<16xi32>], vector<16xf32>,
        %gather3A_206 = tpu.vector_load_idx %arg6[%broadcast_in_dim3A_13, %shift_right_logical3A_167] : memref<4x10240xf32, #tpu.memory_space<vmem>>[vector<16xi32>, vector<16xi32>], vector<16xf32>,
        %gather3A_207 = tpu.vector_load_idx %arg6[%broadcast_in_dim3A_15, %shift_right_logical3A_167] : memref<4x10240xf32, #tpu.memory_space<vmem>>[vector<16xi32>, vector<16xi32>], vector<16xf32>,
        %gather3A_208 = tpu.vector_load_idx %arg6[%broadcast_in_dim3A_17, %shift_right_logical3A_167] : memref<4x10240xf32, #tpu.memory_space<vmem>>[vector<16xi32>, vector<16xi32>], vector<16xf32>,
        %gather3A_209 = tpu.vector_load_idx %arg6[%broadcast_in_dim3A_19, %shift_right_logical3A_167] : memref<4x10240xf32, #tpu.memory_space<vmem>>[vector<16xi32>, vector<16xi32>], vector<16xf32>,
        %gather3A_210 = tpu.vector_load_idx %arg6[%broadcast_in_dim3A_13, %shift_right_logical3A_179] : memref<4x10240xf32, #tpu.memory_space<vmem>>[vector<16xi32>, vector<16xi32>], vector<16xf32>,
        %gather3A_211 = tpu.vector_load_idx %arg6[%broadcast_in_dim3A_15, %shift_right_logical3A_179] : memref<4x10240xf32, #tpu.memory_space<vmem>>[vector<16xi32>, vector<16xi32>], vector<16xf32>,
        %gather3A_212 = tpu.vector_load_idx %arg6[%broadcast_in_dim3A_17, %shift_right_logical3A_179] : memref<4x10240xf32, #tpu.memory_space<vmem>>[vector<16xi32>, vector<16xi32>], vector<16xf32>,
        %gather3A_213 = tpu.vector_load_idx %arg6[%broadcast_in_dim3A_19, %shift_right_logical3A_179] : memref<4x10240xf32, #tpu.memory_space<vmem>>[vector<16xi32>, vector<16xi32>], vector<16xf32>,
        %mul3A_214 = arith.mulf %gather3A, %get3A_94 : vector<16xf32>
        %mul3A_215 = arith.mulf %gather3A_183, %get3A_94 : vector<16xf32>
        %mul3A_216 = arith.mulf %gather3A_184, %get3A_94 : vector<16xf32>
        %mul3A_217 = arith.mulf %gather3A_185, %get3A_94 : vector<16xf32>
        %mul3A_218 = arith.mulf %gather3A_186, %get3A_104 : vector<16xf32>
        %mul3A_219 = arith.mulf %gather3A_187, %get3A_104 : vector<16xf32>
        %mul3A_220 = arith.mulf %gather3A_188, %get3A_104 : vector<16xf32>
        %mul3A_221 = arith.mulf %gather3A_189, %get3A_104 : vector<16xf32>
        %mul3A_222 = arith.mulf %gather3A_190, %get3A_116 : vector<16xf32>
        %mul3A_223 = arith.mulf %gather3A_191, %get3A_116 : vector<16xf32>
        %mul3A_224 = arith.mulf %gather3A_192, %get3A_116 : vector<16xf32>
        %mul3A_225 = arith.mulf %gather3A_193, %get3A_116 : vector<16xf32>
        %mul3A_226 = arith.mulf %gather3A_194, %get3A_128 : vector<16xf32>
        %mul3A_227 = arith.mulf %gather3A_195, %get3A_128 : vector<16xf32>
        %mul3A_228 = arith.mulf %gather3A_196, %get3A_128 : vector<16xf32>
        %mul3A_229 = arith.mulf %gather3A_197, %get3A_128 : vector<16xf32>
        %mul3A_230 = arith.mulf %gather3A_198, %get3A_140 : vector<16xf32>
        %mul3A_231 = arith.mulf %gather3A_199, %get3A_140 : vector<16xf32>
        %mul3A_232 = arith.mulf %gather3A_200, %get3A_140 : vector<16xf32>
        %mul3A_233 = arith.mulf %gather3A_201, %get3A_140 : vector<16xf32>
        %mul3A_234 = arith.mulf %gather3A_202, %get3A_152 : vector<16xf32>
        %mul3A_235 = arith.mulf %gather3A_203, %get3A_152 : vector<16xf32>
        %mul3A_236 = arith.mulf %gather3A_204, %get3A_152 : vector<16xf32>
        %mul3A_237 = arith.mulf %gather3A_205, %get3A_152 : vector<16xf32>
        %mul3A_238 = arith.mulf %gather3A_206, %get3A_164 : vector<16xf32>
        %mul3A_239 = arith.mulf %gather3A_207, %get3A_164 : vector<16xf32>
        %mul3A_240 = arith.mulf %gather3A_208, %get3A_164 : vector<16xf32>
        %mul3A_241 = arith.mulf %gather3A_209, %get3A_164 : vector<16xf32>
        %mul3A_242 = arith.mulf %gather3A_210, %get3A_176 : vector<16xf32>
        %mul3A_243 = arith.mulf %gather3A_211, %get3A_176 : vector<16xf32>
        %mul3A_244 = arith.mulf %gather3A_212, %get3A_176 : vector<16xf32>
        %mul3A_245 = arith.mulf %gather3A_213, %get3A_176 : vector<16xf32>
        tpu.vector_store_idx %arg7[%broadcast_in_dim3A_13, %and3A_98], %mul3A_214 {add = true} : memref<4x10240xf32, #tpu.memory_space<vmem>>[vector<16xi32>, vector<16xi32>], vector<16xf32>,
        tpu.vector_store_idx %arg7[%broadcast_in_dim3A_15, %and3A_98], %mul3A_215 {add = true} : memref<4x10240xf32, #tpu.memory_space<vmem>>[vector<16xi32>, vector<16xi32>], vector<16xf32>,
        tpu.vector_store_idx %arg7[%broadcast_in_dim3A_17, %and3A_98], %mul3A_216 {add = true} : memref<4x10240xf32, #tpu.memory_space<vmem>>[vector<16xi32>, vector<16xi32>], vector<16xf32>,
        tpu.vector_store_idx %arg7[%broadcast_in_dim3A_19, %and3A_98], %mul3A_217 {add = true} : memref<4x10240xf32, #tpu.memory_space<vmem>>[vector<16xi32>, vector<16xi32>], vector<16xf32>,
        tpu.vector_store_idx %arg7[%broadcast_in_dim3A_13, %and3A_110], %mul3A_218 {add = true} : memref<4x10240xf32, #tpu.memory_space<vmem>>[vector<16xi32>, vector<16xi32>], vector<16xf32>,
        tpu.vector_store_idx %arg7[%broadcast_in_dim3A_15, %and3A_110], %mul3A_219 {add = true} : memref<4x10240xf32, #tpu.memory_space<vmem>>[vector<16xi32>, vector<16xi32>], vector<16xf32>,
        tpu.vector_store_idx %arg7[%broadcast_in_dim3A_17, %and3A_110], %mul3A_220 {add = true} : memref<4x10240xf32, #tpu.memory_space<vmem>>[vector<16xi32>, vector<16xi32>], vector<16xf32>,
        tpu.vector_store_idx %arg7[%broadcast_in_dim3A_19, %and3A_110], %mul3A_221 {add = true} : memref<4x10240xf32, #tpu.memory_space<vmem>>[vector<16xi32>, vector<16xi32>], vector<16xf32>,
        tpu.vector_store_idx %arg7[%broadcast_in_dim3A_13, %and3A_122], %mul3A_222 {add = true} : memref<4x10240xf32, #tpu.memory_space<vmem>>[vector<16xi32>, vector<16xi32>], vector<16xf32>,
        tpu.vector_store_idx %arg7[%broadcast_in_dim3A_15, %and3A_122], %mul3A_223 {add = true} : memref<4x10240xf32, #tpu.memory_space<vmem>>[vector<16xi32>, vector<16xi32>], vector<16xf32>,
        tpu.vector_store_idx %arg7[%broadcast_in_dim3A_17, %and3A_122], %mul3A_224 {add = true} : memref<4x10240xf32, #tpu.memory_space<vmem>>[vector<16xi32>, vector<16xi32>], vector<16xf32>,
        tpu.vector_store_idx %arg7[%broadcast_in_dim3A_19, %and3A_122], %mul3A_225 {add = true} : memref<4x10240xf32, #tpu.memory_space<vmem>>[vector<16xi32>, vector<16xi32>], vector<16xf32>,
        tpu.vector_store_idx %arg7[%broadcast_in_dim3A_13, %and3A_134], %mul3A_226 {add = true} : memref<4x10240xf32, #tpu.memory_space<vmem>>[vector<16xi32>, vector<16xi32>], vector<16xf32>,
        tpu.vector_store_idx %arg7[%broadcast_in_dim3A_15, %and3A_134], %mul3A_227 {add = true} : memref<4x10240xf32, #tpu.memory_space<vmem>>[vector<16xi32>, vector<16xi32>], vector<16xf32>,
        tpu.vector_store_idx %arg7[%broadcast_in_dim3A_17, %and3A_134], %mul3A_228 {add = true} : memref<4x10240xf32, #tpu.memory_space<vmem>>[vector<16xi32>, vector<16xi32>], vector<16xf32>,
        tpu.vector_store_idx %arg7[%broadcast_in_dim3A_19, %and3A_134], %mul3A_229 {add = true} : memref<4x10240xf32, #tpu.memory_space<vmem>>[vector<16xi32>, vector<16xi32>], vector<16xf32>,
        tpu.vector_store_idx %arg7[%broadcast_in_dim3A_13, %and3A_146], %mul3A_230 {add = true} : memref<4x10240xf32, #tpu.memory_space<vmem>>[vector<16xi32>, vector<16xi32>], vector<16xf32>,
        tpu.vector_store_idx %arg7[%broadcast_in_dim3A_15, %and3A_146], %mul3A_231 {add = true} : memref<4x10240xf32, #tpu.memory_space<vmem>>[vector<16xi32>, vector<16xi32>], vector<16xf32>,
        tpu.vector_store_idx %arg7[%broadcast_in_dim3A_17, %and3A_146], %mul3A_232 {add = true} : memref<4x10240xf32, #tpu.memory_space<vmem>>[vector<16xi32>, vector<16xi32>], vector<16xf32>,
        tpu.vector_store_idx %arg7[%broadcast_in_dim3A_19, %and3A_146], %mul3A_233 {add = true} : memref<4x10240xf32, #tpu.memory_space<vmem>>[vector<16xi32>, vector<16xi32>], vector<16xf32>,
        tpu.vector_store_idx %arg7[%broadcast_in_dim3A_13, %and3A_158], %mul3A_234 {add = true} : memref<4x10240xf32, #tpu.memory_space<vmem>>[vector<16xi32>, vector<16xi32>], vector<16xf32>,
        tpu.vector_store_idx %arg7[%broadcast_in_dim3A_15, %and3A_158], %mul3A_235 {add = true} : memref<4x10240xf32, #tpu.memory_space<vmem>>[vector<16xi32>, vector<16xi32>], vector<16xf32>,
        tpu.vector_store_idx %arg7[%broadcast_in_dim3A_17, %and3A_158], %mul3A_236 {add = true} : memref<4x10240xf32, #tpu.memory_space<vmem>>[vector<16xi32>, vector<16xi32>], vector<16xf32>,
        tpu.vector_store_idx %arg7[%broadcast_in_dim3A_19, %and3A_158], %mul3A_237 {add = true} : memref<4x10240xf32, #tpu.memory_space<vmem>>[vector<16xi32>, vector<16xi32>], vector<16xf32>,
        tpu.vector_store_idx %arg7[%broadcast_in_dim3A_13, %and3A_170], %mul3A_238 {add = true} : memref<4x10240xf32, #tpu.memory_space<vmem>>[vector<16xi32>, vector<16xi32>], vector<16xf32>,
        tpu.vector_store_idx %arg7[%broadcast_in_dim3A_15, %and3A_170], %mul3A_239 {add = true} : memref<4x10240xf32, #tpu.memory_space<vmem>>[vector<16xi32>, vector<16xi32>], vector<16xf32>,
        tpu.vector_store_idx %arg7[%broadcast_in_dim3A_17, %and3A_170], %mul3A_240 {add = true} : memref<4x10240xf32, #tpu.memory_space<vmem>>[vector<16xi32>, vector<16xi32>], vector<16xf32>,
        tpu.vector_store_idx %arg7[%broadcast_in_dim3A_19, %and3A_170], %mul3A_241 {add = true} : memref<4x10240xf32, #tpu.memory_space<vmem>>[vector<16xi32>, vector<16xi32>], vector<16xf32>,
        tpu.vector_store_idx %arg7[%broadcast_in_dim3A_13, %and3A_182], %mul3A_242 {add = true} : memref<4x10240xf32, #tpu.memory_space<vmem>>[vector<16xi32>, vector<16xi32>], vector<16xf32>,
        tpu.vector_store_idx %arg7[%broadcast_in_dim3A_15, %and3A_182], %mul3A_243 {add = true} : memref<4x10240xf32, #tpu.memory_space<vmem>>[vector<16xi32>, vector<16xi32>], vector<16xf32>,
        tpu.vector_store_idx %arg7[%broadcast_in_dim3A_17, %and3A_182], %mul3A_244 {add = true} : memref<4x10240xf32, #tpu.memory_space<vmem>>[vector<16xi32>, vector<16xi32>], vector<16xf32>,
        tpu.vector_store_idx %arg7[%broadcast_in_dim3A_19, %and3A_182], %mul3A_245 {add = true} : memref<4x10240xf32, #tpu.memory_space<vmem>>[vector<16xi32>, vector<16xi32>], vector<16xf32>,
      }
      %while3A_86 = arith.constant 1 : i32
      scf.for %while3A_87 = %while3A_84 to %while3A_80 step %while3A_86  : i32 {
        %mul3A_88 = arith.constant 128 : i32
        %mul3A_89 = arith.muli %while3A_87, %mul3A_88 : i32
        %add3A_90 = arith.constant 0 : i32
        %add3A_91 = arith.addi %mul3A_89, %add3A_90 : i32
        %get3A = arith.index_cast %add3A_91 : i32 to index
        %get3A_92 = tpu.vector_load %arg10[%get3A] {strides = array<i32>} : memref<4096xi32, #tpu.memory_space<vmem>>, vector<16xi32>,
        %get3A_93 = arith.index_cast %add3A_91 : i32 to index
        %get3A_94 = tpu.vector_load %arg11[%get3A_93] {strides = array<i32>} : memref<4096xf32, #tpu.memory_space<vmem>>, vector<16xf32>,
        %shift_right_logical3A = arith.constant 14 : i32
        %shift_right_logical3A_95 = vector.broadcast %shift_right_logical3A : i32 to vector<16xi32>
        %shift_right_logical3A_96 = arith.shrui %get3A_92, %shift_right_logical3A_95 : vector<16xi32>
        %and3A = arith.constant 16383 : i32
        %and3A_97 = vector.broadcast %and3A : i32 to vector<16xi32>
        %and3A_98 = arith.andi %get3A_92, %and3A_97 : vector<16xi32>
        %add3A_99 = arith.constant 16 : i32
        %add3A_100 = arith.addi %mul3A_89, %add3A_99 : i32
        %get3A_101 = arith.index_cast %add3A_100 : i32 to index
        %get3A_102 = tpu.vector_load %arg10[%get3A_101] {strides = array<i32>} : memref<4096xi32, #tpu.memory_space<vmem>>, vector<16xi32>,
        %get3A_103 = arith.index_cast %add3A_100 : i32 to index
        %get3A_104 = tpu.vector_load %arg11[%get3A_103] {strides = array<i32>} : memref<4096xf32, #tpu.memory_space<vmem>>, vector<16xf32>,
        %shift_right_logical3A_105 = arith.constant 14 : i32
        %shift_right_logical3A_106 = vector.broadcast %shift_right_logical3A_105 : i32 to vector<16xi32>
        %shift_right_logical3A_107 = arith.shrui %get3A_102, %shift_right_logical3A_106 : vector<16xi32>
        %and3A_108 = arith.constant 16383 : i32
        %and3A_109 = vector.broadcast %and3A_108 : i32 to vector<16xi32>
        %and3A_110 = arith.andi %get3A_102, %and3A_109 : vector<16xi32>
        %add3A_111 = arith.constant 32 : i32
        %add3A_112 = arith.addi %mul3A_89, %add3A_111 : i32
        %get3A_113 = arith.index_cast %add3A_112 : i32 to index
        %get3A_114 = tpu.vector_load %arg10[%get3A_113] {strides = array<i32>} : memref<4096xi32, #tpu.memory_space<vmem>>, vector<16xi32>,
        %get3A_115 = arith.index_cast %add3A_112 : i32 to index
        %get3A_116 = tpu.vector_load %arg11[%get3A_115] {strides = array<i32>} : memref<4096xf32, #tpu.memory_space<vmem>>, vector<16xf32>,
        %shift_right_logical3A_117 = arith.constant 14 : i32
        %shift_right_logical3A_118 = vector.broadcast %shift_right_logical3A_117 : i32 to vector<16xi32>
        %shift_right_logical3A_119 = arith.shrui %get3A_114, %shift_right_logical3A_118 : vector<16xi32>
        %and3A_120 = arith.constant 16383 : i32
        %and3A_121 = vector.broadcast %and3A_120 : i32 to vector<16xi32>
        %and3A_122 = arith.andi %get3A_114, %and3A_121 : vector<16xi32>
        %add3A_123 = arith.constant 48 : i32
        %add3A_124 = arith.addi %mul3A_89, %add3A_123 : i32
        %get3A_125 = arith.index_cast %add3A_124 : i32 to index
        %get3A_126 = tpu.vector_load %arg10[%get3A_125] {strides = array<i32>} : memref<4096xi32, #tpu.memory_space<vmem>>, vector<16xi32>,
        %get3A_127 = arith.index_cast %add3A_124 : i32 to index
        %get3A_128 = tpu.vector_load %arg11[%get3A_127] {strides = array<i32>} : memref<4096xf32, #tpu.memory_space<vmem>>, vector<16xf32>,
        %shift_right_logical3A_129 = arith.constant 14 : i32
        %shift_right_logical3A_130 = vector.broadcast %shift_right_logical3A_129 : i32 to vector<16xi32>
        %shift_right_logical3A_131 = arith.shrui %get3A_126, %shift_right_logical3A_130 : vector<16xi32>
        %and3A_132 = arith.constant 16383 : i32
        %and3A_133 = vector.broadcast %and3A_132 : i32 to vector<16xi32>
        %and3A_134 = arith.andi %get3A_126, %and3A_133 : vector<16xi32>
        %add3A_135 = arith.constant 64 : i32
        %add3A_136 = arith.addi %mul3A_89, %add3A_135 : i32
        %get3A_137 = arith.index_cast %add3A_136 : i32 to index
        %get3A_138 = tpu.vector_load %arg10[%get3A_137] {strides = array<i32>} : memref<4096xi32, #tpu.memory_space<vmem>>, vector<16xi32>,
        %get3A_139 = arith.index_cast %add3A_136 : i32 to index
        %get3A_140 = tpu.vector_load %arg11[%get3A_139] {strides = array<i32>} : memref<4096xf32, #tpu.memory_space<vmem>>, vector<16xf32>,
        %shift_right_logical3A_141 = arith.constant 14 : i32
        %shift_right_logical3A_142 = vector.broadcast %shift_right_logical3A_141 : i32 to vector<16xi32>
        %shift_right_logical3A_143 = arith.shrui %get3A_138, %shift_right_logical3A_142 : vector<16xi32>
        %and3A_144 = arith.constant 16383 : i32
        %and3A_145 = vector.broadcast %and3A_144 : i32 to vector<16xi32>
        %and3A_146 = arith.andi %get3A_138, %and3A_145 : vector<16xi32>
        %add3A_147 = arith.constant 80 : i32
        %add3A_148 = arith.addi %mul3A_89, %add3A_147 : i32
        %get3A_149 = arith.index_cast %add3A_148 : i32 to index
        %get3A_150 = tpu.vector_load %arg10[%get3A_149] {strides = array<i32>} : memref<4096xi32, #tpu.memory_space<vmem>>, vector<16xi32>,
        %get3A_151 = arith.index_cast %add3A_148 : i32 to index
        %get3A_152 = tpu.vector_load %arg11[%get3A_151] {strides = array<i32>} : memref<4096xf32, #tpu.memory_space<vmem>>, vector<16xf32>,
        %shift_right_logical3A_153 = arith.constant 14 : i32
        %shift_right_logical3A_154 = vector.broadcast %shift_right_logical3A_153 : i32 to vector<16xi32>
        %shift_right_logical3A_155 = arith.shrui %get3A_150, %shift_right_logical3A_154 : vector<16xi32>
        %and3A_156 = arith.constant 16383 : i32
        %and3A_157 = vector.broadcast %and3A_156 : i32 to vector<16xi32>
        %and3A_158 = arith.andi %get3A_150, %and3A_157 : vector<16xi32>
        %add3A_159 = arith.constant 96 : i32
        %add3A_160 = arith.addi %mul3A_89, %add3A_159 : i32
        %get3A_161 = arith.index_cast %add3A_160 : i32 to index
        %get3A_162 = tpu.vector_load %arg10[%get3A_161] {strides = array<i32>} : memref<4096xi32, #tpu.memory_space<vmem>>, vector<16xi32>,
        %get3A_163 = arith.index_cast %add3A_160 : i32 to index
        %get3A_164 = tpu.vector_load %arg11[%get3A_163] {strides = array<i32>} : memref<4096xf32, #tpu.memory_space<vmem>>, vector<16xf32>,
        %shift_right_logical3A_165 = arith.constant 14 : i32
        %shift_right_logical3A_166 = vector.broadcast %shift_right_logical3A_165 : i32 to vector<16xi32>
        %shift_right_logical3A_167 = arith.shrui %get3A_162, %shift_right_logical3A_166 : vector<16xi32>
        %and3A_168 = arith.constant 16383 : i32
        %and3A_169 = vector.broadcast %and3A_168 : i32 to vector<16xi32>
        %and3A_170 = arith.andi %get3A_162, %and3A_169 : vector<16xi32>
        %add3A_171 = arith.constant 112 : i32
        %add3A_172 = arith.addi %mul3A_89, %add3A_171 : i32
        %get3A_173 = arith.index_cast %add3A_172 : i32 to index
        %get3A_174 = tpu.vector_load %arg10[%get3A_173] {strides = array<i32>} : memref<4096xi32, #tpu.memory_space<vmem>>, vector<16xi32>,
        %get3A_175 = arith.index_cast %add3A_172 : i32 to index
        %get3A_176 = tpu.vector_load %arg11[%get3A_175] {strides = array<i32>} : memref<4096xf32, #tpu.memory_space<vmem>>, vector<16xf32>,
        %shift_right_logical3A_177 = arith.constant 14 : i32
        %shift_right_logical3A_178 = vector.broadcast %shift_right_logical3A_177 : i32 to vector<16xi32>
        %shift_right_logical3A_179 = arith.shrui %get3A_174, %shift_right_logical3A_178 : vector<16xi32>
        %and3A_180 = arith.constant 16383 : i32
        %and3A_181 = vector.broadcast %and3A_180 : i32 to vector<16xi32>
        %and3A_182 = arith.andi %get3A_174, %and3A_181 : vector<16xi32>
        %gather3A = tpu.vector_load_idx %arg6[%broadcast_in_dim3A_13, %shift_right_logical3A_96] : memref<4x10240xf32, #tpu.memory_space<vmem>>[vector<16xi32>, vector<16xi32>], vector<16xf32>,
        %gather3A_183 = tpu.vector_load_idx %arg6[%broadcast_in_dim3A_15, %shift_right_logical3A_96] : memref<4x10240xf32, #tpu.memory_space<vmem>>[vector<16xi32>, vector<16xi32>], vector<16xf32>,
        %gather3A_184 = tpu.vector_load_idx %arg6[%broadcast_in_dim3A_17, %shift_right_logical3A_96] : memref<4x10240xf32, #tpu.memory_space<vmem>>[vector<16xi32>, vector<16xi32>], vector<16xf32>,
        %gather3A_185 = tpu.vector_load_idx %arg6[%broadcast_in_dim3A_19, %shift_right_logical3A_96] : memref<4x10240xf32, #tpu.memory_space<vmem>>[vector<16xi32>, vector<16xi32>], vector<16xf32>,
        %gather3A_186 = tpu.vector_load_idx %arg6[%broadcast_in_dim3A_13, %shift_right_logical3A_107] : memref<4x10240xf32, #tpu.memory_space<vmem>>[vector<16xi32>, vector<16xi32>], vector<16xf32>,
        %gather3A_187 = tpu.vector_load_idx %arg6[%broadcast_in_dim3A_15, %shift_right_logical3A_107] : memref<4x10240xf32, #tpu.memory_space<vmem>>[vector<16xi32>, vector<16xi32>], vector<16xf32>,
        %gather3A_188 = tpu.vector_load_idx %arg6[%broadcast_in_dim3A_17, %shift_right_logical3A_107] : memref<4x10240xf32, #tpu.memory_space<vmem>>[vector<16xi32>, vector<16xi32>], vector<16xf32>,
        %gather3A_189 = tpu.vector_load_idx %arg6[%broadcast_in_dim3A_19, %shift_right_logical3A_107] : memref<4x10240xf32, #tpu.memory_space<vmem>>[vector<16xi32>, vector<16xi32>], vector<16xf32>,
        %gather3A_190 = tpu.vector_load_idx %arg6[%broadcast_in_dim3A_13, %shift_right_logical3A_119] : memref<4x10240xf32, #tpu.memory_space<vmem>>[vector<16xi32>, vector<16xi32>], vector<16xf32>,
        %gather3A_191 = tpu.vector_load_idx %arg6[%broadcast_in_dim3A_15, %shift_right_logical3A_119] : memref<4x10240xf32, #tpu.memory_space<vmem>>[vector<16xi32>, vector<16xi32>], vector<16xf32>,
        %gather3A_192 = tpu.vector_load_idx %arg6[%broadcast_in_dim3A_17, %shift_right_logical3A_119] : memref<4x10240xf32, #tpu.memory_space<vmem>>[vector<16xi32>, vector<16xi32>], vector<16xf32>,
        %gather3A_193 = tpu.vector_load_idx %arg6[%broadcast_in_dim3A_19, %shift_right_logical3A_119] : memref<4x10240xf32, #tpu.memory_space<vmem>>[vector<16xi32>, vector<16xi32>], vector<16xf32>,
        %gather3A_194 = tpu.vector_load_idx %arg6[%broadcast_in_dim3A_13, %shift_right_logical3A_131] : memref<4x10240xf32, #tpu.memory_space<vmem>>[vector<16xi32>, vector<16xi32>], vector<16xf32>,
        %gather3A_195 = tpu.vector_load_idx %arg6[%broadcast_in_dim3A_15, %shift_right_logical3A_131] : memref<4x10240xf32, #tpu.memory_space<vmem>>[vector<16xi32>, vector<16xi32>], vector<16xf32>,
        %gather3A_196 = tpu.vector_load_idx %arg6[%broadcast_in_dim3A_17, %shift_right_logical3A_131] : memref<4x10240xf32, #tpu.memory_space<vmem>>[vector<16xi32>, vector<16xi32>], vector<16xf32>,
        %gather3A_197 = tpu.vector_load_idx %arg6[%broadcast_in_dim3A_19, %shift_right_logical3A_131] : memref<4x10240xf32, #tpu.memory_space<vmem>>[vector<16xi32>, vector<16xi32>], vector<16xf32>,
        %gather3A_198 = tpu.vector_load_idx %arg6[%broadcast_in_dim3A_13, %shift_right_logical3A_143] : memref<4x10240xf32, #tpu.memory_space<vmem>>[vector<16xi32>, vector<16xi32>], vector<16xf32>,
        %gather3A_199 = tpu.vector_load_idx %arg6[%broadcast_in_dim3A_15, %shift_right_logical3A_143] : memref<4x10240xf32, #tpu.memory_space<vmem>>[vector<16xi32>, vector<16xi32>], vector<16xf32>,
        %gather3A_200 = tpu.vector_load_idx %arg6[%broadcast_in_dim3A_17, %shift_right_logical3A_143] : memref<4x10240xf32, #tpu.memory_space<vmem>>[vector<16xi32>, vector<16xi32>], vector<16xf32>,
        %gather3A_201 = tpu.vector_load_idx %arg6[%broadcast_in_dim3A_19, %shift_right_logical3A_143] : memref<4x10240xf32, #tpu.memory_space<vmem>>[vector<16xi32>, vector<16xi32>], vector<16xf32>,
        %gather3A_202 = tpu.vector_load_idx %arg6[%broadcast_in_dim3A_13, %shift_right_logical3A_155] : memref<4x10240xf32, #tpu.memory_space<vmem>>[vector<16xi32>, vector<16xi32>], vector<16xf32>,
        %gather3A_203 = tpu.vector_load_idx %arg6[%broadcast_in_dim3A_15, %shift_right_logical3A_155] : memref<4x10240xf32, #tpu.memory_space<vmem>>[vector<16xi32>, vector<16xi32>], vector<16xf32>,
        %gather3A_204 = tpu.vector_load_idx %arg6[%broadcast_in_dim3A_17, %shift_right_logical3A_155] : memref<4x10240xf32, #tpu.memory_space<vmem>>[vector<16xi32>, vector<16xi32>], vector<16xf32>,
        %gather3A_205 = tpu.vector_load_idx %arg6[%broadcast_in_dim3A_19, %shift_right_logical3A_155] : memref<4x10240xf32, #tpu.memory_space<vmem>>[vector<16xi32>, vector<16xi32>], vector<16xf32>,
        %gather3A_206 = tpu.vector_load_idx %arg6[%broadcast_in_dim3A_13, %shift_right_logical3A_167] : memref<4x10240xf32, #tpu.memory_space<vmem>>[vector<16xi32>, vector<16xi32>], vector<16xf32>,
        %gather3A_207 = tpu.vector_load_idx %arg6[%broadcast_in_dim3A_15, %shift_right_logical3A_167] : memref<4x10240xf32, #tpu.memory_space<vmem>>[vector<16xi32>, vector<16xi32>], vector<16xf32>,
        %gather3A_208 = tpu.vector_load_idx %arg6[%broadcast_in_dim3A_17, %shift_right_logical3A_167] : memref<4x10240xf32, #tpu.memory_space<vmem>>[vector<16xi32>, vector<16xi32>], vector<16xf32>,
        %gather3A_209 = tpu.vector_load_idx %arg6[%broadcast_in_dim3A_19, %shift_right_logical3A_167] : memref<4x10240xf32, #tpu.memory_space<vmem>>[vector<16xi32>, vector<16xi32>], vector<16xf32>,
        %gather3A_210 = tpu.vector_load_idx %arg6[%broadcast_in_dim3A_13, %shift_right_logical3A_179] : memref<4x10240xf32, #tpu.memory_space<vmem>>[vector<16xi32>, vector<16xi32>], vector<16xf32>,
        %gather3A_211 = tpu.vector_load_idx %arg6[%broadcast_in_dim3A_15, %shift_right_logical3A_179] : memref<4x10240xf32, #tpu.memory_space<vmem>>[vector<16xi32>, vector<16xi32>], vector<16xf32>,
        %gather3A_212 = tpu.vector_load_idx %arg6[%broadcast_in_dim3A_17, %shift_right_logical3A_179] : memref<4x10240xf32, #tpu.memory_space<vmem>>[vector<16xi32>, vector<16xi32>], vector<16xf32>,
        %gather3A_213 = tpu.vector_load_idx %arg6[%broadcast_in_dim3A_19, %shift_right_logical3A_179] : memref<4x10240xf32, #tpu.memory_space<vmem>>[vector<16xi32>, vector<16xi32>], vector<16xf32>,
        %mul3A_214 = arith.mulf %gather3A, %get3A_94 : vector<16xf32>
        %mul3A_215 = arith.mulf %gather3A_183, %get3A_94 : vector<16xf32>
        %mul3A_216 = arith.mulf %gather3A_184, %get3A_94 : vector<16xf32>
        %mul3A_217 = arith.mulf %gather3A_185, %get3A_94 : vector<16xf32>
        %mul3A_218 = arith.mulf %gather3A_186, %get3A_104 : vector<16xf32>
        %mul3A_219 = arith.mulf %gather3A_187, %get3A_104 : vector<16xf32>
        %mul3A_220 = arith.mulf %gather3A_188, %get3A_104 : vector<16xf32>
        %mul3A_221 = arith.mulf %gather3A_189, %get3A_104 : vector<16xf32>
        %mul3A_222 = arith.mulf %gather3A_190, %get3A_116 : vector<16xf32>
        %mul3A_223 = arith.mulf %gather3A_191, %get3A_116 : vector<16xf32>
        %mul3A_224 = arith.mulf %gather3A_192, %get3A_116 : vector<16xf32>
        %mul3A_225 = arith.mulf %gather3A_193, %get3A_116 : vector<16xf32>
        %mul3A_226 = arith.mulf %gather3A_194, %get3A_128 : vector<16xf32>
        %mul3A_227 = arith.mulf %gather3A_195, %get3A_128 : vector<16xf32>
        %mul3A_228 = arith.mulf %gather3A_196, %get3A_128 : vector<16xf32>
        %mul3A_229 = arith.mulf %gather3A_197, %get3A_128 : vector<16xf32>
        %mul3A_230 = arith.mulf %gather3A_198, %get3A_140 : vector<16xf32>
        %mul3A_231 = arith.mulf %gather3A_199, %get3A_140 : vector<16xf32>
        %mul3A_232 = arith.mulf %gather3A_200, %get3A_140 : vector<16xf32>
        %mul3A_233 = arith.mulf %gather3A_201, %get3A_140 : vector<16xf32>
        %mul3A_234 = arith.mulf %gather3A_202, %get3A_152 : vector<16xf32>
        %mul3A_235 = arith.mulf %gather3A_203, %get3A_152 : vector<16xf32>
        %mul3A_236 = arith.mulf %gather3A_204, %get3A_152 : vector<16xf32>
        %mul3A_237 = arith.mulf %gather3A_205, %get3A_152 : vector<16xf32>
        %mul3A_238 = arith.mulf %gather3A_206, %get3A_164 : vector<16xf32>
        %mul3A_239 = arith.mulf %gather3A_207, %get3A_164 : vector<16xf32>
        %mul3A_240 = arith.mulf %gather3A_208, %get3A_164 : vector<16xf32>
        %mul3A_241 = arith.mulf %gather3A_209, %get3A_164 : vector<16xf32>
        %mul3A_242 = arith.mulf %gather3A_210, %get3A_176 : vector<16xf32>
        %mul3A_243 = arith.mulf %gather3A_211, %get3A_176 : vector<16xf32>
        %mul3A_244 = arith.mulf %gather3A_212, %get3A_176 : vector<16xf32>
        %mul3A_245 = arith.mulf %gather3A_213, %get3A_176 : vector<16xf32>
        tpu.vector_store_idx %arg7[%broadcast_in_dim3A_13, %and3A_98], %mul3A_214 {add = true} : memref<4x10240xf32, #tpu.memory_space<vmem>>[vector<16xi32>, vector<16xi32>], vector<16xf32>,
        tpu.vector_store_idx %arg7[%broadcast_in_dim3A_15, %and3A_98], %mul3A_215 {add = true} : memref<4x10240xf32, #tpu.memory_space<vmem>>[vector<16xi32>, vector<16xi32>], vector<16xf32>,
        tpu.vector_store_idx %arg7[%broadcast_in_dim3A_17, %and3A_98], %mul3A_216 {add = true} : memref<4x10240xf32, #tpu.memory_space<vmem>>[vector<16xi32>, vector<16xi32>], vector<16xf32>,
        tpu.vector_store_idx %arg7[%broadcast_in_dim3A_19, %and3A_98], %mul3A_217 {add = true} : memref<4x10240xf32, #tpu.memory_space<vmem>>[vector<16xi32>, vector<16xi32>], vector<16xf32>,
        tpu.vector_store_idx %arg7[%broadcast_in_dim3A_13, %and3A_110], %mul3A_218 {add = true} : memref<4x10240xf32, #tpu.memory_space<vmem>>[vector<16xi32>, vector<16xi32>], vector<16xf32>,
        tpu.vector_store_idx %arg7[%broadcast_in_dim3A_15, %and3A_110], %mul3A_219 {add = true} : memref<4x10240xf32, #tpu.memory_space<vmem>>[vector<16xi32>, vector<16xi32>], vector<16xf32>,
        tpu.vector_store_idx %arg7[%broadcast_in_dim3A_17, %and3A_110], %mul3A_220 {add = true} : memref<4x10240xf32, #tpu.memory_space<vmem>>[vector<16xi32>, vector<16xi32>], vector<16xf32>,
        tpu.vector_store_idx %arg7[%broadcast_in_dim3A_19, %and3A_110], %mul3A_221 {add = true} : memref<4x10240xf32, #tpu.memory_space<vmem>>[vector<16xi32>, vector<16xi32>], vector<16xf32>,
        tpu.vector_store_idx %arg7[%broadcast_in_dim3A_13, %and3A_122], %mul3A_222 {add = true} : memref<4x10240xf32, #tpu.memory_space<vmem>>[vector<16xi32>, vector<16xi32>], vector<16xf32>,
        tpu.vector_store_idx %arg7[%broadcast_in_dim3A_15, %and3A_122], %mul3A_223 {add = true} : memref<4x10240xf32, #tpu.memory_space<vmem>>[vector<16xi32>, vector<16xi32>], vector<16xf32>,
        tpu.vector_store_idx %arg7[%broadcast_in_dim3A_17, %and3A_122], %mul3A_224 {add = true} : memref<4x10240xf32, #tpu.memory_space<vmem>>[vector<16xi32>, vector<16xi32>], vector<16xf32>,
        tpu.vector_store_idx %arg7[%broadcast_in_dim3A_19, %and3A_122], %mul3A_225 {add = true} : memref<4x10240xf32, #tpu.memory_space<vmem>>[vector<16xi32>, vector<16xi32>], vector<16xf32>,
        tpu.vector_store_idx %arg7[%broadcast_in_dim3A_13, %and3A_134], %mul3A_226 {add = true} : memref<4x10240xf32, #tpu.memory_space<vmem>>[vector<16xi32>, vector<16xi32>], vector<16xf32>,
        tpu.vector_store_idx %arg7[%broadcast_in_dim3A_15, %and3A_134], %mul3A_227 {add = true} : memref<4x10240xf32, #tpu.memory_space<vmem>>[vector<16xi32>, vector<16xi32>], vector<16xf32>,
        tpu.vector_store_idx %arg7[%broadcast_in_dim3A_17, %and3A_134], %mul3A_228 {add = true} : memref<4x10240xf32, #tpu.memory_space<vmem>>[vector<16xi32>, vector<16xi32>], vector<16xf32>,
        tpu.vector_store_idx %arg7[%broadcast_in_dim3A_19, %and3A_134], %mul3A_229 {add = true} : memref<4x10240xf32, #tpu.memory_space<vmem>>[vector<16xi32>, vector<16xi32>], vector<16xf32>,
        tpu.vector_store_idx %arg7[%broadcast_in_dim3A_13, %and3A_146], %mul3A_230 {add = true} : memref<4x10240xf32, #tpu.memory_space<vmem>>[vector<16xi32>, vector<16xi32>], vector<16xf32>,
        tpu.vector_store_idx %arg7[%broadcast_in_dim3A_15, %and3A_146], %mul3A_231 {add = true} : memref<4x10240xf32, #tpu.memory_space<vmem>>[vector<16xi32>, vector<16xi32>], vector<16xf32>,
        tpu.vector_store_idx %arg7[%broadcast_in_dim3A_17, %and3A_146], %mul3A_232 {add = true} : memref<4x10240xf32, #tpu.memory_space<vmem>>[vector<16xi32>, vector<16xi32>], vector<16xf32>,
        tpu.vector_store_idx %arg7[%broadcast_in_dim3A_19, %and3A_146], %mul3A_233 {add = true} : memref<4x10240xf32, #tpu.memory_space<vmem>>[vector<16xi32>, vector<16xi32>], vector<16xf32>,
        tpu.vector_store_idx %arg7[%broadcast_in_dim3A_13, %and3A_158], %mul3A_234 {add = true} : memref<4x10240xf32, #tpu.memory_space<vmem>>[vector<16xi32>, vector<16xi32>], vector<16xf32>,
        tpu.vector_store_idx %arg7[%broadcast_in_dim3A_15, %and3A_158], %mul3A_235 {add = true} : memref<4x10240xf32, #tpu.memory_space<vmem>>[vector<16xi32>, vector<16xi32>], vector<16xf32>,
        tpu.vector_store_idx %arg7[%broadcast_in_dim3A_17, %and3A_158], %mul3A_236 {add = true} : memref<4x10240xf32, #tpu.memory_space<vmem>>[vector<16xi32>, vector<16xi32>], vector<16xf32>,
        tpu.vector_store_idx %arg7[%broadcast_in_dim3A_19, %and3A_158], %mul3A_237 {add = true} : memref<4x10240xf32, #tpu.memory_space<vmem>>[vector<16xi32>, vector<16xi32>], vector<16xf32>,
        tpu.vector_store_idx %arg7[%broadcast_in_dim3A_13, %and3A_170], %mul3A_238 {add = true} : memref<4x10240xf32, #tpu.memory_space<vmem>>[vector<16xi32>, vector<16xi32>], vector<16xf32>,
        tpu.vector_store_idx %arg7[%broadcast_in_dim3A_15, %and3A_170], %mul3A_239 {add = true} : memref<4x10240xf32, #tpu.memory_space<vmem>>[vector<16xi32>, vector<16xi32>], vector<16xf32>,
        tpu.vector_store_idx %arg7[%broadcast_in_dim3A_17, %and3A_170], %mul3A_240 {add = true} : memref<4x10240xf32, #tpu.memory_space<vmem>>[vector<16xi32>, vector<16xi32>], vector<16xf32>,
        tpu.vector_store_idx %arg7[%broadcast_in_dim3A_19, %and3A_170], %mul3A_241 {add = true} : memref<4x10240xf32, #tpu.memory_space<vmem>>[vector<16xi32>, vector<16xi32>], vector<16xf32>,
        tpu.vector_store_idx %arg7[%broadcast_in_dim3A_13, %and3A_182], %mul3A_242 {add = true} : memref<4x10240xf32, #tpu.memory_space<vmem>>[vector<16xi32>, vector<16xi32>], vector<16xf32>,
        tpu.vector_store_idx %arg7[%broadcast_in_dim3A_15, %and3A_182], %mul3A_243 {add = true} : memref<4x10240xf32, #tpu.memory_space<vmem>>[vector<16xi32>, vector<16xi32>], vector<16xf32>,
        tpu.vector_store_idx %arg7[%broadcast_in_dim3A_17, %and3A_182], %mul3A_244 {add = true} : memref<4x10240xf32, #tpu.memory_space<vmem>>[vector<16xi32>, vector<16xi32>], vector<16xf32>,
        tpu.vector_store_idx %arg7[%broadcast_in_dim3A_19, %and3A_182], %mul3A_245 {add = true} : memref<4x10240xf32, #tpu.memory_space<vmem>>[vector<16xi32>, vector<16xi32>], vector<16xf32>,
      }
    }
    "tpu.region"() ({
      %run_scoped3A = tpu.sem_alloc : memref<!tpu.dma_semaphore, #tpu.memory_space<semaphore_mem>>
      %dma_start3A_37 = arith.constant 0 : i32
      %dma_start3A_38 = arith.constant 0 : i32
      %dma_start3A_39 = tpu.memref_slice %arg5[%add3A, %dma_start3A_37, %dma_start3A_38] : memref<32x4x10240xf32, #tpu.memory_space<hbm>> -> memref<1x4x10240xf32, #tpu.memory_space<hbm>>
      %dma_start3A_40 = tpu.memref_squeeze %dma_start3A_39 : memref<1x4x10240xf32, #tpu.memory_space<hbm>> -> memref<4x10240xf32, #tpu.memory_space<hbm>>
      %dma_start3A_41 = arith.constant 0 : i32
      %dma_start3A_42 = arith.constant 0 : i32
      %dma_start3A_43 = tpu.memref_slice %arg5[%add3A, %dma_start3A_41, %dma_start3A_42] : memref<32x4x10240xf32, #tpu.memory_space<hbm>> -> memref<1x4x10240xf32, #tpu.memory_space<hbm>>
      %dma_start3A_44 = tpu.memref_squeeze %dma_start3A_43 : memref<1x4x10240xf32, #tpu.memory_space<hbm>> -> memref<4x10240xf32, #tpu.memory_space<hbm>>
      tpu.enqueue_dma source(%arg7 : memref<4x10240xf32, #tpu.memory_space<vmem>>) target(%dma_start3A_44 : memref<4x10240xf32, #tpu.memory_space<hbm>>) target_semaphore(%run_scoped3A : memref<!tpu.dma_semaphore, #tpu.memory_space<semaphore_mem>>)
      %dma_wait3A = arith.constant 0 : i32
      %dma_wait3A_45 = arith.constant 0 : i32
      %dma_wait3A_46 = tpu.memref_slice %arg5[%add3A, %dma_wait3A, %dma_wait3A_45] : memref<32x4x10240xf32, #tpu.memory_space<hbm>> -> memref<1x4x10240xf32, #tpu.memory_space<hbm>>
      %dma_wait3A_47 = tpu.memref_squeeze %dma_wait3A_46 : memref<1x4x10240xf32, #tpu.memory_space<hbm>> -> memref<4x10240xf32, #tpu.memory_space<hbm>>
      %dma_wait3A_48 = arith.constant 0 : i32
      %dma_wait3A_49 = arith.constant 0 : i32
      %dma_wait3A_50 = tpu.memref_slice %arg5[%add3A, %dma_wait3A_48, %dma_wait3A_49] : memref<32x4x10240xf32, #tpu.memory_space<hbm>> -> memref<1x4x10240xf32, #tpu.memory_space<hbm>>
      %dma_wait3A_51 = tpu.memref_squeeze %dma_wait3A_50 : memref<1x4x10240xf32, #tpu.memory_space<hbm>> -> memref<4x10240xf32, #tpu.memory_space<hbm>>
      tpu.wait_dma2 semaphore(%run_scoped3A : memref<!tpu.dma_semaphore, #tpu.memory_space<semaphore_mem>>) src(%arg7 : memref<4x10240xf32, #tpu.memory_space<vmem>>) dst(%dma_wait3A_51 : memref<4x10240xf32, #tpu.memory_space<hbm>>)
      tpu.yield
    }) : () -> ()
    return
  }
}

#map = affine_map<(d0, d1) -> (0)>
#map1 = affine_map<(d0, d1) -> (0, 0, 0)>
module attributes {stable_mosaic.version = 14 : i64} {
  func.func @_sc_a(%arg0: i32, %arg1: i32, %arg2: memref<344064xi32, #tpu.memory_space<hbm>>, %arg3: memref<344064xi32, #tpu.memory_space<hbm>>, %arg4: memref<10000xf32, #tpu.memory_space<hbm>>, %arg5: memref<10000xf32, #tpu.memory_space<hbm>>, %arg6: memref<16xf32, #tpu.memory_space<hbm>>, %arg7: memref<2x80x128xf32, #tpu.memory_space<hbm>>, %arg8: memref<344064xf32, #tpu.memory_space<hbm>>, %arg9: memref<10000xf32, #tpu.memory_space<vmem>>, %arg10: memref<10000xf32, #tpu.memory_space<vmem>>, %arg11: memref<80x128xf32, #tpu.memory_space<vmem>>, %arg12: memref<10752xi32, #tpu.memory_space<vmem>>, %arg13: memref<10752xi32, #tpu.memory_space<vmem>>, %arg14: memref<10752xf32, #tpu.memory_space<vmem>>, %arg15: memref<16xf32, #tpu.memory_space<vmem>>, %arg16: memref<80xi32, #tpu.memory_space<vmem>>, %arg17: memref<80x128xf32, #tpu.memory_space<vmem_shared>>) attributes {dimension_semantics = [#tpu.dimension_semantics<core_parallel>, #tpu.dimension_semantics<subcore_parallel>], iteration_bounds = array<i64: 2, 16>, scalar_prefetch = 0 : i64, scratch_operands = 9 : i64, tpu.core_type = #tpu.core_type<sc_vector_subcore>, window_params = [{transform_indices = #map}, {transform_indices = #map}, {transform_indices = #map}, {transform_indices = #map}, {transform_indices = #map}, {transform_indices = #map1}, {transform_indices = #map}]} {
    %mul3A = arith.constant 2 : i32
    %mul3A_0 = arith.muli %arg1, %mul3A : i32
    %add3A = arith.addi %mul3A_0, %arg0 : i32
    %mul3A_1 = arith.constant 10752 : i32
    %mul3A_2 = arith.muli %add3A, %mul3A_1 : i32
    "tpu.region"() ({
      %run_scoped3A = tpu.sem_alloc : memref<!tpu.dma_semaphore, #tpu.memory_space<semaphore_mem>>
      tpu.enqueue_dma source(%arg4 : memref<10000xf32, #tpu.memory_space<hbm>>) target(%arg9 : memref<10000xf32, #tpu.memory_space<vmem>>) target_semaphore(%run_scoped3A : memref<!tpu.dma_semaphore, #tpu.memory_space<semaphore_mem>>)
      tpu.wait_dma2 semaphore(%run_scoped3A : memref<!tpu.dma_semaphore, #tpu.memory_space<semaphore_mem>>) src(%arg4 : memref<10000xf32, #tpu.memory_space<hbm>>) dst(%arg9 : memref<10000xf32, #tpu.memory_space<vmem>>)
      tpu.yield
    }) : () -> ()
    "tpu.region"() ({
      %run_scoped3A = tpu.sem_alloc : memref<!tpu.dma_semaphore, #tpu.memory_space<semaphore_mem>>
      tpu.enqueue_dma source(%arg5 : memref<10000xf32, #tpu.memory_space<hbm>>) target(%arg10 : memref<10000xf32, #tpu.memory_space<vmem>>) target_semaphore(%run_scoped3A : memref<!tpu.dma_semaphore, #tpu.memory_space<semaphore_mem>>)
      tpu.wait_dma2 semaphore(%run_scoped3A : memref<!tpu.dma_semaphore, #tpu.memory_space<semaphore_mem>>) src(%arg5 : memref<10000xf32, #tpu.memory_space<hbm>>) dst(%arg10 : memref<10000xf32, #tpu.memory_space<vmem>>)
      tpu.yield
    }) : () -> ()
    "tpu.region"() ({
      %run_scoped3A = tpu.sem_alloc : memref<!tpu.dma_semaphore, #tpu.memory_space<semaphore_mem>>
      tpu.enqueue_dma source(%arg6 : memref<16xf32, #tpu.memory_space<hbm>>) target(%arg15 : memref<16xf32, #tpu.memory_space<vmem>>) target_semaphore(%run_scoped3A : memref<!tpu.dma_semaphore, #tpu.memory_space<semaphore_mem>>)
      tpu.wait_dma2 semaphore(%run_scoped3A : memref<!tpu.dma_semaphore, #tpu.memory_space<semaphore_mem>>) src(%arg6 : memref<16xf32, #tpu.memory_space<hbm>>) dst(%arg15 : memref<16xf32, #tpu.memory_space<vmem>>)
      tpu.yield
    }) : () -> ()
    "tpu.region"() ({
      %run_scoped3A = tpu.sem_alloc : memref<!tpu.dma_semaphore, #tpu.memory_space<semaphore_mem>>
      %dma_start3A = tpu.memref_slice %arg2[%mul3A_2] : memref<344064xi32, #tpu.memory_space<hbm>> -> memref<10752xi32, #tpu.memory_space<hbm>>
      %dma_start3A_45 = tpu.memref_slice %arg2[%mul3A_2] : memref<344064xi32, #tpu.memory_space<hbm>> -> memref<10752xi32, #tpu.memory_space<hbm>>
      tpu.enqueue_dma source(%dma_start3A_45 : memref<10752xi32, #tpu.memory_space<hbm>>) target(%arg12 : memref<10752xi32, #tpu.memory_space<vmem>>) target_semaphore(%run_scoped3A : memref<!tpu.dma_semaphore, #tpu.memory_space<semaphore_mem>>)
      %dma_wait3A = tpu.memref_slice %arg2[%mul3A_2] : memref<344064xi32, #tpu.memory_space<hbm>> -> memref<10752xi32, #tpu.memory_space<hbm>>
      %dma_wait3A_46 = tpu.memref_slice %arg2[%mul3A_2] : memref<344064xi32, #tpu.memory_space<hbm>> -> memref<10752xi32, #tpu.memory_space<hbm>>
      tpu.wait_dma2 semaphore(%run_scoped3A : memref<!tpu.dma_semaphore, #tpu.memory_space<semaphore_mem>>) src(%dma_wait3A_46 : memref<10752xi32, #tpu.memory_space<hbm>>) dst(%arg12 : memref<10752xi32, #tpu.memory_space<vmem>>)
      tpu.yield
    }) : () -> ()
    "tpu.region"() ({
      %run_scoped3A = tpu.sem_alloc : memref<!tpu.dma_semaphore, #tpu.memory_space<semaphore_mem>>
      %dma_start3A = tpu.memref_slice %arg3[%mul3A_2] : memref<344064xi32, #tpu.memory_space<hbm>> -> memref<10752xi32, #tpu.memory_space<hbm>>
      %dma_start3A_45 = tpu.memref_slice %arg3[%mul3A_2] : memref<344064xi32, #tpu.memory_space<hbm>> -> memref<10752xi32, #tpu.memory_space<hbm>>
      tpu.enqueue_dma source(%dma_start3A_45 : memref<10752xi32, #tpu.memory_space<hbm>>) target(%arg13 : memref<10752xi32, #tpu.memory_space<vmem>>) target_semaphore(%run_scoped3A : memref<!tpu.dma_semaphore, #tpu.memory_space<semaphore_mem>>)
      %dma_wait3A = tpu.memref_slice %arg3[%mul3A_2] : memref<344064xi32, #tpu.memory_space<hbm>> -> memref<10752xi32, #tpu.memory_space<hbm>>
      %dma_wait3A_46 = tpu.memref_slice %arg3[%mul3A_2] : memref<344064xi32, #tpu.memory_space<hbm>> -> memref<10752xi32, #tpu.memory_space<hbm>>
      tpu.wait_dma2 semaphore(%run_scoped3A : memref<!tpu.dma_semaphore, #tpu.memory_space<semaphore_mem>>) src(%dma_wait3A_46 : memref<10752xi32, #tpu.memory_space<hbm>>) dst(%arg13 : memref<10752xi32, #tpu.memory_space<vmem>>)
      tpu.yield
    }) : () -> ()
    %broadcast_in_dim3A = arith.constant 0.000000e+00 : f32
    %broadcast_in_dim3A_3 = vector.broadcast %broadcast_in_dim3A : f32 to vector<16xf32>
    %iota3A = tpu.iota {dimensions = array<i32: 0>} : vector<16xi32>
    %while3A = arith.constant 0 : i64
    %while3A_4 = arith.constant 0 : i32
    %while3A_5 = arith.constant 80 : i32
    %while3A_6 = arith.subi %while3A_5, %while3A_4 : i32
    %while3A_7 = arith.addi %while3A_4, %while3A_6 : i32
    %while3A_8 = arith.constant 1 : i32
    %while3A_9 = arith.divsi %while3A_6, %while3A_8 : i32
    %while3A_10 = arith.muli %while3A_9, %while3A_8 : i32
    %while3A_11 = arith.addi %while3A_4, %while3A_10 : i32
    %while3A_12 = arith.constant 1 : i32
    scf.for %while3A_45 = %while3A_4 to %while3A_11 step %while3A_12  : i32 {
      %swap3A = arith.index_cast %while3A_45 : i32 to index
      %swap3A_46 = arith.constant 0 : index
      %swap3A_47 = tpu.vector_load %arg11[%swap3A, %swap3A_46] {strides = array<i32>} : memref<80x128xf32, #tpu.memory_space<vmem>>, vector<16xf32>,
      tpu.vector_store %arg11[%swap3A, %swap3A_46], %broadcast_in_dim3A_3 {strides = array<i32>} : memref<80x128xf32, #tpu.memory_space<vmem>>, vector<16xf32>,
      %swap3A_48 = arith.index_cast %while3A_45 : i32 to index
      %swap3A_49 = arith.constant 16 : index
      %swap3A_50 = tpu.vector_load %arg11[%swap3A_48, %swap3A_49] {strides = array<i32>} : memref<80x128xf32, #tpu.memory_space<vmem>>, vector<16xf32>,
      tpu.vector_store %arg11[%swap3A_48, %swap3A_49], %broadcast_in_dim3A_3 {strides = array<i32>} : memref<80x128xf32, #tpu.memory_space<vmem>>, vector<16xf32>,
      %swap3A_51 = arith.index_cast %while3A_45 : i32 to index
      %swap3A_52 = arith.constant 32 : index
      %swap3A_53 = tpu.vector_load %arg11[%swap3A_51, %swap3A_52] {strides = array<i32>} : memref<80x128xf32, #tpu.memory_space<vmem>>, vector<16xf32>,
      tpu.vector_store %arg11[%swap3A_51, %swap3A_52], %broadcast_in_dim3A_3 {strides = array<i32>} : memref<80x128xf32, #tpu.memory_space<vmem>>, vector<16xf32>,
      %swap3A_54 = arith.index_cast %while3A_45 : i32 to index
      %swap3A_55 = arith.constant 48 : index
      %swap3A_56 = tpu.vector_load %arg11[%swap3A_54, %swap3A_55] {strides = array<i32>} : memref<80x128xf32, #tpu.memory_space<vmem>>, vector<16xf32>,
      tpu.vector_store %arg11[%swap3A_54, %swap3A_55], %broadcast_in_dim3A_3 {strides = array<i32>} : memref<80x128xf32, #tpu.memory_space<vmem>>, vector<16xf32>,
      %swap3A_57 = arith.index_cast %while3A_45 : i32 to index
      %swap3A_58 = arith.constant 64 : index
      %swap3A_59 = tpu.vector_load %arg11[%swap3A_57, %swap3A_58] {strides = array<i32>} : memref<80x128xf32, #tpu.memory_space<vmem>>, vector<16xf32>,
      tpu.vector_store %arg11[%swap3A_57, %swap3A_58], %broadcast_in_dim3A_3 {strides = array<i32>} : memref<80x128xf32, #tpu.memory_space<vmem>>, vector<16xf32>,
      %swap3A_60 = arith.index_cast %while3A_45 : i32 to index
      %swap3A_61 = arith.constant 80 : index
      %swap3A_62 = tpu.vector_load %arg11[%swap3A_60, %swap3A_61] {strides = array<i32>} : memref<80x128xf32, #tpu.memory_space<vmem>>, vector<16xf32>,
      tpu.vector_store %arg11[%swap3A_60, %swap3A_61], %broadcast_in_dim3A_3 {strides = array<i32>} : memref<80x128xf32, #tpu.memory_space<vmem>>, vector<16xf32>,
      %swap3A_63 = arith.index_cast %while3A_45 : i32 to index
      %swap3A_64 = arith.constant 96 : index
      %swap3A_65 = tpu.vector_load %arg11[%swap3A_63, %swap3A_64] {strides = array<i32>} : memref<80x128xf32, #tpu.memory_space<vmem>>, vector<16xf32>,
      tpu.vector_store %arg11[%swap3A_63, %swap3A_64], %broadcast_in_dim3A_3 {strides = array<i32>} : memref<80x128xf32, #tpu.memory_space<vmem>>, vector<16xf32>,
      %swap3A_66 = arith.index_cast %while3A_45 : i32 to index
      %swap3A_67 = arith.constant 112 : index
      %swap3A_68 = tpu.vector_load %arg11[%swap3A_66, %swap3A_67] {strides = array<i32>} : memref<80x128xf32, #tpu.memory_space<vmem>>, vector<16xf32>,
      tpu.vector_store %arg11[%swap3A_66, %swap3A_67], %broadcast_in_dim3A_3 {strides = array<i32>} : memref<80x128xf32, #tpu.memory_space<vmem>>, vector<16xf32>,
    }
    %while3A_13 = arith.constant 1 : i32
    scf.for %while3A_45 = %while3A_11 to %while3A_7 step %while3A_13  : i32 {
      %swap3A = arith.index_cast %while3A_45 : i32 to index
      %swap3A_46 = arith.constant 0 : index
      %swap3A_47 = tpu.vector_load %arg11[%swap3A, %swap3A_46] {strides = array<i32>} : memref<80x128xf32, #tpu.memory_space<vmem>>, vector<16xf32>,
      tpu.vector_store %arg11[%swap3A, %swap3A_46], %broadcast_in_dim3A_3 {strides = array<i32>} : memref<80x128xf32, #tpu.memory_space<vmem>>, vector<16xf32>,
      %swap3A_48 = arith.index_cast %while3A_45 : i32 to index
      %swap3A_49 = arith.constant 16 : index
      %swap3A_50 = tpu.vector_load %arg11[%swap3A_48, %swap3A_49] {strides = array<i32>} : memref<80x128xf32, #tpu.memory_space<vmem>>, vector<16xf32>,
      tpu.vector_store %arg11[%swap3A_48, %swap3A_49], %broadcast_in_dim3A_3 {strides = array<i32>} : memref<80x128xf32, #tpu.memory_space<vmem>>, vector<16xf32>,
      %swap3A_51 = arith.index_cast %while3A_45 : i32 to index
      %swap3A_52 = arith.constant 32 : index
      %swap3A_53 = tpu.vector_load %arg11[%swap3A_51, %swap3A_52] {strides = array<i32>} : memref<80x128xf32, #tpu.memory_space<vmem>>, vector<16xf32>,
      tpu.vector_store %arg11[%swap3A_51, %swap3A_52], %broadcast_in_dim3A_3 {strides = array<i32>} : memref<80x128xf32, #tpu.memory_space<vmem>>, vector<16xf32>,
      %swap3A_54 = arith.index_cast %while3A_45 : i32 to index
      %swap3A_55 = arith.constant 48 : index
      %swap3A_56 = tpu.vector_load %arg11[%swap3A_54, %swap3A_55] {strides = array<i32>} : memref<80x128xf32, #tpu.memory_space<vmem>>, vector<16xf32>,
      tpu.vector_store %arg11[%swap3A_54, %swap3A_55], %broadcast_in_dim3A_3 {strides = array<i32>} : memref<80x128xf32, #tpu.memory_space<vmem>>, vector<16xf32>,
      %swap3A_57 = arith.index_cast %while3A_45 : i32 to index
      %swap3A_58 = arith.constant 64 : index
      %swap3A_59 = tpu.vector_load %arg11[%swap3A_57, %swap3A_58] {strides = array<i32>} : memref<80x128xf32, #tpu.memory_space<vmem>>, vector<16xf32>,
      tpu.vector_store %arg11[%swap3A_57, %swap3A_58], %broadcast_in_dim3A_3 {strides = array<i32>} : memref<80x128xf32, #tpu.memory_space<vmem>>, vector<16xf32>,
      %swap3A_60 = arith.index_cast %while3A_45 : i32 to index
      %swap3A_61 = arith.constant 80 : index
      %swap3A_62 = tpu.vector_load %arg11[%swap3A_60, %swap3A_61] {strides = array<i32>} : memref<80x128xf32, #tpu.memory_space<vmem>>, vector<16xf32>,
      tpu.vector_store %arg11[%swap3A_60, %swap3A_61], %broadcast_in_dim3A_3 {strides = array<i32>} : memref<80x128xf32, #tpu.memory_space<vmem>>, vector<16xf32>,
      %swap3A_63 = arith.index_cast %while3A_45 : i32 to index
      %swap3A_64 = arith.constant 96 : index
      %swap3A_65 = tpu.vector_load %arg11[%swap3A_63, %swap3A_64] {strides = array<i32>} : memref<80x128xf32, #tpu.memory_space<vmem>>, vector<16xf32>,
      tpu.vector_store %arg11[%swap3A_63, %swap3A_64], %broadcast_in_dim3A_3 {strides = array<i32>} : memref<80x128xf32, #tpu.memory_space<vmem>>, vector<16xf32>,
      %swap3A_66 = arith.index_cast %while3A_45 : i32 to index
      %swap3A_67 = arith.constant 112 : index
      %swap3A_68 = tpu.vector_load %arg11[%swap3A_66, %swap3A_67] {strides = array<i32>} : memref<80x128xf32, #tpu.memory_space<vmem>>, vector<16xf32>,
      tpu.vector_store %arg11[%swap3A_66, %swap3A_67], %broadcast_in_dim3A_3 {strides = array<i32>} : memref<80x128xf32, #tpu.memory_space<vmem>>, vector<16xf32>,
    }
    %while3A_14 = arith.constant 0 : i64
    %while3A_15 = arith.constant 0 : i32
    %while3A_16 = arith.constant 5 : i32
    %while3A_17 = arith.subi %while3A_16, %while3A_15 : i32
    %while3A_18 = arith.addi %while3A_15, %while3A_17 : i32
    %while3A_19 = arith.constant 1 : i32
    %while3A_20 = arith.divsi %while3A_17, %while3A_19 : i32
    %while3A_21 = arith.muli %while3A_20, %while3A_19 : i32
    %while3A_22 = arith.addi %while3A_15, %while3A_21 : i32
    %while3A_23 = arith.constant 1 : i32
    scf.for %while3A_45 = %while3A_15 to %while3A_22 step %while3A_23  : i32 {
      %mul3A_46 = arith.constant 16 : i32
      %mul3A_47 = arith.muli %while3A_45, %mul3A_46 : i32
      %add3A_48 = vector.broadcast %mul3A_47 : i32 to vector<16xi32>
      %add3A_49 = arith.addi %iota3A, %add3A_48 : vector<16xi32>
      %mul3A_50 = arith.constant 16 : i32
      %mul3A_51 = arith.muli %while3A_45, %mul3A_50 : i32
      %swap3A = arith.index_cast %mul3A_51 : i32 to index
      %swap3A_52 = tpu.vector_load %arg16[%swap3A] {strides = array<i32>} : memref<80xi32, #tpu.memory_space<vmem>>, vector<16xi32>,
      tpu.vector_store %arg16[%swap3A], %add3A_49 {strides = array<i32>} : memref<80xi32, #tpu.memory_space<vmem>>, vector<16xi32>,
    }
    %while3A_24 = arith.constant 1 : i32
    scf.for %while3A_45 = %while3A_22 to %while3A_18 step %while3A_24  : i32 {
      %mul3A_46 = arith.constant 16 : i32
      %mul3A_47 = arith.muli %while3A_45, %mul3A_46 : i32
      %add3A_48 = vector.broadcast %mul3A_47 : i32 to vector<16xi32>
      %add3A_49 = arith.addi %iota3A, %add3A_48 : vector<16xi32>
      %mul3A_50 = arith.constant 16 : i32
      %mul3A_51 = arith.muli %while3A_45, %mul3A_50 : i32
      %swap3A = arith.index_cast %mul3A_51 : i32 to index
      %swap3A_52 = tpu.vector_load %arg16[%swap3A] {strides = array<i32>} : memref<80xi32, #tpu.memory_space<vmem>>, vector<16xi32>,
      tpu.vector_store %arg16[%swap3A], %add3A_49 {strides = array<i32>} : memref<80xi32, #tpu.memory_space<vmem>>, vector<16xi32>,
    }
    %eq3A = arith.constant 0 : i32
    %eq3A_25 = arith.cmpi eq, %arg1, %eq3A : i32
    %convert_element_type3A = arith.extui %eq3A_25 : i1 to i32
    %cond3A = arith.constant 0 : i32
    %cond3A_26 = arith.cmpi ne, %convert_element_type3A, %cond3A : i32
    scf.if %cond3A_26 {
      "tpu.region"() ({
        %run_scoped3A = tpu.sem_alloc : memref<!tpu.dma_semaphore, #tpu.memory_space<semaphore_mem>>
        tpu.enqueue_dma source(%arg11 : memref<80x128xf32, #tpu.memory_space<vmem>>) target(%arg17 : memref<80x128xf32, #tpu.memory_space<vmem_shared>>) target_semaphore(%run_scoped3A : memref<!tpu.dma_semaphore, #tpu.memory_space<semaphore_mem>>)
        tpu.wait_dma2 semaphore(%run_scoped3A : memref<!tpu.dma_semaphore, #tpu.memory_space<semaphore_mem>>) src(%arg11 : memref<80x128xf32, #tpu.memory_space<vmem>>) dst(%arg17 : memref<80x128xf32, #tpu.memory_space<vmem_shared>>)
        tpu.yield
      }) : () -> ()
    } else {
    }
    %barrier3A = arith.constant 0 : index
    tpu.barrier barrier_id(%barrier3A)
    %get3A = arith.constant 0 : index
    %get3A_27 = tpu.vector_load %arg15[%get3A] {strides = array<i32>} : memref<16xf32, #tpu.memory_space<vmem>>, vector<16xf32>,
    %while3A_28 = arith.constant 0 : i64
    %while3A_29 = arith.constant 0 : i32
    %while3A_30 = arith.constant 672 : i32
    %while3A_31 = arith.subi %while3A_30, %while3A_29 : i32
    %while3A_32 = arith.addi %while3A_29, %while3A_31 : i32
    %while3A_33 = arith.constant 1 : i32
    %while3A_34 = arith.divsi %while3A_31, %while3A_33 : i32
    %while3A_35 = arith.muli %while3A_34, %while3A_33 : i32
    %while3A_36 = arith.addi %while3A_29, %while3A_35 : i32
    %while3A_37 = arith.constant 1 : i32
    scf.for %while3A_45 = %while3A_29 to %while3A_36 step %while3A_37  : i32 {
      %mul3A_46 = arith.constant 16 : i32
      %mul3A_47 = arith.muli %while3A_45, %mul3A_46 : i32
      %get3A_48 = arith.index_cast %mul3A_47 : i32 to index
      %get3A_49 = tpu.vector_load %arg12[%get3A_48] {strides = array<i32>} : memref<10752xi32, #tpu.memory_space<vmem>>, vector<16xi32>,
      %get3A_50 = arith.index_cast %mul3A_47 : i32 to index
      %get3A_51 = tpu.vector_load %arg13[%get3A_50] {strides = array<i32>} : memref<10752xi32, #tpu.memory_space<vmem>>, vector<16xi32>,
      %gather3A = tpu.vector_load_idx %arg9[%get3A_49] : memref<10000xf32, #tpu.memory_space<vmem>>[vector<16xi32>], vector<16xf32>,
      %gather3A_52 = tpu.vector_load_idx %arg10[%get3A_51] : memref<10000xf32, #tpu.memory_space<vmem>>[vector<16xi32>], vector<16xf32>,
      %add3A_53 = arith.addf %gather3A, %gather3A_52 : vector<16xf32>
      %gt3A = arith.constant 0.000000e+00 : f32
      %gt3A_54 = vector.broadcast %gt3A : f32 to vector<16xf32>
      %gt3A_55 = arith.cmpf ogt, %add3A_53, %gt3A_54 : vector<16xf32>
      %mul3A_56 = arith.constant 2.000000e-01 : f32
      %mul3A_57 = vector.broadcast %mul3A_56 : f32 to vector<16xf32>
      %mul3A_58 = arith.mulf %mul3A_57, %add3A_53 : vector<16xf32>
      %select_n3A = arith.select %gt3A_55, %add3A_53, %mul3A_58 : vector<16xi1>, vector<16xf32>
      %sub3A = arith.subf %select_n3A, %get3A_27 : vector<16xf32>
      %exp3A = math.exp %sub3A : vector<16xf32>
      %add3A_59 = arith.addi %mul3A_2, %mul3A_47 : i32
      %add3A_60 = vector.broadcast %add3A_59 : i32 to vector<16xi32>
      %add3A_61 = arith.addi %add3A_60, %iota3A : vector<16xi32>
      %lt3A = arith.constant 330000 : i32
      %lt3A_62 = vector.broadcast %lt3A : i32 to vector<16xi32>
      %lt3A_63 = arith.cmpi slt, %add3A_61, %lt3A_62 : vector<16xi32>
      %jit3A = arith.constant 0.000000e+00 : f64
      %convert_element_type3A_64 = arith.truncf %jit3A : f64 to f32
      %broadcast_in_dim3A_65 = vector.broadcast %convert_element_type3A_64 : f32 to vector<16xf32>
      %select_n3A_66 = arith.select %lt3A_63, %exp3A, %broadcast_in_dim3A_65 : vector<16xi1>, vector<16xf32>
      %swap3A = arith.index_cast %mul3A_47 : i32 to index
      %swap3A_67 = tpu.vector_load %arg14[%swap3A] {strides = array<i32>} : memref<10752xf32, #tpu.memory_space<vmem>>, vector<16xf32>,
      tpu.vector_store %arg14[%swap3A], %select_n3A_66 {strides = array<i32>} : memref<10752xf32, #tpu.memory_space<vmem>>, vector<16xf32>,
      %shift_right_logical3A = arith.constant 7 : i32
      %shift_right_logical3A_68 = vector.broadcast %shift_right_logical3A : i32 to vector<16xi32>
      %shift_right_logical3A_69 = arith.shrui %get3A_51, %shift_right_logical3A_68 : vector<16xi32>
      %and3A = arith.constant 127 : i32
      %and3A_70 = vector.broadcast %and3A : i32 to vector<16xi32>
      %and3A_71 = arith.andi %get3A_51, %and3A_70 : vector<16xi32>
      tpu.vector_store_idx %arg11[%shift_right_logical3A_69, %and3A_71], %select_n3A_66 {add = true} : memref<80x128xf32, #tpu.memory_space<vmem>>[vector<16xi32>, vector<16xi32>], vector<16xf32>,
    }
    %while3A_38 = arith.constant 1 : i32
    scf.for %while3A_45 = %while3A_36 to %while3A_32 step %while3A_38  : i32 {
      %mul3A_46 = arith.constant 16 : i32
      %mul3A_47 = arith.muli %while3A_45, %mul3A_46 : i32
      %get3A_48 = arith.index_cast %mul3A_47 : i32 to index
      %get3A_49 = tpu.vector_load %arg12[%get3A_48] {strides = array<i32>} : memref<10752xi32, #tpu.memory_space<vmem>>, vector<16xi32>,
      %get3A_50 = arith.index_cast %mul3A_47 : i32 to index
      %get3A_51 = tpu.vector_load %arg13[%get3A_50] {strides = array<i32>} : memref<10752xi32, #tpu.memory_space<vmem>>, vector<16xi32>,
      %gather3A = tpu.vector_load_idx %arg9[%get3A_49] : memref<10000xf32, #tpu.memory_space<vmem>>[vector<16xi32>], vector<16xf32>,
      %gather3A_52 = tpu.vector_load_idx %arg10[%get3A_51] : memref<10000xf32, #tpu.memory_space<vmem>>[vector<16xi32>], vector<16xf32>,
      %add3A_53 = arith.addf %gather3A, %gather3A_52 : vector<16xf32>
      %gt3A = arith.constant 0.000000e+00 : f32
      %gt3A_54 = vector.broadcast %gt3A : f32 to vector<16xf32>
      %gt3A_55 = arith.cmpf ogt, %add3A_53, %gt3A_54 : vector<16xf32>
      %mul3A_56 = arith.constant 2.000000e-01 : f32
      %mul3A_57 = vector.broadcast %mul3A_56 : f32 to vector<16xf32>
      %mul3A_58 = arith.mulf %mul3A_57, %add3A_53 : vector<16xf32>
      %select_n3A = arith.select %gt3A_55, %add3A_53, %mul3A_58 : vector<16xi1>, vector<16xf32>
      %sub3A = arith.subf %select_n3A, %get3A_27 : vector<16xf32>
      %exp3A = math.exp %sub3A : vector<16xf32>
      %add3A_59 = arith.addi %mul3A_2, %mul3A_47 : i32
      %add3A_60 = vector.broadcast %add3A_59 : i32 to vector<16xi32>
      %add3A_61 = arith.addi %add3A_60, %iota3A : vector<16xi32>
      %lt3A = arith.constant 330000 : i32
      %lt3A_62 = vector.broadcast %lt3A : i32 to vector<16xi32>
      %lt3A_63 = arith.cmpi slt, %add3A_61, %lt3A_62 : vector<16xi32>
      %jit3A = arith.constant 0.000000e+00 : f64
      %convert_element_type3A_64 = arith.truncf %jit3A : f64 to f32
      %broadcast_in_dim3A_65 = vector.broadcast %convert_element_type3A_64 : f32 to vector<16xf32>
      %select_n3A_66 = arith.select %lt3A_63, %exp3A, %broadcast_in_dim3A_65 : vector<16xi1>, vector<16xf32>
      %swap3A = arith.index_cast %mul3A_47 : i32 to index
      %swap3A_67 = tpu.vector_load %arg14[%swap3A] {strides = array<i32>} : memref<10752xf32, #tpu.memory_space<vmem>>, vector<16xf32>,
      tpu.vector_store %arg14[%swap3A], %select_n3A_66 {strides = array<i32>} : memref<10752xf32, #tpu.memory_space<vmem>>, vector<16xf32>,
      %shift_right_logical3A = arith.constant 7 : i32
      %shift_right_logical3A_68 = vector.broadcast %shift_right_logical3A : i32 to vector<16xi32>
      %shift_right_logical3A_69 = arith.shrui %get3A_51, %shift_right_logical3A_68 : vector<16xi32>
      %and3A = arith.constant 127 : i32
      %and3A_70 = vector.broadcast %and3A : i32 to vector<16xi32>
      %and3A_71 = arith.andi %get3A_51, %and3A_70 : vector<16xi32>
      tpu.vector_store_idx %arg11[%shift_right_logical3A_69, %and3A_71], %select_n3A_66 {add = true} : memref<80x128xf32, #tpu.memory_space<vmem>>[vector<16xi32>, vector<16xi32>], vector<16xf32>,
    }
    "tpu.region"() ({
      %run_scoped3A = tpu.sem_alloc : memref<!tpu.dma_semaphore, #tpu.memory_space<semaphore_mem>>
      %dma_start3A = tpu.memref_slice %arg8[%mul3A_2] : memref<344064xf32, #tpu.memory_space<hbm>> -> memref<10752xf32, #tpu.memory_space<hbm>>
      %dma_start3A_45 = tpu.memref_slice %arg8[%mul3A_2] : memref<344064xf32, #tpu.memory_space<hbm>> -> memref<10752xf32, #tpu.memory_space<hbm>>
      tpu.enqueue_dma source(%arg14 : memref<10752xf32, #tpu.memory_space<vmem>>) target(%dma_start3A_45 : memref<10752xf32, #tpu.memory_space<hbm>>) target_semaphore(%run_scoped3A : memref<!tpu.dma_semaphore, #tpu.memory_space<semaphore_mem>>)
      %dma_wait3A = tpu.memref_slice %arg8[%mul3A_2] : memref<344064xf32, #tpu.memory_space<hbm>> -> memref<10752xf32, #tpu.memory_space<hbm>>
      %dma_wait3A_46 = tpu.memref_slice %arg8[%mul3A_2] : memref<344064xf32, #tpu.memory_space<hbm>> -> memref<10752xf32, #tpu.memory_space<hbm>>
      tpu.wait_dma2 semaphore(%run_scoped3A : memref<!tpu.dma_semaphore, #tpu.memory_space<semaphore_mem>>) src(%arg14 : memref<10752xf32, #tpu.memory_space<vmem>>) dst(%dma_wait3A_46 : memref<10752xf32, #tpu.memory_space<hbm>>)
      tpu.yield
    }) : () -> ()
    "tpu.region"() ({
      %run_scoped3A = tpu.sem_alloc : memref<!tpu.dma_semaphore, #tpu.memory_space<semaphore_mem>>
      %dma_start3A = arith.constant 0 : i32
      %dma_start3A_45 = arith.constant 0 : i32
      %dma_start3A_46 = tpu.memref_slice %arg17[%dma_start3A, %dma_start3A_45] : memref<80x128xf32, #tpu.memory_space<vmem_shared>> -> memref<80x128xf32, #tpu.memory_space<vmem_shared>>
      tpu.enqueue_indirect_dma source(%arg11 : memref<80x128xf32, #tpu.memory_space<vmem>>) target(%dma_start3A_46 : memref<80x128xf32, #tpu.memory_space<vmem_shared>>) offsets(%arg16 : memref<80xi32, #tpu.memory_space<vmem>>) semaphore(%run_scoped3A : memref<!tpu.dma_semaphore, #tpu.memory_space<semaphore_mem>>) {add = true}
      %dma_wait3A = arith.constant 0 : i32
      %dma_wait3A_47 = arith.constant 0 : i32
      %dma_wait3A_48 = tpu.memref_slice %arg17[%dma_wait3A, %dma_wait3A_47] : memref<80x128xf32, #tpu.memory_space<vmem_shared>> -> memref<80x128xf32, #tpu.memory_space<vmem_shared>>
      tpu.wait_indirect_dma semaphore(%run_scoped3A : memref<!tpu.dma_semaphore, #tpu.memory_space<semaphore_mem>>) src(%arg11 : memref<80x128xf32, #tpu.memory_space<vmem>>) dst(%dma_wait3A_48 : memref<80x128xf32, #tpu.memory_space<vmem_shared>>)
      tpu.yield
    }) : () -> ()
    %barrier3A_39 = arith.constant 0 : index
    tpu.barrier barrier_id(%barrier3A_39)
    %eq3A_40 = arith.constant 0 : i32
    %eq3A_41 = arith.cmpi eq, %arg1, %eq3A_40 : i32
    %convert_element_type3A_42 = arith.extui %eq3A_41 : i1 to i32
    %cond3A_43 = arith.constant 0 : i32
    %cond3A_44 = arith.cmpi ne, %convert_element_type3A_42, %cond3A_43 : i32
    scf.if %cond3A_44 {
      "tpu.region"() ({
        %run_scoped3A = tpu.sem_alloc : memref<!tpu.dma_semaphore, #tpu.memory_space<semaphore_mem>>
        %dma_start3A = arith.constant 0 : i32
        %dma_start3A_45 = arith.constant 0 : i32
        %dma_start3A_46 = tpu.memref_slice %arg7[%arg0, %dma_start3A, %dma_start3A_45] : memref<2x80x128xf32, #tpu.memory_space<hbm>> -> memref<1x80x128xf32, #tpu.memory_space<hbm>>
        %dma_start3A_47 = tpu.memref_squeeze %dma_start3A_46 : memref<1x80x128xf32, #tpu.memory_space<hbm>> -> memref<80x128xf32, #tpu.memory_space<hbm>>
        tpu.enqueue_dma source(%arg17 : memref<80x128xf32, #tpu.memory_space<vmem_shared>>) target(%dma_start3A_47 : memref<80x128xf32, #tpu.memory_space<hbm>>) target_semaphore(%run_scoped3A : memref<!tpu.dma_semaphore, #tpu.memory_space<semaphore_mem>>)
        %dma_wait3A = arith.constant 0 : i32
        %dma_wait3A_48 = arith.constant 0 : i32
        %dma_wait3A_49 = tpu.memref_slice %arg7[%arg0, %dma_wait3A, %dma_wait3A_48] : memref<2x80x128xf32, #tpu.memory_space<hbm>> -> memref<1x80x128xf32, #tpu.memory_space<hbm>>
        %dma_wait3A_50 = tpu.memref_squeeze %dma_wait3A_49 : memref<1x80x128xf32, #tpu.memory_space<hbm>> -> memref<80x128xf32, #tpu.memory_space<hbm>>
        tpu.wait_dma2 semaphore(%run_scoped3A : memref<!tpu.dma_semaphore, #tpu.memory_space<semaphore_mem>>) src(%arg17 : memref<80x128xf32, #tpu.memory_space<vmem_shared>>) dst(%dma_wait3A_50 : memref<80x128xf32, #tpu.memory_space<hbm>>)
        tpu.yield
      }) : () -> ()
    } else {
    }
    return
  }
}

#map = affine_map<(d0, d1) -> (0, 0, 0)>
#map1 = affine_map<(d0, d1) -> (0, 0)>
module attributes {stable_mosaic.version = 14 : i64} {
  func.func @_sc_c(%arg0: i32, %arg1: i32, %arg2: memref<32x8x128xi32, #tpu.memory_space<hbm>>, %arg3: memref<10000x128xf32, #tpu.memory_space<hbm>>, %arg4: memref<32768x128xf32, #tpu.memory_space<hbm>>, %arg5: memref<8x128xi32, #tpu.memory_space<vmem>>, %arg6: memref<128x128xf32, #tpu.memory_space<vmem>>) attributes {dimension_semantics = [#tpu.dimension_semantics<core_parallel>, #tpu.dimension_semantics<subcore_parallel>], iteration_bounds = array<i64: 2, 16>, scalar_prefetch = 0 : i64, scratch_operands = 2 : i64, tpu.core_type = #tpu.core_type<sc_vector_subcore>, window_params = [{transform_indices = #map}, {transform_indices = #map1}, {transform_indices = #map1}]} {
    %mul3A = arith.constant 2 : i32
    %mul3A_0 = arith.muli %arg1, %mul3A : i32
    %add3A = arith.addi %mul3A_0, %arg0 : i32
    "tpu.region"() ({
      %run_scoped3A = tpu.sem_alloc : memref<!tpu.dma_semaphore, #tpu.memory_space<semaphore_mem>>
      %dma_start3A = arith.constant 0 : i32
      %dma_start3A_11 = arith.constant 0 : i32
      %dma_start3A_12 = tpu.memref_slice %arg2[%add3A, %dma_start3A, %dma_start3A_11] : memref<32x8x128xi32, #tpu.memory_space<hbm>> -> memref<1x8x128xi32, #tpu.memory_space<hbm>>
      %dma_start3A_13 = tpu.memref_squeeze %dma_start3A_12 : memref<1x8x128xi32, #tpu.memory_space<hbm>> -> memref<8x128xi32, #tpu.memory_space<hbm>>
      %dma_start3A_14 = arith.constant 0 : i32
      %dma_start3A_15 = arith.constant 0 : i32
      %dma_start3A_16 = tpu.memref_slice %arg2[%add3A, %dma_start3A_14, %dma_start3A_15] : memref<32x8x128xi32, #tpu.memory_space<hbm>> -> memref<1x8x128xi32, #tpu.memory_space<hbm>>
      %dma_start3A_17 = tpu.memref_squeeze %dma_start3A_16 : memref<1x8x128xi32, #tpu.memory_space<hbm>> -> memref<8x128xi32, #tpu.memory_space<hbm>>
      tpu.enqueue_dma source(%dma_start3A_17 : memref<8x128xi32, #tpu.memory_space<hbm>>) target(%arg5 : memref<8x128xi32, #tpu.memory_space<vmem>>) target_semaphore(%run_scoped3A : memref<!tpu.dma_semaphore, #tpu.memory_space<semaphore_mem>>)
      %dma_wait3A = arith.constant 0 : i32
      %dma_wait3A_18 = arith.constant 0 : i32
      %dma_wait3A_19 = tpu.memref_slice %arg2[%add3A, %dma_wait3A, %dma_wait3A_18] : memref<32x8x128xi32, #tpu.memory_space<hbm>> -> memref<1x8x128xi32, #tpu.memory_space<hbm>>
      %dma_wait3A_20 = tpu.memref_squeeze %dma_wait3A_19 : memref<1x8x128xi32, #tpu.memory_space<hbm>> -> memref<8x128xi32, #tpu.memory_space<hbm>>
      %dma_wait3A_21 = arith.constant 0 : i32
      %dma_wait3A_22 = arith.constant 0 : i32
      %dma_wait3A_23 = tpu.memref_slice %arg2[%add3A, %dma_wait3A_21, %dma_wait3A_22] : memref<32x8x128xi32, #tpu.memory_space<hbm>> -> memref<1x8x128xi32, #tpu.memory_space<hbm>>
      %dma_wait3A_24 = tpu.memref_squeeze %dma_wait3A_23 : memref<1x8x128xi32, #tpu.memory_space<hbm>> -> memref<8x128xi32, #tpu.memory_space<hbm>>
      tpu.wait_dma2 semaphore(%run_scoped3A : memref<!tpu.dma_semaphore, #tpu.memory_space<semaphore_mem>>) src(%dma_wait3A_24 : memref<8x128xi32, #tpu.memory_space<hbm>>) dst(%arg5 : memref<8x128xi32, #tpu.memory_space<vmem>>)
      tpu.yield
    }) : () -> ()
    %while3A = arith.constant 0 : i64
    %while3A_1 = arith.constant 0 : i32
    %while3A_2 = arith.constant 8 : i32
    %while3A_3 = arith.subi %while3A_2, %while3A_1 : i32
    %while3A_4 = arith.addi %while3A_1, %while3A_3 : i32
    %while3A_5 = arith.constant 1 : i32
    %while3A_6 = arith.divsi %while3A_3, %while3A_5 : i32
    %while3A_7 = arith.muli %while3A_6, %while3A_5 : i32
    %while3A_8 = arith.addi %while3A_1, %while3A_7 : i32
    %while3A_9 = arith.constant 1 : i32
    scf.for %while3A_11 = %while3A_1 to %while3A_8 step %while3A_9  : i32 {
      "tpu.region"() ({
        %run_scoped3A = tpu.sem_alloc : memref<!tpu.dma_semaphore, #tpu.memory_space<semaphore_mem>>
        %dma_start3A = arith.constant 0 : i32
        %dma_start3A_17 = tpu.memref_slice %arg5[%while3A_11, %dma_start3A] : memref<8x128xi32, #tpu.memory_space<vmem>> -> memref<1x128xi32, #tpu.memory_space<vmem>>
        %dma_start3A_18 = tpu.memref_squeeze %dma_start3A_17 : memref<1x128xi32, #tpu.memory_space<vmem>> -> memref<128xi32, #tpu.memory_space<vmem>>
        %dma_start3A_19 = arith.constant 0 : i32
        %dma_start3A_20 = arith.constant 0 : i32
        %dma_start3A_21 = tpu.memref_slice %arg3[%dma_start3A_19, %dma_start3A_20] : memref<10000x128xf32, #tpu.memory_space<hbm>> -> memref<10000x128xf32, #tpu.memory_space<hbm>>
        tpu.enqueue_indirect_dma source(%dma_start3A_21 : memref<10000x128xf32, #tpu.memory_space<hbm>>) target(%arg6 : memref<128x128xf32, #tpu.memory_space<vmem>>) offsets(%dma_start3A_18 : memref<128xi32, #tpu.memory_space<vmem>>) semaphore(%run_scoped3A : memref<!tpu.dma_semaphore, #tpu.memory_space<semaphore_mem>>)
        %dma_wait3A = arith.constant 0 : i32
        %dma_wait3A_22 = tpu.memref_slice %arg5[%while3A_11, %dma_wait3A] : memref<8x128xi32, #tpu.memory_space<vmem>> -> memref<1x128xi32, #tpu.memory_space<vmem>>
        %dma_wait3A_23 = tpu.memref_squeeze %dma_wait3A_22 : memref<1x128xi32, #tpu.memory_space<vmem>> -> memref<128xi32, #tpu.memory_space<vmem>>
        %dma_wait3A_24 = arith.constant 0 : i32
        %dma_wait3A_25 = arith.constant 0 : i32
        %dma_wait3A_26 = tpu.memref_slice %arg3[%dma_wait3A_24, %dma_wait3A_25] : memref<10000x128xf32, #tpu.memory_space<hbm>> -> memref<10000x128xf32, #tpu.memory_space<hbm>>
        tpu.wait_indirect_dma semaphore(%run_scoped3A : memref<!tpu.dma_semaphore, #tpu.memory_space<semaphore_mem>>) src(%dma_wait3A_26 : memref<10000x128xf32, #tpu.memory_space<hbm>>) dst(%arg6 : memref<128x128xf32, #tpu.memory_space<vmem>>)
        tpu.yield
      }) : () -> ()
      %mul3A_12 = arith.constant 1024 : i32
      %mul3A_13 = arith.muli %add3A, %mul3A_12 : i32
      %mul3A_14 = arith.constant 128 : i32
      %mul3A_15 = arith.muli %while3A_11, %mul3A_14 : i32
      %add3A_16 = arith.addi %mul3A_13, %mul3A_15 : i32
      "tpu.region"() ({
        %run_scoped3A = tpu.sem_alloc : memref<!tpu.dma_semaphore, #tpu.memory_space<semaphore_mem>>
        %dma_start3A = arith.constant 0 : i32
        %dma_start3A_17 = tpu.memref_slice %arg4[%add3A_16, %dma_start3A] : memref<32768x128xf32, #tpu.memory_space<hbm>> -> memref<128x128xf32, #tpu.memory_space<hbm>>
        %dma_start3A_18 = arith.constant 0 : i32
        %dma_start3A_19 = tpu.memref_slice %arg4[%add3A_16, %dma_start3A_18] : memref<32768x128xf32, #tpu.memory_space<hbm>> -> memref<128x128xf32, #tpu.memory_space<hbm>>
        tpu.enqueue_dma source(%arg6 : memref<128x128xf32, #tpu.memory_space<vmem>>) target(%dma_start3A_19 : memref<128x128xf32, #tpu.memory_space<hbm>>) target_semaphore(%run_scoped3A : memref<!tpu.dma_semaphore, #tpu.memory_space<semaphore_mem>>)
        %dma_wait3A = arith.constant 0 : i32
        %dma_wait3A_20 = tpu.memref_slice %arg4[%add3A_16, %dma_wait3A] : memref<32768x128xf32, #tpu.memory_space<hbm>> -> memref<128x128xf32, #tpu.memory_space<hbm>>
        %dma_wait3A_21 = arith.constant 0 : i32
        %dma_wait3A_22 = tpu.memref_slice %arg4[%add3A_16, %dma_wait3A_21] : memref<32768x128xf32, #tpu.memory_space<hbm>> -> memref<128x128xf32, #tpu.memory_space<hbm>>
        tpu.wait_dma2 semaphore(%run_scoped3A : memref<!tpu.dma_semaphore, #tpu.memory_space<semaphore_mem>>) src(%arg6 : memref<128x128xf32, #tpu.memory_space<vmem>>) dst(%dma_wait3A_22 : memref<128x128xf32, #tpu.memory_space<hbm>>)
        tpu.yield
      }) : () -> ()
    }
    %while3A_10 = arith.constant 1 : i32
    scf.for %while3A_11 = %while3A_8 to %while3A_4 step %while3A_10  : i32 {
      "tpu.region"() ({
        %run_scoped3A = tpu.sem_alloc : memref<!tpu.dma_semaphore, #tpu.memory_space<semaphore_mem>>
        %dma_start3A = arith.constant 0 : i32
        %dma_start3A_17 = tpu.memref_slice %arg5[%while3A_11, %dma_start3A] : memref<8x128xi32, #tpu.memory_space<vmem>> -> memref<1x128xi32, #tpu.memory_space<vmem>>
        %dma_start3A_18 = tpu.memref_squeeze %dma_start3A_17 : memref<1x128xi32, #tpu.memory_space<vmem>> -> memref<128xi32, #tpu.memory_space<vmem>>
        %dma_start3A_19 = arith.constant 0 : i32
        %dma_start3A_20 = arith.constant 0 : i32
        %dma_start3A_21 = tpu.memref_slice %arg3[%dma_start3A_19, %dma_start3A_20] : memref<10000x128xf32, #tpu.memory_space<hbm>> -> memref<10000x128xf32, #tpu.memory_space<hbm>>
        tpu.enqueue_indirect_dma source(%dma_start3A_21 : memref<10000x128xf32, #tpu.memory_space<hbm>>) target(%arg6 : memref<128x128xf32, #tpu.memory_space<vmem>>) offsets(%dma_start3A_18 : memref<128xi32, #tpu.memory_space<vmem>>) semaphore(%run_scoped3A : memref<!tpu.dma_semaphore, #tpu.memory_space<semaphore_mem>>)
        %dma_wait3A = arith.constant 0 : i32
        %dma_wait3A_22 = tpu.memref_slice %arg5[%while3A_11, %dma_wait3A] : memref<8x128xi32, #tpu.memory_space<vmem>> -> memref<1x128xi32, #tpu.memory_space<vmem>>
        %dma_wait3A_23 = tpu.memref_squeeze %dma_wait3A_22 : memref<1x128xi32, #tpu.memory_space<vmem>> -> memref<128xi32, #tpu.memory_space<vmem>>
        %dma_wait3A_24 = arith.constant 0 : i32
        %dma_wait3A_25 = arith.constant 0 : i32
        %dma_wait3A_26 = tpu.memref_slice %arg3[%dma_wait3A_24, %dma_wait3A_25] : memref<10000x128xf32, #tpu.memory_space<hbm>> -> memref<10000x128xf32, #tpu.memory_space<hbm>>
        tpu.wait_indirect_dma semaphore(%run_scoped3A : memref<!tpu.dma_semaphore, #tpu.memory_space<semaphore_mem>>) src(%dma_wait3A_26 : memref<10000x128xf32, #tpu.memory_space<hbm>>) dst(%arg6 : memref<128x128xf32, #tpu.memory_space<vmem>>)
        tpu.yield
      }) : () -> ()
      %mul3A_12 = arith.constant 1024 : i32
      %mul3A_13 = arith.muli %add3A, %mul3A_12 : i32
      %mul3A_14 = arith.constant 128 : i32
      %mul3A_15 = arith.muli %while3A_11, %mul3A_14 : i32
      %add3A_16 = arith.addi %mul3A_13, %mul3A_15 : i32
      "tpu.region"() ({
        %run_scoped3A = tpu.sem_alloc : memref<!tpu.dma_semaphore, #tpu.memory_space<semaphore_mem>>
        %dma_start3A = arith.constant 0 : i32
        %dma_start3A_17 = tpu.memref_slice %arg4[%add3A_16, %dma_start3A] : memref<32768x128xf32, #tpu.memory_space<hbm>> -> memref<128x128xf32, #tpu.memory_space<hbm>>
        %dma_start3A_18 = arith.constant 0 : i32
        %dma_start3A_19 = tpu.memref_slice %arg4[%add3A_16, %dma_start3A_18] : memref<32768x128xf32, #tpu.memory_space<hbm>> -> memref<128x128xf32, #tpu.memory_space<hbm>>
        tpu.enqueue_dma source(%arg6 : memref<128x128xf32, #tpu.memory_space<vmem>>) target(%dma_start3A_19 : memref<128x128xf32, #tpu.memory_space<hbm>>) target_semaphore(%run_scoped3A : memref<!tpu.dma_semaphore, #tpu.memory_space<semaphore_mem>>)
        %dma_wait3A = arith.constant 0 : i32
        %dma_wait3A_20 = tpu.memref_slice %arg4[%add3A_16, %dma_wait3A] : memref<32768x128xf32, #tpu.memory_space<hbm>> -> memref<128x128xf32, #tpu.memory_space<hbm>>
        %dma_wait3A_21 = arith.constant 0 : i32
        %dma_wait3A_22 = tpu.memref_slice %arg4[%add3A_16, %dma_wait3A_21] : memref<32768x128xf32, #tpu.memory_space<hbm>> -> memref<128x128xf32, #tpu.memory_space<hbm>>
        tpu.wait_dma2 semaphore(%run_scoped3A : memref<!tpu.dma_semaphore, #tpu.memory_space<semaphore_mem>>) src(%arg6 : memref<128x128xf32, #tpu.memory_space<vmem>>) dst(%dma_wait3A_22 : memref<128x128xf32, #tpu.memory_space<hbm>>)
        tpu.yield
      }) : () -> ()
    }
    return
  }
}

module attributes {stable_mosaic.version = 14 : i64} {
  func.func @_tc_pre_body(%arg0: memref<5000x256xf32, #tpu.memory_space<vmem>>, %arg1: memref<5000x128xf32, #tpu.memory_space<vmem>>, %arg2: memref<256x128xf32, #tpu.memory_space<vmem>>, %arg3: memref<1x128xf32, #tpu.memory_space<vmem>>, %arg4: memref<128x128xf32, #tpu.memory_space<vmem>>, %arg5: memref<1x128xf32, #tpu.memory_space<vmem>>, %arg6: memref<128x128xf32, #tpu.memory_space<vmem>>, %arg7: memref<2x128xf32, #tpu.memory_space<vmem>>, %arg8: memref<10000x128xf32, #tpu.memory_space<vmem>>, %arg9: memref<2x10000xf32, #tpu.memory_space<vmem>>, %arg10: memref<1x1xf32, #tpu.memory_space<vmem>>) attributes {dimension_semantics = [], scalar_prefetch = 0 : i64, scratch_operands = 0 : i64, tpu.core_type = #tpu.core_type<tc>} {
    %get3A = arith.constant 0 : index
    %get3A_0 = arith.constant 0 : index
    %get3A_1 = vector.load %arg6[%get3A, %get3A_0] : memref<128x128xf32, #tpu.memory_space<vmem>>, vector<128x128xf32>
    %get3A_2 = arith.constant 0 : index
    %get3A_3 = arith.constant 0 : index
    %get3A_4 = vector.load %arg2[%get3A_2, %get3A_3] : memref<256x128xf32, #tpu.memory_space<vmem>>, vector<256x128xf32>
    %dot_general3A = arith.constant dense<0.000000e+00> : vector<256x128xf32>
    %dot_general3A_5 = tpu.matmul %get3A_4, %get3A_1, %dot_general3A {dimension_numbers = #tpu.dot_dimension_numbers<[1], [0], [0], [1], [0, 0, 1, 1], [], []>, transpose_lhs_hint = false} : vector<256x128xf32>, vector<128x128xf32>, vector<256x128xf32> -> vector<256x128xf32>
    %get3A_6 = arith.constant 0 : index
    %get3A_7 = arith.constant 0 : index
    %get3A_8 = vector.load %arg4[%get3A_6, %get3A_7] : memref<128x128xf32, #tpu.memory_space<vmem>>, vector<128x128xf32>
    %dot_general3A_9 = arith.constant dense<0.000000e+00> : vector<128x128xf32>
    %dot_general3A_10 = tpu.matmul %get3A_8, %get3A_1, %dot_general3A_9 {dimension_numbers = #tpu.dot_dimension_numbers<[1], [0], [0], [1], [0, 0, 1, 1], [], []>, transpose_lhs_hint = false} : vector<128x128xf32>, vector<128x128xf32>, vector<128x128xf32> -> vector<128x128xf32>
    %get3A_11 = arith.constant 0 : index
    %get3A_12 = arith.constant 0 : index
    %get3A_13 = vector.load %arg3[%get3A_11, %get3A_12] : memref<1x128xf32, #tpu.memory_space<vmem>>, vector<1x128xf32>
    %dot_general3A_14 = arith.constant dense<0.000000e+00> : vector<1x128xf32>
    %dot_general3A_15 = tpu.matmul %get3A_13, %get3A_1, %dot_general3A_14 {dimension_numbers = #tpu.dot_dimension_numbers<[1], [0], [0], [1], [0, 0, 1, 1], [], []>, transpose_lhs_hint = false} : vector<1x128xf32>, vector<128x128xf32>, vector<1x128xf32> -> vector<1x128xf32>
    %get3A_16 = arith.constant 0 : index
    %get3A_17 = arith.constant 0 : index
    %get3A_18 = vector.load %arg5[%get3A_16, %get3A_17] : memref<1x128xf32, #tpu.memory_space<vmem>>, vector<1x128xf32>
    %dot_general3A_19 = arith.constant dense<0.000000e+00> : vector<1x128xf32>
    %dot_general3A_20 = tpu.matmul %get3A_18, %get3A_1, %dot_general3A_19 {dimension_numbers = #tpu.dot_dimension_numbers<[1], [0], [0], [1], [0, 0, 1, 1], [], []>, transpose_lhs_hint = false} : vector<1x128xf32>, vector<128x128xf32>, vector<1x128xf32> -> vector<1x128xf32>
    %get3A_21 = arith.constant 0 : index
    %get3A_22 = arith.constant 0 : index
    %get3A_23 = vector.load %arg0[%get3A_21, %get3A_22] : memref<5000x256xf32, #tpu.memory_space<vmem>>, vector<5000x256xf32>
    %dot_general3A_24 = arith.constant dense<0.000000e+00> : vector<5000x128xf32>
    %dot_general3A_25 = tpu.matmul %get3A_23, %dot_general3A_5, %dot_general3A_24 {dimension_numbers = #tpu.dot_dimension_numbers<[1], [0], [0], [1], [0, 0, 1, 1], [], []>, transpose_lhs_hint = false} : vector<5000x256xf32>, vector<256x128xf32>, vector<5000x128xf32> -> vector<5000x128xf32>
    %add3A = vector.broadcast %dot_general3A_15 : vector<1x128xf32> to vector<5000x128xf32>
    %add3A_26 = arith.addf %dot_general3A_25, %add3A : vector<5000x128xf32>
    %get3A_27 = arith.constant 0 : index
    %get3A_28 = arith.constant 0 : index
    %get3A_29 = vector.load %arg1[%get3A_27, %get3A_28] : memref<5000x128xf32, #tpu.memory_space<vmem>>, vector<5000x128xf32>
    %dot_general3A_30 = arith.constant dense<0.000000e+00> : vector<5000x128xf32>
    %dot_general3A_31 = tpu.matmul %get3A_29, %dot_general3A_10, %dot_general3A_30 {dimension_numbers = #tpu.dot_dimension_numbers<[1], [0], [0], [1], [0, 0, 1, 1], [], []>, transpose_lhs_hint = false} : vector<5000x128xf32>, vector<128x128xf32>, vector<5000x128xf32> -> vector<5000x128xf32>
    %add3A_32 = vector.broadcast %dot_general3A_20 : vector<1x128xf32> to vector<5000x128xf32>
    %add3A_33 = arith.addf %dot_general3A_31, %add3A_32 : vector<5000x128xf32>
    %swap3A = arith.constant 0 : index
    %swap3A_34 = arith.constant 0 : index
    %swap3A_35 = vector.load %arg8[%swap3A, %swap3A_34] : memref<10000x128xf32, #tpu.memory_space<vmem>>, vector<5000x128xf32>
    tpu.vector_store %arg8[%swap3A, %swap3A_34], %add3A_26 {strides = array<i32>} : memref<10000x128xf32, #tpu.memory_space<vmem>>, vector<5000x128xf32>,
    %swap3A_36 = arith.constant 5000 : index
    %swap3A_37 = arith.constant 0 : index
    %swap3A_38 = vector.load %arg8[%swap3A_36, %swap3A_37] : memref<10000x128xf32, #tpu.memory_space<vmem>>, vector<5000x128xf32>
    tpu.vector_store %arg8[%swap3A_36, %swap3A_37], %add3A_33 {strides = array<i32>} : memref<10000x128xf32, #tpu.memory_space<vmem>>, vector<5000x128xf32>,
    %get3A_39 = arith.constant 0 : index
    %get3A_40 = arith.constant 0 : index
    %get3A_41 = vector.load %arg7[%get3A_39, %get3A_40] : memref<2x128xf32, #tpu.memory_space<vmem>>, vector<2x128xf32>
    %dot_general3A_42 = arith.constant dense<0.000000e+00> : vector<2x5000xf32>
    %dot_general3A_43 = tpu.matmul %get3A_41, %add3A_26, %dot_general3A_42 {dimension_numbers = #tpu.dot_dimension_numbers<[1], [1], [0], [0], [0, 0, 1, 0], [], []>, transpose_lhs_hint = false} : vector<2x128xf32>, vector<5000x128xf32>, vector<2x5000xf32> -> vector<2x5000xf32>
    %dot_general3A_44 = arith.constant dense<0.000000e+00> : vector<2x5000xf32>
    %dot_general3A_45 = tpu.matmul %get3A_41, %add3A_33, %dot_general3A_44 {dimension_numbers = #tpu.dot_dimension_numbers<[1], [1], [0], [0], [0, 0, 1, 0], [], []>, transpose_lhs_hint = false} : vector<2x128xf32>, vector<5000x128xf32>, vector<2x5000xf32> -> vector<2x5000xf32>
    %swap3A_46 = arith.constant 0 : index
    %swap3A_47 = arith.constant 0 : index
    %swap3A_48 = vector.load %arg9[%swap3A_46, %swap3A_47] : memref<2x10000xf32, #tpu.memory_space<vmem>>, vector<2x5000xf32>
    tpu.vector_store %arg9[%swap3A_46, %swap3A_47], %dot_general3A_43 {strides = array<i32>} : memref<2x10000xf32, #tpu.memory_space<vmem>>, vector<2x5000xf32>,
    %swap3A_49 = arith.constant 0 : index
    %swap3A_50 = arith.constant 5000 : index
    %swap3A_51 = vector.load %arg9[%swap3A_49, %swap3A_50] : memref<2x10000xf32, #tpu.memory_space<vmem>>, vector<2x5000xf32>
    tpu.vector_store %arg9[%swap3A_49, %swap3A_50], %dot_general3A_45 {strides = array<i32>} : memref<2x10000xf32, #tpu.memory_space<vmem>>, vector<2x5000xf32>,
    %slice3A = vector.extract_strided_slice %dot_general3A_43 {offsets = [0, 0], sizes = [1, 5000], strides = [1, 1]} : vector<2x5000xf32> to vector<1x5000xf32>
    %squeeze3A = vector.shape_cast %slice3A : vector<1x5000xf32> to vector<5000xf32>
    %reduce_max3A = vector.shape_cast %squeeze3A : vector<5000xf32> to vector<1x5000xf32>
    %reduce_max3A_52 = arith.constant dense<0xFF800000> : vector<1xf32>
    %reduce_max3A_53 = vector.multi_reduction <maximumf>, %reduce_max3A, %reduce_max3A_52 [1] : vector<1x5000xf32> to vector<1xf32>
    %reduce_max3A_54 = vector.shape_cast %reduce_max3A_53 : vector<1xf32> to vector<1x1xf32>
    %reduce_max3A_55 = vector.extract %reduce_max3A_54[0, 0] : f32 from vector<1x1xf32>
    %slice3A_56 = vector.extract_strided_slice %dot_general3A_45 {offsets = [0, 0], sizes = [1, 5000], strides = [1, 1]} : vector<2x5000xf32> to vector<1x5000xf32>
    %squeeze3A_57 = vector.shape_cast %slice3A_56 : vector<1x5000xf32> to vector<5000xf32>
    %reduce_max3A_58 = vector.shape_cast %squeeze3A_57 : vector<5000xf32> to vector<1x5000xf32>
    %reduce_max3A_59 = arith.constant dense<0xFF800000> : vector<1xf32>
    %reduce_max3A_60 = vector.multi_reduction <maximumf>, %reduce_max3A_58, %reduce_max3A_59 [1] : vector<1x5000xf32> to vector<1xf32>
    %reduce_max3A_61 = vector.shape_cast %reduce_max3A_60 : vector<1xf32> to vector<1x1xf32>
    %reduce_max3A_62 = vector.extract %reduce_max3A_61[0, 0] : f32 from vector<1x1xf32>
    %max3A = arith.maximumf %reduce_max3A_55, %reduce_max3A_62 : f32
    %slice3A_63 = vector.extract_strided_slice %dot_general3A_43 {offsets = [1, 0], sizes = [1, 5000], strides = [1, 1]} : vector<2x5000xf32> to vector<1x5000xf32>
    %squeeze3A_64 = vector.shape_cast %slice3A_63 : vector<1x5000xf32> to vector<5000xf32>
    %reduce_max3A_65 = vector.shape_cast %squeeze3A_64 : vector<5000xf32> to vector<1x5000xf32>
    %reduce_max3A_66 = arith.constant dense<0xFF800000> : vector<1xf32>
    %reduce_max3A_67 = vector.multi_reduction <maximumf>, %reduce_max3A_65, %reduce_max3A_66 [1] : vector<1x5000xf32> to vector<1xf32>
    %reduce_max3A_68 = vector.shape_cast %reduce_max3A_67 : vector<1xf32> to vector<1x1xf32>
    %reduce_max3A_69 = vector.extract %reduce_max3A_68[0, 0] : f32 from vector<1x1xf32>
    %slice3A_70 = vector.extract_strided_slice %dot_general3A_45 {offsets = [1, 0], sizes = [1, 5000], strides = [1, 1]} : vector<2x5000xf32> to vector<1x5000xf32>
    %squeeze3A_71 = vector.shape_cast %slice3A_70 : vector<1x5000xf32> to vector<5000xf32>
    %reduce_max3A_72 = vector.shape_cast %squeeze3A_71 : vector<5000xf32> to vector<1x5000xf32>
    %reduce_max3A_73 = arith.constant dense<0xFF800000> : vector<1xf32>
    %reduce_max3A_74 = vector.multi_reduction <maximumf>, %reduce_max3A_72, %reduce_max3A_73 [1] : vector<1x5000xf32> to vector<1xf32>
    %reduce_max3A_75 = vector.shape_cast %reduce_max3A_74 : vector<1xf32> to vector<1x1xf32>
    %reduce_max3A_76 = vector.extract %reduce_max3A_75[0, 0] : f32 from vector<1x1xf32>
    %max3A_77 = arith.maximumf %reduce_max3A_69, %reduce_max3A_76 : f32
    %add3A_78 = arith.addf %max3A, %max3A_77 : f32
    %gt3A = arith.constant 0.000000e+00 : f32
    %gt3A_79 = arith.cmpf ogt, %add3A_78, %gt3A : f32
    %mul3A = arith.constant 2.000000e-01 : f32
    %mul3A_80 = arith.mulf %mul3A, %add3A_78 : f32
    %select_n3A = arith.select %gt3A_79, %add3A_78, %mul3A_80 : f32
    %reshape3A = vector.broadcast %select_n3A : f32 to vector<1x1xf32>
    %swap3A_81 = arith.constant 0 : index
    %swap3A_82 = arith.constant 0 : index
    %swap3A_83 = vector.load %arg10[%swap3A_81, %swap3A_82] : memref<1x1xf32, #tpu.memory_space<vmem>>, vector<1x1xf32>
    tpu.vector_store %arg10[%swap3A_81, %swap3A_82], %reshape3A {strides = array<i32>} : memref<1x1xf32, #tpu.memory_space<vmem>>, vector<1x1xf32>,
    return
  }
}

module attributes {stable_mosaic.version = 14 : i64} {
  func.func @_tc_mid_body(%arg0: memref<10000x128xf32, #tpu.memory_space<vmem>>, %arg1: memref<10000x1xf32, #tpu.memory_space<vmem>>, %arg2: memref<1x128xf32, #tpu.memory_space<vmem>>, %arg3: memref<128x64xf32, #tpu.memory_space<vmem>>, %arg4: memref<1x64xf32, #tpu.memory_space<vmem>>, %arg5: memref<10000x128xf32, #tpu.memory_space<vmem>>, %arg6: memref<5000x64xf32, #tpu.memory_space<vmem>>) attributes {dimension_semantics = [], scalar_prefetch = 0 : i64, scratch_operands = 0 : i64, tpu.core_type = #tpu.core_type<tc>} {
    %get3A = arith.constant 0 : index
    %get3A_0 = arith.constant 0 : index
    %get3A_1 = vector.load %arg0[%get3A, %get3A_0] : memref<10000x128xf32, #tpu.memory_space<vmem>>, vector<10000x128xf32>
    %get3A_2 = arith.constant 0 : index
    %get3A_3 = arith.constant 0 : index
    %get3A_4 = vector.load %arg1[%get3A_2, %get3A_3] : memref<10000x1xf32, #tpu.memory_space<vmem>>, vector<10000x1xf32>
    %div3A = vector.broadcast %get3A_4 : vector<10000x1xf32> to vector<10000x128xf32>
    %div3A_5 = arith.divf %get3A_1, %div3A : vector<10000x128xf32>
    %get3A_6 = arith.constant 0 : index
    %get3A_7 = arith.constant 0 : index
    %get3A_8 = vector.load %arg2[%get3A_6, %get3A_7] : memref<1x128xf32, #tpu.memory_space<vmem>>, vector<1x128xf32>
    %add3A = vector.broadcast %get3A_8 : vector<1x128xf32> to vector<10000x128xf32>
    %add3A_9 = arith.addf %div3A_5, %add3A : vector<10000x128xf32>
    %gt3A = arith.constant 0.000000e+00 : f32
    %gt3A_10 = vector.broadcast %gt3A : f32 to vector<10000x128xf32>
    %gt3A_11 = arith.cmpf ogt, %add3A_9, %gt3A_10 : vector<10000x128xf32>
    %min3A = arith.constant 0.000000e+00 : f32
    %min3A_12 = vector.broadcast %min3A : f32 to vector<10000x128xf32>
    %min3A_13 = arith.minimumf %add3A_9, %min3A_12 : vector<10000x128xf32>
    %exp3A = math.exp %min3A_13 : vector<10000x128xf32>
    %sub3A = arith.constant 1.000000e+00 : f32
    %sub3A_14 = vector.broadcast %sub3A : f32 to vector<10000x128xf32>
    %sub3A_15 = arith.subf %exp3A, %sub3A_14 : vector<10000x128xf32>
    %select_n3A = arith.select %gt3A_11, %add3A_9, %sub3A_15 : vector<10000x128xi1>, vector<10000x128xf32>
    %swap3A = arith.constant 0 : index
    %swap3A_16 = arith.constant 0 : index
    %swap3A_17 = vector.load %arg5[%swap3A, %swap3A_16] : memref<10000x128xf32, #tpu.memory_space<vmem>>, vector<10000x128xf32>
    tpu.vector_store %arg5[%swap3A, %swap3A_16], %select_n3A {strides = array<i32>} : memref<10000x128xf32, #tpu.memory_space<vmem>>, vector<10000x128xf32>,
    %slice3A = vector.extract_strided_slice %select_n3A {offsets = [0, 0], sizes = [5000, 128], strides = [1, 1]} : vector<10000x128xf32> to vector<5000x128xf32>
    %get3A_18 = arith.constant 0 : index
    %get3A_19 = arith.constant 0 : index
    %get3A_20 = vector.load %arg3[%get3A_18, %get3A_19] : memref<128x64xf32, #tpu.memory_space<vmem>>, vector<128x64xf32>
    %dot_general3A = arith.constant dense<0.000000e+00> : vector<5000x64xf32>
    %dot_general3A_21 = tpu.matmul %slice3A, %get3A_20, %dot_general3A {dimension_numbers = #tpu.dot_dimension_numbers<[1], [0], [0], [1], [0, 0, 1, 1], [], []>, transpose_lhs_hint = false} : vector<5000x128xf32>, vector<128x64xf32>, vector<5000x64xf32> -> vector<5000x64xf32>
    %get3A_22 = arith.constant 0 : index
    %get3A_23 = arith.constant 0 : index
    %get3A_24 = vector.load %arg4[%get3A_22, %get3A_23] : memref<1x64xf32, #tpu.memory_space<vmem>>, vector<1x64xf32>
    %add3A_25 = vector.broadcast %get3A_24 : vector<1x64xf32> to vector<5000x64xf32>
    %add3A_26 = arith.addf %dot_general3A_21, %add3A_25 : vector<5000x64xf32>
    %swap3A_27 = arith.constant 0 : index
    %swap3A_28 = arith.constant 0 : index
    %swap3A_29 = vector.load %arg6[%swap3A_27, %swap3A_28] : memref<5000x64xf32, #tpu.memory_space<vmem>>, vector<5000x64xf32>
    tpu.vector_store %arg6[%swap3A_27, %swap3A_28], %add3A_26 {strides = array<i32>} : memref<5000x64xf32, #tpu.memory_space<vmem>>, vector<5000x64xf32>,
    return
  }
}

module attributes {stable_mosaic.version = 14 : i64} {
  func.func @_tc_loss_body(%arg0: memref<4x8192x128xf32, #tpu.memory_space<vmem>>, %arg1: memref<1x1xf32, #tpu.memory_space<vmem>>, %arg2: memref<1x1xf32, #tpu.memory_space<vmem>>) attributes {dimension_semantics = [], scalar_prefetch = 0 : i64, scratch_operands = 0 : i64, tpu.core_type = #tpu.core_type<tc>} {
    %get3A = arith.constant 0 : index
    %get3A_0 = arith.constant 0 : index
    %get3A_1 = arith.constant 0 : index
    %get3A_2 = vector.load %arg0[%get3A, %get3A_0, %get3A_1] : memref<4x8192x128xf32, #tpu.memory_space<vmem>>, vector<1x8192x128xf32>
    %get3A_3 = vector.shape_cast %get3A_2 : vector<1x8192x128xf32> to vector<8192x128xf32>
    %get3A_4 = arith.constant 1 : index
    %get3A_5 = arith.constant 0 : index
    %get3A_6 = arith.constant 0 : index
    %get3A_7 = vector.load %arg0[%get3A_4, %get3A_5, %get3A_6] : memref<4x8192x128xf32, #tpu.memory_space<vmem>>, vector<1x8192x128xf32>
    %get3A_8 = vector.shape_cast %get3A_7 : vector<1x8192x128xf32> to vector<8192x128xf32>
    %mul3A = arith.mulf %get3A_3, %get3A_8 : vector<8192x128xf32>
    %reduce_sum3A = arith.constant dense<0.000000e+00> : vector<8192xf32>
    %reduce_sum3A_9 = vector.multi_reduction <add>, %mul3A, %reduce_sum3A [1] : vector<8192x128xf32> to vector<8192xf32>
    %get3A_10 = arith.constant 2 : index
    %get3A_11 = arith.constant 0 : index
    %get3A_12 = arith.constant 0 : index
    %get3A_13 = vector.load %arg0[%get3A_10, %get3A_11, %get3A_12] : memref<4x8192x128xf32, #tpu.memory_space<vmem>>, vector<1x8192x128xf32>
    %get3A_14 = vector.shape_cast %get3A_13 : vector<1x8192x128xf32> to vector<8192x128xf32>
    %get3A_15 = arith.constant 3 : index
    %get3A_16 = arith.constant 0 : index
    %get3A_17 = arith.constant 0 : index
    %get3A_18 = vector.load %arg0[%get3A_15, %get3A_16, %get3A_17] : memref<4x8192x128xf32, #tpu.memory_space<vmem>>, vector<1x8192x128xf32>
    %get3A_19 = vector.shape_cast %get3A_18 : vector<1x8192x128xf32> to vector<8192x128xf32>
    %mul3A_20 = arith.mulf %get3A_14, %get3A_19 : vector<8192x128xf32>
    %reduce_sum3A_21 = arith.constant dense<0.000000e+00> : vector<8192xf32>
    %reduce_sum3A_22 = vector.multi_reduction <add>, %mul3A_20, %reduce_sum3A_21 [1] : vector<8192x128xf32> to vector<8192xf32>
    %get3A_23 = arith.constant 0 : index
    %get3A_24 = arith.constant 0 : index
    %get3A_25 = vector.load %arg1[%get3A_23, %get3A_24] : memref<1x1xf32, #tpu.memory_space<vmem>>, vector<1x1xf32>
    %get3A_26 = vector.extract %get3A_25[0, 0] : f32 from vector<1x1xf32>
    %min3A = arith.constant 8.000000e-01 : f32
    %min3A_27 = arith.minimumf %min3A, %get3A_26 : f32
    %min3A_28 = arith.constant 0.000000e+00 : f32
    %min3A_29 = vector.broadcast %min3A_28 : f32 to vector<8192xf32>
    %min3A_30 = arith.minimumf %reduce_sum3A_9, %min3A_29 : vector<8192xf32>
    %abs3A = math.absf %reduce_sum3A_9 : vector<8192xf32>
    %neg3A = arith.constant 0.000000e+00 : f32
    %neg3A_31 = vector.broadcast %neg3A : f32 to vector<8192xf32>
    %neg3A_32 = arith.subf %neg3A_31, %abs3A : vector<8192xf32>
    %exp3A = math.exp %neg3A_32 : vector<8192xf32>
    %add3A = arith.constant 1.000000e+00 : f32
    %add3A_33 = vector.broadcast %add3A : f32 to vector<8192xf32>
    %add3A_34 = arith.addf %add3A_33, %exp3A : vector<8192xf32>
    %log3A = math.log %add3A_34 : vector<8192xf32>
    %sub3A = arith.subf %min3A_30, %log3A : vector<8192xf32>
    %reduce_max3A = vector.shape_cast %sub3A : vector<8192xf32> to vector<1x8192xf32>
    %reduce_max3A_35 = arith.constant dense<0xFF800000> : vector<1xf32>
    %reduce_max3A_36 = vector.multi_reduction <maximumf>, %reduce_max3A, %reduce_max3A_35 [1] : vector<1x8192xf32> to vector<1xf32>
    %reduce_max3A_37 = vector.shape_cast %reduce_max3A_36 : vector<1xf32> to vector<1x1xf32>
    %reduce_max3A_38 = vector.extract %reduce_max3A_37[0, 0] : f32 from vector<1x1xf32>
    %mul3A_39 = arith.mulf %min3A_27, %reduce_max3A_38 : f32
    %gt3A = vector.broadcast %mul3A_39 : f32 to vector<8192xf32>
    %gt3A_40 = arith.cmpf ogt, %sub3A, %gt3A : vector<8192xf32>
    %jit3A = arith.constant 0.000000e+00 : f64
    %convert_element_type3A = arith.truncf %jit3A : f64 to f32
    %broadcast_in_dim3A = vector.broadcast %convert_element_type3A : f32 to vector<8192xf32>
    %select_n3A = arith.select %gt3A_40, %broadcast_in_dim3A, %sub3A : vector<8192xi1>, vector<8192xf32>
    %reduce_sum3A_41 = vector.shape_cast %select_n3A : vector<8192xf32> to vector<1x8192xf32>
    %reduce_sum3A_42 = arith.constant dense<0.000000e+00> : vector<1xf32>
    %reduce_sum3A_43 = vector.multi_reduction <add>, %reduce_sum3A_41, %reduce_sum3A_42 [1] : vector<1x8192xf32> to vector<1xf32>
    %reduce_sum3A_44 = vector.shape_cast %reduce_sum3A_43 : vector<1xf32> to vector<1x1xf32>
    %reduce_sum3A_45 = vector.extract %reduce_sum3A_44[0, 0] : f32 from vector<1x1xf32>
    %neg3A_46 = arith.constant 0.000000e+00 : f32
    %neg3A_47 = arith.subf %neg3A_46, %reduce_sum3A_45 : f32
    %min3A_48 = arith.constant 0.000000e+00 : f32
    %min3A_49 = vector.broadcast %min3A_48 : f32 to vector<8192xf32>
    %min3A_50 = arith.minimumf %reduce_sum3A_22, %min3A_49 : vector<8192xf32>
    %abs3A_51 = math.absf %reduce_sum3A_22 : vector<8192xf32>
    %neg3A_52 = arith.constant 0.000000e+00 : f32
    %neg3A_53 = vector.broadcast %neg3A_52 : f32 to vector<8192xf32>
    %neg3A_54 = arith.subf %neg3A_53, %abs3A_51 : vector<8192xf32>
    %exp3A_55 = math.exp %neg3A_54 : vector<8192xf32>
    %add3A_56 = arith.constant 1.000000e+00 : f32
    %add3A_57 = vector.broadcast %add3A_56 : f32 to vector<8192xf32>
    %add3A_58 = arith.addf %add3A_57, %exp3A_55 : vector<8192xf32>
    %log3A_59 = math.log %add3A_58 : vector<8192xf32>
    %sub3A_60 = arith.subf %min3A_50, %log3A_59 : vector<8192xf32>
    %reduce_max3A_61 = vector.shape_cast %sub3A_60 : vector<8192xf32> to vector<1x8192xf32>
    %reduce_max3A_62 = arith.constant dense<0xFF800000> : vector<1xf32>
    %reduce_max3A_63 = vector.multi_reduction <maximumf>, %reduce_max3A_61, %reduce_max3A_62 [1] : vector<1x8192xf32> to vector<1xf32>
    %reduce_max3A_64 = vector.shape_cast %reduce_max3A_63 : vector<1xf32> to vector<1x1xf32>
    %reduce_max3A_65 = vector.extract %reduce_max3A_64[0, 0] : f32 from vector<1x1xf32>
    %mul3A_66 = arith.mulf %min3A_27, %reduce_max3A_65 : f32
    %gt3A_67 = vector.broadcast %mul3A_66 : f32 to vector<8192xf32>
    %gt3A_68 = arith.cmpf ogt, %sub3A_60, %gt3A_67 : vector<8192xf32>
    %jit3A_69 = arith.constant 0.000000e+00 : f64
    %convert_element_type3A_70 = arith.truncf %jit3A_69 : f64 to f32
    %broadcast_in_dim3A_71 = vector.broadcast %convert_element_type3A_70 : f32 to vector<8192xf32>
    %select_n3A_72 = arith.select %gt3A_68, %broadcast_in_dim3A_71, %sub3A_60 : vector<8192xi1>, vector<8192xf32>
    %reduce_sum3A_73 = vector.shape_cast %select_n3A_72 : vector<8192xf32> to vector<1x8192xf32>
    %reduce_sum3A_74 = arith.constant dense<0.000000e+00> : vector<1xf32>
    %reduce_sum3A_75 = vector.multi_reduction <add>, %reduce_sum3A_73, %reduce_sum3A_74 [1] : vector<1x8192xf32> to vector<1xf32>
    %reduce_sum3A_76 = vector.shape_cast %reduce_sum3A_75 : vector<1xf32> to vector<1x1xf32>
    %reduce_sum3A_77 = vector.extract %reduce_sum3A_76[0, 0] : f32 from vector<1x1xf32>
    %neg3A_78 = arith.constant 0.000000e+00 : f32
    %neg3A_79 = arith.subf %neg3A_78, %reduce_sum3A_77 : f32
    %add3A_80 = arith.addf %neg3A_47, %neg3A_79 : f32
    %reshape3A = vector.broadcast %add3A_80 : f32 to vector<1x1xf32>
    %swap3A = arith.constant 0 : index
    %swap3A_81 = arith.constant 0 : index
    %swap3A_82 = vector.load %arg2[%swap3A, %swap3A_81] : memref<1x1xf32, #tpu.memory_space<vmem>>, vector<1x1xf32>
    tpu.vector_store %arg2[%swap3A, %swap3A_81], %reshape3A {strides = array<i32>} : memref<1x1xf32, #tpu.memory_space<vmem>>, vector<1x1xf32>,
    return
  }
}

</mosaic_0001>

<sc_bundles>
// kernel: kernel.11.cloned.1.call-start
scs
__scs_entry_jumppad:
0x0: {  	(pc) =	sbr.rel $0x88, $3  }
0x1: {  	(tag) =	ssettag $0x0;
	lr =	simm.s32 $0x1  }
0x2: {  	[smem:$0x3F8F] =	sst lr;
	_ =	strace $0xD0000000  }
0x3: {  	_ = 	snop  }
0x4: {  	_ = 	snop  }
0x5: {  	_ = 	snop  }
0x6: {  	_ = 	snop  }
0x7: {  	_ = 	snop  }
__scs_overlays_trampoline_lowered:
0x8: {  	[smem:$0x3F9E] =	sst s0  }
0x9: {  	[smem:$0x3F9F] =	sst s1  }
0xa: {  	[smem:$0x3FA0] =	sst s2  }
0xb: {  	[smem:$0x3FA1] =	sst s3  }
0xc: {  	[smem:$0x3FA2] =	sst s4  }
0xd: {  	[smem:$0x3FA3] =	sst s5  }
0xe: {  	[smem:$0x3FA4] =	sst s6  }
0xf: {  	[smem:$0x3FA5] =	sst s7  }
0x10: {  	[smem:$0x3FA6] =	sst s8  }
0x11: {  	[smem:$0x3FA7] =	sst s9;
	s0 =	simm.s32 @!p0 $0x0  }
0x12: {  	s1 =	sld [smem:$0x3F8D];
	s0 =	simm.s32 @p0 $0x1  }
0x13: {  	[smem:$0x3FA8] =	sst s0;
	s0 =	simm.s32 @!p1 $0x0  }
0x14: {  	s2 =	sld [smem:$0x3F8C];
	s0 =	simm.s32 @p1 $0x1  }
0x15: {  	[smem:$0x3FA9] =	sst s0;
	s0 =	simm.s32 @!p2 $0x0  }
0x16: {  	s3 =	sld [smem:$0x3FDB];
	s0 =	simm.s32 @p2 $0x1  }
0x17: {  	s4 =	simm.s32 $0x1BF5;
	[smem:$0x3FAB] =	sst s0  }
0x18: {  	s0 =	sld [smem:$0x3F8E];
	_ =	swait.ge [sflag:s4], $0x0  }
0x19: {  	s7 =	sld [smem:$0x3F8F]  }
0x1a: {  	s8 =	sadd.s32 $0xFFFFE003, lr  }
0x1b: {  	s9 =	sadd.s32 $0xFFFFFEF7, lr;
	s5 =	simm.s32 $0xFFFFFFFF;
	p2 =	slt.u32 s8, $0xFFFFF086  }
0x1c: {  	p1 =	slt.u32 s9, $0xF7A;
	s5 =	simm.s32 @!p2 $0x0  }
0x1d: {  	s5 =	simm.s32 @p1 $0x1;
	p0 =	seq.s32 s7, s2  }
0x1e: {  	s7 =	smul.u32 @!p0 $0xF7A, s2;
	p2 =	seq.s32 @!p0 s5, $0x0  }
0x1f: {  	s9 =	smul.u32 $0xF7A, s1;
	s8 =	simm.s32 @!p0 $0x1BF5;
	p2 =	por !p2, p0  }
0x20: {  	[sflag:s8] =	ssyncset.s32 @!p0 $0xFFFFF086;
	s6 =	sadd.s32 @!p0 s3, s7;
	s7 =	simm.s32 @!p0 $0x108  }
0x21: {  	s3 =	sadd.s32 s3, s9;
	s6 =	sadd.s32 @!p0 $0x88, s6;
	s7 =	simm.s32 @p2 $0x1082  }
0x22: {  	[simem:s7], [sflag:s8] =	dma.local @!p0 [hbm:s6], $0xF7A  }
0x23: {  	s9 =	sor.u32 $0xD0000000, s2;
	s6 =	simm.s32 $0x108;
	_ =	swait.ge @!p0 [sflag:s8], $0x0  }
0x24: {  	s3 =	sadd.s32 $0x88, s3;
	s6 =	simm.s32 @!p1 $0x1082;
	[sflag:s4] =	ssyncset.s32 $0xFFFFF086  }
0x25: {  	[simem:s6], [sflag:s4] =	dma.local [hbm:s3], $0xF7A  }
0x26: {  	[smem:$0x3F8F] =	sst s1;
	(tag) =	ssettag s2;
	_ =	strace s9  }
0x27: {  	s1 =	sld [smem:$0x3F9F]  }
0x28: {  	s2 =	sld [smem:$0x3FA0]  }
0x29: {  	s4 =	sld [smem:$0x3FA2]  }
0x2a: {  	p0 =	seq.s32 s5, $0x0;
	s5 =	sld [smem:$0x3FA3]  }
0x2b: {  	s6 =	sld [smem:$0x3FA4]  }
0x2c: {  	s7 =	sld [smem:$0x3FA5]  }
0x2d: {  	s3 =	simm.s32 $0x108;
	s8 =	sld [smem:$0x3FA6]  }
0x2e: {  	s3 =	simm.s32 @!p0 $0x1082;
	s9 =	sld [smem:$0x3FA7]  }
0x2f: {  	lr =	sadd.s32 s0, s3;
	s0 =	sld [smem:$0x3F9E]  }
0x30: {  	s3 =	sld [smem:$0x3FA1]  }
0x31: {  	[smem:$0x3FAA] =	sst s10  }
0x32: {  	s10 =	sld [smem:$0x3FA8];
	_ =	sdelay $0x3  }
0x33: {  	p0 =	seq.s32 s10, $0x1;
	s10 =	sld [smem:$0x3FAA];
	_ =	sdelay $0x3  }
0x34: {  	[smem:$0x3FAA] =	sst s10  }
0x35: {  	s10 =	sld [smem:$0x3FA9];
	_ =	sdelay $0x3  }
0x36: {  	p1 =	seq.s32 s10, $0x1;
	s10 =	sld [smem:$0x3FAA];
	_ =	sdelay $0x3  }
0x37: {  	[smem:$0x3FAA] =	sst s10  }
0x38: {  	s10 =	sld [smem:$0x3FAB]  }
0x39: {  	_ = 	snop;
	(pc) =	sbr.ind lr, $3  }
0x3a: {  	_ = 	snop  }
0x3b: {  	_ = 	snop  }
0x3c: {  	p2 =	seq.s32 s10, $0x1;
	s10 =	sld [smem:$0x3FAA]  }
0x3d: {  	_ =	shalt  }
0x3e: {  	_ =	shalt  }
0x3f: {  	_ =	shalt  }
0x40: {  	_ =	shalt  }
0x41: {  	_ =	shalt  }
0x42: {  	_ =	shalt  }
0x43: {  	_ =	shalt  }
0x44: {  	_ =	shalt  }
0x45: {  	_ =	shalt  }
0x46: {  	_ =	shalt  }
0x47: {  	_ =	shalt  }
0x48: {  	_ =	shalt  }
0x49: {  	_ =	shalt  }
0x4a: {  	_ =	shalt  }
0x4b: {  	_ =	shalt  }
0x4c: {  	_ =	shalt  }
0x4d: {  	_ =	shalt  }
0x4e: {  	_ =	shalt  }
0x4f: {  	_ =	shalt  }
0x50: {  	_ =	shalt  }
0x51: {  	_ =	shalt  }
0x52: {  	_ =	shalt  }
0x53: {  	_ =	shalt  }
0x54: {  	_ =	shalt  }
0x55: {  	_ =	shalt  }
0x56: {  	_ =	shalt  }
0x57: {  	_ =	shalt  }
0x58: {  	_ =	shalt  }
0x59: {  	_ =	shalt  }
0x5a: {  	_ =	shalt  }
0x5b: {  	_ =	shalt  }
0x5c: {  	_ =	shalt  }
0x5d: {  	_ =	shalt  }
0x5e: {  	_ =	shalt  }
0x5f: {  	_ =	shalt  }
0x60: {  	_ =	shalt  }
0x61: {  	_ =	shalt  }
0x62: {  	_ =	shalt  }
0x63: {  	_ =	shalt  }
0x64: {  	_ =	shalt  }
0x65: {  	_ =	shalt  }
0x66: {  	_ =	shalt  }
0x67: {  	_ =	shalt  }
0x68: {  	_ =	shalt  }
0x69: {  	_ =	shalt  }
0x6a: {  	_ =	shalt  }
0x6b: {  	_ =	shalt  }
0x6c: {  	_ =	shalt  }
0x6d: {  	_ =	shalt  }
0x6e: {  	_ =	shalt  }
0x6f: {  	_ =	shalt  }
0x70: {  	_ =	shalt  }
0x71: {  	_ =	shalt  }
0x72: {  	_ =	shalt  }
0x73: {  	_ =	shalt  }
0x74: {  	_ =	shalt  }
0x75: {  	_ =	shalt  }
0x76: {  	_ =	shalt  }
0x77: {  	_ =	shalt  }
0x78: {  	_ =	shalt  }
0x79: {  	_ =	shalt  }
0x7a: {  	_ =	shalt  }
0x7b: {  	_ =	shalt  }
0x7c: {  	_ =	shalt  }
0x7d: {  	_ =	shalt  }
0x7e: {  	_ =	shalt  }
0x7f: {  	_ =	shalt  }
0x80: {  	_ =	shalt  }
0x81: {  	_ =	shalt  }
0x82: {  	_ =	shalt  }
0x83: {  	_ =	shalt  }
0x84: {  	_ =	shalt  }
0x85: {  	_ =	shalt  }
0x86: {  	_ =	shalt  }
0x87: {  	_ =	shalt  }
.Lfunc_end0:
.L_simem_size_0:
called_computation.1_lowered:
.L_overlay_start_0:
0x88: {  	s2 =	sld [smem:$0x3FD9]  }
0x89: {  	s3 =	sld [smem:$0x3FFE];
	_ =	sdelay $0x1  }
0x8a: {  	s1 =	srdreg.scid  }
0x8b: {  	s0 =	sand.u32 $0x1, s1  }
0x8c: {  	s16 =	sshll.u32 s0, $0xA;
	s2 =	sadd.s32 s3, s2  }
0x8d: {  	s2 =	sadd.s32 s2, s16  }
0x8e: {  	[smem:$0x3FB6] =	sst s2  }
0x8f: {  	_ = 	snop  }
0x90: {  	(tm) =	ssettm $0x1  }
0x91: {  	s17 =	sld [smem:$0x3FFB];
	_ =	sdelay $0x3  }
0x92: {  	_ =	strace s17  }
0x93: {  	s2 =	sld [smem:$0x3FFC];
	_ =	sdelay $0x3  }
0x94: {  	_ =	strace s2  }
0x95: {  	s2 =	sld [smem:$0x3FFD];
	_ =	sdelay $0x3  }
0x96: {  	_ =	strace s2  }
0x97: {  	_ =	strace $0x8FFFFFFF  }
0x98: {  	s18 =	sld [smem:$0x3FDB];
	_ =	sdelay $0x1  }
0x99: {  	s19 =	simm.s32 $_scs_section_size  }
0x9a: {  	s4 =	simm.s32 $_size__tile_overlayer_lowered;
	s5 =	simm.s32 $_tile_overlayer_lowered  }
0x9b: {  	s22 =	simm.s32 $0x1BFF;
	s21 =	sshll.u32 s5, $0x1;
	s2 =	sadd.s32 s19, s18  }
0x9c: {  	s6 =	simm.s32 $0x0;
	s20 =	sshll.u32 s4, $0x1;
	s4 =	sadd.s32 s21, s2  }
0x9d: {  	[timem:s6], [sflag:s22] =	dma.local [hbm:s4], s20  }
0x9e: {  	_ =	swait.ge [sflag:s22], s20  }
0x9f: {  	s3 =	ssub.s32 $0x0, s20;
	[sflag:s22] =	ssyncset.done $0x0  }
0xa0: {  	[sflag:s22] =	ssyncadd.s32 s3;
	_ =	sdelay $0x1  }
0xa1: {  	s23 =	simm.s32 $0x1B8B  }
0xa2: {  	_ =	swait.ge [sflag:s23], $0x1  }
0xa3: {  	[sflag:s23] =	ssyncset.done $0x0  }
0xa4: {  	s25 =	simm.s32 $0x1B8E;
	s24 =	sld [smem:$0x3FFE];
	[sflag:s23] =	ssyncadd.s32 $0xFFFFFFFF  }
0xa5: {  	s26 =	simm.s32 $execute0_lowered;
	[smem:$0x3FD2] =	sst s25  }
0xa6: {  	s4 =	sshll.u32 s26, $0x1;
	_ =	strace $0x80000049;
	[dreg:$0x1] =	wrdreg $0xFFFFFFFF  }
0xa7: {  	s28 =	simm.s32 $_size_execute0_lowered;
	s2 =	sadd.s32 s2, s4;
	[dreg:$0x0] =	wrdreg $0x0  }
0xa8: {  	s4 =	sshll.u32 s28, $0x1;
	[dreg:$0x2] =	wrdreg s2  }
0xa9: {  	[dreg:$0x3] =	wrdreg s4  }
0xaa: {  	[dreg:$0x4] =	wrdreg $0xC0  }
0xab: {  	_ =	task [dreg:s6], $0x5FFFF  }
0xac: {  	[dreg:$0x1] =	wrdreg $0xFFFFFFFF  }
0xad: {  	[dreg:$0x0] =	wrdreg $0x60  }
0xae: {  	[dreg:$0x2] =	wrdreg s24  }
0xaf: {  	[dreg:$0x3] =	wrdreg $0x9  }
0xb0: {  	_ =	task.clear_ibuf [dreg:s6], $0x4FFFF;
	_ =	strace $0x90000049  }
0xb1: {  	s29 =	simm.s32 $0x9;
	_ =	strace $0x8000004B  }
0xb2: {  	_ =	swait.ge [sflag:s29], $0x1  }
0xb3: {  	[sflag:s29] =	ssyncadd.s32 $0xFFFFFFFF  }
0xb4: {  	_ =	strace $0x9000004B  }
0xb5: {  	_ =	sfence  }
0xb6: {  	s30 =	sld [smem:$0x0];
	_ =	sdelay $0x2  }
0xb7: {  	s31 =	sshll.u32 s1, $0xD;
	s1 =	sshrl.u32 s1, $0x2  }
0xb8: {  	s3 =	sand.u32 $0x4000, s31;
	s1 =	sadd.s32 s1, s30  }
0xb9: {  	s0 =	sor.u32 s3, s0;
	s1 =	sshll.u32 s1, $0x11  }
0xba: {  	s0 =	sor.u32 s1, s0  }
0xbb: {  	s0 =	sadd.s32 $0x8F2B, s0  }
0xbc: {  	[sflag:s0] =	ssyncadd.remote.s32 $0x1  }
0xbd: {  	_ =	sfence.sel $0xFFFF  }
0xbe: {  	[dreg:$0x0] =	wrdreg $0xFFFFFFFF;
	(pc) =	sbr.abs _section_cstart, $3  }
0xbf: {  	[dreg:$0x1] =	wrdreg $0xFFFFFFFF  }
0xc0: {  	_ =	task.clear_ibuf [dreg:s6], $0x2FFFF;
	_ =	strace $0x9FFFFFFF  }
0xc1: {  	(tm) =	ssettm $0x7FFFFFFF  }
tec
execute0_lowered:
.L_overlay_start_1:
0x0: {  	(tag) =	ssettag $0x1  }
0x1: {  	s1 =	srdreg.scid;
	s0 =	stileid.u32  }
0x2: {  	s5 =	rddreg [dreg:$0x0];
	s2 =	simm.s32 $0x0;
	s9 =	simm.s32 $0x14000  }
0x3: {  	s10 =	simm.s32 $0x15000;
	s11 =	simm.s32 $0x1;
	s12 =	simm.s32 $0x16000  }
0x4: {  	s13 =	simm.s32 $0x17000;
	s14 =	simm.s32 $0xA000;
	s15 =	simm.s32 $0x2  }
0x5: {  	s3 =	sand.u32 $0x1, s1;
	s4 =	sshll.u32 s0, $0x1;
	s1 =	rddreg [dreg:$0x1]  }
0x6: {  	s16 =	simm.s32 $0x0;
	[smem:$0x7FF] =	sst s2;
	s4 =	sor.u32 s3, s4  }
0x7: {  	s7 =	ssub.s32 $0x2, s3;
	_ =	strace $0x8000004A;
	s6 =	smul.u32 $0x1400, s4  }
0x8: {  	s3 =	sadd.s32 $0x4AA00, s5;
	s8 =	sshrl.u32 s7, $0x1;
	s4 =	sadd.s32 $0x18200, s5  }
0x9: {  	s7 =	ssub.s32 s7, s8;
	s8 =	simm.s32 $0x3;
	s6 =	sadd.s32 s6, s5  }
0xa: {  	v0 =	vimm.f32 $0.0e+00;
	s7 =	smax.u32 s7, $0x1;
	s5 =	sadd.s32 $0x22A00, s6;
	s6 =	sadd.s32 $0x55200, s6  }
.LBB2_1:
0xb: {  	[tilespmem:s2], [sflag:$0x3] =	stream.linear.gather [hbm4b:s5+s2], $0xA000, $0x38;
	[tilespmem:$0x18000] =	vst v63  }
0xc: {  	_ =	swait.ge [sflag:s8], $0xA000  }
0xd: {  	s17 =	sand.u32 $0x70, s2;
	s18 =	sand.u32 $0xFE00, s2;
	[sflag:s8] =	ssyncset.done $0x0  }
0xe: {  	s19 =	sor.u32 s17, s18;
	[sflag:s8] =	ssyncadd.s32 $0xFFFF6000  }
0xf: {  	[tilespmem:s19+$0xA180] =	vst v0  }
0x10: {  	[tilespmem:s19+$0xA000] =	vst v0  }
0x11: {  	s17 =	simm.s32 $0x10;
	s18 =	simm.s32 $0x0;
	[tilespmem:s19+$0xA080] =	vst v0  }
.LBB2_2:
0x12: {  	s20 =	sand.u32 $0x70, s17;
	[tilespmem:s19+$0xA100] =	vst v0;
	s18 =	sadd.s32 $0x40, s18;
	p0 =	sne.s32 s17, $0x27F0  }
.Ltmp0:
0x13: {  	s17 =	sadd.s32 $0x10, s17;
	s19 =	sand.u32 $0xFE00, s18;
	(pc) =	sbr.rel @p0 .LBB2_2-.Ltmp0, $4  }
0x14: {  	s19 =	sor.u32 s20, s19  }
0x15: {  	[tilespmem:s19+$0xA180] =	vst v0  }
0x16: {  	[tilespmem:s19+$0xA000] =	vst v0  }
0x17: {  	[tilespmem:s19+$0xA080] =	vst v0  }
0x18: {  	[tilespmem:s19+$0xA100] =	vst v0;
	s17 =	simm.s32 $0x0  }
0x19: {  	[tilespmem:s9], [sflag:$0x1] =	stream.linear.gather [hbm4b:s3+s17], $0x1000, $0x38;
	[tilespmem:$0x18000] =	vst v63  }
0x1a: {  	s18 =	simm.s32 $0x0  }
0x1b: {  	[tilespmem:s10], [sflag:$0x1] =	stream.linear.gather [hbm4b:s4+s17], $0x1000, $0x38;
	[tilespmem:$0x18000] =	vst v63  }
.LBB2_4:
0x1c: {  	_ =	swait.ge [sflag:s11], $0x1000  }
0x1d: {  	[sflag:s11] =	ssyncset.done $0x0  }
0x1e: {  	[sflag:s11] =	ssyncadd.s32 $0xFFFFF000  }
0x1f: {  	s19 =	sshll.u32 s18, $0xA;
	_ =	swait.ge [sflag:s11], $0x1000  }
0x20: {  	s20 =	sor.u32 $0x200, s19;
	[sflag:s11] =	ssyncset.done $0x0  }
0x21: {  	s21 =	sadd.s32 s3, s20;
	[sflag:s11] =	ssyncadd.s32 $0xFFFFF000  }
0x22: {  	[tilespmem:s12], [sflag:$0x2] =	stream.linear.gather [hbm4b:s21+s17], $0x1000, $0x38;
	[tilespmem:$0x18000] =	vst v63  }
0x23: {  	s31 =	simm.s32 $0x0;
	s20 =	sadd.s32 s4, s20  }
0x24: {  	[tilespmem:s13], [sflag:$0x2] =	stream.linear.gather [hbm4b:s20+s17], $0x1000, $0x38;
	[tilespmem:$0x18000] =	vst v63  }
0x25: {  	v16 =	vld [tilespmem:s31+$0x14010]  }
0x26: {  	v4 =	vld [tilespmem:s31+$0x14020]  }
0x27: {  	v5 =	vld [tilespmem:s31+$0x14050]  }
0x28: {  	v1 =	vld [tilespmem:s31+$0x14070]  }
0x29: {  	v9 =	vld [tilespmem:s31+$0x14040]  }
0x2a: {  	v23 =	vld [tilespmem:s31+$0x14030];
	_ =	sdelay $0x1  }
0x2b: {  	v17 =	vld [tilespmem:s31+$0x14000];
	v2 =	vshrl.u32 v4, $0xE  }
0x2c: {  	v18 =	vld [tilespmem:s31+$0x15000];
	v3 =	vshrl.u32 v4, $0xC;
	v8 =	vshrl.u32 v16, $0xE;
	v10 =	vshrl.u32 v16, $0xC  }
0x2d: {  	v6 =	vld [tilespmem:s31+$0x14060];
	v12 =	vshrl.u32 v1, $0xC;
	v15 =	vshrl.u32 v1, $0xE;
	v22 =	vshrl.u32 v5, $0xC  }
0x2e: {  	v14 =	vld [tilespmem:s31+$0x15010];
	v39 =	vshrl.u32 v23, $0xE;
	v40 =	vshrl.u32 v23, $0xC;
	v43 =	vshrl.u32 v9, $0xE  }
0x2f: {  	v21 =	vld [tilespmem:s31+$0x15020];
	v44 =	vshrl.u32 v9, $0xC;
	v2 =	vand.u32 $0x7F, v2;
	v7 =	vand.u32 $0xFFE00, v3  }
0x30: {  	v3 =	vld [tilespmem:s31+$0x15050];
	v12 =	vand.u32 $0xFFE00, v12;
	v15 =	vand.u32 $0x7F, v15;
	v11 =	vor.u32 v2, v7  }
0x31: {  	v8 =	vand.u32 $0x7F, v8;
	v10 =	vand.u32 $0xFFE00, v10;
	v2 =	vld [tilespmem:s31+$0x15060];
	v12 =	vor.u32 v15, v12  }
0x32: {  	v40 =	vand.u32 $0xFFE00, v40;
	v39 =	vand.u32 $0x7F, v39;
	v7 =	vld [tilespmem:s31+$0x15070];
	v19 =	vor.u32 v8, v10  }
0x33: {  	v43 =	vand.u32 $0x7F, v43;
	v44 =	vand.u32 $0xFFE00, v44;
	v8 =	vld [tilespmem:s31+$0x15040];
	v39 =	vor.u32 v39, v40  }
0x34: {  	v27 =	vshrl.u32 v17, $0xC;
	v10 =	vld [tilespmem:s31+$0x15030];
	v15 =	vshrl.u32 v5, $0xE;
	v43 =	vor.u32 v43, v44  }
0x35: {  	v22 =	vand.u32 $0xFFE00, v22;
	v13 =	vor.u32 $0x180, v11;
	v15 =	vand.u32 $0x7F, v15;
	v25 =	vld.idx.msk [tilespmem:v11+s2+$0x0], $0xffff  }
0x36: {  	v20 =	vor.u32 $0x100, v19;
	v22 =	vor.u32 v15, v22;
	v15 =	vand.u32 $0xFFE00, v27;
	v27 =	vld.idx.msk [tilespmem:v12+s2+$0x0], $0xffff  }
0x37: {  	v55 =	vor.u32 $0x180, v19;
	v56 =	vor.u32 $0x100, v12;
	v30 =	vld.idx.msk [tilespmem:v19+s2+$0x0], $0xffff  }
0x38: {  	v40 =	vor.u32 $0x180, v39;
	v42 =	vor.u32 $0x100, v39;
	v45 =	vor.u32 $0x80, v39;
	v39 =	vld.idx.msk [tilespmem:v39+s2+$0x0], $0xffff  }
0x39: {  	v31 =	vor.u32 $0x80, v11;
	v49 =	vld.idx.msk [tilespmem:v43+s2+$0x0], $0xffff  }
0x3a: {  	v35 =	vor.u32 $0x100, v11;
	v28 =	vld.idx.msk [tilespmem:v13+s2+$0x0], $0xffff  }
0x3b: {  	v26 =	vshrl.u32 v17, $0xE;
	v20 =	vld.idx.msk [tilespmem:v20+s2+$0x0], $0xffff  }
0x3c: {  	v13 =	vand.u32 $0x7F, v26;
	v26 =	vld.idx.msk [tilespmem:v55+s2+$0x0], $0xffff  }
0x3d: {  	v11 =	vld.idx.msk [tilespmem:v56+s2+$0x0], $0xffff  }
0x3e: {  	v44 =	vor.u32 $0x180, v43;
	v58 =	vld.idx.msk [tilespmem:v31+s2+$0x0], $0xffff  }
0x3f: {  	v47 =	vor.u32 $0x100, v43;
	v35 =	vld.idx.msk [tilespmem:v35+s2+$0x0], $0xffff  }
0x40: {  	v24 =	vor.u32 $0x180, v12;
	v40 =	vld.idx.msk [tilespmem:v40+s2+$0x0], $0xffff  }
0x41: {  	v42 =	vld.idx.msk [tilespmem:v42+s2+$0x0], $0xffff  }
0x42: {  	v29 =	vor.u32 $0x80, v12;
	v45 =	vld.idx.msk [tilespmem:v45+s2+$0x0], $0xffff  }
0x43: {  	v57 =	vor.u32 $0x180, v22;
	v44 =	vld.idx.msk [tilespmem:v44+s2+$0x0], $0xffff  }
0x44: {  	v33 =	vshrl.u32 v6, $0xE;
	v59 =	vor.u32 $0x100, v22;
	v47 =	vld.idx.msk [tilespmem:v47+s2+$0x0], $0xffff  }
0x45: {  	v12 =	vshrl.u32 v6, $0xC;
	v19 =	vor.u32 $0x80, v19;
	v15 =	vor.u32 v13, v15;
	v13 =	vld.idx.msk [tilespmem:v24+s2+$0x0], $0xffff  }
0x46: {  	v33 =	vand.u32 $0x7F, v33;
	v43 =	vor.u32 $0x80, v43;
	v12 =	vand.u32 $0xFFE00, v12;
	v32 =	vld.idx.msk [tilespmem:v22+s2+$0x0], $0xffff  }
0x47: {  	v33 =	vor.u32 v33, v12;
	v12 =	vld.idx.msk [tilespmem:v29+s2+$0x0], $0xffff  }
0x48: {  	v29 =	vld.idx.msk [tilespmem:v57+s2+$0x0], $0xffff  }
0x49: {  	v22 =	vor.u32 $0x80, v22;
	v31 =	vld.idx.msk [tilespmem:v59+s2+$0x0], $0xffff  }
0x4a: {  	v41 =	vor.u32 $0x80, v15;
	v19 =	vld.idx.msk [tilespmem:v19+s2+$0x0], $0xffff  }
0x4b: {  	v37 =	vor.u32 $0x100, v15;
	v43 =	vld.idx.msk [tilespmem:v43+s2+$0x0], $0xffff  }
0x4c: {  	v34 =	vor.u32 $0x180, v15;
	v36 =	vld.idx.msk [tilespmem:v15+s2+$0x0], $0xffff  }
0x4d: {  	v38 =	vor.u32 $0x80, v33;
	v15 =	vld.idx.msk [tilespmem:v33+s2+$0x0], $0xffff  }
0x4e: {  	v48 =	vshll.u32 v17, $0x2;
	v46 =	vor.u32 $0x180, v33;
	v22 =	vld.idx.msk [tilespmem:v22+s2+$0x0], $0xffff  }
0x4f: {  	v17 =	vand.u32 $0x7F, v17;
	v48 =	vand.u32 $0xFE00, v48;
	v33 =	vor.u32 $0x100, v33;
	v41 =	vld.idx.msk [tilespmem:v41+s2+$0x0], $0xffff  }
0x50: {  	v17 =	vor.u32 v17, v48;
	v37 =	vld.idx.msk [tilespmem:v37+s2+$0x0], $0xffff  }
0x51: {  	v50 =	vor.u32 $0x80, v17;
	v34 =	vld.idx.msk [tilespmem:v34+s2+$0x0], $0xffff  }
0x52: {  	v60 =	vshll.u32 v16, $0x2;
	v16 =	vand.u32 $0x7F, v16;
	v51 =	vor.u32 $0x100, v17;
	v38 =	vld.idx.msk [tilespmem:v38+s2+$0x0], $0xffff  }
0x53: {  	v48 =	vand.u32 $0xFE00, v60;
	v52 =	vor.u32 $0x180, v17;
	v46 =	vld.idx.msk [tilespmem:v46+s2+$0x0], $0xffff;
	v36 =	vmul.f32 v36, v18  }
0x54: {  	v16 =	vor.u32 v16, v48;
	v33 =	vld.idx.msk [tilespmem:v33+s2+$0x0], $0xffff;
	v41 =	vmul.f32 v41, v18  }
0x55: {  	v61 =	vshll.u32 v4, $0x2;
	v37 =	vmul.f32 v37, v18;
	[tilespmem:v17+s14+$0x0] =	vst.idx.add.f32.msk $0xffff, v36;
	v17 =	vor.u32 $0x80, v16  }
0x56: {  	v4 =	vand.u32 $0x7F, v4;
	v63 =	vor.u32 $0x100, v16;
	v18 =	vmul.f32 v34, v18;
	[tilespmem:v50+s14+$0x0] =	vst.idx.add.f32.msk $0xffff, v41  }
0x57: {  	v62 =	vand.u32 $0xFE00, v61;
	v30 =	vmul.f32 v30, v14;
	v41 =	vor.u32 $0x180, v16;
	[tilespmem:v51+s14+$0x0] =	vst.idx.add.f32.msk $0xffff, v37  }
0x58: {  	v4 =	vor.u32 v4, v62;
	v19 =	vmul.f32 v19, v14;
	[tilespmem:v52+s14+$0x0] =	vst.idx.add.f32.msk $0xffff, v18  }
0x59: {  	v25 =	vmul.f32 v25, v21;
	v20 =	vmul.f32 v20, v14;
	[tilespmem:v16+s14+$0x0] =	vst.idx.add.f32.msk $0xffff, v30;
	v16 =	vor.u32 $0x80, v4  }
0x5a: {  	v14 =	vmul.f32 v26, v14;
	v50 =	vshll.u32 v23, $0x2;
	[tilespmem:v17+s14+$0x0] =	vst.idx.add.f32.msk $0xffff, v19;
	v17 =	vor.u32 $0x100, v4  }
0x5b: {  	v23 =	vand.u32 $0x7F, v23;
	v51 =	vand.u32 $0xFE00, v50;
	v52 =	vor.u32 $0x180, v4;
	[tilespmem:v63+s14+$0x0] =	vst.idx.add.f32.msk $0xffff, v20  }
0x5c: {  	v53 =	vshll.u32 v9, $0x2;
	v24 =	vmul.f32 v58, v21;
	[tilespmem:v41+s14+$0x0] =	vst.idx.add.f32.msk $0xffff, v14;
	v14 =	vor.u32 v23, v51  }
0x5d: {  	v48 =	vmul.f32 v28, v21;
	v21 =	vmul.f32 v35, v21;
	[tilespmem:v4+s14+$0x0] =	vst.idx.add.f32.msk $0xffff, v25;
	v23 =	vor.u32 $0x80, v14  }
0x5e: {  	v9 =	vand.u32 $0x7F, v9;
	v55 =	vand.u32 $0xFE00, v53;
	[tilespmem:v16+s14+$0x0] =	vst.idx.add.f32.msk $0xffff, v24;
	v16 =	vor.u32 $0x100, v14  }
0x5f: {  	v9 =	vor.u32 v9, v55;
	v56 =	vmul.f32 v39, v10;
	[tilespmem:v17+s14+$0x0] =	vst.idx.add.f32.msk $0xffff, v21;
	v17 =	vor.u32 $0x180, v14  }
0x60: {  	v60 =	vor.u32 $0x100, v9;
	v57 =	vmul.f32 v45, v10;
	[tilespmem:v52+s14+$0x0] =	vst.idx.add.f32.msk $0xffff, v48  }
0x61: {  	v61 =	vmul.f32 v49, v8;
	v58 =	vshll.u32 v5, $0x2;
	v59 =	vmul.f32 v42, v10;
	[tilespmem:v14+s14+$0x0] =	vst.idx.add.f32.msk $0xffff, v56  }
0x62: {  	v10 =	vmul.f32 v40, v10;
	v5 =	vand.u32 $0x7F, v5;
	v14 =	vor.u32 $0x80, v9;
	[tilespmem:v23+s14+$0x0] =	vst.idx.add.f32.msk $0xffff, v57  }
0x63: {  	v54 =	vmul.f32 v32, v3;
	v62 =	vmul.f32 v43, v8;
	v18 =	vand.u32 $0xFE00, v58;
	[tilespmem:v16+s14+$0x0] =	vst.idx.add.f32.msk $0xffff, v59  }
0x64: {  	v63 =	vmul.f32 v22, v3;
	v4 =	vmul.f32 v27, v7;
	v16 =	vor.u32 $0x180, v9;
	[tilespmem:v17+s14+$0x0] =	vst.idx.add.f32.msk $0xffff, v10  }
0x65: {  	v10 =	vor.u32 v5, v18;
	v5 =	vmul.f32 v13, v7;
	v13 =	vmul.f32 v47, v8  }
0x66: {  	v8 =	vmul.f32 v44, v8;
	[tilespmem:v9+s14+$0x0] =	vst.idx.add.f32.msk $0xffff, v61;
	v17 =	vor.u32 $0x80, v10;
	v9 =	vshll.u32 v6, $0x2  }
0x67: {  	v18 =	vor.u32 $0x180, v10;
	v6 =	vand.u32 $0x7F, v6;
	[tilespmem:v14+s14+$0x0] =	vst.idx.add.f32.msk $0xffff, v62;
	v14 =	vor.u32 $0x100, v10  }
0x68: {  	v9 =	vand.u32 $0xFE00, v9;
	[tilespmem:v60+s14+$0x0] =	vst.idx.add.f32.msk $0xffff, v13;
	v13 =	vmul.f32 v11, v7;
	v11 =	vmul.f32 v15, v2  }
0x69: {  	v15 =	vmul.f32 v46, v2;
	[tilespmem:v16+s14+$0x0] =	vst.idx.add.f32.msk $0xffff, v8;
	v8 =	vor.u32 v6, v9  }
0x6a: {  	v9 =	vmul.f32 v12, v7;
	v6 =	vmul.f32 v31, v3;
	[tilespmem:v10+s14+$0x0] =	vst.idx.add.f32.msk $0xffff, v54  }
0x6b: {  	v7 =	vshll.u32 v1, $0x2;
	v3 =	vmul.f32 v29, v3;
	v12 =	vor.u32 $0x80, v8;
	[tilespmem:v17+s14+$0x0] =	vst.idx.add.f32.msk $0xffff, v63  }
0x6c: {  	v16 =	vmul.f32 v38, v2;
	v10 =	vmul.f32 v33, v2;
	v2 =	vor.u32 $0x100, v8;
	[tilespmem:v14+s14+$0x0] =	vst.idx.add.f32.msk $0xffff, v6  }
0x6d: {  	v1 =	vand.u32 $0x7F, v1;
	v7 =	vand.u32 $0xFE00, v7;
	[tilespmem:v18+s14+$0x0] =	vst.idx.add.f32.msk $0xffff, v3;
	v3 =	vor.u32 $0x180, v8  }
0x6e: {  	v6 =	vor.u32 v1, v7  }
0x6f: {  	v7 =	vor.u32 $0x80, v6;
	[tilespmem:v8+s14+$0x0] =	vst.idx.add.f32.msk $0xffff, v11  }
0x70: {  	s20 =	simm.s32 $0x200;
	v1 =	vor.u32 $0x180, v6;
	v8 =	vor.u32 $0x100, v6;
	[tilespmem:v12+s14+$0x0] =	vst.idx.add.f32.msk $0xffff, v16  }
.LBB2_5:
0x71: {  	s21 =	sshra.s32 s20, $0x2;
	p0 =	sne.s32 s20, $0x3E00;
	s20 =	sadd.s32 $0x200, s20;
	[tilespmem:v2+s14+$0x0] =	vst.idx.add.f32.msk $0xffff, v10  }
0x72: {  	[tilespmem:v3+s14+$0x0] =	vst.idx.add.f32.msk $0xffff, v15  }
0x73: {  	[tilespmem:v6+s14+$0x0] =	vst.idx.add.f32.msk $0xffff, v4  }
0x74: {  	[tilespmem:v7+s14+$0x0] =	vst.idx.add.f32.msk $0xffff, v9  }
0x75: {  	[tilespmem:v8+s14+$0x0] =	vst.idx.add.f32.msk $0xffff, v13  }
0x76: {  	[tilespmem:v1+s14+$0x0] =	vst.idx.add.f32.msk $0xffff, v5  }
0x77: {  	v10 =	vld [tilespmem:s21+$0x14010]  }
0x78: {  	v8 =	vld [tilespmem:s21+$0x14020]  }
0x79: {  	v3 =	vld [tilespmem:s21+$0x14050]  }
0x7a: {  	v1 =	vld [tilespmem:s21+$0x14070]  }
0x7b: {  	v16 =	vld [tilespmem:s21+$0x14000]  }
0x7c: {  	v15 =	vld [tilespmem:s21+$0x15000];
	v4 =	vshll.u32 v10, $0x2  }
0x7d: {  	v5 =	vshrl.u32 v10, $0xE;
	v7 =	vshrl.u32 v8, $0xE;
	v2 =	vld [tilespmem:s21+$0x14060];
	v9 =	vshrl.u32 v8, $0xC  }
0x7e: {  	v6 =	vld [tilespmem:s21+$0x14040];
	v13 =	vshrl.u32 v3, $0xE;
	v7 =	vand.u32 $0x7F, v7;
	v9 =	vand.u32 $0xFFE00, v9  }
0x7f: {  	v14 =	vshrl.u32 v10, $0xC;
	v11 =	vld [tilespmem:s21+$0x15010];
	v9 =	vor.u32 v7, v9;
	v7 =	vshrl.u32 v1, $0xC  }
0x80: {  	v5 =	vand.u32 $0x7F, v5;
	v18 =	vshrl.u32 v16, $0xE;
	v12 =	vld [tilespmem:s21+$0x15050];
	v19 =	vshrl.u32 v16, $0xC  }
0x81: {  	v14 =	vand.u32 $0xFFE00, v14;
	v22 =	vor.u32 $0x180, v9;
	v17 =	vld [tilespmem:s21+$0x15060];
	v21 =	vand.u32 $0x7F, v18  }
0x82: {  	v5 =	vor.u32 v5, v14;
	v19 =	vand.u32 $0xFFE00, v19;
	v18 =	vand.u32 $0xFFE00, v7;
	v23 =	vld [tilespmem:s21+$0x15070]  }
0x83: {  	v14 =	vshrl.u32 v1, $0xE;
	v13 =	vand.u32 $0x7F, v13;
	v24 =	vshrl.u32 v2, $0xC;
	v7 =	vld [tilespmem:s21+$0x15040]  }
0x84: {  	v26 =	vor.u32 $0x100, v5;
	v27 =	vand.u32 $0x7F, v14;
	v25 =	vshrl.u32 v2, $0xE;
	v20 =	vld [tilespmem:s21+$0x15030]  }
0x85: {  	v28 =	vshrl.u32 v3, $0xC;
	v27 =	vor.u32 v27, v18;
	v25 =	vand.u32 $0x7F, v25;
	v14 =	vld [tilespmem:s21+$0x15020]  }
0x86: {  	v29 =	vshrl.u32 v6, $0xE;
	v30 =	vshrl.u32 v6, $0xC;
	v31 =	vor.u32 $0x180, v27;
	v18 =	vld [tilespmem:s21+$0x14030]  }
0x87: {  	v28 =	vand.u32 $0xFFE00, v28;
	v29 =	vand.u32 $0x7F, v29;
	v30 =	vand.u32 $0xFFE00, v30;
	v32 =	vld.idx.msk [tilespmem:v9+s2+$0x0], $0xffff  }
0x88: {  	v33 =	vor.u32 $0x180, v5;
	v28 =	vor.u32 v13, v28;
	v13 =	vand.u32 $0xFFE00, v24;
	v34 =	vld.idx.msk [tilespmem:v22+s2+$0x0], $0xffff  }
0x89: {  	v24 =	vor.u32 $0x100, v27;
	v13 =	vor.u32 v25, v13;
	v29 =	vor.u32 v29, v30;
	v26 =	vld.idx.msk [tilespmem:v26+s2+$0x0], $0xffff  }
0x8a: {  	v25 =	vor.u32 v21, v19;
	v30 =	vor.u32 $0x100, v9;
	v35 =	vor.u32 $0x80, v13;
	v36 =	vld.idx.msk [tilespmem:v27+s2+$0x0], $0xffff  }
0x8b: {  	v37 =	vor.u32 $0x80, v5;
	v19 =	vor.u32 $0x80, v27;
	v38 =	vor.u32 $0x180, v13;
	v27 =	vld.idx.msk [tilespmem:v31+s2+$0x0], $0xffff  }
0x8c: {  	v31 =	vshrl.u32 v18, $0xE;
	v39 =	vld.idx.msk [tilespmem:v5+s2+$0x0], $0xffff;
	v5 =	vor.u32 $0x80, v9;
	v9 =	vshrl.u32 v18, $0xC  }
0x8d: {  	v42 =	vor.u32 $0x100, v13;
	v40 =	vor.u32 $0x100, v29;
	v9 =	vand.u32 $0xFFE00, v9;
	v41 =	vld.idx.msk [tilespmem:v28+s2+$0x0], $0xffff  }
0x8e: {  	v44 =	vor.u32 $0x180, v28;
	v21 =	vshll.u32 v16, $0x2;
	v43 =	vor.u32 $0x180, v25;
	v33 =	vld.idx.msk [tilespmem:v33+s2+$0x0], $0xffff  }
0x8f: {  	v46 =	vor.u32 $0x80, v29;
	v22 =	vmul.f32 v32, v14;
	v32 =	vand.u32 $0xFE00, v21;
	v45 =	vld.idx.msk [tilespmem:v25+s2+$0x0], $0xffff  }
0x90: {  	v47 =	vor.u32 $0x180, v29;
	v21 =	vmul.f32 v34, v14;
	v48 =	vld.idx.msk [tilespmem:v19+s2+$0x0], $0xffff;
	v19 =	vshll.u32 v18, $0x2  }
0x91: {  	v34 =	vand.u32 $0xFE00, v4;
	v4 =	vshll.u32 v8, $0x2;
	v24 =	vld.idx.msk [tilespmem:v24+s2+$0x0], $0xffff;
	v49 =	vand.u32 $0xFE00, v19  }
0x92: {  	v51 =	vor.u32 $0x100, v28;
	v52 =	vand.u32 $0xFE00, v4;
	v4 =	vshll.u32 v6, $0x2;
	v50 =	vld.idx.msk [tilespmem:v5+s2+$0x0], $0xffff  }
0x93: {  	v53 =	vor.u32 $0x100, v25;
	v19 =	vmul.f32 v41, v12;
	v41 =	vand.u32 $0xFE00, v4;
	v43 =	vld.idx.msk [tilespmem:v43+s2+$0x0], $0xffff  }
0x94: {  	v4 =	vmul.f32 v36, v23;
	v5 =	vmul.f32 v27, v23;
	v27 =	vshll.u32 v3, $0x2;
	v30 =	vld.idx.msk [tilespmem:v30+s2+$0x0], $0xffff  }
0x95: {  	v31 =	vand.u32 $0x7F, v31;
	v36 =	vor.u32 $0x80, v25;
	v25 =	vand.u32 $0xFE00, v27;
	v54 =	vld.idx.msk [tilespmem:v13+s2+$0x0], $0xffff  }
0x96: {  	v27 =	vor.u32 v31, v9;
	v9 =	vmul.f32 v48, v23;
	v31 =	vld.idx.msk [tilespmem:v44+s2+$0x0], $0xffff;
	v44 =	vshll.u32 v2, $0x2  }
0x97: {  	v39 =	vmul.f32 v39, v11;
	v55 =	vor.u32 $0x180, v27;
	v48 =	vor.u32 $0x80, v27;
	v51 =	vld.idx.msk [tilespmem:v51+s2+$0x0], $0xffff  }
0x98: {  	v56 =	vor.u32 $0x100, v27;
	v13 =	vmul.f32 v24, v23;
	v44 =	vand.u32 $0xFE00, v44;
	v53 =	vld.idx.msk [tilespmem:v53+s2+$0x0], $0xffff  }
0x99: {  	v23 =	vshll.u32 v1, $0x2;
	v43 =	vmul.f32 v43, v15;
	v35 =	vld.idx.msk [tilespmem:v35+s2+$0x0], $0xffff  }
0x9a: {  	v23 =	vand.u32 $0xFE00, v23;
	v36 =	vld.idx.msk [tilespmem:v36+s2+$0x0], $0xffff  }
0x9b: {  	v24 =	vmul.f32 v54, v17;
	v27 =	vld.idx.msk [tilespmem:v27+s2+$0x0], $0xffff  }
0x9c: {  	v31 =	vmul.f32 v31, v12;
	v54 =	vld.idx.msk [tilespmem:v55+s2+$0x0], $0xffff  }
0x9d: {  	v51 =	vmul.f32 v51, v12;
	v55 =	vld.idx.msk [tilespmem:v56+s2+$0x0], $0xffff  }
0x9e: {  	v53 =	vmul.f32 v53, v15;
	v48 =	vld.idx.msk [tilespmem:v48+s2+$0x0], $0xffff  }
0x9f: {  	v35 =	vmul.f32 v35, v17;
	v38 =	vld.idx.msk [tilespmem:v38+s2+$0x0], $0xffff  }
0xa0: {  	v28 =	vor.u32 $0x80, v28;
	v36 =	vmul.f32 v36, v15;
	v29 =	vld.idx.msk [tilespmem:v29+s2+$0x0], $0xffff  }
0xa1: {  	v16 =	vand.u32 $0x7F, v16;
	v27 =	vmul.f32 v27, v20;
	v42 =	vld.idx.msk [tilespmem:v42+s2+$0x0], $0xffff  }
0xa2: {  	v16 =	vor.u32 v16, v32;
	v26 =	vmul.f32 v26, v11;
	v54 =	vmul.f32 v54, v20;
	v47 =	vld.idx.msk [tilespmem:v47+s2+$0x0], $0xffff  }
0xa3: {  	v32 =	vld.idx.msk [tilespmem:v40+s2+$0x0], $0xffff;
	v40 =	vmul.f32 v45, v15;
	v45 =	vmul.f32 v55, v20;
	v55 =	vor.u32 $0x80, v16  }
0xa4: {  	v20 =	vmul.f32 v48, v20;
	v48 =	vor.u32 $0x100, v16;
	v37 =	vld.idx.msk [tilespmem:v37+s2+$0x0], $0xffff  }
0xa5: {  	v10 =	vand.u32 $0x7F, v10;
	v15 =	vmul.f32 v38, v17;
	v38 =	vor.u32 $0x180, v16;
	v28 =	vld.idx.msk [tilespmem:v28+s2+$0x0], $0xffff  }
0xa6: {  	v34 =	vor.u32 v10, v34;
	v46 =	vld.idx.msk [tilespmem:v46+s2+$0x0], $0xffff  }
0xa7: {  	v33 =	vmul.f32 v33, v11;
	v10 =	vmul.f32 v42, v17;
	[tilespmem:v16+s14+$0x0] =	vst.idx.add.f32.msk $0xffff, v40;
	v16 =	vor.u32 $0x80, v34  }
0xa8: {  	v17 =	vor.u32 $0x100, v34;
	[tilespmem:v55+s14+$0x0] =	vst.idx.add.f32.msk $0xffff, v36  }
0xa9: {  	v8 =	vand.u32 $0x7F, v8;
	v36 =	vor.u32 $0x180, v34;
	[tilespmem:v48+s14+$0x0] =	vst.idx.add.f32.msk $0xffff, v53  }
0xaa: {  	v8 =	vor.u32 v8, v52;
	v11 =	vmul.f32 v37, v11;
	[tilespmem:v38+s14+$0x0] =	vst.idx.add.f32.msk $0xffff, v43  }
0xab: {  	v12 =	vmul.f32 v28, v12;
	v28 =	vor.u32 $0x80, v8;
	[tilespmem:v34+s14+$0x0] =	vst.idx.add.f32.msk $0xffff, v39  }
0xac: {  	[tilespmem:v16+s14+$0x0] =	vst.idx.add.f32.msk $0xffff, v11;
	v11 =	vor.u32 $0x100, v8  }
0xad: {  	v16 =	vor.u32 $0x180, v8;
	[tilespmem:v17+s14+$0x0] =	vst.idx.add.f32.msk $0xffff, v26;
	v17 =	vand.u32 $0x7F, v18  }
0xae: {  	v18 =	vmul.f32 v50, v14;
	[tilespmem:v36+s14+$0x0] =	vst.idx.add.f32.msk $0xffff, v33;
	v17 =	vor.u32 v17, v49  }
0xaf: {  	v14 =	vmul.f32 v30, v14;
	v26 =	vmul.f32 v29, v7;
	[tilespmem:v8+s14+$0x0] =	vst.idx.add.f32.msk $0xffff, v22;
	v8 =	vor.u32 $0x80, v17  }
0xb0: {  	[tilespmem:v28+s14+$0x0] =	vst.idx.add.f32.msk $0xffff, v18;
	v18 =	vor.u32 $0x100, v17  }
0xb1: {  	v6 =	vand.u32 $0x7F, v6;
	v22 =	vmul.f32 v32, v7;
	[tilespmem:v11+s14+$0x0] =	vst.idx.add.f32.msk $0xffff, v14;
	v11 =	vor.u32 $0x180, v17  }
0xb2: {  	v6 =	vor.u32 v6, v41;
	v14 =	vmul.f32 v47, v7;
	[tilespmem:v16+s14+$0x0] =	vst.idx.add.f32.msk $0xffff, v21  }
0xb3: {  	v16 =	vor.u32 $0x80, v6;
	[tilespmem:v17+s14+$0x0] =	vst.idx.add.f32.msk $0xffff, v27  }
0xb4: {  	[tilespmem:v8+s14+$0x0] =	vst.idx.add.f32.msk $0xffff, v20;
	v8 =	vor.u32 $0x100, v6  }
0xb5: {  	v3 =	vand.u32 $0x7F, v3;
	v17 =	vor.u32 $0x180, v6;
	[tilespmem:v18+s14+$0x0] =	vst.idx.add.f32.msk $0xffff, v45  }
0xb6: {  	v3 =	vor.u32 v3, v25;
	v7 =	vmul.f32 v46, v7;
	[tilespmem:v11+s14+$0x0] =	vst.idx.add.f32.msk $0xffff, v54  }
0xb7: {  	[tilespmem:v6+s14+$0x0] =	vst.idx.add.f32.msk $0xffff, v26;
	v6 =	vor.u32 $0x80, v3  }
0xb8: {  	[tilespmem:v16+s14+$0x0] =	vst.idx.add.f32.msk $0xffff, v7;
	v7 =	vor.u32 $0x100, v3  }
0xb9: {  	v2 =	vand.u32 $0x7F, v2;
	[tilespmem:v8+s14+$0x0] =	vst.idx.add.f32.msk $0xffff, v22;
	v8 =	vor.u32 $0x180, v3  }
0xba: {  	v11 =	vor.u32 v2, v44;
	[tilespmem:v17+s14+$0x0] =	vst.idx.add.f32.msk $0xffff, v14  }
0xbb: {  	v14 =	vor.u32 $0x80, v11;
	[tilespmem:v3+s14+$0x0] =	vst.idx.add.f32.msk $0xffff, v19  }
.Ltmp1:
0xbc: {  	v2 =	vor.u32 $0x100, v11;
	[tilespmem:v6+s14+$0x0] =	vst.idx.add.f32.msk $0xffff, v12;
	(pc) =	sbr.rel @p0 .LBB2_5-.Ltmp1, $4  }
0xbd: {  	v1 =	vand.u32 $0x7F, v1;
	v3 =	vor.u32 $0x180, v11;
	[tilespmem:v7+s14+$0x0] =	vst.idx.add.f32.msk $0xffff, v51  }
0xbe: {  	v6 =	vor.u32 v1, v23;
	[tilespmem:v8+s14+$0x0] =	vst.idx.add.f32.msk $0xffff, v31  }
0xbf: {  	v7 =	vor.u32 $0x80, v6;
	v1 =	vor.u32 $0x180, v6;
	[tilespmem:v11+s14+$0x0] =	vst.idx.add.f32.msk $0xffff, v24  }
0xc0: {  	v8 =	vor.u32 $0x100, v6;
	[tilespmem:v14+s14+$0x0] =	vst.idx.add.f32.msk $0xffff, v35  }
0xc1: {  	_ =	sdelay $0x3  }
0xc2: {  	[tilespmem:v2+s14+$0x0] =	vst.idx.add.f32.msk $0xffff, v10  }
0xc3: {  	[tilespmem:v3+s14+$0x0] =	vst.idx.add.f32.msk $0xffff, v15  }
0xc4: {  	[tilespmem:v6+s14+$0x0] =	vst.idx.add.f32.msk $0xffff, v4  }
0xc5: {  	[tilespmem:v7+s14+$0x0] =	vst.idx.add.f32.msk $0xffff, v9  }
0xc6: {  	[tilespmem:v8+s14+$0x0] =	vst.idx.add.f32.msk $0xffff, v13  }
0xc7: {  	[tilespmem:v1+s14+$0x0] =	vst.idx.add.f32.msk $0xffff, v5  }
0xc8: {  	_ =	swait.ge [sflag:s15], $0x1000  }
0xc9: {  	[sflag:s15] =	ssyncset.done $0x0  }
0xca: {  	[sflag:s15] =	ssyncadd.s32 $0xFFFFF000  }
0xcb: {  	p0 =	seq.s32 s18, $0x29;
	_ =	swait.ge [sflag:s15], $0x1000  }
0xcc: {  	s19 =	sadd.s32 @!p0 $0x400, s19;
	s21 =	simm.s32 @!p0 $0x0;
	[sflag:s15] =	ssyncset.done $0x0  }
0xcd: {  	s22 =	simm.s32 @!p0 $0x14000;
	s20 =	sadd.s32 @!p0 s3, s19;
	[sflag:s15] =	ssyncadd.s32 $0xFFFFF000  }
0xce: {  	[tilespmem:s22], [sflag:$0x1] =	stream.linear.gather @!p0 [hbm4b:s20+s21], $0x1000, $0x38;
	[tilespmem:$0x18000] =	vst v63  }
0xcf: {  	s31 =	simm.s32 $0x0;
	s19 =	sadd.s32 @!p0 s4, s19;
	s20 =	simm.s32 @!p0 $0x15000  }
0xd0: {  	[tilespmem:s20], [sflag:$0x1] =	stream.linear.gather @!p0 [hbm4b:s19+s21], $0x1000, $0x38;
	[tilespmem:$0x18000] =	vst v63  }
0xd1: {  	v16 =	vld [tilespmem:s31+$0x16010]  }
0xd2: {  	v4 =	vld [tilespmem:s31+$0x16020]  }
0xd3: {  	v5 =	vld [tilespmem:s31+$0x16050]  }
0xd4: {  	v1 =	vld [tilespmem:s31+$0x16070]  }
0xd5: {  	v9 =	vld [tilespmem:s31+$0x16040]  }
0xd6: {  	v23 =	vld [tilespmem:s31+$0x16030];
	_ =	sdelay $0x1  }
0xd7: {  	v17 =	vld [tilespmem:s31+$0x16000];
	v2 =	vshrl.u32 v4, $0xE  }
0xd8: {  	v18 =	vld [tilespmem:s31+$0x17000];
	v3 =	vshrl.u32 v4, $0xC;
	v8 =	vshrl.u32 v16, $0xE;
	v10 =	vshrl.u32 v16, $0xC  }
0xd9: {  	v6 =	vld [tilespmem:s31+$0x16060];
	v12 =	vshrl.u32 v1, $0xC;
	v15 =	vshrl.u32 v1, $0xE;
	v22 =	vshrl.u32 v5, $0xC  }
0xda: {  	v14 =	vld [tilespmem:s31+$0x17010];
	v39 =	vshrl.u32 v23, $0xE;
	v40 =	vshrl.u32 v23, $0xC;
	v43 =	vshrl.u32 v9, $0xE  }
0xdb: {  	v21 =	vld [tilespmem:s31+$0x17020];
	v44 =	vshrl.u32 v9, $0xC;
	v2 =	vand.u32 $0x7F, v2;
	v7 =	vand.u32 $0xFFE00, v3  }
0xdc: {  	v3 =	vld [tilespmem:s31+$0x17050];
	v12 =	vand.u32 $0xFFE00, v12;
	v15 =	vand.u32 $0x7F, v15;
	v11 =	vor.u32 v2, v7  }
0xdd: {  	v8 =	vand.u32 $0x7F, v8;
	v10 =	vand.u32 $0xFFE00, v10;
	v2 =	vld [tilespmem:s31+$0x17060];
	v12 =	vor.u32 v15, v12  }
0xde: {  	v40 =	vand.u32 $0xFFE00, v40;
	v39 =	vand.u32 $0x7F, v39;
	v7 =	vld [tilespmem:s31+$0x17070];
	v19 =	vor.u32 v8, v10  }
0xdf: {  	v43 =	vand.u32 $0x7F, v43;
	v44 =	vand.u32 $0xFFE00, v44;
	v8 =	vld [tilespmem:s31+$0x17040];
	v39 =	vor.u32 v39, v40  }
0xe0: {  	v27 =	vshrl.u32 v17, $0xC;
	v10 =	vld [tilespmem:s31+$0x17030];
	v15 =	vshrl.u32 v5, $0xE;
	v43 =	vor.u32 v43, v44  }
0xe1: {  	v22 =	vand.u32 $0xFFE00, v22;
	v13 =	vor.u32 $0x180, v11;
	v15 =	vand.u32 $0x7F, v15;
	v25 =	vld.idx.msk [tilespmem:v11+s2+$0x0], $0xffff  }
0xe2: {  	v20 =	vor.u32 $0x100, v19;
	v22 =	vor.u32 v15, v22;
	v15 =	vand.u32 $0xFFE00, v27;
	v27 =	vld.idx.msk [tilespmem:v12+s2+$0x0], $0xffff  }
0xe3: {  	v55 =	vor.u32 $0x180, v19;
	v56 =	vor.u32 $0x100, v12;
	v30 =	vld.idx.msk [tilespmem:v19+s2+$0x0], $0xffff  }
0xe4: {  	v40 =	vor.u32 $0x180, v39;
	v42 =	vor.u32 $0x100, v39;
	v45 =	vor.u32 $0x80, v39;
	v39 =	vld.idx.msk [tilespmem:v39+s2+$0x0], $0xffff  }
0xe5: {  	v31 =	vor.u32 $0x80, v11;
	v49 =	vld.idx.msk [tilespmem:v43+s2+$0x0], $0xffff  }
0xe6: {  	v35 =	vor.u32 $0x100, v11;
	v28 =	vld.idx.msk [tilespmem:v13+s2+$0x0], $0xffff  }
0xe7: {  	v26 =	vshrl.u32 v17, $0xE;
	v20 =	vld.idx.msk [tilespmem:v20+s2+$0x0], $0xffff  }
0xe8: {  	v13 =	vand.u32 $0x7F, v26;
	v26 =	vld.idx.msk [tilespmem:v55+s2+$0x0], $0xffff  }
0xe9: {  	v11 =	vld.idx.msk [tilespmem:v56+s2+$0x0], $0xffff  }
0xea: {  	v44 =	vor.u32 $0x180, v43;
	v58 =	vld.idx.msk [tilespmem:v31+s2+$0x0], $0xffff  }
0xeb: {  	v47 =	vor.u32 $0x100, v43;
	v35 =	vld.idx.msk [tilespmem:v35+s2+$0x0], $0xffff  }
0xec: {  	v24 =	vor.u32 $0x180, v12;
	v40 =	vld.idx.msk [tilespmem:v40+s2+$0x0], $0xffff  }
0xed: {  	v42 =	vld.idx.msk [tilespmem:v42+s2+$0x0], $0xffff  }
0xee: {  	v29 =	vor.u32 $0x80, v12;
	v45 =	vld.idx.msk [tilespmem:v45+s2+$0x0], $0xffff  }
0xef: {  	v57 =	vor.u32 $0x180, v22;
	v44 =	vld.idx.msk [tilespmem:v44+s2+$0x0], $0xffff  }
0xf0: {  	v33 =	vshrl.u32 v6, $0xE;
	v59 =	vor.u32 $0x100, v22;
	v47 =	vld.idx.msk [tilespmem:v47+s2+$0x0], $0xffff  }
0xf1: {  	v12 =	vshrl.u32 v6, $0xC;
	v19 =	vor.u32 $0x80, v19;
	v15 =	vor.u32 v13, v15;
	v13 =	vld.idx.msk [tilespmem:v24+s2+$0x0], $0xffff  }
0xf2: {  	v33 =	vand.u32 $0x7F, v33;
	v43 =	vor.u32 $0x80, v43;
	v12 =	vand.u32 $0xFFE00, v12;
	v32 =	vld.idx.msk [tilespmem:v22+s2+$0x0], $0xffff  }
0xf3: {  	v33 =	vor.u32 v33, v12;
	v12 =	vld.idx.msk [tilespmem:v29+s2+$0x0], $0xffff  }
0xf4: {  	v29 =	vld.idx.msk [tilespmem:v57+s2+$0x0], $0xffff  }
0xf5: {  	v22 =	vor.u32 $0x80, v22;
	v31 =	vld.idx.msk [tilespmem:v59+s2+$0x0], $0xffff  }
0xf6: {  	v41 =	vor.u32 $0x80, v15;
	v19 =	vld.idx.msk [tilespmem:v19+s2+$0x0], $0xffff  }
0xf7: {  	v37 =	vor.u32 $0x100, v15;
	v43 =	vld.idx.msk [tilespmem:v43+s2+$0x0], $0xffff  }
0xf8: {  	v34 =	vor.u32 $0x180, v15;
	v36 =	vld.idx.msk [tilespmem:v15+s2+$0x0], $0xffff  }
0xf9: {  	v38 =	vor.u32 $0x80, v33;
	v15 =	vld.idx.msk [tilespmem:v33+s2+$0x0], $0xffff  }
0xfa: {  	v48 =	vshll.u32 v17, $0x2;
	v46 =	vor.u32 $0x180, v33;
	v22 =	vld.idx.msk [tilespmem:v22+s2+$0x0], $0xffff  }
0xfb: {  	v17 =	vand.u32 $0x7F, v17;
	v48 =	vand.u32 $0xFE00, v48;
	v33 =	vor.u32 $0x100, v33;
	v41 =	vld.idx.msk [tilespmem:v41+s2+$0x0], $0xffff  }
0xfc: {  	v17 =	vor.u32 v17, v48;
	v37 =	vld.idx.msk [tilespmem:v37+s2+$0x0], $0xffff  }
0xfd: {  	v50 =	vor.u32 $0x80, v17;
	v34 =	vld.idx.msk [tilespmem:v34+s2+$0x0], $0xffff  }
0xfe: {  	v60 =	vshll.u32 v16, $0x2;
	v16 =	vand.u32 $0x7F, v16;
	v51 =	vor.u32 $0x100, v17;
	v38 =	vld.idx.msk [tilespmem:v38+s2+$0x0], $0xffff  }
0xff: {  	v48 =	vand.u32 $0xFE00, v60;
	v52 =	vor.u32 $0x180, v17;
	v46 =	vld.idx.msk [tilespmem:v46+s2+$0x0], $0xffff;
	v36 =	vmul.f32 v36, v18  }
0x100: {  	v16 =	vor.u32 v16, v48;
	v33 =	vld.idx.msk [tilespmem:v33+s2+$0x0], $0xffff;
	v41 =	vmul.f32 v41, v18  }
0x101: {  	v61 =	vshll.u32 v4, $0x2;
	v37 =	vmul.f32 v37, v18;
	[tilespmem:v17+s14+$0x0] =	vst.idx.add.f32.msk $0xffff, v36;
	v17 =	vor.u32 $0x80, v16  }
0x102: {  	v4 =	vand.u32 $0x7F, v4;
	v63 =	vor.u32 $0x100, v16;
	v18 =	vmul.f32 v34, v18;
	[tilespmem:v50+s14+$0x0] =	vst.idx.add.f32.msk $0xffff, v41  }
0x103: {  	v62 =	vand.u32 $0xFE00, v61;
	v30 =	vmul.f32 v30, v14;
	v41 =	vor.u32 $0x180, v16;
	[tilespmem:v51+s14+$0x0] =	vst.idx.add.f32.msk $0xffff, v37  }
0x104: {  	v4 =	vor.u32 v4, v62;
	v19 =	vmul.f32 v19, v14;
	[tilespmem:v52+s14+$0x0] =	vst.idx.add.f32.msk $0xffff, v18  }
0x105: {  	v25 =	vmul.f32 v25, v21;
	v20 =	vmul.f32 v20, v14;
	[tilespmem:v16+s14+$0x0] =	vst.idx.add.f32.msk $0xffff, v30;
	v16 =	vor.u32 $0x80, v4  }
0x106: {  	v14 =	vmul.f32 v26, v14;
	v50 =	vshll.u32 v23, $0x2;
	[tilespmem:v17+s14+$0x0] =	vst.idx.add.f32.msk $0xffff, v19;
	v17 =	vor.u32 $0x100, v4  }
0x107: {  	v23 =	vand.u32 $0x7F, v23;
	v51 =	vand.u32 $0xFE00, v50;
	v52 =	vor.u32 $0x180, v4;
	[tilespmem:v63+s14+$0x0] =	vst.idx.add.f32.msk $0xffff, v20  }
0x108: {  	v53 =	vshll.u32 v9, $0x2;
	v24 =	vmul.f32 v58, v21;
	[tilespmem:v41+s14+$0x0] =	vst.idx.add.f32.msk $0xffff, v14;
	v14 =	vor.u32 v23, v51  }
0x109: {  	v48 =	vmul.f32 v28, v21;
	v21 =	vmul.f32 v35, v21;
	[tilespmem:v4+s14+$0x0] =	vst.idx.add.f32.msk $0xffff, v25;
	v23 =	vor.u32 $0x80, v14  }
0x10a: {  	v9 =	vand.u32 $0x7F, v9;
	v55 =	vand.u32 $0xFE00, v53;
	[tilespmem:v16+s14+$0x0] =	vst.idx.add.f32.msk $0xffff, v24;
	v16 =	vor.u32 $0x100, v14  }
0x10b: {  	v9 =	vor.u32 v9, v55;
	v56 =	vmul.f32 v39, v10;
	[tilespmem:v17+s14+$0x0] =	vst.idx.add.f32.msk $0xffff, v21;
	v17 =	vor.u32 $0x180, v14  }
0x10c: {  	v60 =	vor.u32 $0x100, v9;
	v57 =	vmul.f32 v45, v10;
	[tilespmem:v52+s14+$0x0] =	vst.idx.add.f32.msk $0xffff, v48  }
0x10d: {  	v61 =	vmul.f32 v49, v8;
	v58 =	vshll.u32 v5, $0x2;
	v59 =	vmul.f32 v42, v10;
	[tilespmem:v14+s14+$0x0] =	vst.idx.add.f32.msk $0xffff, v56  }
0x10e: {  	v10 =	vmul.f32 v40, v10;
	v5 =	vand.u32 $0x7F, v5;
	v14 =	vor.u32 $0x80, v9;
	[tilespmem:v23+s14+$0x0] =	vst.idx.add.f32.msk $0xffff, v57  }
0x10f: {  	v54 =	vmul.f32 v32, v3;
	v62 =	vmul.f32 v43, v8;
	v18 =	vand.u32 $0xFE00, v58;
	[tilespmem:v16+s14+$0x0] =	vst.idx.add.f32.msk $0xffff, v59  }
0x110: {  	v63 =	vmul.f32 v22, v3;
	v4 =	vmul.f32 v27, v7;
	v16 =	vor.u32 $0x180, v9;
	[tilespmem:v17+s14+$0x0] =	vst.idx.add.f32.msk $0xffff, v10  }
0x111: {  	v10 =	vor.u32 v5, v18;
	v5 =	vmul.f32 v13, v7;
	v13 =	vmul.f32 v47, v8  }
0x112: {  	v8 =	vmul.f32 v44, v8;
	[tilespmem:v9+s14+$0x0] =	vst.idx.add.f32.msk $0xffff, v61;
	v17 =	vor.u32 $0x80, v10;
	v9 =	vshll.u32 v6, $0x2  }
0x113: {  	v18 =	vor.u32 $0x180, v10;
	v6 =	vand.u32 $0x7F, v6;
	[tilespmem:v14+s14+$0x0] =	vst.idx.add.f32.msk $0xffff, v62;
	v14 =	vor.u32 $0x100, v10  }
0x114: {  	v9 =	vand.u32 $0xFE00, v9;
	[tilespmem:v60+s14+$0x0] =	vst.idx.add.f32.msk $0xffff, v13;
	v13 =	vmul.f32 v11, v7;
	v11 =	vmul.f32 v15, v2  }
0x115: {  	v15 =	vmul.f32 v46, v2;
	[tilespmem:v16+s14+$0x0] =	vst.idx.add.f32.msk $0xffff, v8;
	v8 =	vor.u32 v6, v9  }
0x116: {  	v9 =	vmul.f32 v12, v7;
	v6 =	vmul.f32 v31, v3;
	[tilespmem:v10+s14+$0x0] =	vst.idx.add.f32.msk $0xffff, v54  }
0x117: {  	v7 =	vshll.u32 v1, $0x2;
	v3 =	vmul.f32 v29, v3;
	v12 =	vor.u32 $0x80, v8;
	[tilespmem:v17+s14+$0x0] =	vst.idx.add.f32.msk $0xffff, v63  }
0x118: {  	v16 =	vmul.f32 v38, v2;
	v10 =	vmul.f32 v33, v2;
	v2 =	vor.u32 $0x100, v8;
	[tilespmem:v14+s14+$0x0] =	vst.idx.add.f32.msk $0xffff, v6  }
0x119: {  	v1 =	vand.u32 $0x7F, v1;
	v7 =	vand.u32 $0xFE00, v7;
	[tilespmem:v18+s14+$0x0] =	vst.idx.add.f32.msk $0xffff, v3;
	v3 =	vor.u32 $0x180, v8  }
0x11a: {  	v6 =	vor.u32 v1, v7  }
0x11b: {  	v7 =	vor.u32 $0x80, v6;
	[tilespmem:v8+s14+$0x0] =	vst.idx.add.f32.msk $0xffff, v11  }
0x11c: {  	s19 =	simm.s32 $0x200;
	v1 =	vor.u32 $0x180, v6;
	v8 =	vor.u32 $0x100, v6;
	[tilespmem:v12+s14+$0x0] =	vst.idx.add.f32.msk $0xffff, v16  }
.LBB2_7:
0x11d: {  	s20 =	sshra.s32 s19, $0x2;
	p0 =	sne.s32 s19, $0x3E00;
	s19 =	sadd.s32 $0x200, s19;
	[tilespmem:v2+s14+$0x0] =	vst.idx.add.f32.msk $0xffff, v10  }
0x11e: {  	[tilespmem:v3+s14+$0x0] =	vst.idx.add.f32.msk $0xffff, v15  }
0x11f: {  	[tilespmem:v6+s14+$0x0] =	vst.idx.add.f32.msk $0xffff, v4  }
0x120: {  	[tilespmem:v7+s14+$0x0] =	vst.idx.add.f32.msk $0xffff, v9  }
0x121: {  	[tilespmem:v8+s14+$0x0] =	vst.idx.add.f32.msk $0xffff, v13  }
0x122: {  	[tilespmem:v1+s14+$0x0] =	vst.idx.add.f32.msk $0xffff, v5  }
0x123: {  	v10 =	vld [tilespmem:s20+$0x16010]  }
0x124: {  	v8 =	vld [tilespmem:s20+$0x16020]  }
0x125: {  	v3 =	vld [tilespmem:s20+$0x16050]  }
0x126: {  	v1 =	vld [tilespmem:s20+$0x16070]  }
0x127: {  	v16 =	vld [tilespmem:s20+$0x16000]  }
0x128: {  	v15 =	vld [tilespmem:s20+$0x17000];
	v4 =	vshll.u32 v10, $0x2  }
0x129: {  	v5 =	vshrl.u32 v10, $0xE;
	v7 =	vshrl.u32 v8, $0xE;
	v2 =	vld [tilespmem:s20+$0x16060];
	v9 =	vshrl.u32 v8, $0xC  }
0x12a: {  	v6 =	vld [tilespmem:s20+$0x16040];
	v13 =	vshrl.u32 v3, $0xE;
	v7 =	vand.u32 $0x7F, v7;
	v9 =	vand.u32 $0xFFE00, v9  }
0x12b: {  	v14 =	vshrl.u32 v10, $0xC;
	v11 =	vld [tilespmem:s20+$0x17010];
	v9 =	vor.u32 v7, v9;
	v7 =	vshrl.u32 v1, $0xC  }
0x12c: {  	v5 =	vand.u32 $0x7F, v5;
	v18 =	vshrl.u32 v16, $0xE;
	v12 =	vld [tilespmem:s20+$0x17050];
	v19 =	vshrl.u32 v16, $0xC  }
0x12d: {  	v14 =	vand.u32 $0xFFE00, v14;
	v22 =	vor.u32 $0x180, v9;
	v17 =	vld [tilespmem:s20+$0x17060];
	v21 =	vand.u32 $0x7F, v18  }
0x12e: {  	v5 =	vor.u32 v5, v14;
	v19 =	vand.u32 $0xFFE00, v19;
	v18 =	vand.u32 $0xFFE00, v7;
	v23 =	vld [tilespmem:s20+$0x17070]  }
0x12f: {  	v14 =	vshrl.u32 v1, $0xE;
	v13 =	vand.u32 $0x7F, v13;
	v24 =	vshrl.u32 v2, $0xC;
	v7 =	vld [tilespmem:s20+$0x17040]  }
0x130: {  	v26 =	vor.u32 $0x100, v5;
	v27 =	vand.u32 $0x7F, v14;
	v25 =	vshrl.u32 v2, $0xE;
	v20 =	vld [tilespmem:s20+$0x17030]  }
0x131: {  	v28 =	vshrl.u32 v3, $0xC;
	v27 =	vor.u32 v27, v18;
	v25 =	vand.u32 $0x7F, v25;
	v14 =	vld [tilespmem:s20+$0x17020]  }
0x132: {  	v29 =	vshrl.u32 v6, $0xE;
	v30 =	vshrl.u32 v6, $0xC;
	v31 =	vor.u32 $0x180, v27;
	v18 =	vld [tilespmem:s20+$0x16030]  }
0x133: {  	v28 =	vand.u32 $0xFFE00, v28;
	v29 =	vand.u32 $0x7F, v29;
	v30 =	vand.u32 $0xFFE00, v30;
	v32 =	vld.idx.msk [tilespmem:v9+s2+$0x0], $0xffff  }
0x134: {  	v33 =	vor.u32 $0x180, v5;
	v28 =	vor.u32 v13, v28;
	v13 =	vand.u32 $0xFFE00, v24;
	v34 =	vld.idx.msk [tilespmem:v22+s2+$0x0], $0xffff  }
0x135: {  	v24 =	vor.u32 $0x100, v27;
	v13 =	vor.u32 v25, v13;
	v29 =	vor.u32 v29, v30;
	v26 =	vld.idx.msk [tilespmem:v26+s2+$0x0], $0xffff  }
0x136: {  	v25 =	vor.u32 v21, v19;
	v30 =	vor.u32 $0x100, v9;
	v35 =	vor.u32 $0x80, v13;
	v36 =	vld.idx.msk [tilespmem:v27+s2+$0x0], $0xffff  }
0x137: {  	v37 =	vor.u32 $0x80, v5;
	v19 =	vor.u32 $0x80, v27;
	v38 =	vor.u32 $0x180, v13;
	v27 =	vld.idx.msk [tilespmem:v31+s2+$0x0], $0xffff  }
0x138: {  	v31 =	vshrl.u32 v18, $0xE;
	v39 =	vld.idx.msk [tilespmem:v5+s2+$0x0], $0xffff;
	v5 =	vor.u32 $0x80, v9;
	v9 =	vshrl.u32 v18, $0xC  }
0x139: {  	v42 =	vor.u32 $0x100, v13;
	v40 =	vor.u32 $0x100, v29;
	v9 =	vand.u32 $0xFFE00, v9;
	v41 =	vld.idx.msk [tilespmem:v28+s2+$0x0], $0xffff  }
0x13a: {  	v44 =	vor.u32 $0x180, v28;
	v21 =	vshll.u32 v16, $0x2;
	v43 =	vor.u32 $0x180, v25;
	v33 =	vld.idx.msk [tilespmem:v33+s2+$0x0], $0xffff  }
0x13b: {  	v46 =	vor.u32 $0x80, v29;
	v22 =	vmul.f32 v32, v14;
	v32 =	vand.u32 $0xFE00, v21;
	v45 =	vld.idx.msk [tilespmem:v25+s2+$0x0], $0xffff  }
0x13c: {  	v47 =	vor.u32 $0x180, v29;
	v21 =	vmul.f32 v34, v14;
	v48 =	vld.idx.msk [tilespmem:v19+s2+$0x0], $0xffff;
	v19 =	vshll.u32 v18, $0x2  }
0x13d: {  	v34 =	vand.u32 $0xFE00, v4;
	v4 =	vshll.u32 v8, $0x2;
	v24 =	vld.idx.msk [tilespmem:v24+s2+$0x0], $0xffff;
	v49 =	vand.u32 $0xFE00, v19  }
0x13e: {  	v51 =	vor.u32 $0x100, v28;
	v52 =	vand.u32 $0xFE00, v4;
	v4 =	vshll.u32 v6, $0x2;
	v50 =	vld.idx.msk [tilespmem:v5+s2+$0x0], $0xffff  }
0x13f: {  	v53 =	vor.u32 $0x100, v25;
	v19 =	vmul.f32 v41, v12;
	v41 =	vand.u32 $0xFE00, v4;
	v43 =	vld.idx.msk [tilespmem:v43+s2+$0x0], $0xffff  }
0x140: {  	v4 =	vmul.f32 v36, v23;
	v5 =	vmul.f32 v27, v23;
	v27 =	vshll.u32 v3, $0x2;
	v30 =	vld.idx.msk [tilespmem:v30+s2+$0x0], $0xffff  }
0x141: {  	v31 =	vand.u32 $0x7F, v31;
	v36 =	vor.u32 $0x80, v25;
	v25 =	vand.u32 $0xFE00, v27;
	v54 =	vld.idx.msk [tilespmem:v13+s2+$0x0], $0xffff  }
0x142: {  	v27 =	vor.u32 v31, v9;
	v9 =	vmul.f32 v48, v23;
	v31 =	vld.idx.msk [tilespmem:v44+s2+$0x0], $0xffff;
	v44 =	vshll.u32 v2, $0x2  }
0x143: {  	v39 =	vmul.f32 v39, v11;
	v55 =	vor.u32 $0x180, v27;
	v48 =	vor.u32 $0x80, v27;
	v51 =	vld.idx.msk [tilespmem:v51+s2+$0x0], $0xffff  }
0x144: {  	v56 =	vor.u32 $0x100, v27;
	v13 =	vmul.f32 v24, v23;
	v44 =	vand.u32 $0xFE00, v44;
	v53 =	vld.idx.msk [tilespmem:v53+s2+$0x0], $0xffff  }
0x145: {  	v23 =	vshll.u32 v1, $0x2;
	v43 =	vmul.f32 v43, v15;
	v35 =	vld.idx.msk [tilespmem:v35+s2+$0x0], $0xffff  }
0x146: {  	v23 =	vand.u32 $0xFE00, v23;
	v36 =	vld.idx.msk [tilespmem:v36+s2+$0x0], $0xffff  }
0x147: {  	v24 =	vmul.f32 v54, v17;
	v27 =	vld.idx.msk [tilespmem:v27+s2+$0x0], $0xffff  }
0x148: {  	v31 =	vmul.f32 v31, v12;
	v54 =	vld.idx.msk [tilespmem:v55+s2+$0x0], $0xffff  }
0x149: {  	v51 =	vmul.f32 v51, v12;
	v55 =	vld.idx.msk [tilespmem:v56+s2+$0x0], $0xffff  }
0x14a: {  	v53 =	vmul.f32 v53, v15;
	v48 =	vld.idx.msk [tilespmem:v48+s2+$0x0], $0xffff  }
0x14b: {  	v35 =	vmul.f32 v35, v17;
	v38 =	vld.idx.msk [tilespmem:v38+s2+$0x0], $0xffff  }
0x14c: {  	v28 =	vor.u32 $0x80, v28;
	v36 =	vmul.f32 v36, v15;
	v29 =	vld.idx.msk [tilespmem:v29+s2+$0x0], $0xffff  }
0x14d: {  	v16 =	vand.u32 $0x7F, v16;
	v27 =	vmul.f32 v27, v20;
	v42 =	vld.idx.msk [tilespmem:v42+s2+$0x0], $0xffff  }
0x14e: {  	v16 =	vor.u32 v16, v32;
	v26 =	vmul.f32 v26, v11;
	v54 =	vmul.f32 v54, v20;
	v47 =	vld.idx.msk [tilespmem:v47+s2+$0x0], $0xffff  }
0x14f: {  	v32 =	vld.idx.msk [tilespmem:v40+s2+$0x0], $0xffff;
	v40 =	vmul.f32 v45, v15;
	v45 =	vmul.f32 v55, v20;
	v55 =	vor.u32 $0x80, v16  }
0x150: {  	v20 =	vmul.f32 v48, v20;
	v48 =	vor.u32 $0x100, v16;
	v37 =	vld.idx.msk [tilespmem:v37+s2+$0x0], $0xffff  }
0x151: {  	v10 =	vand.u32 $0x7F, v10;
	v15 =	vmul.f32 v38, v17;
	v38 =	vor.u32 $0x180, v16;
	v28 =	vld.idx.msk [tilespmem:v28+s2+$0x0], $0xffff  }
0x152: {  	v34 =	vor.u32 v10, v34;
	v46 =	vld.idx.msk [tilespmem:v46+s2+$0x0], $0xffff  }
0x153: {  	v33 =	vmul.f32 v33, v11;
	v10 =	vmul.f32 v42, v17;
	[tilespmem:v16+s14+$0x0] =	vst.idx.add.f32.msk $0xffff, v40;
	v16 =	vor.u32 $0x80, v34  }
0x154: {  	v17 =	vor.u32 $0x100, v34;
	[tilespmem:v55+s14+$0x0] =	vst.idx.add.f32.msk $0xffff, v36  }
0x155: {  	v8 =	vand.u32 $0x7F, v8;
	v36 =	vor.u32 $0x180, v34;
	[tilespmem:v48+s14+$0x0] =	vst.idx.add.f32.msk $0xffff, v53  }
0x156: {  	v8 =	vor.u32 v8, v52;
	v11 =	vmul.f32 v37, v11;
	[tilespmem:v38+s14+$0x0] =	vst.idx.add.f32.msk $0xffff, v43  }
0x157: {  	v12 =	vmul.f32 v28, v12;
	v28 =	vor.u32 $0x80, v8;
	[tilespmem:v34+s14+$0x0] =	vst.idx.add.f32.msk $0xffff, v39  }
0x158: {  	[tilespmem:v16+s14+$0x0] =	vst.idx.add.f32.msk $0xffff, v11;
	v11 =	vor.u32 $0x100, v8  }
0x159: {  	v16 =	vor.u32 $0x180, v8;
	[tilespmem:v17+s14+$0x0] =	vst.idx.add.f32.msk $0xffff, v26;
	v17 =	vand.u32 $0x7F, v18  }
0x15a: {  	v18 =	vmul.f32 v50, v14;
	[tilespmem:v36+s14+$0x0] =	vst.idx.add.f32.msk $0xffff, v33;
	v17 =	vor.u32 v17, v49  }
0x15b: {  	v14 =	vmul.f32 v30, v14;
	v26 =	vmul.f32 v29, v7;
	[tilespmem:v8+s14+$0x0] =	vst.idx.add.f32.msk $0xffff, v22;
	v8 =	vor.u32 $0x80, v17  }
0x15c: {  	[tilespmem:v28+s14+$0x0] =	vst.idx.add.f32.msk $0xffff, v18;
	v18 =	vor.u32 $0x100, v17  }
0x15d: {  	v6 =	vand.u32 $0x7F, v6;
	v22 =	vmul.f32 v32, v7;
	[tilespmem:v11+s14+$0x0] =	vst.idx.add.f32.msk $0xffff, v14;
	v11 =	vor.u32 $0x180, v17  }
0x15e: {  	v6 =	vor.u32 v6, v41;
	v14 =	vmul.f32 v47, v7;
	[tilespmem:v16+s14+$0x0] =	vst.idx.add.f32.msk $0xffff, v21  }
0x15f: {  	v16 =	vor.u32 $0x80, v6;
	[tilespmem:v17+s14+$0x0] =	vst.idx.add.f32.msk $0xffff, v27  }
0x160: {  	[tilespmem:v8+s14+$0x0] =	vst.idx.add.f32.msk $0xffff, v20;
	v8 =	vor.u32 $0x100, v6  }
0x161: {  	v3 =	vand.u32 $0x7F, v3;
	v17 =	vor.u32 $0x180, v6;
	[tilespmem:v18+s14+$0x0] =	vst.idx.add.f32.msk $0xffff, v45  }
0x162: {  	v3 =	vor.u32 v3, v25;
	v7 =	vmul.f32 v46, v7;
	[tilespmem:v11+s14+$0x0] =	vst.idx.add.f32.msk $0xffff, v54  }
0x163: {  	[tilespmem:v6+s14+$0x0] =	vst.idx.add.f32.msk $0xffff, v26;
	v6 =	vor.u32 $0x80, v3  }
0x164: {  	[tilespmem:v16+s14+$0x0] =	vst.idx.add.f32.msk $0xffff, v7;
	v7 =	vor.u32 $0x100, v3  }
0x165: {  	v2 =	vand.u32 $0x7F, v2;
	[tilespmem:v8+s14+$0x0] =	vst.idx.add.f32.msk $0xffff, v22;
	v8 =	vor.u32 $0x180, v3  }
0x166: {  	v11 =	vor.u32 v2, v44;
	[tilespmem:v17+s14+$0x0] =	vst.idx.add.f32.msk $0xffff, v14  }
0x167: {  	v14 =	vor.u32 $0x80, v11;
	[tilespmem:v3+s14+$0x0] =	vst.idx.add.f32.msk $0xffff, v19  }
.Ltmp2:
0x168: {  	v2 =	vor.u32 $0x100, v11;
	[tilespmem:v6+s14+$0x0] =	vst.idx.add.f32.msk $0xffff, v12;
	(pc) =	sbr.rel @p0 .LBB2_7-.Ltmp2, $4  }
0x169: {  	v1 =	vand.u32 $0x7F, v1;
	v3 =	vor.u32 $0x180, v11;
	[tilespmem:v7+s14+$0x0] =	vst.idx.add.f32.msk $0xffff, v51  }
0x16a: {  	v6 =	vor.u32 v1, v23;
	[tilespmem:v8+s14+$0x0] =	vst.idx.add.f32.msk $0xffff, v31  }
0x16b: {  	v7 =	vor.u32 $0x80, v6;
	v1 =	vor.u32 $0x180, v6;
	[tilespmem:v11+s14+$0x0] =	vst.idx.add.f32.msk $0xffff, v24  }
0x16c: {  	v8 =	vor.u32 $0x100, v6;
	[tilespmem:v14+s14+$0x0] =	vst.idx.add.f32.msk $0xffff, v35  }
0x16d: {  	_ =	sdelay $0x2  }
0x16e: {  	s18 =	sadd.s32 $0x1, s18  }
0x16f: {  	[tilespmem:v2+s14+$0x0] =	vst.idx.add.f32.msk $0xffff, v10;
	p0 =	sne.s32 s18, $0x2A  }
.Ltmp3:
0x170: {  	[tilespmem:v3+s14+$0x0] =	vst.idx.add.f32.msk $0xffff, v15;
	(pc) =	sbr.rel @p0 .LBB2_4-.Ltmp3, $4  }
0x171: {  	[tilespmem:v6+s14+$0x0] =	vst.idx.add.f32.msk $0xffff, v4  }
0x172: {  	[tilespmem:v7+s14+$0x0] =	vst.idx.add.f32.msk $0xffff, v9  }
0x173: {  	[tilespmem:v8+s14+$0x0] =	vst.idx.add.f32.msk $0xffff, v13  }
0x174: {  	[tilespmem:v1+s14+$0x0] =	vst.idx.add.f32.msk $0xffff, v5  }
0x175: {  	s16 =	sadd.s32 $0x1, s16  }
0x176: {  	p0 =	sne.s32 s16, s7  }
.Ltmp4:
0x177: {  	_ = 	snop;
	(pc) =	sbr.rel @p0 .LBB2_1-.Ltmp4, $4  }
0x178: {  	[hbm4b:s6+s2] =	stream.linear.scatter [tilespmem:s14], [sflag:$0x3], $0xA000, $0x38;
	[tilespmem:$0x18000] =	vst v63  }
0x179: {  	_ =	swait.ge [sflag:s8], $0xA000  }
0x17a: {  	[sflag:s8] =	ssyncset.done $0x0  }
0x17b: {  	[sflag:s8] =	ssyncadd.s32 $0xFFFF6000  }
0x17c: {  	_ =	sfence.sel $0x180000  }
0x17d: {  	[bflag:$0x0] =	sbarrier.arrive $0xFFFF  }
0x17e: {  	p0 =	sne.s32 s0, $0x0;
	_ =	strace $0x9000004A  }
0x17f: {  	s0 =	sadd.s32 @!p0 $0x100000, s1;
	[bflag:$0x2] =	sbarrier.arrive $0xFFFF  }
0x180: {  	[sflag:s0] =	ssyncadd.tile.s32 @!p0 $0x1;
	_ =	shalt  }
.Lfunc_end2:
_tile_overlayer_lowered:
.L_overlay_start_2:
0x181: {  	(tag) =	ssettag $0x2  }
0x182: {  	s0 =	rddreg [dreg:$0x0];
	s2 =	stileid.u32  }
0x183: {  	s1 =	rddreg [dreg:$0x1];
	p0 =	sne.s32 s2, $0x0  }
0x184: {  	s3 =	rddreg [dreg:$0x2];
	[bflag:$0x3] =	sbarrier.arrive $0xFFFF;
	s2 =	simm.s32 @!p0 $0x1C03  }
0x185: {  	[timem:s3], [sflag:s2] =	dma.local @!p0 [hbm:s0], s1  }
0x186: {  	s0 =	simm.s32 @!p0 $0x3  }
0x187: {  	_ =	swait.ge @!p0 [sflag:s0], s1  }
0x188: {  	s1 =	ssub.s32 @!p0 $0x0, s1;
	[sflag:s0] =	ssyncset.done @!p0 $0x0  }
0x189: {  	[sflag:s0] =	ssyncadd.s32 @!p0 s1  }
0x18a: {  	[bflag:$0x3] =	sbarrier.arrive $0xFFFF  }
0x18b: {  	_ =	shalt  }

// kernel: kernel.14.cloned.1.call-start
scs
__scs_entry_jumppad:
0x0: {  	(pc) =	sbr.rel $0x88, $3  }
0x1: {  	(tag) =	ssettag $0x0;
	lr =	simm.s32 $0x1  }
0x2: {  	[smem:$0x3F8F] =	sst lr;
	_ =	strace $0xD0000000  }
0x3: {  	_ = 	snop  }
0x4: {  	_ = 	snop  }
0x5: {  	_ = 	snop  }
0x6: {  	_ = 	snop  }
0x7: {  	_ = 	snop  }
__scs_overlays_trampoline_lowered:
0x8: {  	[smem:$0x3F9E] =	sst s0  }
0x9: {  	[smem:$0x3F9F] =	sst s1  }
0xa: {  	[smem:$0x3FA0] =	sst s2  }
0xb: {  	[smem:$0x3FA1] =	sst s3  }
0xc: {  	[smem:$0x3FA2] =	sst s4  }
0xd: {  	[smem:$0x3FA3] =	sst s5  }
0xe: {  	[smem:$0x3FA4] =	sst s6  }
0xf: {  	[smem:$0x3FA5] =	sst s7  }
0x10: {  	[smem:$0x3FA6] =	sst s8  }
0x11: {  	[smem:$0x3FA7] =	sst s9;
	s0 =	simm.s32 @!p0 $0x0  }
0x12: {  	s1 =	sld [smem:$0x3F8D];
	s0 =	simm.s32 @p0 $0x1  }
0x13: {  	[smem:$0x3FA8] =	sst s0;
	s0 =	simm.s32 @!p1 $0x0  }
0x14: {  	s2 =	sld [smem:$0x3F8C];
	s0 =	simm.s32 @p1 $0x1  }
0x15: {  	[smem:$0x3FA9] =	sst s0;
	s0 =	simm.s32 @!p2 $0x0  }
0x16: {  	s3 =	sld [smem:$0x3FDB];
	s0 =	simm.s32 @p2 $0x1  }
0x17: {  	s4 =	simm.s32 $0x1BF5;
	[smem:$0x3FAB] =	sst s0  }
0x18: {  	s0 =	sld [smem:$0x3F8E];
	_ =	swait.ge [sflag:s4], $0x0  }
0x19: {  	s7 =	sld [smem:$0x3F8F]  }
0x1a: {  	s8 =	sadd.s32 $0xFFFFE003, lr  }
0x1b: {  	s9 =	sadd.s32 $0xFFFFFEF7, lr;
	s5 =	simm.s32 $0xFFFFFFFF;
	p2 =	slt.u32 s8, $0xFFFFF086  }
0x1c: {  	p1 =	slt.u32 s9, $0xF7A;
	s5 =	simm.s32 @!p2 $0x0  }
0x1d: {  	s5 =	simm.s32 @p1 $0x1;
	p0 =	seq.s32 s7, s2  }
0x1e: {  	s7 =	smul.u32 @!p0 $0xF7A, s2;
	p2 =	seq.s32 @!p0 s5, $0x0  }
0x1f: {  	s9 =	smul.u32 $0xF7A, s1;
	s8 =	simm.s32 @!p0 $0x1BF5;
	p2 =	por !p2, p0  }
0x20: {  	[sflag:s8] =	ssyncset.s32 @!p0 $0xFFFFF086;
	s6 =	sadd.s32 @!p0 s3, s7;
	s7 =	simm.s32 @!p0 $0x108  }
0x21: {  	s3 =	sadd.s32 s3, s9;
	s6 =	sadd.s32 @!p0 $0x88, s6;
	s7 =	simm.s32 @p2 $0x1082  }
0x22: {  	[simem:s7], [sflag:s8] =	dma.local @!p0 [hbm:s6], $0xF7A  }
0x23: {  	s9 =	sor.u32 $0xD0000000, s2;
	s6 =	simm.s32 $0x108;
	_ =	swait.ge @!p0 [sflag:s8], $0x0  }
0x24: {  	s3 =	sadd.s32 $0x88, s3;
	s6 =	simm.s32 @!p1 $0x1082;
	[sflag:s4] =	ssyncset.s32 $0xFFFFF086  }
0x25: {  	[simem:s6], [sflag:s4] =	dma.local [hbm:s3], $0xF7A  }
0x26: {  	[smem:$0x3F8F] =	sst s1;
	(tag) =	ssettag s2;
	_ =	strace s9  }
0x27: {  	s1 =	sld [smem:$0x3F9F]  }
0x28: {  	s2 =	sld [smem:$0x3FA0]  }
0x29: {  	s4 =	sld [smem:$0x3FA2]  }
0x2a: {  	p0 =	seq.s32 s5, $0x0;
	s5 =	sld [smem:$0x3FA3]  }
0x2b: {  	s6 =	sld [smem:$0x3FA4]  }
0x2c: {  	s7 =	sld [smem:$0x3FA5]  }
0x2d: {  	s3 =	simm.s32 $0x108;
	s8 =	sld [smem:$0x3FA6]  }
0x2e: {  	s3 =	simm.s32 @!p0 $0x1082;
	s9 =	sld [smem:$0x3FA7]  }
0x2f: {  	lr =	sadd.s32 s0, s3;
	s0 =	sld [smem:$0x3F9E]  }
0x30: {  	s3 =	sld [smem:$0x3FA1]  }
0x31: {  	[smem:$0x3FAA] =	sst s10  }
0x32: {  	s10 =	sld [smem:$0x3FA8];
	_ =	sdelay $0x3  }
0x33: {  	p0 =	seq.s32 s10, $0x1;
	s10 =	sld [smem:$0x3FAA];
	_ =	sdelay $0x3  }
0x34: {  	[smem:$0x3FAA] =	sst s10  }
0x35: {  	s10 =	sld [smem:$0x3FA9];
	_ =	sdelay $0x3  }
0x36: {  	p1 =	seq.s32 s10, $0x1;
	s10 =	sld [smem:$0x3FAA];
	_ =	sdelay $0x3  }
0x37: {  	[smem:$0x3FAA] =	sst s10  }
0x38: {  	s10 =	sld [smem:$0x3FAB]  }
0x39: {  	_ = 	snop;
	(pc) =	sbr.ind lr, $3  }
0x3a: {  	_ = 	snop  }
0x3b: {  	_ = 	snop  }
0x3c: {  	p2 =	seq.s32 s10, $0x1;
	s10 =	sld [smem:$0x3FAA]  }
0x3d: {  	_ =	shalt  }
0x3e: {  	_ =	shalt  }
0x3f: {  	_ =	shalt  }
0x40: {  	_ =	shalt  }
0x41: {  	_ =	shalt  }
0x42: {  	_ =	shalt  }
0x43: {  	_ =	shalt  }
0x44: {  	_ =	shalt  }
0x45: {  	_ =	shalt  }
0x46: {  	_ =	shalt  }
0x47: {  	_ =	shalt  }
0x48: {  	_ =	shalt  }
0x49: {  	_ =	shalt  }
0x4a: {  	_ =	shalt  }
0x4b: {  	_ =	shalt  }
0x4c: {  	_ =	shalt  }
0x4d: {  	_ =	shalt  }
0x4e: {  	_ =	shalt  }
0x4f: {  	_ =	shalt  }
0x50: {  	_ =	shalt  }
0x51: {  	_ =	shalt  }
0x52: {  	_ =	shalt  }
0x53: {  	_ =	shalt  }
0x54: {  	_ =	shalt  }
0x55: {  	_ =	shalt  }
0x56: {  	_ =	shalt  }
0x57: {  	_ =	shalt  }
0x58: {  	_ =	shalt  }
0x59: {  	_ =	shalt  }
0x5a: {  	_ =	shalt  }
0x5b: {  	_ =	shalt  }
0x5c: {  	_ =	shalt  }
0x5d: {  	_ =	shalt  }
0x5e: {  	_ =	shalt  }
0x5f: {  	_ =	shalt  }
0x60: {  	_ =	shalt  }
0x61: {  	_ =	shalt  }
0x62: {  	_ =	shalt  }
0x63: {  	_ =	shalt  }
0x64: {  	_ =	shalt  }
0x65: {  	_ =	shalt  }
0x66: {  	_ =	shalt  }
0x67: {  	_ =	shalt  }
0x68: {  	_ =	shalt  }
0x69: {  	_ =	shalt  }
0x6a: {  	_ =	shalt  }
0x6b: {  	_ =	shalt  }
0x6c: {  	_ =	shalt  }
0x6d: {  	_ =	shalt  }
0x6e: {  	_ =	shalt  }
0x6f: {  	_ =	shalt  }
0x70: {  	_ =	shalt  }
0x71: {  	_ =	shalt  }
0x72: {  	_ =	shalt  }
0x73: {  	_ =	shalt  }
0x74: {  	_ =	shalt  }
0x75: {  	_ =	shalt  }
0x76: {  	_ =	shalt  }
0x77: {  	_ =	shalt  }
0x78: {  	_ =	shalt  }
0x79: {  	_ =	shalt  }
0x7a: {  	_ =	shalt  }
0x7b: {  	_ =	shalt  }
0x7c: {  	_ =	shalt  }
0x7d: {  	_ =	shalt  }
0x7e: {  	_ =	shalt  }
0x7f: {  	_ =	shalt  }
0x80: {  	_ =	shalt  }
0x81: {  	_ =	shalt  }
0x82: {  	_ =	shalt  }
0x83: {  	_ =	shalt  }
0x84: {  	_ =	shalt  }
0x85: {  	_ =	shalt  }
0x86: {  	_ =	shalt  }
0x87: {  	_ =	shalt  }
.Lfunc_end0:
.L_simem_size_0:
called_computation.2_lowered:
.L_overlay_start_0:
0x88: {  	s2 =	sld [smem:$0x3FD9]  }
0x89: {  	s3 =	sld [smem:$0x3FFE];
	_ =	sdelay $0x1  }
0x8a: {  	s1 =	srdreg.scid  }
0x8b: {  	s0 =	sand.u32 $0x1, s1  }
0x8c: {  	s16 =	sshll.u32 s0, $0xA;
	s2 =	sadd.s32 s3, s2  }
0x8d: {  	s2 =	sadd.s32 s2, s16  }
0x8e: {  	[smem:$0x3FB6] =	sst s2  }
0x8f: {  	_ = 	snop  }
0x90: {  	(tm) =	ssettm $0x1  }
0x91: {  	s17 =	sld [smem:$0x3FFB];
	_ =	sdelay $0x3  }
0x92: {  	_ =	strace s17  }
0x93: {  	s2 =	sld [smem:$0x3FFC];
	_ =	sdelay $0x3  }
0x94: {  	_ =	strace s2  }
0x95: {  	s2 =	sld [smem:$0x3FFD];
	_ =	sdelay $0x3  }
0x96: {  	_ =	strace s2  }
0x97: {  	_ =	strace $0x8FFFFFFF  }
0x98: {  	s18 =	sld [smem:$0x3FDB];
	_ =	sdelay $0x1  }
0x99: {  	s19 =	simm.s32 $_scs_section_size  }
0x9a: {  	s4 =	simm.s32 $_size__tile_overlayer_lowered;
	s5 =	simm.s32 $_tile_overlayer_lowered  }
0x9b: {  	s22 =	simm.s32 $0x1BFF;
	s21 =	sshll.u32 s5, $0x1;
	s2 =	sadd.s32 s19, s18  }
0x9c: {  	s6 =	simm.s32 $0x0;
	s20 =	sshll.u32 s4, $0x1;
	s4 =	sadd.s32 s21, s2  }
0x9d: {  	[timem:s6], [sflag:s22] =	dma.local [hbm:s4], s20  }
0x9e: {  	_ =	swait.ge [sflag:s22], s20  }
0x9f: {  	s3 =	ssub.s32 $0x0, s20;
	[sflag:s22] =	ssyncset.done $0x0  }
0xa0: {  	[sflag:s22] =	ssyncadd.s32 s3;
	_ =	sdelay $0x1  }
0xa1: {  	s23 =	simm.s32 $0x1B8B  }
0xa2: {  	_ =	swait.ge [sflag:s23], $0x1  }
0xa3: {  	[sflag:s23] =	ssyncset.done $0x0  }
0xa4: {  	s25 =	simm.s32 $0x1B8E;
	s24 =	sld [smem:$0x3FFE];
	[sflag:s23] =	ssyncadd.s32 $0xFFFFFFFF  }
0xa5: {  	s26 =	simm.s32 $execute0_lowered;
	[smem:$0x3FD2] =	sst s25  }
0xa6: {  	s4 =	sshll.u32 s26, $0x1;
	_ =	strace $0x8000004C;
	[dreg:$0x1] =	wrdreg $0xFFFFFFFF  }
0xa7: {  	s28 =	simm.s32 $_size_execute0_lowered;
	s2 =	sadd.s32 s2, s4;
	[dreg:$0x0] =	wrdreg $0x0  }
0xa8: {  	s4 =	sshll.u32 s28, $0x1;
	[dreg:$0x2] =	wrdreg s2  }
0xa9: {  	[dreg:$0x3] =	wrdreg s4  }
0xaa: {  	[dreg:$0x4] =	wrdreg $0xC0  }
0xab: {  	_ =	task [dreg:s6], $0x5FFFF  }
0xac: {  	[dreg:$0x1] =	wrdreg $0xFFFFFFFF  }
0xad: {  	[dreg:$0x0] =	wrdreg $0x60  }
0xae: {  	[dreg:$0x2] =	wrdreg s24  }
0xaf: {  	[dreg:$0x3] =	wrdreg $0x9  }
0xb0: {  	_ =	task.clear_ibuf [dreg:s6], $0x4FFFF;
	_ =	strace $0x9000004C  }
0xb1: {  	s29 =	simm.s32 $0x9;
	_ =	strace $0x8000004E  }
0xb2: {  	_ =	swait.ge [sflag:s29], $0x1  }
0xb3: {  	[sflag:s29] =	ssyncadd.s32 $0xFFFFFFFF  }
0xb4: {  	_ =	strace $0x9000004E  }
0xb5: {  	_ =	sfence  }
0xb6: {  	s30 =	sld [smem:$0x0];
	_ =	sdelay $0x2  }
0xb7: {  	s31 =	sshll.u32 s1, $0xD;
	s1 =	sshrl.u32 s1, $0x2  }
0xb8: {  	s3 =	sand.u32 $0x4000, s31;
	s1 =	sadd.s32 s1, s30  }
0xb9: {  	s0 =	sor.u32 s3, s0;
	s1 =	sshll.u32 s1, $0x11  }
0xba: {  	s0 =	sor.u32 s1, s0  }
0xbb: {  	s0 =	sadd.s32 $0x8F2B, s0  }
0xbc: {  	[sflag:s0] =	ssyncadd.remote.s32 $0x1  }
0xbd: {  	_ =	sfence.sel $0xFFFF  }
0xbe: {  	[dreg:$0x0] =	wrdreg $0xFFFFFFFF;
	(pc) =	sbr.abs _section_cstart, $3  }
0xbf: {  	[dreg:$0x1] =	wrdreg $0xFFFFFFFF  }
0xc0: {  	_ =	task.clear_ibuf [dreg:s6], $0x2FFFF;
	_ =	strace $0x9FFFFFFF  }
0xc1: {  	(tm) =	ssettm $0x7FFFFFFF  }
tec
execute0_lowered:
.L_overlay_start_1:
0x0: {  	(tag) =	ssettag $0x1  }
0x1: {  	s1 =	srdreg.scid  }
0x2: {  	s0 =	stileid.u32;
	s20 =	sand.u32 $0x1, s1  }
0x3: {  	s31 =	sshll.u32 s0, $0xB;
	s2 =	sshll.u32 s20, $0xA  }
0x4: {  	s8 =	rddreg [dreg:$0x0];
	s9 =	sor.u32 s2, s31  }
0x5: {  	s1 =	rddreg [dreg:$0x1];
	s2 =	simm.s32 $0x0;
	s3 =	sshrl.u32 s9, $0x3  }
0x6: {  	[smem:$0x7FF] =	sst s2;
	s3 =	sadd.s32 s3, s8  }
0x7: {  	_ =	strace $0x8000004D;
	s4 =	sadd.s32 $0x2400, s3;
	s3 =	simm.s32 $0x1  }
0x8: {  	[tilespmem:s2], [sflag:$0x1] =	stream.linear.gather [hbm4b:s4+s2], $0x400, $0x38;
	[tilespmem:$0x4400] =	vst v63  }
0x9: {  	_ =	swait.ge [sflag:s3], $0x400  }
0xa: {  	s6 =	simm.s32 $0x80;
	[sflag:s3] =	ssyncset.done $0x0  }
0xb: {  	s7 =	simm.s32 $0x400;
	s5 =	sadd.s32 $0x3400, s8;
	[sflag:s3] =	ssyncadd.s32 $0xFFFFFC00  }
0xc: {  	[tilespmem:s7], [sflag:$0x1] =	stream.indirect.gather [hbm4b:s5+s6], $0x80, s2, s6, $0xb8;
	[tilespmem:$0x4400] =	vst v63  }
0xd: {  	s9 =	sshll.u32 s9, $0x4;
	_ =	swait.ge [sflag:s3], $0x4000  }
0xe: {  	s21 =	sadd.s32 s9, s8;
	[sflag:s3] =	ssyncset.done $0x0  }
0xf: {  	s8 =	sadd.s32 $0x2A600, s21;
	[sflag:s3] =	ssyncadd.s32 $0xFFFFC000  }
0x10: {  	[hbm4b:s8+s2] =	stream.linear.scatter [tilespmem:s7], [sflag:$0x1], $0x4000, $0x38;
	[tilespmem:$0x4400] =	vst v63  }
0x11: {  	_ =	swait.ge [sflag:s3], $0x4000  }
0x12: {  	[sflag:s3] =	ssyncset.done $0x0  }
0x13: {  	[sflag:s3] =	ssyncadd.s32 $0xFFFFC000  }
0x14: {  	[tilespmem:s7], [sflag:$0x1] =	stream.indirect.gather [hbm4b:s5+s6], $0x80, s6, s6, $0xb8;
	[tilespmem:$0x4400] =	vst v63  }
0x15: {  	_ =	swait.ge [sflag:s3], $0x4000  }
0x16: {  	[sflag:s3] =	ssyncset.done $0x0  }
0x17: {  	s9 =	sadd.s32 $0x2AE00, s21;
	[sflag:s3] =	ssyncadd.s32 $0xFFFFC000  }
0x18: {  	[hbm4b:s9+s2] =	stream.linear.scatter [tilespmem:s7], [sflag:$0x1], $0x4000, $0x38;
	[tilespmem:$0x4400] =	vst v63  }
0x19: {  	_ =	swait.ge [sflag:s3], $0x4000  }
0x1a: {  	[sflag:s3] =	ssyncset.done $0x0  }
0x1b: {  	s10 =	simm.s32 $0x100;
	[sflag:s3] =	ssyncadd.s32 $0xFFFFC000  }
0x1c: {  	[tilespmem:s7], [sflag:$0x1] =	stream.indirect.gather [hbm4b:s5+s6], $0x80, s10, s6, $0xb8;
	[tilespmem:$0x4400] =	vst v63  }
0x1d: {  	_ =	swait.ge [sflag:s3], $0x4000  }
0x1e: {  	[sflag:s3] =	ssyncset.done $0x0  }
0x1f: {  	s11 =	sadd.s32 $0x2B600, s21;
	[sflag:s3] =	ssyncadd.s32 $0xFFFFC000  }
0x20: {  	[hbm4b:s11+s2] =	stream.linear.scatter [tilespmem:s7], [sflag:$0x1], $0x4000, $0x38;
	[tilespmem:$0x4400] =	vst v63  }
0x21: {  	_ =	swait.ge [sflag:s3], $0x4000  }
0x22: {  	[sflag:s3] =	ssyncset.done $0x0  }
0x23: {  	s12 =	simm.s32 $0x180;
	[sflag:s3] =	ssyncadd.s32 $0xFFFFC000  }
0x24: {  	[tilespmem:s7], [sflag:$0x1] =	stream.indirect.gather [hbm4b:s5+s6], $0x80, s12, s6, $0xb8;
	[tilespmem:$0x4400] =	vst v63  }
0x25: {  	_ =	swait.ge [sflag:s3], $0x4000  }
0x26: {  	[sflag:s3] =	ssyncset.done $0x0  }
0x27: {  	s13 =	sadd.s32 $0x2BE00, s21;
	[sflag:s3] =	ssyncadd.s32 $0xFFFFC000  }
0x28: {  	[hbm4b:s13+s2] =	stream.linear.scatter [tilespmem:s7], [sflag:$0x1], $0x4000, $0x38;
	[tilespmem:$0x4400] =	vst v63  }
0x29: {  	_ =	swait.ge [sflag:s3], $0x4000  }
0x2a: {  	[sflag:s3] =	ssyncset.done $0x0  }
0x2b: {  	s14 =	simm.s32 $0x200;
	[sflag:s3] =	ssyncadd.s32 $0xFFFFC000  }
0x2c: {  	[tilespmem:s7], [sflag:$0x1] =	stream.indirect.gather [hbm4b:s5+s6], $0x80, s14, s6, $0xb8;
	[tilespmem:$0x4400] =	vst v63  }
0x2d: {  	_ =	swait.ge [sflag:s3], $0x4000  }
0x2e: {  	[sflag:s3] =	ssyncset.done $0x0  }
0x2f: {  	s15 =	sadd.s32 $0x2C600, s21;
	[sflag:s3] =	ssyncadd.s32 $0xFFFFC000  }
0x30: {  	[hbm4b:s15+s2] =	stream.linear.scatter [tilespmem:s7], [sflag:$0x1], $0x4000, $0x38;
	[tilespmem:$0x4400] =	vst v63  }
0x31: {  	_ =	swait.ge [sflag:s3], $0x4000  }
0x32: {  	[sflag:s3] =	ssyncset.done $0x0  }
0x33: {  	s16 =	simm.s32 $0x280;
	[sflag:s3] =	ssyncadd.s32 $0xFFFFC000  }
0x34: {  	[tilespmem:s7], [sflag:$0x1] =	stream.indirect.gather [hbm4b:s5+s6], $0x80, s16, s6, $0xb8;
	[tilespmem:$0x4400] =	vst v63  }
0x35: {  	_ =	swait.ge [sflag:s3], $0x4000  }
0x36: {  	[sflag:s3] =	ssyncset.done $0x0  }
0x37: {  	s17 =	sadd.s32 $0x2CE00, s21;
	[sflag:s3] =	ssyncadd.s32 $0xFFFFC000  }
0x38: {  	[hbm4b:s17+s2] =	stream.linear.scatter [tilespmem:s7], [sflag:$0x1], $0x4000, $0x38;
	[tilespmem:$0x4400] =	vst v63  }
0x39: {  	_ =	swait.ge [sflag:s3], $0x4000  }
0x3a: {  	[sflag:s3] =	ssyncset.done $0x0  }
0x3b: {  	s18 =	simm.s32 $0x300;
	[sflag:s3] =	ssyncadd.s32 $0xFFFFC000  }
0x3c: {  	[tilespmem:s7], [sflag:$0x1] =	stream.indirect.gather [hbm4b:s5+s6], $0x80, s18, s6, $0xb8;
	[tilespmem:$0x4400] =	vst v63  }
0x3d: {  	_ =	swait.ge [sflag:s3], $0x4000  }
0x3e: {  	[sflag:s3] =	ssyncset.done $0x0  }
0x3f: {  	s22 =	ssub.s32 $0x2, s20;
	s19 =	sadd.s32 $0x2D600, s21;
	[sflag:s3] =	ssyncadd.s32 $0xFFFFC000  }
0x40: {  	[hbm4b:s19+s2] =	stream.linear.scatter [tilespmem:s7], [sflag:$0x1], $0x4000, $0x38;
	[tilespmem:$0x4400] =	vst v63  }
0x41: {  	s23 =	sshrl.u32 s22, $0x1;
	_ =	swait.ge [sflag:s3], $0x4000  }
0x42: {  	s22 =	ssub.s32 s22, s23;
	[sflag:s3] =	ssyncset.done $0x0  }
0x43: {  	s20 =	simm.s32 $0x380;
	s22 =	smax.u32 s22, $0x1;
	[sflag:s3] =	ssyncadd.s32 $0xFFFFC000  }
0x44: {  	[tilespmem:s7], [sflag:$0x1] =	stream.indirect.gather [hbm4b:s5+s6], $0x80, s20, s6, $0xb8;
	[tilespmem:$0x4400] =	vst v63  }
0x45: {  	p0 =	sne.s32 s22, $0x1;
	_ =	swait.ge [sflag:s3], $0x4000  }
.Ltmp0:
0x46: {  	[sflag:s3] =	ssyncset.done $0x0;
	(pc) =	sbr.rel @!p0 .LBB2_2-.Ltmp0, $4  }
0x47: {  	s21 =	sadd.s32 $0x2DE00, s21;
	[sflag:s3] =	ssyncadd.s32 $0xFFFFC000  }
0x48: {  	[hbm4b:s21+s2] =	stream.linear.scatter [tilespmem:s7], [sflag:$0x1], $0x4000, $0x38;
	[tilespmem:$0x4400] =	vst v63  }
0x49: {  	_ =	swait.ge [sflag:s3], $0x4000  }
0x4a: {  	s22 =	sadd.s32 $0xFFFFFFFF, s22;
	[sflag:s3] =	ssyncset.done $0x0  }
.LBB2_1:
0x4b: {  	p0 =	sne.s32 s22, $0x1;
	s22 =	sadd.s32 $0xFFFFFFFF, s22;
	[sflag:s3] =	ssyncadd.s32 $0xFFFFC000  }
0x4c: {  	[tilespmem:s2], [sflag:$0x1] =	stream.linear.gather [hbm4b:s4+s2], $0x400, $0x38;
	[tilespmem:$0x4400] =	vst v63  }
0x4d: {  	_ =	swait.ge [sflag:s3], $0x400  }
0x4e: {  	[sflag:s3] =	ssyncset.done $0x0  }
0x4f: {  	[sflag:s3] =	ssyncadd.s32 $0xFFFFFC00  }
0x50: {  	[tilespmem:s7], [sflag:$0x1] =	stream.indirect.gather [hbm4b:s5+s6], $0x80, s2, s6, $0xb8;
	[tilespmem:$0x4400] =	vst v63  }
0x51: {  	_ =	swait.ge [sflag:s3], $0x4000  }
0x52: {  	[sflag:s3] =	ssyncset.done $0x0  }
0x53: {  	[sflag:s3] =	ssyncadd.s32 $0xFFFFC000  }
0x54: {  	[hbm4b:s8+s2] =	stream.linear.scatter [tilespmem:s7], [sflag:$0x1], $0x4000, $0x38;
	[tilespmem:$0x4400] =	vst v63  }
0x55: {  	_ =	swait.ge [sflag:s3], $0x4000  }
0x56: {  	[sflag:s3] =	ssyncset.done $0x0  }
0x57: {  	[sflag:s3] =	ssyncadd.s32 $0xFFFFC000  }
0x58: {  	[tilespmem:s7], [sflag:$0x1] =	stream.indirect.gather [hbm4b:s5+s6], $0x80, s6, s6, $0xb8;
	[tilespmem:$0x4400] =	vst v63  }
0x59: {  	_ =	swait.ge [sflag:s3], $0x4000  }
0x5a: {  	[sflag:s3] =	ssyncset.done $0x0  }
0x5b: {  	[sflag:s3] =	ssyncadd.s32 $0xFFFFC000  }
0x5c: {  	[hbm4b:s9+s2] =	stream.linear.scatter [tilespmem:s7], [sflag:$0x1], $0x4000, $0x38;
	[tilespmem:$0x4400] =	vst v63  }
0x5d: {  	_ =	swait.ge [sflag:s3], $0x4000  }
0x5e: {  	[sflag:s3] =	ssyncset.done $0x0  }
0x5f: {  	[sflag:s3] =	ssyncadd.s32 $0xFFFFC000  }
0x60: {  	[tilespmem:s7], [sflag:$0x1] =	stream.indirect.gather [hbm4b:s5+s6], $0x80, s10, s6, $0xb8;
	[tilespmem:$0x4400] =	vst v63  }
0x61: {  	_ =	swait.ge [sflag:s3], $0x4000  }
0x62: {  	[sflag:s3] =	ssyncset.done $0x0  }
0x63: {  	[sflag:s3] =	ssyncadd.s32 $0xFFFFC000  }
0x64: {  	[hbm4b:s11+s2] =	stream.linear.scatter [tilespmem:s7], [sflag:$0x1], $0x4000, $0x38;
	[tilespmem:$0x4400] =	vst v63  }
0x65: {  	_ =	swait.ge [sflag:s3], $0x4000  }
0x66: {  	[sflag:s3] =	ssyncset.done $0x0  }
0x67: {  	[sflag:s3] =	ssyncadd.s32 $0xFFFFC000  }
0x68: {  	[tilespmem:s7], [sflag:$0x1] =	stream.indirect.gather [hbm4b:s5+s6], $0x80, s12, s6, $0xb8;
	[tilespmem:$0x4400] =	vst v63  }
0x69: {  	_ =	swait.ge [sflag:s3], $0x4000  }
0x6a: {  	[sflag:s3] =	ssyncset.done $0x0  }
0x6b: {  	[sflag:s3] =	ssyncadd.s32 $0xFFFFC000  }
0x6c: {  	[hbm4b:s13+s2] =	stream.linear.scatter [tilespmem:s7], [sflag:$0x1], $0x4000, $0x38;
	[tilespmem:$0x4400] =	vst v63  }
0x6d: {  	_ =	swait.ge [sflag:s3], $0x4000  }
0x6e: {  	[sflag:s3] =	ssyncset.done $0x0  }
0x6f: {  	[sflag:s3] =	ssyncadd.s32 $0xFFFFC000  }
0x70: {  	[tilespmem:s7], [sflag:$0x1] =	stream.indirect.gather [hbm4b:s5+s6], $0x80, s14, s6, $0xb8;
	[tilespmem:$0x4400] =	vst v63  }
0x71: {  	_ =	swait.ge [sflag:s3], $0x4000  }
0x72: {  	[sflag:s3] =	ssyncset.done $0x0  }
0x73: {  	[sflag:s3] =	ssyncadd.s32 $0xFFFFC000  }
0x74: {  	[hbm4b:s15+s2] =	stream.linear.scatter [tilespmem:s7], [sflag:$0x1], $0x4000, $0x38;
	[tilespmem:$0x4400] =	vst v63  }
0x75: {  	_ =	swait.ge [sflag:s3], $0x4000  }
0x76: {  	[sflag:s3] =	ssyncset.done $0x0  }
0x77: {  	[sflag:s3] =	ssyncadd.s32 $0xFFFFC000  }
0x78: {  	[tilespmem:s7], [sflag:$0x1] =	stream.indirect.gather [hbm4b:s5+s6], $0x80, s16, s6, $0xb8;
	[tilespmem:$0x4400] =	vst v63  }
0x79: {  	_ =	swait.ge [sflag:s3], $0x4000  }
0x7a: {  	[sflag:s3] =	ssyncset.done $0x0  }
0x7b: {  	[sflag:s3] =	ssyncadd.s32 $0xFFFFC000  }
0x7c: {  	[hbm4b:s17+s2] =	stream.linear.scatter [tilespmem:s7], [sflag:$0x1], $0x4000, $0x38;
	[tilespmem:$0x4400] =	vst v63  }
0x7d: {  	_ =	swait.ge [sflag:s3], $0x4000  }
0x7e: {  	[sflag:s3] =	ssyncset.done $0x0  }
0x7f: {  	[sflag:s3] =	ssyncadd.s32 $0xFFFFC000  }
0x80: {  	[tilespmem:s7], [sflag:$0x1] =	stream.indirect.gather [hbm4b:s5+s6], $0x80, s18, s6, $0xb8;
	[tilespmem:$0x4400] =	vst v63  }
0x81: {  	_ =	swait.ge [sflag:s3], $0x4000  }
0x82: {  	[sflag:s3] =	ssyncset.done $0x0  }
0x83: {  	[sflag:s3] =	ssyncadd.s32 $0xFFFFC000  }
0x84: {  	[hbm4b:s19+s2] =	stream.linear.scatter [tilespmem:s7], [sflag:$0x1], $0x4000, $0x38;
	[tilespmem:$0x4400] =	vst v63  }
0x85: {  	_ =	swait.ge [sflag:s3], $0x4000  }
0x86: {  	[sflag:s3] =	ssyncset.done $0x0  }
0x87: {  	[sflag:s3] =	ssyncadd.s32 $0xFFFFC000  }
0x88: {  	[tilespmem:s7], [sflag:$0x1] =	stream.indirect.gather [hbm4b:s5+s6], $0x80, s20, s6, $0xb8;
	[tilespmem:$0x4400] =	vst v63  }
0x89: {  	_ =	swait.ge [sflag:s3], $0x4000  }
.Ltmp1:
0x8a: {  	[sflag:s3] =	ssyncset.done $0x0;
	(pc) =	sbr.rel @p0 .LBB2_1-.Ltmp1, $4  }
0x8b: {  	[sflag:s3] =	ssyncadd.s32 $0xFFFFC000  }
0x8c: {  	[hbm4b:s21+s2] =	stream.linear.scatter [tilespmem:s7], [sflag:$0x1], $0x4000, $0x38;
	[tilespmem:$0x4400] =	vst v63  }
0x8d: {  	_ =	swait.ge [sflag:s3], $0x4000  }
0x8e: {  	[sflag:s3] =	ssyncset.done $0x0  }
.LBB2_2:
0x8f: {  	[sflag:s3] =	ssyncadd.s32 $0xFFFFC000  }
0x90: {  	_ =	sfence.sel $0x180000  }
0x91: {  	[bflag:$0x0] =	sbarrier.arrive $0xFFFF  }
0x92: {  	p0 =	sne.s32 s0, $0x0;
	_ =	strace $0x9000004D  }
0x93: {  	s0 =	sadd.s32 @!p0 $0x100000, s1;
	[bflag:$0x2] =	sbarrier.arrive $0xFFFF  }
0x94: {  	[sflag:s0] =	ssyncadd.tile.s32 @!p0 $0x1;
	_ =	shalt  }
.Lfunc_end2:
_tile_overlayer_lowered:
.L_overlay_start_2:
0x95: {  	(tag) =	ssettag $0x2  }
0x96: {  	s0 =	rddreg [dreg:$0x0];
	s2 =	stileid.u32  }
0x97: {  	s1 =	rddreg [dreg:$0x1];
	p0 =	sne.s32 s2, $0x0  }
0x98: {  	s3 =	rddreg [dreg:$0x2];
	[bflag:$0x3] =	sbarrier.arrive $0xFFFF;
	s2 =	simm.s32 @!p0 $0x1C01  }
0x99: {  	[timem:s3], [sflag:s2] =	dma.local @!p0 [hbm:s0], s1  }
0x9a: {  	s0 =	simm.s32 @!p0 $0x1  }
0x9b: {  	_ =	swait.ge @!p0 [sflag:s0], s1  }
0x9c: {  	s1 =	ssub.s32 @!p0 $0x0, s1;
	[sflag:s0] =	ssyncset.done @!p0 $0x0  }
0x9d: {  	[sflag:s0] =	ssyncadd.s32 @!p0 s1  }
0x9e: {  	[bflag:$0x3] =	sbarrier.arrive $0xFFFF  }
0x9f: {  	_ =	shalt  }

// kernel: kernel.8.cloned.1.call-start
scs
__scs_entry_jumppad:
0x0: {  	(pc) =	sbr.rel $0x88, $3  }
0x1: {  	(tag) =	ssettag $0x0;
	lr =	simm.s32 $0x1  }
0x2: {  	[smem:$0x3F8F] =	sst lr;
	_ =	strace $0xD0000000  }
0x3: {  	_ = 	snop  }
0x4: {  	_ = 	snop  }
0x5: {  	_ = 	snop  }
0x6: {  	_ = 	snop  }
0x7: {  	_ = 	snop  }
__scs_overlays_trampoline_lowered:
0x8: {  	[smem:$0x3F9E] =	sst s0  }
0x9: {  	[smem:$0x3F9F] =	sst s1  }
0xa: {  	[smem:$0x3FA0] =	sst s2  }
0xb: {  	[smem:$0x3FA1] =	sst s3  }
0xc: {  	[smem:$0x3FA2] =	sst s4  }
0xd: {  	[smem:$0x3FA3] =	sst s5  }
0xe: {  	[smem:$0x3FA4] =	sst s6  }
0xf: {  	[smem:$0x3FA5] =	sst s7  }
0x10: {  	[smem:$0x3FA6] =	sst s8  }
0x11: {  	[smem:$0x3FA7] =	sst s9;
	s0 =	simm.s32 @!p0 $0x0  }
0x12: {  	s1 =	sld [smem:$0x3F8D];
	s0 =	simm.s32 @p0 $0x1  }
0x13: {  	[smem:$0x3FA8] =	sst s0;
	s0 =	simm.s32 @!p1 $0x0  }
0x14: {  	s2 =	sld [smem:$0x3F8C];
	s0 =	simm.s32 @p1 $0x1  }
0x15: {  	[smem:$0x3FA9] =	sst s0;
	s0 =	simm.s32 @!p2 $0x0  }
0x16: {  	s3 =	sld [smem:$0x3FDB];
	s0 =	simm.s32 @p2 $0x1  }
0x17: {  	s4 =	simm.s32 $0x1BF5;
	[smem:$0x3FAB] =	sst s0  }
0x18: {  	s0 =	sld [smem:$0x3F8E];
	_ =	swait.ge [sflag:s4], $0x0  }
0x19: {  	s7 =	sld [smem:$0x3F8F]  }
0x1a: {  	s8 =	sadd.s32 $0xFFFFE003, lr  }
0x1b: {  	s9 =	sadd.s32 $0xFFFFFEF7, lr;
	s5 =	simm.s32 $0xFFFFFFFF;
	p2 =	slt.u32 s8, $0xFFFFF086  }
0x1c: {  	p1 =	slt.u32 s9, $0xF7A;
	s5 =	simm.s32 @!p2 $0x0  }
0x1d: {  	s5 =	simm.s32 @p1 $0x1;
	p0 =	seq.s32 s7, s2  }
0x1e: {  	s7 =	smul.u32 @!p0 $0xF7A, s2;
	p2 =	seq.s32 @!p0 s5, $0x0  }
0x1f: {  	s9 =	smul.u32 $0xF7A, s1;
	s8 =	simm.s32 @!p0 $0x1BF5;
	p2 =	por !p2, p0  }
0x20: {  	[sflag:s8] =	ssyncset.s32 @!p0 $0xFFFFF086;
	s6 =	sadd.s32 @!p0 s3, s7;
	s7 =	simm.s32 @!p0 $0x108  }
0x21: {  	s3 =	sadd.s32 s3, s9;
	s6 =	sadd.s32 @!p0 $0x88, s6;
	s7 =	simm.s32 @p2 $0x1082  }
0x22: {  	[simem:s7], [sflag:s8] =	dma.local @!p0 [hbm:s6], $0xF7A  }
0x23: {  	s9 =	sor.u32 $0xD0000000, s2;
	s6 =	simm.s32 $0x108;
	_ =	swait.ge @!p0 [sflag:s8], $0x0  }
0x24: {  	s3 =	sadd.s32 $0x88, s3;
	s6 =	simm.s32 @!p1 $0x1082;
	[sflag:s4] =	ssyncset.s32 $0xFFFFF086  }
0x25: {  	[simem:s6], [sflag:s4] =	dma.local [hbm:s3], $0xF7A  }
0x26: {  	[smem:$0x3F8F] =	sst s1;
	(tag) =	ssettag s2;
	_ =	strace s9  }
0x27: {  	s1 =	sld [smem:$0x3F9F]  }
0x28: {  	s2 =	sld [smem:$0x3FA0]  }
0x29: {  	s4 =	sld [smem:$0x3FA2]  }
0x2a: {  	p0 =	seq.s32 s5, $0x0;
	s5 =	sld [smem:$0x3FA3]  }
0x2b: {  	s6 =	sld [smem:$0x3FA4]  }
0x2c: {  	s7 =	sld [smem:$0x3FA5]  }
0x2d: {  	s3 =	simm.s32 $0x108;
	s8 =	sld [smem:$0x3FA6]  }
0x2e: {  	s3 =	simm.s32 @!p0 $0x1082;
	s9 =	sld [smem:$0x3FA7]  }
0x2f: {  	lr =	sadd.s32 s0, s3;
	s0 =	sld [smem:$0x3F9E]  }
0x30: {  	s3 =	sld [smem:$0x3FA1]  }
0x31: {  	[smem:$0x3FAA] =	sst s10  }
0x32: {  	s10 =	sld [smem:$0x3FA8];
	_ =	sdelay $0x3  }
0x33: {  	p0 =	seq.s32 s10, $0x1;
	s10 =	sld [smem:$0x3FAA];
	_ =	sdelay $0x3  }
0x34: {  	[smem:$0x3FAA] =	sst s10  }
0x35: {  	s10 =	sld [smem:$0x3FA9];
	_ =	sdelay $0x3  }
0x36: {  	p1 =	seq.s32 s10, $0x1;
	s10 =	sld [smem:$0x3FAA];
	_ =	sdelay $0x3  }
0x37: {  	[smem:$0x3FAA] =	sst s10  }
0x38: {  	s10 =	sld [smem:$0x3FAB]  }
0x39: {  	_ = 	snop;
	(pc) =	sbr.ind lr, $3  }
0x3a: {  	_ = 	snop  }
0x3b: {  	_ = 	snop  }
0x3c: {  	p2 =	seq.s32 s10, $0x1;
	s10 =	sld [smem:$0x3FAA]  }
0x3d: {  	_ =	shalt  }
0x3e: {  	_ =	shalt  }
0x3f: {  	_ =	shalt  }
0x40: {  	_ =	shalt  }
0x41: {  	_ =	shalt  }
0x42: {  	_ =	shalt  }
0x43: {  	_ =	shalt  }
0x44: {  	_ =	shalt  }
0x45: {  	_ =	shalt  }
0x46: {  	_ =	shalt  }
0x47: {  	_ =	shalt  }
0x48: {  	_ =	shalt  }
0x49: {  	_ =	shalt  }
0x4a: {  	_ =	shalt  }
0x4b: {  	_ =	shalt  }
0x4c: {  	_ =	shalt  }
0x4d: {  	_ =	shalt  }
0x4e: {  	_ =	shalt  }
0x4f: {  	_ =	shalt  }
0x50: {  	_ =	shalt  }
0x51: {  	_ =	shalt  }
0x52: {  	_ =	shalt  }
0x53: {  	_ =	shalt  }
0x54: {  	_ =	shalt  }
0x55: {  	_ =	shalt  }
0x56: {  	_ =	shalt  }
0x57: {  	_ =	shalt  }
0x58: {  	_ =	shalt  }
0x59: {  	_ =	shalt  }
0x5a: {  	_ =	shalt  }
0x5b: {  	_ =	shalt  }
0x5c: {  	_ =	shalt  }
0x5d: {  	_ =	shalt  }
0x5e: {  	_ =	shalt  }
0x5f: {  	_ =	shalt  }
0x60: {  	_ =	shalt  }
0x61: {  	_ =	shalt  }
0x62: {  	_ =	shalt  }
0x63: {  	_ =	shalt  }
0x64: {  	_ =	shalt  }
0x65: {  	_ =	shalt  }
0x66: {  	_ =	shalt  }
0x67: {  	_ =	shalt  }
0x68: {  	_ =	shalt  }
0x69: {  	_ =	shalt  }
0x6a: {  	_ =	shalt  }
0x6b: {  	_ =	shalt  }
0x6c: {  	_ =	shalt  }
0x6d: {  	_ =	shalt  }
0x6e: {  	_ =	shalt  }
0x6f: {  	_ =	shalt  }
0x70: {  	_ =	shalt  }
0x71: {  	_ =	shalt  }
0x72: {  	_ =	shalt  }
0x73: {  	_ =	shalt  }
0x74: {  	_ =	shalt  }
0x75: {  	_ =	shalt  }
0x76: {  	_ =	shalt  }
0x77: {  	_ =	shalt  }
0x78: {  	_ =	shalt  }
0x79: {  	_ =	shalt  }
0x7a: {  	_ =	shalt  }
0x7b: {  	_ =	shalt  }
0x7c: {  	_ =	shalt  }
0x7d: {  	_ =	shalt  }
0x7e: {  	_ =	shalt  }
0x7f: {  	_ =	shalt  }
0x80: {  	_ =	shalt  }
0x81: {  	_ =	shalt  }
0x82: {  	_ =	shalt  }
0x83: {  	_ =	shalt  }
0x84: {  	_ =	shalt  }
0x85: {  	_ =	shalt  }
0x86: {  	_ =	shalt  }
0x87: {  	_ =	shalt  }
.Lfunc_end0:
.L_simem_size_0:
called_computation_lowered:
.L_overlay_start_0:
0x88: {  	s2 =	sld [smem:$0x3FD9]  }
0x89: {  	s3 =	sld [smem:$0x3FFE];
	_ =	sdelay $0x1  }
0x8a: {  	s1 =	srdreg.scid  }
0x8b: {  	s0 =	sand.u32 $0x1, s1  }
0x8c: {  	s14 =	sshll.u32 s0, $0xA;
	s2 =	sadd.s32 s3, s2  }
0x8d: {  	s2 =	sadd.s32 s2, s14  }
0x8e: {  	[smem:$0x3FB6] =	sst s2  }
0x8f: {  	_ = 	snop  }
0x90: {  	s2 =	sld [smem:$0x3FD0];
	_ =	sdelay $0x2  }
0x91: {  	s15 =	simm.s32 $0xA;
	s4 =	simm.s32 $0x10  }
0x92: {  	[smem:s4], [sflag:s15] =	dma.local [hbm:s2], $0x1  }
0x93: {  	_ =	swait.eq [sflag:s15], $0x1  }
0x94: {  	[sflag:s15] =	ssyncset.done $0x0  }
0x95: {  	[sflag:s15] =	ssyncadd.s32 $0xFFFFFFFF  }
0x96: {  	s16 =	sld [smem:$0x11];
	(tm) =	ssettm $0x1  }
0x97: {  	s17 =	sld [smem:$0x3FFB];
	_ =	sdelay $0x3  }
0x98: {  	_ =	strace s17  }
0x99: {  	s3 =	sld [smem:$0x3FFC];
	_ =	sdelay $0x3  }
0x9a: {  	_ =	strace s3  }
0x9b: {  	s3 =	sld [smem:$0x3FFD];
	_ =	sdelay $0x3  }
0x9c: {  	_ =	strace s3  }
0x9d: {  	_ =	strace $0x8FFFFFFF  }
0x9e: {  	s18 =	sld [smem:$0x3FDB];
	_ =	sdelay $0x1  }
0x9f: {  	s19 =	simm.s32 $_scs_section_size  }
0xa0: {  	s5 =	simm.s32 $_size__tile_overlayer_lowered;
	s6 =	simm.s32 $_tile_overlayer_lowered  }
0xa1: {  	s22 =	simm.s32 $0x1BFF;
	s21 =	sshll.u32 s6, $0x1;
	s3 =	sadd.s32 s19, s18  }
0xa2: {  	s7 =	simm.s32 $0x0;
	s20 =	sshll.u32 s5, $0x1;
	s5 =	sadd.s32 s21, s3  }
0xa3: {  	[timem:s7], [sflag:s22] =	dma.local [hbm:s5], s20  }
0xa4: {  	_ =	swait.ge [sflag:s22], s20  }
0xa5: {  	s4 =	ssub.s32 $0x0, s20;
	[sflag:s22] =	ssyncset.done $0x0  }
0xa6: {  	[sflag:s22] =	ssyncadd.s32 s4;
	_ =	sdelay $0x1  }
0xa7: {  	s23 =	simm.s32 $0x1B8B  }
0xa8: {  	_ =	swait.ge [sflag:s23], $0x1  }
0xa9: {  	[sflag:s23] =	ssyncset.done $0x0  }
0xaa: {  	s25 =	simm.s32 $0x1B8E;
	s24 =	sld [smem:$0x3FFE];
	[sflag:s23] =	ssyncadd.s32 $0xFFFFFFFF  }
0xab: {  	s26 =	simm.s32 $execute0_lowered;
	[smem:$0x3FD2] =	sst s25  }
0xac: {  	s5 =	sshll.u32 s26, $0x1;
	_ =	strace $0x80000046;
	[dreg:$0x1] =	wrdreg $0xFFFFFFFF  }
0xad: {  	s28 =	simm.s32 $_size_execute0_lowered;
	s3 =	sadd.s32 s3, s5;
	[dreg:$0x0] =	wrdreg $0x0  }
0xae: {  	s5 =	sshll.u32 s28, $0x1;
	[dreg:$0x2] =	wrdreg s3  }
0xaf: {  	[dreg:$0x3] =	wrdreg s5  }
0xb0: {  	[dreg:$0x4] =	wrdreg $0xC0  }
0xb1: {  	_ =	task [dreg:s7], $0x5FFFF  }
0xb2: {  	[dreg:$0x1] =	wrdreg $0xFFFFFFFF  }
0xb3: {  	[dreg:$0x0] =	wrdreg $0x60  }
0xb4: {  	[dreg:$0x2] =	wrdreg s24  }
0xb5: {  	[dreg:$0x3] =	wrdreg s16  }
0xb6: {  	[dreg:$0x4] =	wrdreg $0xF6000  }
0xb7: {  	[dreg:$0x5] =	wrdreg $0x9  }
0xb8: {  	_ =	task.clear_ibuf [dreg:s7], $0x6FFFF;
	_ =	strace $0x90000046  }
0xb9: {  	s29 =	simm.s32 $0x9;
	_ =	strace $0x80000048  }
0xba: {  	_ =	swait.ge [sflag:s29], $0x1  }
0xbb: {  	[sflag:s29] =	ssyncadd.s32 $0xFFFFFFFF  }
0xbc: {  	_ =	strace $0x90000048  }
0xbd: {  	_ =	sfence  }
0xbe: {  	s30 =	sld [smem:$0x0];
	_ =	sdelay $0x2  }
0xbf: {  	s31 =	sshll.u32 s1, $0xD;
	s1 =	sshrl.u32 s1, $0x2  }
0xc0: {  	s3 =	sand.u32 $0x4000, s31;
	s1 =	sadd.s32 s1, s30  }
0xc1: {  	s0 =	sor.u32 s3, s0;
	s1 =	sshll.u32 s1, $0x11  }
0xc2: {  	s0 =	sor.u32 s1, s0  }
0xc3: {  	s0 =	sadd.s32 $0x8F2B, s0  }
0xc4: {  	[sflag:s0] =	ssyncadd.remote.s32 $0x1  }
0xc5: {  	_ =	sfence.sel $0xFFFF  }
0xc6: {  	[dreg:$0x0] =	wrdreg $0xFFFFFFFF;
	(pc) =	sbr.abs _section_cstart, $3  }
0xc7: {  	[dreg:$0x1] =	wrdreg $0xFFFFFFFF  }
0xc8: {  	_ =	task.clear_ibuf [dreg:s7], $0x2FFFF;
	_ =	strace $0x9FFFFFFF  }
0xc9: {  	(tm) =	ssettm $0x7FFFFFFF  }
tec
execute0_lowered:
.L_overlay_start_1:
0x0: {  	(tag) =	ssettag $0x1  }
0x1: {  	s6 =	rddreg [dreg:$0x0]  }
0x2: {  	s9 =	rddreg [dreg:$0x1]  }
0x3: {  	s1 =	rddreg [dreg:$0x2]  }
0x4: {  	s0 =	rddreg [dreg:$0x3];
	s2 =	simm.s32 $0x0;
	s3 =	srdreg.scid  }
0x5: {  	s17 =	stileid.u32;
	s14 =	simm.s32 $0xF500;
	s15 =	simm.s32 $0x7700  }
0x6: {  	s16 =	simm.s32 $0xA100;
	s18 =	simm.s32 $0xCB00;
	s19 =	simm.s32 $0x50  }
0x7: {  	s20 =	simm.s32 $0xF580;
	s22 =	simm.s32 $0x0;
	[smem:$0x7FF] =	sst s2  }
0x8: {  	s7 =	sand.u32 $0x1, s3;
	s30 =	sshll.u32 s17, $0x1;
	s3 =	sadd.s32 $0x17A00, s6  }
0x9: {  	s4 =	sadd.s32 $0x17400, s6;
	s13 =	smul.u32 $0x5400, s17;
	p0 =	sne.s32 s17, $0x0  }
0xa: {  	s17 =	simm.s32 $0x4F00;
	_ =	strace $0x80000047;
	s11 =	smul.u32 $0x500, s7  }
0xb: {  	s5 =	sor.u32 s7, s30;
	s10 =	ssub.s32 $0x2, s7;
	s31 =	smul.u32 $0x2A00, s7  }
0xc: {  	s21 =	sshrl.u32 @!p0 s1, $0x3;
	s8 =	smul.u32 $0x2A00, s5;
	s12 =	sshrl.u32 s10, $0x1  }
0xd: {  	s5 =	sadd.s32 $0x18000, s6;
	s10 =	ssub.s32 s10, s12;
	s9 =	sadd.s32 s9, s11  }
0xe: {  	v0 =	vlaneseq.u32;
	s11 =	sadd.s32 s31, s13;
	s12 =	simm.s32 $0x1;
	s8 =	sshrl.u32 s8, $0x3  }
0xf: {  	v1 =	vimm.f32 $0.0e+00;
	v2 =	vor.u32 $0x10, v0;
	s13 =	simm.s32 $0x2780;
	s10 =	smax.u32 s10, $0x1;
	s8 =	sadd.s32 s8, s6  }
0x10: {  	v3 =	vor.u32 $0x20, v0;
	v4 =	vor.u32 $0x30, v0;
	v5 =	vor.u32 $0x40, v0;
	s6 =	sadd.s32 $0x2400, s8;
	s7 =	sadd.s32 $0xCC00, s8;
	s8 =	sadd.s32 $0x18200, s8  }
.LBB2_1:
0x11: {  	[tilespmem:s2], [sflag:$0x1] =	stream.linear.gather [hbm4b:s3+s2], $0x2780, $0x38;
	[tilespmem:$0xF880] =	vst v63  }
0x12: {  	_ =	swait.ge [sflag:s12], $0x2780  }
0x13: {  	[sflag:s12] =	ssyncset.done $0x0  }
0x14: {  	[sflag:s12] =	ssyncadd.s32 $0xFFFFD880  }
0x15: {  	[tilespmem:s13], [sflag:$0x1] =	stream.linear.gather [hbm4b:s4+s2], $0x2780, $0x38;
	[tilespmem:$0xF880] =	vst v63  }
0x16: {  	_ =	swait.ge [sflag:s12], $0x2780  }
0x17: {  	[sflag:s12] =	ssyncset.done $0x0  }
0x18: {  	[sflag:s12] =	ssyncadd.s32 $0xFFFFD880  }
0x19: {  	[tilespmem:s14], [sflag:$0x1] =	stream.linear.gather [hbm4b:s5+s2], $0x80, $0x38;
	[tilespmem:$0xF880] =	vst v63  }
0x1a: {  	_ =	swait.ge [sflag:s12], $0x80  }
0x1b: {  	[sflag:s12] =	ssyncset.done $0x0  }
0x1c: {  	[sflag:s12] =	ssyncadd.s32 $0xFFFFFF80  }
0x1d: {  	[tilespmem:s15], [sflag:$0x1] =	stream.linear.gather [hbm4b:s6+s2], $0x2A00, $0x38;
	[tilespmem:$0xF880] =	vst v63  }
0x1e: {  	_ =	swait.ge [sflag:s12], $0x2A00  }
0x1f: {  	[sflag:s12] =	ssyncset.done $0x0  }
0x20: {  	[sflag:s12] =	ssyncadd.s32 $0xFFFFD600  }
0x21: {  	[tilespmem:s16], [sflag:$0x1] =	stream.linear.gather [hbm4b:s7+s2], $0x2A00, $0x38;
	[tilespmem:$0xF880] =	vst v63  }
0x22: {  	_ =	swait.ge [sflag:s12], $0x2A00  }
0x23: {  	[sflag:s12] =	ssyncset.done $0x0  }
0x24: {  	s23 =	simm.s32 $0x0;
	s24 =	simm.s32 $0x200;
	[sflag:s12] =	ssyncadd.s32 $0xFFFFD600  }
.LBB2_2:
0x25: {  	p1 =	sne.s32 s24, $0x9E00;
	[tilespmem:s23+$0x4F70] =	vst v1  }
0x26: {  	[tilespmem:s23+$0x4F00] =	vst v1  }
0x27: {  	[tilespmem:s23+$0x4F10] =	vst v1  }
.Ltmp0:
0x28: {  	[tilespmem:s23+$0x4F20] =	vst v1;
	(pc) =	sbr.rel @p1 .LBB2_2-.Ltmp0, $4  }
0x29: {  	[tilespmem:s23+$0x4F30] =	vst v1  }
0x2a: {  	[tilespmem:s23+$0x4F40] =	vst v1  }
0x2b: {  	[tilespmem:s23+$0x4F50] =	vst v1  }
0x2c: {  	[tilespmem:s23+$0x4F60] =	vst v1;
	s23 =	sshra.s32 s24, $0x2;
	s24 =	sadd.s32 $0x200, s24  }
0x2d: {  	[tilespmem:s23+$0x4F70] =	vst v1  }
0x2e: {  	[tilespmem:s23+$0x4F00] =	vst v1  }
0x2f: {  	[tilespmem:s23+$0x4F10] =	vst v1  }
0x30: {  	[tilespmem:s23+$0x4F20] =	vst v1  }
0x31: {  	[tilespmem:s23+$0x4F30] =	vst v1  }
0x32: {  	[tilespmem:s23+$0x4F40] =	vst v1  }
0x33: {  	[tilespmem:s23+$0x4F50] =	vst v1  }
0x34: {  	[tilespmem:s23+$0x4F60] =	vst v1  }
0x35: {  	[tilespmem:$0xF580] =	vst v0  }
0x36: {  	[tilespmem:$0xF590] =	vst v2  }
0x37: {  	[tilespmem:$0xF5A0] =	vst v3  }
0x38: {  	[tilespmem:$0xF5B0] =	vst v4  }
0x39: {  	s23 =	simm.s32 @!p0 $0x4F00;
	[tilespmem:$0xF5C0] =	vst v5  }
0x3a: {  	[spmem:s1] =	stream.linear.scatter @!p0 [tilespmem:s23], [sflag:$0x1], $0x2800, $0x38;
	[tilespmem:$0xF880] =	vst v63  }
0x3b: {  	s23 =	simm.s32 @!p0 $0x1  }
0x3c: {  	_ =	swait.ge @!p0 [sflag:s23], $0x2800  }
0x3d: {  	[sflag:s23] =	ssyncset.done @!p0 $0x0  }
0x3e: {  	[sflag:s23] =	ssyncadd.s32 @!p0 $0xFFFFD800  }
0x3f: {  	s31 =	simm.s32 $0x0;
	[bflag:$0x0] =	sbarrier.arrive $0xFFFF  }
0x40: {  	v7 =	vld [tilespmem:s31+$0xA100]  }
0x41: {  	v6 =	vld [tilespmem:s31+$0x7700];
	_ =	sdelay $0x6  }
0x42: {  	v8 =	vld.idx.msk [tilespmem:v7+s13+$0x0], $0xffff  }
0x43: {  	v9 =	vld.idx.msk [tilespmem:v6+s2+$0x0], $0xffff;
	_ =	sdelay $0x4  }
0x44: {  	v6 =	vld [tilespmem:$0xF500];
	v8 =	vadd.f32 v8, v9;
	_ =	sdelay $0x1  }
0x45: {  	v9 =	vmul.f32 $2.000000030e-01, v8  }
0x46: {  	vm0 =	vgt.f32 v8, $0.0e+00  }
0x47: {  	v8 =	vsel vm0, v8, v9  }
0x48: {  	v8 =	vsub.f32 v8, v6;
	_ =	sdelay $0x1  }
0x49: {  	v8 =	vmul.f32 $1.442695020e+00, v8;
	_ =	sdelay $0x1  }
0x4a: {  	(erf) = vpow2.f32 v8;
	_ =	sdelay $0x8  }
0x4b: {  	p1 =	slt.u32 s11, $0x50910;
	v8 =	vpop (erf)  }
0x4c: {  	v8 =	vpsel !p1, $0x0, v8  }
0x4d: {  	[tilespmem:s31+$0xCB00] =	vst v8  }
0x4e: {  	s23 =	simm.s32 $0x10;
	[tilespmem:v7+s17+$0x0] =	vst.idx.add.f32.msk $0xffff, v8  }
0x4f: {  	v7 =	vld [tilespmem:s23+$0xA100]  }
0x50: {  	s25 =	simm.s32 $0x80;
	s24 =	smov.u32 s11;
	v8 =	vld [tilespmem:s23+$0x7700]  }
.LBB2_4:
0x51: {  	p1 =	sne.s32 s25, $0xA7C0;
	_ =	sdelay $0x5  }
0x52: {  	v9 =	vld.idx.msk [tilespmem:v7+s13+$0x0], $0xffff  }
0x53: {  	v8 =	vld.idx.msk [tilespmem:v8+s2+$0x0], $0xffff;
	_ =	sdelay $0x5  }
0x54: {  	v8 =	vadd.f32 v9, v8;
	_ =	sdelay $0x1  }
0x55: {  	v9 =	vmul.f32 $2.000000030e-01, v8  }
0x56: {  	vm0 =	vgt.f32 v8, $0.0e+00  }
0x57: {  	v8 =	vsel vm0, v8, v9  }
0x58: {  	v8 =	vsub.f32 v8, v6;
	_ =	sdelay $0x1  }
0x59: {  	v8 =	vmul.f32 $1.442695020e+00, v8;
	_ =	sdelay $0x1  }
0x5a: {  	(erf) = vpow2.f32 v8;
	_ =	sdelay $0x7  }
0x5b: {  	s24 =	sadd.s32 $0x10, s24  }
0x5c: {  	p2 =	slt.u32 s24, $0x50910;
	v8 =	vpop (erf)  }
.Ltmp1:
0x5d: {  	v8 =	vpsel !p2, $0x0, v8;
	(pc) =	sbr.rel @p1 .LBB2_4-.Ltmp1, $4  }
0x5e: {  	[tilespmem:s23+$0xCB00] =	vst v8  }
0x5f: {  	s23 =	sshra.s32 s25, $0x2;
	[tilespmem:v7+s17+$0x0] =	vst.idx.add.f32.msk $0xffff, v8  }
0x60: {  	v7 =	vld [tilespmem:s23+$0xA100]  }
0x61: {  	s25 =	sadd.s32 $0x40, s25;
	v8 =	vld [tilespmem:s23+$0x7700]  }
0x62: {  	_ =	sdelay $0x6  }
0x63: {  	v9 =	vld.idx.msk [tilespmem:v7+s13+$0x0], $0xffff  }
0x64: {  	v8 =	vld.idx.msk [tilespmem:v8+s2+$0x0], $0xffff;
	_ =	sdelay $0x4  }
0x65: {  	v8 =	vadd.f32 v9, v8;
	_ =	sdelay $0x1  }
0x66: {  	v9 =	vmul.f32 $2.000000030e-01, v8  }
0x67: {  	vm0 =	vgt.f32 v8, $0.0e+00  }
0x68: {  	v8 =	vsel vm0, v8, v9  }
0x69: {  	v6 =	vsub.f32 v8, v6;
	_ =	sdelay $0x1  }
0x6a: {  	v6 =	vmul.f32 $1.442695020e+00, v6;
	_ =	sdelay $0x1  }
0x6b: {  	(erf) = vpow2.f32 v6;
	_ =	sdelay $0x7  }
0x6c: {  	s24 =	sadd.s32 $0x10, s24  }
0x6d: {  	p1 =	slt.u32 s24, $0x50910;
	v6 =	vpop (erf)  }
0x6e: {  	v6 =	vpsel !p1, $0x0, v6  }
0x6f: {  	[tilespmem:s23+$0xCB00] =	vst v6  }
0x70: {  	[tilespmem:v7+s17+$0x0] =	vst.idx.add.f32.msk $0xffff, v6  }
0x71: {  	[hbm4b:s8+s2] =	stream.linear.scatter [tilespmem:s18], [sflag:$0x1], $0x2A00, $0x38;
	[tilespmem:$0xF880] =	vst v63  }
0x72: {  	_ =	swait.ge [sflag:s12], $0x2A00  }
0x73: {  	[sflag:s12] =	ssyncset.done $0x0  }
0x74: {  	[sflag:s12] =	ssyncadd.s32 $0xFFFFD600  }
0x75: {  	[spmem:s1] =	stream.indirect.scatter.add.f32 [tilespmem:s17], [sflag:$0x1], $0x80, s20, s19, $0xb8;
	[tilespmem:$0xF880] =	vst v63  }
0x76: {  	_ =	swait.ge [sflag:s12], $0x2800  }
0x77: {  	[sflag:s12] =	ssyncset.done $0x0  }
0x78: {  	s22 =	sadd.s32 $0x1, s22;
	[sflag:s12] =	ssyncadd.s32 $0xFFFFD800  }
0x79: {  	p1 =	sne.s32 s22, s10;
	s23 =	simm.s32 @!p0 $0x1C01;
	[bflag:$0x0] =	sbarrier.arrive $0xFFFF  }
0x7a: {  	[hbm:s9], [sflag:s23] =	dma.local @!p0 [spmem:s21], $0x500  }
.Ltmp2:
0x7b: {  	_ = 	snop;
	(pc) =	sbr.rel @p1 .LBB2_1-.Ltmp2, $4  }
0x7c: {  	s23 =	simm.s32 @!p0 $0x1  }
0x7d: {  	_ =	swait.ge @!p0 [sflag:s23], $0x500  }
0x7e: {  	[sflag:s23] =	ssyncset.done @!p0 $0x0  }
0x7f: {  	[sflag:s23] =	ssyncadd.s32 @!p0 $0xFFFFFB00  }
0x80: {  	_ =	sfence.sel $0x180000  }
0x81: {  	[bflag:$0x0] =	sbarrier.arrive $0xFFFF  }
0x82: {  	_ =	strace $0x90000047  }
0x83: {  	s0 =	sadd.s32 @!p0 $0x100000, s0;
	[bflag:$0x2] =	sbarrier.arrive $0xFFFF  }
0x84: {  	[sflag:s0] =	ssyncadd.tile.s32 @!p0 $0x1;
	_ =	shalt  }
.Lfunc_end2:
_tile_overlayer_lowered:
.L_overlay_start_2:
0x85: {  	(tag) =	ssettag $0x2  }
0x86: {  	s0 =	rddreg [dreg:$0x0];
	s2 =	stileid.u32  }
0x87: {  	s1 =	rddreg [dreg:$0x1];
	p0 =	sne.s32 s2, $0x0  }
0x88: {  	s3 =	rddreg [dreg:$0x2];
	[bflag:$0x3] =	sbarrier.arrive $0xFFFF;
	s2 =	simm.s32 @!p0 $0x1C01  }
0x89: {  	[timem:s3], [sflag:s2] =	dma.local @!p0 [hbm:s0], s1  }
0x8a: {  	s0 =	simm.s32 @!p0 $0x1  }
0x8b: {  	_ =	swait.ge @!p0 [sflag:s0], s1  }
0x8c: {  	s1 =	ssub.s32 @!p0 $0x0, s1;
	[sflag:s0] =	ssyncset.done @!p0 $0x0  }
0x8d: {  	[sflag:s0] =	ssyncadd.s32 @!p0 s1  }
0x8e: {  	[bflag:$0x3] =	sbarrier.arrive $0xFFFF  }
0x8f: {  	_ =	shalt  }

</sc_bundles>
